<compile_context>
chip_gen: v7x
topology: tpu7x:2x2x1
jax: 0.10.2.dev20260603
libtpu: 0.0.44.dev20260713+nightly
codegen_flags: <defaults>
</compile_context>

<pallas_src>
import functools
import math

import jax
import jax.numpy as jnp
from jax import lax
from jax.experimental import pallas as pl
from jax.experimental.pallas import tpu as pltpu
from jax.experimental.pallas import tpu_sc as plsc

NUM_BUCKETS = 32
MAX_DISTANCE = 128
HEADS = 12
SEQ = 2048
NDIAG = 2 * SEQ - 1
VH_PAD = 4224
TBL_COLS = 16
NC = 2
NS = 16
L = 16
NW = NC * NS
BLK_ROWS = 16
BLK_WORDS = BLK_ROWS * SEQ

ROWS_SC = 1024
ROWS_ALL = HEADS * SEQ
ROWS_PER_W = ROWS_SC // NW
BLKS_PER_W = ROWS_PER_W // BLK_ROWS

TC_IBLK = 1024
TC_BLOCKS = (ROWS_ALL - ROWS_SC) // TC_IBLK
TC_BLK0 = ROWS_SC // TC_IBLK
NGRP = TC_IBLK // 8
NROLL = 16
VSK_W = VH_PAD + 128


def _diag_bucket_table():
    rel = jnp.arange(NDIAG, dtype=jnp.int32) - (SEQ - 1)
    n = -rel
    half = NUM_BUCKETS // 2
    ret = (n < 0).astype(jnp.int32) * half
    n = jnp.abs(n)
    max_exact = half // 2
    is_small = n < max_exact
    safe_n = jnp.maximum(n, 1)
    val_if_large = max_exact + (
        jnp.log(safe_n.astype(jnp.float32) / max_exact)
        / math.log(MAX_DISTANCE / max_exact)
        * (half - max_exact)
    ).astype(jnp.int32)
    val_if_large = jnp.minimum(val_if_large, jnp.full_like(val_if_large, half - 1))
    ret = ret + jnp.where(is_small, n, val_if_large)
    return jnp.pad(ret, (0, VH_PAD - NDIAG))


def _sc_expand(bucket, table_flat):
    mesh = plsc.VectorSubcoreMesh(core_axis_name="c", subcore_axis_name="s")

    @functools.partial(
        pl.kernel,
        mesh=mesh,
        out_type=jax.ShapeDtypeStruct((ROWS_SC * SEQ,), jnp.float32),
        scratch_types=[
            pltpu.VMEM((VH_PAD,), jnp.int32),
            pltpu.VMEM((NUM_BUCKETS * TBL_COLS + L,), jnp.float32),
            pltpu.VMEM((VH_PAD,), jnp.float32),
            pltpu.VMEM((BLK_WORDS,), jnp.float32),
            pltpu.VMEM((BLK_WORDS,), jnp.float32),
            pltpu.SemaphoreType.DMA,
            pltpu.SemaphoreType.DMA,
        ],
    )
    def k(bucket_hbm, table_hbm, out_hbm,
          bucket_v, table_v, vh_v, buf0, buf1, sem0, sem1):
        wid = lax.axis_index("s") * NC + lax.axis_index("c")
        pltpu.sync_copy(bucket_hbm, bucket_v)
        pltpu.sync_copy(table_hbm, table_v)
        r_base = wid * ROWS_PER_W

        def build_vh(h):
            splats = [
                jnp.full(
                    (L,), table_v[pl.ds(b * TBL_COLS + h, L)][0], dtype=jnp.float32
                )
                for b in range(NUM_BUCKETS)
            ]

            i_base = lax.rem(r_base, SEQ)
            q_lo = lax.max(0, (SEQ - 47 - i_base)) // L
            q_hi = (2 * SEQ - 2 - i_base) // L + 1

            @plsc.parallel_loop(q_lo, q_hi, unroll=2)
            def chunk(q):
                bv = bucket_v[pl.ds(q * L, L)]
                acc = splats[0]
                for b in range(1, NUM_BUCKETS):
                    acc = jnp.where(bv == b, splats[b], acc)
                vh_v[pl.ds(q * L, L)] = acc

        def build_block(r0, buf):
            i0 = lax.rem(r0, SEQ)
            base = (SEQ - 1) - i0

            @plsc.parallel_loop(0, SEQ // L, unroll=2)
            def cols(q):
                o = q * L
                vals = [vh_v[pl.ds(base - rr + o, L)] for rr in range(BLK_ROWS)]
                for rr in range(BLK_ROWS):
                    buf[pl.ds(rr * SEQ + o, L)] = vals[rr]

        def fire(r0, buf, sem):
            pl.delay(100)
            dst = pl.multiple_of(r0 * SEQ, BLK_WORDS)
            pltpu.async_copy(buf.at[:], out_hbm.at[pl.ds(dst, BLK_WORDS)], sem)

        def wait(buf, sem):
            pltpu.make_async_copy(
                buf.at[:], out_hbm.at[pl.ds(0, BLK_WORDS)], sem
            ).wait()

        build_vh(r_base // SEQ)
        build_block(r_base, buf0)
        fire(r_base, buf0, sem0)

        def blk_body(b, carry2):
            r0 = r_base + b * BLK_ROWS

            def do(par, buf, sem):
                @pl.when(lax.rem(b, 2) == par)
                def _():
                    @pl.when(b >= 2)
                    def _w():
                        wait(buf, sem)

                    build_block(r0, buf)
                    fire(r0, buf, sem)

            do(1, buf1, sem1)
            do(0, buf0, sem0)
            return carry2

        if BLKS_PER_W > 1:
            lax.fori_loop(1, BLKS_PER_W, blk_body, 0)
            wait(buf1, sem1)
        wait(buf0, sem0)

    return k(bucket, table_flat)


def _tc_expand(bucket2d, table_t):
    def body(bucket_ref, tbl_ref, out_ref, rolled_ref):
        g = pl.program_id(0)
        row0 = ROWS_SC + g * TC_IBLK
        h = row0 // SEQ
        i0 = lax.rem(row0, SEQ)

        @pl.when(jnp.logical_or(g == 0, i0 == 0))
        def _build():
            bv = bucket_ref[...]
            vh = jnp.full((1, VH_PAD), tbl_ref[h, 0], dtype=jnp.float32)
            for b in range(1, NUM_BUCKETS):
                vh = jnp.where(bv == b, tbl_ref[h, b], vh)
            vhp = jnp.pad(vh, ((0, 0), (0, VSK_W - VH_PAD)))
            vsk = jnp.concatenate(
                [pltpu.roll(vhp, r, axis=1) for r in range(8)], axis=0
            )
            for m in range(NROLL):
                bm = (127 - 8 * m) % 128
                rolled_ref[m] = pltpu.roll(vsk, VSK_W - bm, axis=1)

        for grp in range(NGRP):
            m = grp % NROLL
            bm = (127 - 8 * m) % 128
            s = (SEQ - 1) - i0 - 8 * grp
            off = pl.multiple_of(s - bm, 128)
            out_ref[8 * grp : 8 * grp + 8, :] = rolled_ref[m, :, pl.ds(off, SEQ)]

    return pl.pallas_call(
        body,
        grid=(TC_BLOCKS,),
        in_specs=[
            pl.BlockSpec((1, VH_PAD), lambda g: (0, 0)),
            pl.BlockSpec(memory_space=pltpu.SMEM),
        ],
        out_specs=pl.BlockSpec((TC_IBLK, SEQ), lambda g: (TC_BLK0 + g, 0)),
        out_shape=jax.ShapeDtypeStruct((ROWS_ALL, SEQ), jnp.float32),
        scratch_shapes=[pltpu.VMEM((NROLL, 8, VSK_W), jnp.float32)],
        compiler_params=pltpu.CompilerParams(
            dimension_semantics=("arbitrary",),
        ),
    )(bucket2d, table_t)


def _paste(sc2d, tc_full):
    def body(sc_ref, full_ref, out_ref):
        out_ref[...] = sc_ref[...]

    return pl.pallas_call(
        body,
        grid=(ROWS_SC // 1024,),
        in_specs=[
            pl.BlockSpec((1024, SEQ), lambda g: (g, 0)),
            pl.BlockSpec(memory_space=pl.ANY),
        ],
        out_specs=pl.BlockSpec((1024, SEQ), lambda g: (g, 0)),
        out_shape=jax.ShapeDtypeStruct((ROWS_ALL, SEQ), jnp.float32),
        input_output_aliases={1: 0},
    )(sc2d, tc_full)


def kernel(seq_length, table):
    del seq_length
    bucket = _diag_bucket_table()
    table_pad = jnp.pad(table, ((0, 0), (0, TBL_COLS - HEADS)))
    sc_flat = _sc_expand(bucket, jnp.pad(table_pad.reshape(-1), (0, L)))
    tc_full = _tc_expand(bucket.reshape(1, VH_PAD), table_pad.T)
    out = _paste(sc_flat.reshape(ROWS_SC, SEQ), tc_full)
    return out.reshape(HEADS, SEQ, SEQ)

# --- scband reference (transcript-rebuilt; emitter-appended) ---
"""Pipeline reference for scband-relative-position-bias-9423158248128 (READ-ONLY COPY).

The authoritative reference and input builder live on the scoring server;
editing this copy changes nothing except your own understanding.
"""

import math
import jax, jax.numpy as jnp
import numpy as np

NUM_BUCKETS = 32
MAX_DISTANCE = 128
HEADS = 12
SEQ_LEN = 2048

def _relative_position_bucket(relative_position, num_buckets=NUM_BUCKETS, max_distance=MAX_DISTANCE):
    n = -relative_position
    num_buckets = num_buckets // 2
    ret = (n < 0).astype(jnp.int32) * num_buckets
    n = jnp.abs(n)
    max_exact = num_buckets // 2
    is_small = n < max_exact
    # clamp n to >=1 inside log to avoid -inf -> int cast UB; result is masked by is_small anyway
    safe_n = jnp.maximum(n, 1)
    val_if_large = max_exact + (jnp.log(safe_n.astype(jnp.float32) / max_exact) / math.log(max_distance / max_exact) * (num_buckets - max_exact)).astype(jnp.int32)
    val_if_large = jnp.minimum(val_if_large, jnp.full_like(val_if_large, num_buckets - 1))
    ret = ret + jnp.where(is_small, n.astype(jnp.int32), val_if_large)
    return ret

def setup_inputs(seed: int = 0) -> dict:
    key = jax.random.key(seed)
    # learned embedding table: nn.Embedding(num_buckets, heads), default init ~ N(0,1)
    table = jax.random.normal(key, (NUM_BUCKETS, HEADS), dtype=jnp.float32)
    return {"seq_length": 2048, "table": table}

def reference(seq_length, table):
    offset = (jnp.asarray(seq_length, dtype=jnp.int32) - SEQ_LEN)
    q_pos = jnp.arange(SEQ_LEN, dtype=jnp.int32) + offset
    k_pos = jnp.arange(SEQ_LEN, dtype=jnp.int32) + offset
    rel_pos = k_pos[None, :] - q_pos[:, None]  # [i, j]
    rp_bucket = _relative_position_bucket(rel_pos, num_buckets=NUM_BUCKETS, max_distance=MAX_DISTANCE)
    values = jnp.take(table, rp_bucket, axis=0)  # [i, j, h] embedding gather
    return jnp.transpose(values, (2, 0, 1))  # 'i j h -> h i j'

if __name__ == "__main__":
    import jax
    _d = setup_inputs()
    print(jax.jit(kernel)(*tuple(_d.values())))

</pallas_src>

<mosaic_0001>
#map = affine_map<(d0, d1) -> (0)>
module attributes {stable_mosaic.version = 14 : i64} {
  func.func @k(%arg0: i32, %arg1: i32, %arg2: memref<4224xi32, #tpu.memory_space<hbm>>, %arg3: memref<528xf32, #tpu.memory_space<hbm>>, %arg4: memref<2097152xf32, #tpu.memory_space<hbm>>, %arg5: memref<4224xi32, #tpu.memory_space<vmem>>, %arg6: memref<528xf32, #tpu.memory_space<vmem>>, %arg7: memref<4224xf32, #tpu.memory_space<vmem>>, %arg8: memref<32768xf32, #tpu.memory_space<vmem>>, %arg9: memref<32768xf32, #tpu.memory_space<vmem>>, %arg10: memref<!tpu.dma_semaphore, #tpu.memory_space<semaphore_mem>>, %arg11: memref<!tpu.dma_semaphore, #tpu.memory_space<semaphore_mem>>) attributes {dimension_semantics = [#tpu.dimension_semantics<core_parallel>, #tpu.dimension_semantics<subcore_parallel>], iteration_bounds = array<i64: 2, 16>, scalar_prefetch = 0 : i64, scratch_operands = 7 : i64, tpu.core_type = #tpu.core_type<sc_vector_subcore>, window_params = [{transform_indices = #map}, {transform_indices = #map}, {transform_indices = #map}]} {
    %mul3A = arith.constant 2 : i32
    %mul3A_0 = arith.muli %arg1, %mul3A : i32
    %add3A = arith.addi %mul3A_0, %arg0 : i32
    "tpu.region"() ({
      %run_scoped3A = tpu.sem_alloc : memref<!tpu.dma_semaphore, #tpu.memory_space<semaphore_mem>>
      tpu.enqueue_dma source(%arg2 : memref<4224xi32, #tpu.memory_space<hbm>>) target(%arg5 : memref<4224xi32, #tpu.memory_space<vmem>>) target_semaphore(%run_scoped3A : memref<!tpu.dma_semaphore, #tpu.memory_space<semaphore_mem>>)
      tpu.wait_dma2 semaphore(%run_scoped3A : memref<!tpu.dma_semaphore, #tpu.memory_space<semaphore_mem>>) src(%arg2 : memref<4224xi32, #tpu.memory_space<hbm>>) dst(%arg5 : memref<4224xi32, #tpu.memory_space<vmem>>)
      tpu.yield
    }) : () -> ()
    "tpu.region"() ({
      %run_scoped3A = tpu.sem_alloc : memref<!tpu.dma_semaphore, #tpu.memory_space<semaphore_mem>>
      tpu.enqueue_dma source(%arg3 : memref<528xf32, #tpu.memory_space<hbm>>) target(%arg6 : memref<528xf32, #tpu.memory_space<vmem>>) target_semaphore(%run_scoped3A : memref<!tpu.dma_semaphore, #tpu.memory_space<semaphore_mem>>)
      tpu.wait_dma2 semaphore(%run_scoped3A : memref<!tpu.dma_semaphore, #tpu.memory_space<semaphore_mem>>) src(%arg3 : memref<528xf32, #tpu.memory_space<hbm>>) dst(%arg6 : memref<528xf32, #tpu.memory_space<vmem>>)
      tpu.yield
    }) : () -> ()
    %mul3A_1 = arith.constant 32 : i32
    %mul3A_2 = arith.muli %add3A, %mul3A_1 : i32
    %jit3A = arith.constant 2048 : i32
    %div3A = arith.divsi %mul3A_2, %jit3A : i32
    %sign3A = arith.constant 0 : i32
    %sign3A_3 = arith.cmpi sgt, %mul3A_2, %sign3A : i32
    %sign3A_4 = arith.extui %sign3A_3 : i1 to i32
    %sign3A_5 = arith.constant 0 : i32
    %sign3A_6 = arith.cmpi slt, %mul3A_2, %sign3A_5 : i32
    %sign3A_7 = arith.extui %sign3A_6 : i1 to i32
    %sign3A_8 = arith.subi %sign3A_4, %sign3A_7 : i32
    %sign3A_9 = arith.constant 0 : i32
    %sign3A_10 = arith.cmpi sgt, %jit3A, %sign3A_9 : i32
    %sign3A_11 = arith.extui %sign3A_10 : i1 to i32
    %sign3A_12 = arith.constant 0 : i32
    %sign3A_13 = arith.cmpi slt, %jit3A, %sign3A_12 : i32
    %sign3A_14 = arith.extui %sign3A_13 : i1 to i32
    %sign3A_15 = arith.subi %sign3A_11, %sign3A_14 : i32
    %ne3A = arith.cmpi ne, %sign3A_8, %sign3A_15 : i32
    %rem3A = arith.remsi %mul3A_2, %jit3A : i32
    %ne3A_16 = arith.constant 0 : i32
    %ne3A_17 = arith.cmpi ne, %rem3A, %ne3A_16 : i32
    %and3A = arith.andi %ne3A, %ne3A_17 : i1
    %sub3A = arith.constant 1 : i32
    %sub3A_18 = arith.subi %div3A, %sub3A : i32
    %select_n3A = arith.select %and3A, %sub3A_18, %div3A : i32
    %add3A_19 = arith.constant 0 : i32
    %add3A_20 = arith.addi %add3A_19, %select_n3A : i32
    %get3A = arith.index_cast %add3A_20 : i32 to index
    %get3A_21 = tpu.vector_load %arg6[%get3A] {strides = array<i32>} : memref<528xf32, #tpu.memory_space<vmem>>, vector<16xf32>,
    %get3A_22 = vector.shape_cast %get3A_21 : vector<16xf32> to vector<16xf32>
    %slice3A = vector.extract_strided_slice %get3A_22 {offsets = [0], sizes = [1], strides = [1]} : vector<16xf32> to vector<1xf32>
    %squeeze3A = vector.extract %slice3A[0] : f32 from vector<1xf32>
    %broadcast_in_dim3A = vector.broadcast %squeeze3A : f32 to vector<16xf32>
    %add3A_23 = arith.constant 16 : i32
    %add3A_24 = arith.addi %add3A_23, %select_n3A : i32
    %get3A_25 = arith.index_cast %add3A_24 : i32 to index
    %get3A_26 = tpu.vector_load %arg6[%get3A_25] {strides = array<i32>} : memref<528xf32, #tpu.memory_space<vmem>>, vector<16xf32>,
    %get3A_27 = vector.shape_cast %get3A_26 : vector<16xf32> to vector<16xf32>
    %slice3A_28 = vector.extract_strided_slice %get3A_27 {offsets = [0], sizes = [1], strides = [1]} : vector<16xf32> to vector<1xf32>
    %squeeze3A_29 = vector.extract %slice3A_28[0] : f32 from vector<1xf32>
    %broadcast_in_dim3A_30 = vector.broadcast %squeeze3A_29 : f32 to vector<16xf32>
    %add3A_31 = arith.constant 32 : i32
    %add3A_32 = arith.addi %add3A_31, %select_n3A : i32
    %get3A_33 = arith.index_cast %add3A_32 : i32 to index
    %get3A_34 = tpu.vector_load %arg6[%get3A_33] {strides = array<i32>} : memref<528xf32, #tpu.memory_space<vmem>>, vector<16xf32>,
    %get3A_35 = vector.shape_cast %get3A_34 : vector<16xf32> to vector<16xf32>
    %slice3A_36 = vector.extract_strided_slice %get3A_35 {offsets = [0], sizes = [1], strides = [1]} : vector<16xf32> to vector<1xf32>
    %squeeze3A_37 = vector.extract %slice3A_36[0] : f32 from vector<1xf32>
    %broadcast_in_dim3A_38 = vector.broadcast %squeeze3A_37 : f32 to vector<16xf32>
    %add3A_39 = arith.constant 48 : i32
    %add3A_40 = arith.addi %add3A_39, %select_n3A : i32
    %get3A_41 = arith.index_cast %add3A_40 : i32 to index
    %get3A_42 = tpu.vector_load %arg6[%get3A_41] {strides = array<i32>} : memref<528xf32, #tpu.memory_space<vmem>>, vector<16xf32>,
    %get3A_43 = vector.shape_cast %get3A_42 : vector<16xf32> to vector<16xf32>
    %slice3A_44 = vector.extract_strided_slice %get3A_43 {offsets = [0], sizes = [1], strides = [1]} : vector<16xf32> to vector<1xf32>
    %squeeze3A_45 = vector.extract %slice3A_44[0] : f32 from vector<1xf32>
    %broadcast_in_dim3A_46 = vector.broadcast %squeeze3A_45 : f32 to vector<16xf32>
    %add3A_47 = arith.constant 64 : i32
    %add3A_48 = arith.addi %add3A_47, %select_n3A : i32
    %get3A_49 = arith.index_cast %add3A_48 : i32 to index
    %get3A_50 = tpu.vector_load %arg6[%get3A_49] {strides = array<i32>} : memref<528xf32, #tpu.memory_space<vmem>>, vector<16xf32>,
    %get3A_51 = vector.shape_cast %get3A_50 : vector<16xf32> to vector<16xf32>
    %slice3A_52 = vector.extract_strided_slice %get3A_51 {offsets = [0], sizes = [1], strides = [1]} : vector<16xf32> to vector<1xf32>
    %squeeze3A_53 = vector.extract %slice3A_52[0] : f32 from vector<1xf32>
    %broadcast_in_dim3A_54 = vector.broadcast %squeeze3A_53 : f32 to vector<16xf32>
    %add3A_55 = arith.constant 80 : i32
    %add3A_56 = arith.addi %add3A_55, %select_n3A : i32
    %get3A_57 = arith.index_cast %add3A_56 : i32 to index
    %get3A_58 = tpu.vector_load %arg6[%get3A_57] {strides = array<i32>} : memref<528xf32, #tpu.memory_space<vmem>>, vector<16xf32>,
    %get3A_59 = vector.shape_cast %get3A_58 : vector<16xf32> to vector<16xf32>
    %slice3A_60 = vector.extract_strided_slice %get3A_59 {offsets = [0], sizes = [1], strides = [1]} : vector<16xf32> to vector<1xf32>
    %squeeze3A_61 = vector.extract %slice3A_60[0] : f32 from vector<1xf32>
    %broadcast_in_dim3A_62 = vector.broadcast %squeeze3A_61 : f32 to vector<16xf32>
    %add3A_63 = arith.constant 96 : i32
    %add3A_64 = arith.addi %add3A_63, %select_n3A : i32
    %get3A_65 = arith.index_cast %add3A_64 : i32 to index
    %get3A_66 = tpu.vector_load %arg6[%get3A_65] {strides = array<i32>} : memref<528xf32, #tpu.memory_space<vmem>>, vector<16xf32>,
    %get3A_67 = vector.shape_cast %get3A_66 : vector<16xf32> to vector<16xf32>
    %slice3A_68 = vector.extract_strided_slice %get3A_67 {offsets = [0], sizes = [1], strides = [1]} : vector<16xf32> to vector<1xf32>
    %squeeze3A_69 = vector.extract %slice3A_68[0] : f32 from vector<1xf32>
    %broadcast_in_dim3A_70 = vector.broadcast %squeeze3A_69 : f32 to vector<16xf32>
    %add3A_71 = arith.constant 112 : i32
    %add3A_72 = arith.addi %add3A_71, %select_n3A : i32
    %get3A_73 = arith.index_cast %add3A_72 : i32 to index
    %get3A_74 = tpu.vector_load %arg6[%get3A_73] {strides = array<i32>} : memref<528xf32, #tpu.memory_space<vmem>>, vector<16xf32>,
    %get3A_75 = vector.shape_cast %get3A_74 : vector<16xf32> to vector<16xf32>
    %slice3A_76 = vector.extract_strided_slice %get3A_75 {offsets = [0], sizes = [1], strides = [1]} : vector<16xf32> to vector<1xf32>
    %squeeze3A_77 = vector.extract %slice3A_76[0] : f32 from vector<1xf32>
    %broadcast_in_dim3A_78 = vector.broadcast %squeeze3A_77 : f32 to vector<16xf32>
    %add3A_79 = arith.constant 128 : i32
    %add3A_80 = arith.addi %add3A_79, %select_n3A : i32
    %get3A_81 = arith.index_cast %add3A_80 : i32 to index
    %get3A_82 = tpu.vector_load %arg6[%get3A_81] {strides = array<i32>} : memref<528xf32, #tpu.memory_space<vmem>>, vector<16xf32>,
    %get3A_83 = vector.shape_cast %get3A_82 : vector<16xf32> to vector<16xf32>
    %slice3A_84 = vector.extract_strided_slice %get3A_83 {offsets = [0], sizes = [1], strides = [1]} : vector<16xf32> to vector<1xf32>
    %squeeze3A_85 = vector.extract %slice3A_84[0] : f32 from vector<1xf32>
    %broadcast_in_dim3A_86 = vector.broadcast %squeeze3A_85 : f32 to vector<16xf32>
    %add3A_87 = arith.constant 144 : i32
    %add3A_88 = arith.addi %add3A_87, %select_n3A : i32
    %get3A_89 = arith.index_cast %add3A_88 : i32 to index
    %get3A_90 = tpu.vector_load %arg6[%get3A_89] {strides = array<i32>} : memref<528xf32, #tpu.memory_space<vmem>>, vector<16xf32>,
    %get3A_91 = vector.shape_cast %get3A_90 : vector<16xf32> to vector<16xf32>
    %slice3A_92 = vector.extract_strided_slice %get3A_91 {offsets = [0], sizes = [1], strides = [1]} : vector<16xf32> to vector<1xf32>
    %squeeze3A_93 = vector.extract %slice3A_92[0] : f32 from vector<1xf32>
    %broadcast_in_dim3A_94 = vector.broadcast %squeeze3A_93 : f32 to vector<16xf32>
    %add3A_95 = arith.constant 160 : i32
    %add3A_96 = arith.addi %add3A_95, %select_n3A : i32
    %get3A_97 = arith.index_cast %add3A_96 : i32 to index
    %get3A_98 = tpu.vector_load %arg6[%get3A_97] {strides = array<i32>} : memref<528xf32, #tpu.memory_space<vmem>>, vector<16xf32>,
    %get3A_99 = vector.shape_cast %get3A_98 : vector<16xf32> to vector<16xf32>
    %slice3A_100 = vector.extract_strided_slice %get3A_99 {offsets = [0], sizes = [1], strides = [1]} : vector<16xf32> to vector<1xf32>
    %squeeze3A_101 = vector.extract %slice3A_100[0] : f32 from vector<1xf32>
    %broadcast_in_dim3A_102 = vector.broadcast %squeeze3A_101 : f32 to vector<16xf32>
    %add3A_103 = arith.constant 176 : i32
    %add3A_104 = arith.addi %add3A_103, %select_n3A : i32
    %get3A_105 = arith.index_cast %add3A_104 : i32 to index
    %get3A_106 = tpu.vector_load %arg6[%get3A_105] {strides = array<i32>} : memref<528xf32, #tpu.memory_space<vmem>>, vector<16xf32>,
    %get3A_107 = vector.shape_cast %get3A_106 : vector<16xf32> to vector<16xf32>
    %slice3A_108 = vector.extract_strided_slice %get3A_107 {offsets = [0], sizes = [1], strides = [1]} : vector<16xf32> to vector<1xf32>
    %squeeze3A_109 = vector.extract %slice3A_108[0] : f32 from vector<1xf32>
    %broadcast_in_dim3A_110 = vector.broadcast %squeeze3A_109 : f32 to vector<16xf32>
    %add3A_111 = arith.constant 192 : i32
    %add3A_112 = arith.addi %add3A_111, %select_n3A : i32
    %get3A_113 = arith.index_cast %add3A_112 : i32 to index
    %get3A_114 = tpu.vector_load %arg6[%get3A_113] {strides = array<i32>} : memref<528xf32, #tpu.memory_space<vmem>>, vector<16xf32>,
    %get3A_115 = vector.shape_cast %get3A_114 : vector<16xf32> to vector<16xf32>
    %slice3A_116 = vector.extract_strided_slice %get3A_115 {offsets = [0], sizes = [1], strides = [1]} : vector<16xf32> to vector<1xf32>
    %squeeze3A_117 = vector.extract %slice3A_116[0] : f32 from vector<1xf32>
    %broadcast_in_dim3A_118 = vector.broadcast %squeeze3A_117 : f32 to vector<16xf32>
    %add3A_119 = arith.constant 208 : i32
    %add3A_120 = arith.addi %add3A_119, %select_n3A : i32
    %get3A_121 = arith.index_cast %add3A_120 : i32 to index
    %get3A_122 = tpu.vector_load %arg6[%get3A_121] {strides = array<i32>} : memref<528xf32, #tpu.memory_space<vmem>>, vector<16xf32>,
    %get3A_123 = vector.shape_cast %get3A_122 : vector<16xf32> to vector<16xf32>
    %slice3A_124 = vector.extract_strided_slice %get3A_123 {offsets = [0], sizes = [1], strides = [1]} : vector<16xf32> to vector<1xf32>
    %squeeze3A_125 = vector.extract %slice3A_124[0] : f32 from vector<1xf32>
    %broadcast_in_dim3A_126 = vector.broadcast %squeeze3A_125 : f32 to vector<16xf32>
    %add3A_127 = arith.constant 224 : i32
    %add3A_128 = arith.addi %add3A_127, %select_n3A : i32
    %get3A_129 = arith.index_cast %add3A_128 : i32 to index
    %get3A_130 = tpu.vector_load %arg6[%get3A_129] {strides = array<i32>} : memref<528xf32, #tpu.memory_space<vmem>>, vector<16xf32>,
    %get3A_131 = vector.shape_cast %get3A_130 : vector<16xf32> to vector<16xf32>
    %slice3A_132 = vector.extract_strided_slice %get3A_131 {offsets = [0], sizes = [1], strides = [1]} : vector<16xf32> to vector<1xf32>
    %squeeze3A_133 = vector.extract %slice3A_132[0] : f32 from vector<1xf32>
    %broadcast_in_dim3A_134 = vector.broadcast %squeeze3A_133 : f32 to vector<16xf32>
    %add3A_135 = arith.constant 240 : i32
    %add3A_136 = arith.addi %add3A_135, %select_n3A : i32
    %get3A_137 = arith.index_cast %add3A_136 : i32 to index
    %get3A_138 = tpu.vector_load %arg6[%get3A_137] {strides = array<i32>} : memref<528xf32, #tpu.memory_space<vmem>>, vector<16xf32>,
    %get3A_139 = vector.shape_cast %get3A_138 : vector<16xf32> to vector<16xf32>
    %slice3A_140 = vector.extract_strided_slice %get3A_139 {offsets = [0], sizes = [1], strides = [1]} : vector<16xf32> to vector<1xf32>
    %squeeze3A_141 = vector.extract %slice3A_140[0] : f32 from vector<1xf32>
    %broadcast_in_dim3A_142 = vector.broadcast %squeeze3A_141 : f32 to vector<16xf32>
    %add3A_143 = arith.constant 256 : i32
    %add3A_144 = arith.addi %add3A_143, %select_n3A : i32
    %get3A_145 = arith.index_cast %add3A_144 : i32 to index
    %get3A_146 = tpu.vector_load %arg6[%get3A_145] {strides = array<i32>} : memref<528xf32, #tpu.memory_space<vmem>>, vector<16xf32>,
    %get3A_147 = vector.shape_cast %get3A_146 : vector<16xf32> to vector<16xf32>
    %slice3A_148 = vector.extract_strided_slice %get3A_147 {offsets = [0], sizes = [1], strides = [1]} : vector<16xf32> to vector<1xf32>
    %squeeze3A_149 = vector.extract %slice3A_148[0] : f32 from vector<1xf32>
    %broadcast_in_dim3A_150 = vector.broadcast %squeeze3A_149 : f32 to vector<16xf32>
    %add3A_151 = arith.constant 272 : i32
    %add3A_152 = arith.addi %add3A_151, %select_n3A : i32
    %get3A_153 = arith.index_cast %add3A_152 : i32 to index
    %get3A_154 = tpu.vector_load %arg6[%get3A_153] {strides = array<i32>} : memref<528xf32, #tpu.memory_space<vmem>>, vector<16xf32>,
    %get3A_155 = vector.shape_cast %get3A_154 : vector<16xf32> to vector<16xf32>
    %slice3A_156 = vector.extract_strided_slice %get3A_155 {offsets = [0], sizes = [1], strides = [1]} : vector<16xf32> to vector<1xf32>
    %squeeze3A_157 = vector.extract %slice3A_156[0] : f32 from vector<1xf32>
    %broadcast_in_dim3A_158 = vector.broadcast %squeeze3A_157 : f32 to vector<16xf32>
    %add3A_159 = arith.constant 288 : i32
    %add3A_160 = arith.addi %add3A_159, %select_n3A : i32
    %get3A_161 = arith.index_cast %add3A_160 : i32 to index
    %get3A_162 = tpu.vector_load %arg6[%get3A_161] {strides = array<i32>} : memref<528xf32, #tpu.memory_space<vmem>>, vector<16xf32>,
    %get3A_163 = vector.shape_cast %get3A_162 : vector<16xf32> to vector<16xf32>
    %slice3A_164 = vector.extract_strided_slice %get3A_163 {offsets = [0], sizes = [1], strides = [1]} : vector<16xf32> to vector<1xf32>
    %squeeze3A_165 = vector.extract %slice3A_164[0] : f32 from vector<1xf32>
    %broadcast_in_dim3A_166 = vector.broadcast %squeeze3A_165 : f32 to vector<16xf32>
    %add3A_167 = arith.constant 304 : i32
    %add3A_168 = arith.addi %add3A_167, %select_n3A : i32
    %get3A_169 = arith.index_cast %add3A_168 : i32 to index
    %get3A_170 = tpu.vector_load %arg6[%get3A_169] {strides = array<i32>} : memref<528xf32, #tpu.memory_space<vmem>>, vector<16xf32>,
    %get3A_171 = vector.shape_cast %get3A_170 : vector<16xf32> to vector<16xf32>
    %slice3A_172 = vector.extract_strided_slice %get3A_171 {offsets = [0], sizes = [1], strides = [1]} : vector<16xf32> to vector<1xf32>
    %squeeze3A_173 = vector.extract %slice3A_172[0] : f32 from vector<1xf32>
    %broadcast_in_dim3A_174 = vector.broadcast %squeeze3A_173 : f32 to vector<16xf32>
    %add3A_175 = arith.constant 320 : i32
    %add3A_176 = arith.addi %add3A_175, %select_n3A : i32
    %get3A_177 = arith.index_cast %add3A_176 : i32 to index
    %get3A_178 = tpu.vector_load %arg6[%get3A_177] {strides = array<i32>} : memref<528xf32, #tpu.memory_space<vmem>>, vector<16xf32>,
    %get3A_179 = vector.shape_cast %get3A_178 : vector<16xf32> to vector<16xf32>
    %slice3A_180 = vector.extract_strided_slice %get3A_179 {offsets = [0], sizes = [1], strides = [1]} : vector<16xf32> to vector<1xf32>
    %squeeze3A_181 = vector.extract %slice3A_180[0] : f32 from vector<1xf32>
    %broadcast_in_dim3A_182 = vector.broadcast %squeeze3A_181 : f32 to vector<16xf32>
    %add3A_183 = arith.constant 336 : i32
    %add3A_184 = arith.addi %add3A_183, %select_n3A : i32
    %get3A_185 = arith.index_cast %add3A_184 : i32 to index
    %get3A_186 = tpu.vector_load %arg6[%get3A_185] {strides = array<i32>} : memref<528xf32, #tpu.memory_space<vmem>>, vector<16xf32>,
    %get3A_187 = vector.shape_cast %get3A_186 : vector<16xf32> to vector<16xf32>
    %slice3A_188 = vector.extract_strided_slice %get3A_187 {offsets = [0], sizes = [1], strides = [1]} : vector<16xf32> to vector<1xf32>
    %squeeze3A_189 = vector.extract %slice3A_188[0] : f32 from vector<1xf32>
    %broadcast_in_dim3A_190 = vector.broadcast %squeeze3A_189 : f32 to vector<16xf32>
    %add3A_191 = arith.constant 352 : i32
    %add3A_192 = arith.addi %add3A_191, %select_n3A : i32
    %get3A_193 = arith.index_cast %add3A_192 : i32 to index
    %get3A_194 = tpu.vector_load %arg6[%get3A_193] {strides = array<i32>} : memref<528xf32, #tpu.memory_space<vmem>>, vector<16xf32>,
    %get3A_195 = vector.shape_cast %get3A_194 : vector<16xf32> to vector<16xf32>
    %slice3A_196 = vector.extract_strided_slice %get3A_195 {offsets = [0], sizes = [1], strides = [1]} : vector<16xf32> to vector<1xf32>
    %squeeze3A_197 = vector.extract %slice3A_196[0] : f32 from vector<1xf32>
    %broadcast_in_dim3A_198 = vector.broadcast %squeeze3A_197 : f32 to vector<16xf32>
    %add3A_199 = arith.constant 368 : i32
    %add3A_200 = arith.addi %add3A_199, %select_n3A : i32
    %get3A_201 = arith.index_cast %add3A_200 : i32 to index
    %get3A_202 = tpu.vector_load %arg6[%get3A_201] {strides = array<i32>} : memref<528xf32, #tpu.memory_space<vmem>>, vector<16xf32>,
    %get3A_203 = vector.shape_cast %get3A_202 : vector<16xf32> to vector<16xf32>
    %slice3A_204 = vector.extract_strided_slice %get3A_203 {offsets = [0], sizes = [1], strides = [1]} : vector<16xf32> to vector<1xf32>
    %squeeze3A_205 = vector.extract %slice3A_204[0] : f32 from vector<1xf32>
    %broadcast_in_dim3A_206 = vector.broadcast %squeeze3A_205 : f32 to vector<16xf32>
    %add3A_207 = arith.constant 384 : i32
    %add3A_208 = arith.addi %add3A_207, %select_n3A : i32
    %get3A_209 = arith.index_cast %add3A_208 : i32 to index
    %get3A_210 = tpu.vector_load %arg6[%get3A_209] {strides = array<i32>} : memref<528xf32, #tpu.memory_space<vmem>>, vector<16xf32>,
    %get3A_211 = vector.shape_cast %get3A_210 : vector<16xf32> to vector<16xf32>
    %slice3A_212 = vector.extract_strided_slice %get3A_211 {offsets = [0], sizes = [1], strides = [1]} : vector<16xf32> to vector<1xf32>
    %squeeze3A_213 = vector.extract %slice3A_212[0] : f32 from vector<1xf32>
    %broadcast_in_dim3A_214 = vector.broadcast %squeeze3A_213 : f32 to vector<16xf32>
    %add3A_215 = arith.constant 400 : i32
    %add3A_216 = arith.addi %add3A_215, %select_n3A : i32
    %get3A_217 = arith.index_cast %add3A_216 : i32 to index
    %get3A_218 = tpu.vector_load %arg6[%get3A_217] {strides = array<i32>} : memref<528xf32, #tpu.memory_space<vmem>>, vector<16xf32>,
    %get3A_219 = vector.shape_cast %get3A_218 : vector<16xf32> to vector<16xf32>
    %slice3A_220 = vector.extract_strided_slice %get3A_219 {offsets = [0], sizes = [1], strides = [1]} : vector<16xf32> to vector<1xf32>
    %squeeze3A_221 = vector.extract %slice3A_220[0] : f32 from vector<1xf32>
    %broadcast_in_dim3A_222 = vector.broadcast %squeeze3A_221 : f32 to vector<16xf32>
    %add3A_223 = arith.constant 416 : i32
    %add3A_224 = arith.addi %add3A_223, %select_n3A : i32
    %get3A_225 = arith.index_cast %add3A_224 : i32 to index
    %get3A_226 = tpu.vector_load %arg6[%get3A_225] {strides = array<i32>} : memref<528xf32, #tpu.memory_space<vmem>>, vector<16xf32>,
    %get3A_227 = vector.shape_cast %get3A_226 : vector<16xf32> to vector<16xf32>
    %slice3A_228 = vector.extract_strided_slice %get3A_227 {offsets = [0], sizes = [1], strides = [1]} : vector<16xf32> to vector<1xf32>
    %squeeze3A_229 = vector.extract %slice3A_228[0] : f32 from vector<1xf32>
    %broadcast_in_dim3A_230 = vector.broadcast %squeeze3A_229 : f32 to vector<16xf32>
    %add3A_231 = arith.constant 432 : i32
    %add3A_232 = arith.addi %add3A_231, %select_n3A : i32
    %get3A_233 = arith.index_cast %add3A_232 : i32 to index
    %get3A_234 = tpu.vector_load %arg6[%get3A_233] {strides = array<i32>} : memref<528xf32, #tpu.memory_space<vmem>>, vector<16xf32>,
    %get3A_235 = vector.shape_cast %get3A_234 : vector<16xf32> to vector<16xf32>
    %slice3A_236 = vector.extract_strided_slice %get3A_235 {offsets = [0], sizes = [1], strides = [1]} : vector<16xf32> to vector<1xf32>
    %squeeze3A_237 = vector.extract %slice3A_236[0] : f32 from vector<1xf32>
    %broadcast_in_dim3A_238 = vector.broadcast %squeeze3A_237 : f32 to vector<16xf32>
    %add3A_239 = arith.constant 448 : i32
    %add3A_240 = arith.addi %add3A_239, %select_n3A : i32
    %get3A_241 = arith.index_cast %add3A_240 : i32 to index
    %get3A_242 = tpu.vector_load %arg6[%get3A_241] {strides = array<i32>} : memref<528xf32, #tpu.memory_space<vmem>>, vector<16xf32>,
    %get3A_243 = vector.shape_cast %get3A_242 : vector<16xf32> to vector<16xf32>
    %slice3A_244 = vector.extract_strided_slice %get3A_243 {offsets = [0], sizes = [1], strides = [1]} : vector<16xf32> to vector<1xf32>
    %squeeze3A_245 = vector.extract %slice3A_244[0] : f32 from vector<1xf32>
    %broadcast_in_dim3A_246 = vector.broadcast %squeeze3A_245 : f32 to vector<16xf32>
    %add3A_247 = arith.constant 464 : i32
    %add3A_248 = arith.addi %add3A_247, %select_n3A : i32
    %get3A_249 = arith.index_cast %add3A_248 : i32 to index
    %get3A_250 = tpu.vector_load %arg6[%get3A_249] {strides = array<i32>} : memref<528xf32, #tpu.memory_space<vmem>>, vector<16xf32>,
    %get3A_251 = vector.shape_cast %get3A_250 : vector<16xf32> to vector<16xf32>
    %slice3A_252 = vector.extract_strided_slice %get3A_251 {offsets = [0], sizes = [1], strides = [1]} : vector<16xf32> to vector<1xf32>
    %squeeze3A_253 = vector.extract %slice3A_252[0] : f32 from vector<1xf32>
    %broadcast_in_dim3A_254 = vector.broadcast %squeeze3A_253 : f32 to vector<16xf32>
    %add3A_255 = arith.constant 480 : i32
    %add3A_256 = arith.addi %add3A_255, %select_n3A : i32
    %get3A_257 = arith.index_cast %add3A_256 : i32 to index
    %get3A_258 = tpu.vector_load %arg6[%get3A_257] {strides = array<i32>} : memref<528xf32, #tpu.memory_space<vmem>>, vector<16xf32>,
    %get3A_259 = vector.shape_cast %get3A_258 : vector<16xf32> to vector<16xf32>
    %slice3A_260 = vector.extract_strided_slice %get3A_259 {offsets = [0], sizes = [1], strides = [1]} : vector<16xf32> to vector<1xf32>
    %squeeze3A_261 = vector.extract %slice3A_260[0] : f32 from vector<1xf32>
    %broadcast_in_dim3A_262 = vector.broadcast %squeeze3A_261 : f32 to vector<16xf32>
    %add3A_263 = arith.constant 496 : i32
    %add3A_264 = arith.addi %add3A_263, %select_n3A : i32
    %get3A_265 = arith.index_cast %add3A_264 : i32 to index
    %get3A_266 = tpu.vector_load %arg6[%get3A_265] {strides = array<i32>} : memref<528xf32, #tpu.memory_space<vmem>>, vector<16xf32>,
    %get3A_267 = vector.shape_cast %get3A_266 : vector<16xf32> to vector<16xf32>
    %slice3A_268 = vector.extract_strided_slice %get3A_267 {offsets = [0], sizes = [1], strides = [1]} : vector<16xf32> to vector<1xf32>
    %squeeze3A_269 = vector.extract %slice3A_268[0] : f32 from vector<1xf32>
    %broadcast_in_dim3A_270 = vector.broadcast %squeeze3A_269 : f32 to vector<16xf32>
    %rem3A_271 = arith.constant 2048 : i32
    %rem3A_272 = arith.remsi %mul3A_2, %rem3A_271 : i32
    %sub3A_273 = arith.constant 2001 : i32
    %sub3A_274 = arith.subi %sub3A_273, %rem3A_272 : i32
    %max3A = arith.constant 0 : i32
    %max3A_275 = arith.maxsi %max3A, %sub3A_274 : i32
    %jit3A_276 = arith.constant 16 : i32
    %div3A_277 = arith.divsi %max3A_275, %jit3A_276 : i32
    %sign3A_278 = arith.constant 0 : i32
    %sign3A_279 = arith.cmpi sgt, %max3A_275, %sign3A_278 : i32
    %sign3A_280 = arith.extui %sign3A_279 : i1 to i32
    %sign3A_281 = arith.constant 0 : i32
    %sign3A_282 = arith.cmpi slt, %max3A_275, %sign3A_281 : i32
    %sign3A_283 = arith.extui %sign3A_282 : i1 to i32
    %sign3A_284 = arith.subi %sign3A_280, %sign3A_283 : i32
    %sign3A_285 = arith.constant 0 : i32
    %sign3A_286 = arith.cmpi sgt, %jit3A_276, %sign3A_285 : i32
    %sign3A_287 = arith.extui %sign3A_286 : i1 to i32
    %sign3A_288 = arith.constant 0 : i32
    %sign3A_289 = arith.cmpi slt, %jit3A_276, %sign3A_288 : i32
    %sign3A_290 = arith.extui %sign3A_289 : i1 to i32
    %sign3A_291 = arith.subi %sign3A_287, %sign3A_290 : i32
    %ne3A_292 = arith.cmpi ne, %sign3A_284, %sign3A_291 : i32
    %rem3A_293 = arith.remsi %max3A_275, %jit3A_276 : i32
    %ne3A_294 = arith.constant 0 : i32
    %ne3A_295 = arith.cmpi ne, %rem3A_293, %ne3A_294 : i32
    %and3A_296 = arith.andi %ne3A_292, %ne3A_295 : i1
    %sub3A_297 = arith.constant 1 : i32
    %sub3A_298 = arith.subi %div3A_277, %sub3A_297 : i32
    %select_n3A_299 = arith.select %and3A_296, %sub3A_298, %div3A_277 : i32
    %sub3A_300 = arith.constant 4094 : i32
    %sub3A_301 = arith.subi %sub3A_300, %rem3A_272 : i32
    %jit3A_302 = arith.constant 16 : i32
    %div3A_303 = arith.divsi %sub3A_301, %jit3A_302 : i32
    %sign3A_304 = arith.constant 0 : i32
    %sign3A_305 = arith.cmpi sgt, %sub3A_301, %sign3A_304 : i32
    %sign3A_306 = arith.extui %sign3A_305 : i1 to i32
    %sign3A_307 = arith.constant 0 : i32
    %sign3A_308 = arith.cmpi slt, %sub3A_301, %sign3A_307 : i32
    %sign3A_309 = arith.extui %sign3A_308 : i1 to i32
    %sign3A_310 = arith.subi %sign3A_306, %sign3A_309 : i32
    %sign3A_311 = arith.constant 0 : i32
    %sign3A_312 = arith.cmpi sgt, %jit3A_302, %sign3A_311 : i32
    %sign3A_313 = arith.extui %sign3A_312 : i1 to i32
    %sign3A_314 = arith.constant 0 : i32
    %sign3A_315 = arith.cmpi slt, %jit3A_302, %sign3A_314 : i32
    %sign3A_316 = arith.extui %sign3A_315 : i1 to i32
    %sign3A_317 = arith.subi %sign3A_313, %sign3A_316 : i32
    %ne3A_318 = arith.cmpi ne, %sign3A_310, %sign3A_317 : i32
    %rem3A_319 = arith.remsi %sub3A_301, %jit3A_302 : i32
    %ne3A_320 = arith.constant 0 : i32
    %ne3A_321 = arith.cmpi ne, %rem3A_319, %ne3A_320 : i32
    %and3A_322 = arith.andi %ne3A_318, %ne3A_321 : i1
    %sub3A_323 = arith.constant 1 : i32
    %sub3A_324 = arith.subi %div3A_303, %sub3A_323 : i32
    %select_n3A_325 = arith.select %and3A_322, %sub3A_324, %div3A_303 : i32
    %add3A_326 = arith.constant 1 : i32
    %add3A_327 = arith.addi %select_n3A_325, %add3A_326 : i32
    %parallel_loop3A = arith.constant 1 : i32
    scf.for %parallel_loop3A_373 = %select_n3A_299 to %add3A_327 step %parallel_loop3A  : i32 {
      %parallel_loop3A_374 = arith.constant 16 : i32
      %parallel_loop3A_375 = arith.muli %parallel_loop3A_373, %parallel_loop3A_374 : i32
      %parallel_loop3A_376 = arith.index_cast %parallel_loop3A_375 : i32 to index
      %parallel_loop3A_377 = tpu.vector_load %arg5[%parallel_loop3A_376] {strides = array<i32>} : memref<4224xi32, #tpu.memory_space<vmem>>, vector<16xi32>,
      %parallel_loop3A_378 = vector.shape_cast %parallel_loop3A_377 : vector<16xi32> to vector<16xi32>
      %parallel_loop3A_379 = arith.constant 1 : i32
      %parallel_loop3A_380 = vector.broadcast %parallel_loop3A_379 : i32 to vector<16xi32>
      %parallel_loop3A_381 = arith.cmpi eq, %parallel_loop3A_378, %parallel_loop3A_380 : vector<16xi32>
      %parallel_loop3A_382 = arith.select %parallel_loop3A_381, %broadcast_in_dim3A_30, %broadcast_in_dim3A : vector<16xi1>, vector<16xf32>
      %parallel_loop3A_383 = arith.constant 2 : i32
      %parallel_loop3A_384 = vector.broadcast %parallel_loop3A_383 : i32 to vector<16xi32>
      %parallel_loop3A_385 = arith.cmpi eq, %parallel_loop3A_378, %parallel_loop3A_384 : vector<16xi32>
      %parallel_loop3A_386 = arith.select %parallel_loop3A_385, %broadcast_in_dim3A_38, %parallel_loop3A_382 : vector<16xi1>, vector<16xf32>
      %parallel_loop3A_387 = arith.constant 3 : i32
      %parallel_loop3A_388 = vector.broadcast %parallel_loop3A_387 : i32 to vector<16xi32>
      %parallel_loop3A_389 = arith.cmpi eq, %parallel_loop3A_378, %parallel_loop3A_388 : vector<16xi32>
      %parallel_loop3A_390 = arith.select %parallel_loop3A_389, %broadcast_in_dim3A_46, %parallel_loop3A_386 : vector<16xi1>, vector<16xf32>
      %parallel_loop3A_391 = arith.constant 4 : i32
      %parallel_loop3A_392 = vector.broadcast %parallel_loop3A_391 : i32 to vector<16xi32>
      %parallel_loop3A_393 = arith.cmpi eq, %parallel_loop3A_378, %parallel_loop3A_392 : vector<16xi32>
      %parallel_loop3A_394 = arith.select %parallel_loop3A_393, %broadcast_in_dim3A_54, %parallel_loop3A_390 : vector<16xi1>, vector<16xf32>
      %parallel_loop3A_395 = arith.constant 5 : i32
      %parallel_loop3A_396 = vector.broadcast %parallel_loop3A_395 : i32 to vector<16xi32>
      %parallel_loop3A_397 = arith.cmpi eq, %parallel_loop3A_378, %parallel_loop3A_396 : vector<16xi32>
      %parallel_loop3A_398 = arith.select %parallel_loop3A_397, %broadcast_in_dim3A_62, %parallel_loop3A_394 : vector<16xi1>, vector<16xf32>
      %parallel_loop3A_399 = arith.constant 6 : i32
      %parallel_loop3A_400 = vector.broadcast %parallel_loop3A_399 : i32 to vector<16xi32>
      %parallel_loop3A_401 = arith.cmpi eq, %parallel_loop3A_378, %parallel_loop3A_400 : vector<16xi32>
      %parallel_loop3A_402 = arith.select %parallel_loop3A_401, %broadcast_in_dim3A_70, %parallel_loop3A_398 : vector<16xi1>, vector<16xf32>
      %parallel_loop3A_403 = arith.constant 7 : i32
      %parallel_loop3A_404 = vector.broadcast %parallel_loop3A_403 : i32 to vector<16xi32>
      %parallel_loop3A_405 = arith.cmpi eq, %parallel_loop3A_378, %parallel_loop3A_404 : vector<16xi32>
      %parallel_loop3A_406 = arith.select %parallel_loop3A_405, %broadcast_in_dim3A_78, %parallel_loop3A_402 : vector<16xi1>, vector<16xf32>
      %parallel_loop3A_407 = arith.constant 8 : i32
      %parallel_loop3A_408 = vector.broadcast %parallel_loop3A_407 : i32 to vector<16xi32>
      %parallel_loop3A_409 = arith.cmpi eq, %parallel_loop3A_378, %parallel_loop3A_408 : vector<16xi32>
      %parallel_loop3A_410 = arith.select %parallel_loop3A_409, %broadcast_in_dim3A_86, %parallel_loop3A_406 : vector<16xi1>, vector<16xf32>
      %parallel_loop3A_411 = arith.constant 9 : i32
      %parallel_loop3A_412 = vector.broadcast %parallel_loop3A_411 : i32 to vector<16xi32>
      %parallel_loop3A_413 = arith.cmpi eq, %parallel_loop3A_378, %parallel_loop3A_412 : vector<16xi32>
      %parallel_loop3A_414 = arith.select %parallel_loop3A_413, %broadcast_in_dim3A_94, %parallel_loop3A_410 : vector<16xi1>, vector<16xf32>
      %parallel_loop3A_415 = arith.constant 10 : i32
      %parallel_loop3A_416 = vector.broadcast %parallel_loop3A_415 : i32 to vector<16xi32>
      %parallel_loop3A_417 = arith.cmpi eq, %parallel_loop3A_378, %parallel_loop3A_416 : vector<16xi32>
      %parallel_loop3A_418 = arith.select %parallel_loop3A_417, %broadcast_in_dim3A_102, %parallel_loop3A_414 : vector<16xi1>, vector<16xf32>
      %parallel_loop3A_419 = arith.constant 11 : i32
      %parallel_loop3A_420 = vector.broadcast %parallel_loop3A_419 : i32 to vector<16xi32>
      %parallel_loop3A_421 = arith.cmpi eq, %parallel_loop3A_378, %parallel_loop3A_420 : vector<16xi32>
      %parallel_loop3A_422 = arith.select %parallel_loop3A_421, %broadcast_in_dim3A_110, %parallel_loop3A_418 : vector<16xi1>, vector<16xf32>
      %parallel_loop3A_423 = arith.constant 12 : i32
      %parallel_loop3A_424 = vector.broadcast %parallel_loop3A_423 : i32 to vector<16xi32>
      %parallel_loop3A_425 = arith.cmpi eq, %parallel_loop3A_378, %parallel_loop3A_424 : vector<16xi32>
      %parallel_loop3A_426 = arith.select %parallel_loop3A_425, %broadcast_in_dim3A_118, %parallel_loop3A_422 : vector<16xi1>, vector<16xf32>
      %parallel_loop3A_427 = arith.constant 13 : i32
      %parallel_loop3A_428 = vector.broadcast %parallel_loop3A_427 : i32 to vector<16xi32>
      %parallel_loop3A_429 = arith.cmpi eq, %parallel_loop3A_378, %parallel_loop3A_428 : vector<16xi32>
      %parallel_loop3A_430 = arith.select %parallel_loop3A_429, %broadcast_in_dim3A_126, %parallel_loop3A_426 : vector<16xi1>, vector<16xf32>
      %parallel_loop3A_431 = arith.constant 14 : i32
      %parallel_loop3A_432 = vector.broadcast %parallel_loop3A_431 : i32 to vector<16xi32>
      %parallel_loop3A_433 = arith.cmpi eq, %parallel_loop3A_378, %parallel_loop3A_432 : vector<16xi32>
      %parallel_loop3A_434 = arith.select %parallel_loop3A_433, %broadcast_in_dim3A_134, %parallel_loop3A_430 : vector<16xi1>, vector<16xf32>
      %parallel_loop3A_435 = arith.constant 15 : i32
      %parallel_loop3A_436 = vector.broadcast %parallel_loop3A_435 : i32 to vector<16xi32>
      %parallel_loop3A_437 = arith.cmpi eq, %parallel_loop3A_378, %parallel_loop3A_436 : vector<16xi32>
      %parallel_loop3A_438 = arith.select %parallel_loop3A_437, %broadcast_in_dim3A_142, %parallel_loop3A_434 : vector<16xi1>, vector<16xf32>
      %parallel_loop3A_439 = arith.constant 16 : i32
      %parallel_loop3A_440 = vector.broadcast %parallel_loop3A_439 : i32 to vector<16xi32>
      %parallel_loop3A_441 = arith.cmpi eq, %parallel_loop3A_378, %parallel_loop3A_440 : vector<16xi32>
      %parallel_loop3A_442 = arith.select %parallel_loop3A_441, %broadcast_in_dim3A_150, %parallel_loop3A_438 : vector<16xi1>, vector<16xf32>
      %parallel_loop3A_443 = arith.constant 17 : i32
      %parallel_loop3A_444 = vector.broadcast %parallel_loop3A_443 : i32 to vector<16xi32>
      %parallel_loop3A_445 = arith.cmpi eq, %parallel_loop3A_378, %parallel_loop3A_444 : vector<16xi32>
      %parallel_loop3A_446 = arith.select %parallel_loop3A_445, %broadcast_in_dim3A_158, %parallel_loop3A_442 : vector<16xi1>, vector<16xf32>
      %parallel_loop3A_447 = arith.constant 18 : i32
      %parallel_loop3A_448 = vector.broadcast %parallel_loop3A_447 : i32 to vector<16xi32>
      %parallel_loop3A_449 = arith.cmpi eq, %parallel_loop3A_378, %parallel_loop3A_448 : vector<16xi32>
      %parallel_loop3A_450 = arith.select %parallel_loop3A_449, %broadcast_in_dim3A_166, %parallel_loop3A_446 : vector<16xi1>, vector<16xf32>
      %parallel_loop3A_451 = arith.constant 19 : i32
      %parallel_loop3A_452 = vector.broadcast %parallel_loop3A_451 : i32 to vector<16xi32>
      %parallel_loop3A_453 = arith.cmpi eq, %parallel_loop3A_378, %parallel_loop3A_452 : vector<16xi32>
      %parallel_loop3A_454 = arith.select %parallel_loop3A_453, %broadcast_in_dim3A_174, %parallel_loop3A_450 : vector<16xi1>, vector<16xf32>
      %parallel_loop3A_455 = arith.constant 20 : i32
      %parallel_loop3A_456 = vector.broadcast %parallel_loop3A_455 : i32 to vector<16xi32>
      %parallel_loop3A_457 = arith.cmpi eq, %parallel_loop3A_378, %parallel_loop3A_456 : vector<16xi32>
      %parallel_loop3A_458 = arith.select %parallel_loop3A_457, %broadcast_in_dim3A_182, %parallel_loop3A_454 : vector<16xi1>, vector<16xf32>
      %parallel_loop3A_459 = arith.constant 21 : i32
      %parallel_loop3A_460 = vector.broadcast %parallel_loop3A_459 : i32 to vector<16xi32>
      %parallel_loop3A_461 = arith.cmpi eq, %parallel_loop3A_378, %parallel_loop3A_460 : vector<16xi32>
      %parallel_loop3A_462 = arith.select %parallel_loop3A_461, %broadcast_in_dim3A_190, %parallel_loop3A_458 : vector<16xi1>, vector<16xf32>
      %parallel_loop3A_463 = arith.constant 22 : i32
      %parallel_loop3A_464 = vector.broadcast %parallel_loop3A_463 : i32 to vector<16xi32>
      %parallel_loop3A_465 = arith.cmpi eq, %parallel_loop3A_378, %parallel_loop3A_464 : vector<16xi32>
      %parallel_loop3A_466 = arith.select %parallel_loop3A_465, %broadcast_in_dim3A_198, %parallel_loop3A_462 : vector<16xi1>, vector<16xf32>
      %parallel_loop3A_467 = arith.constant 23 : i32
      %parallel_loop3A_468 = vector.broadcast %parallel_loop3A_467 : i32 to vector<16xi32>
      %parallel_loop3A_469 = arith.cmpi eq, %parallel_loop3A_378, %parallel_loop3A_468 : vector<16xi32>
      %parallel_loop3A_470 = arith.select %parallel_loop3A_469, %broadcast_in_dim3A_206, %parallel_loop3A_466 : vector<16xi1>, vector<16xf32>
      %parallel_loop3A_471 = arith.constant 24 : i32
      %parallel_loop3A_472 = vector.broadcast %parallel_loop3A_471 : i32 to vector<16xi32>
      %parallel_loop3A_473 = arith.cmpi eq, %parallel_loop3A_378, %parallel_loop3A_472 : vector<16xi32>
      %parallel_loop3A_474 = arith.select %parallel_loop3A_473, %broadcast_in_dim3A_214, %parallel_loop3A_470 : vector<16xi1>, vector<16xf32>
      %parallel_loop3A_475 = arith.constant 25 : i32
      %parallel_loop3A_476 = vector.broadcast %parallel_loop3A_475 : i32 to vector<16xi32>
      %parallel_loop3A_477 = arith.cmpi eq, %parallel_loop3A_378, %parallel_loop3A_476 : vector<16xi32>
      %parallel_loop3A_478 = arith.select %parallel_loop3A_477, %broadcast_in_dim3A_222, %parallel_loop3A_474 : vector<16xi1>, vector<16xf32>
      %parallel_loop3A_479 = arith.constant 26 : i32
      %parallel_loop3A_480 = vector.broadcast %parallel_loop3A_479 : i32 to vector<16xi32>
      %parallel_loop3A_481 = arith.cmpi eq, %parallel_loop3A_378, %parallel_loop3A_480 : vector<16xi32>
      %parallel_loop3A_482 = arith.select %parallel_loop3A_481, %broadcast_in_dim3A_230, %parallel_loop3A_478 : vector<16xi1>, vector<16xf32>
      %parallel_loop3A_483 = arith.constant 27 : i32
      %parallel_loop3A_484 = vector.broadcast %parallel_loop3A_483 : i32 to vector<16xi32>
      %parallel_loop3A_485 = arith.cmpi eq, %parallel_loop3A_378, %parallel_loop3A_484 : vector<16xi32>
      %parallel_loop3A_486 = arith.select %parallel_loop3A_485, %broadcast_in_dim3A_238, %parallel_loop3A_482 : vector<16xi1>, vector<16xf32>
      %parallel_loop3A_487 = arith.constant 28 : i32
      %parallel_loop3A_488 = vector.broadcast %parallel_loop3A_487 : i32 to vector<16xi32>
      %parallel_loop3A_489 = arith.cmpi eq, %parallel_loop3A_378, %parallel_loop3A_488 : vector<16xi32>
      %parallel_loop3A_490 = arith.select %parallel_loop3A_489, %broadcast_in_dim3A_246, %parallel_loop3A_486 : vector<16xi1>, vector<16xf32>
      %parallel_loop3A_491 = arith.constant 29 : i32
      %parallel_loop3A_492 = vector.broadcast %parallel_loop3A_491 : i32 to vector<16xi32>
      %parallel_loop3A_493 = arith.cmpi eq, %parallel_loop3A_378, %parallel_loop3A_492 : vector<16xi32>
      %parallel_loop3A_494 = arith.select %parallel_loop3A_493, %broadcast_in_dim3A_254, %parallel_loop3A_490 : vector<16xi1>, vector<16xf32>
      %parallel_loop3A_495 = arith.constant 30 : i32
      %parallel_loop3A_496 = vector.broadcast %parallel_loop3A_495 : i32 to vector<16xi32>
      %parallel_loop3A_497 = arith.cmpi eq, %parallel_loop3A_378, %parallel_loop3A_496 : vector<16xi32>
      %parallel_loop3A_498 = arith.select %parallel_loop3A_497, %broadcast_in_dim3A_262, %parallel_loop3A_494 : vector<16xi1>, vector<16xf32>
      %parallel_loop3A_499 = arith.constant 31 : i32
      %parallel_loop3A_500 = vector.broadcast %parallel_loop3A_499 : i32 to vector<16xi32>
      %parallel_loop3A_501 = arith.cmpi eq, %parallel_loop3A_378, %parallel_loop3A_500 : vector<16xi32>
      %parallel_loop3A_502 = arith.select %parallel_loop3A_501, %broadcast_in_dim3A_270, %parallel_loop3A_498 : vector<16xi1>, vector<16xf32>
      %parallel_loop3A_503 = arith.constant 16 : i32
      %parallel_loop3A_504 = arith.muli %parallel_loop3A_373, %parallel_loop3A_503 : i32
      %parallel_loop3A_505 = arith.index_cast %parallel_loop3A_504 : i32 to index
      %parallel_loop3A_506 = tpu.vector_load %arg7[%parallel_loop3A_505] {strides = array<i32>} : memref<4224xf32, #tpu.memory_space<vmem>>, vector<16xf32>,
      %parallel_loop3A_507 = vector.shape_cast %parallel_loop3A_506 : vector<16xf32> to vector<16xf32>
      %parallel_loop3A_508 = vector.shape_cast %parallel_loop3A_502 : vector<16xf32> to vector<16xf32>
      tpu.vector_store %arg7[%parallel_loop3A_505], %parallel_loop3A_508 {strides = array<i32>} : memref<4224xf32, #tpu.memory_space<vmem>>, vector<16xf32>,
    } {sc.loop_unroll_factor = 2 : i64, sc.parallel_access}
    %rem3A_328 = arith.constant 2048 : i32
    %rem3A_329 = arith.remsi %mul3A_2, %rem3A_328 : i32
    %sub3A_330 = arith.constant 2047 : i32
    %sub3A_331 = arith.subi %sub3A_330, %rem3A_329 : i32
    %parallel_loop3A_332 = arith.constant 0 : i32
    %parallel_loop3A_333 = arith.constant 128 : i32
    %parallel_loop3A_334 = arith.constant 1 : i32
    scf.for %parallel_loop3A_373 = %parallel_loop3A_332 to %parallel_loop3A_333 step %parallel_loop3A_334  : i32 {
      %parallel_loop3A_374 = arith.constant 16 : i32
      %parallel_loop3A_375 = arith.muli %parallel_loop3A_373, %parallel_loop3A_374 : i32
      %parallel_loop3A_376 = arith.constant 0 : i32
      %parallel_loop3A_377 = arith.subi %sub3A_331, %parallel_loop3A_376 : i32
      %parallel_loop3A_378 = arith.addi %parallel_loop3A_377, %parallel_loop3A_375 : i32
      %parallel_loop3A_379 = arith.index_cast %parallel_loop3A_378 : i32 to index
      %parallel_loop3A_380 = tpu.vector_load %arg7[%parallel_loop3A_379] {strides = array<i32>} : memref<4224xf32, #tpu.memory_space<vmem>>, vector<16xf32>,
      %parallel_loop3A_381 = vector.shape_cast %parallel_loop3A_380 : vector<16xf32> to vector<16xf32>
      %parallel_loop3A_382 = arith.constant 1 : i32
      %parallel_loop3A_383 = arith.subi %sub3A_331, %parallel_loop3A_382 : i32
      %parallel_loop3A_384 = arith.addi %parallel_loop3A_383, %parallel_loop3A_375 : i32
      %parallel_loop3A_385 = arith.index_cast %parallel_loop3A_384 : i32 to index
      %parallel_loop3A_386 = tpu.vector_load %arg7[%parallel_loop3A_385] {strides = array<i32>} : memref<4224xf32, #tpu.memory_space<vmem>>, vector<16xf32>,
      %parallel_loop3A_387 = vector.shape_cast %parallel_loop3A_386 : vector<16xf32> to vector<16xf32>
      %parallel_loop3A_388 = arith.constant 2 : i32
      %parallel_loop3A_389 = arith.subi %sub3A_331, %parallel_loop3A_388 : i32
      %parallel_loop3A_390 = arith.addi %parallel_loop3A_389, %parallel_loop3A_375 : i32
      %parallel_loop3A_391 = arith.index_cast %parallel_loop3A_390 : i32 to index
      %parallel_loop3A_392 = tpu.vector_load %arg7[%parallel_loop3A_391] {strides = array<i32>} : memref<4224xf32, #tpu.memory_space<vmem>>, vector<16xf32>,
      %parallel_loop3A_393 = vector.shape_cast %parallel_loop3A_392 : vector<16xf32> to vector<16xf32>
      %parallel_loop3A_394 = arith.constant 3 : i32
      %parallel_loop3A_395 = arith.subi %sub3A_331, %parallel_loop3A_394 : i32
      %parallel_loop3A_396 = arith.addi %parallel_loop3A_395, %parallel_loop3A_375 : i32
      %parallel_loop3A_397 = arith.index_cast %parallel_loop3A_396 : i32 to index
      %parallel_loop3A_398 = tpu.vector_load %arg7[%parallel_loop3A_397] {strides = array<i32>} : memref<4224xf32, #tpu.memory_space<vmem>>, vector<16xf32>,
      %parallel_loop3A_399 = vector.shape_cast %parallel_loop3A_398 : vector<16xf32> to vector<16xf32>
      %parallel_loop3A_400 = arith.constant 4 : i32
      %parallel_loop3A_401 = arith.subi %sub3A_331, %parallel_loop3A_400 : i32
      %parallel_loop3A_402 = arith.addi %parallel_loop3A_401, %parallel_loop3A_375 : i32
      %parallel_loop3A_403 = arith.index_cast %parallel_loop3A_402 : i32 to index
      %parallel_loop3A_404 = tpu.vector_load %arg7[%parallel_loop3A_403] {strides = array<i32>} : memref<4224xf32, #tpu.memory_space<vmem>>, vector<16xf32>,
      %parallel_loop3A_405 = vector.shape_cast %parallel_loop3A_404 : vector<16xf32> to vector<16xf32>
      %parallel_loop3A_406 = arith.constant 5 : i32
      %parallel_loop3A_407 = arith.subi %sub3A_331, %parallel_loop3A_406 : i32
      %parallel_loop3A_408 = arith.addi %parallel_loop3A_407, %parallel_loop3A_375 : i32
      %parallel_loop3A_409 = arith.index_cast %parallel_loop3A_408 : i32 to index
      %parallel_loop3A_410 = tpu.vector_load %arg7[%parallel_loop3A_409] {strides = array<i32>} : memref<4224xf32, #tpu.memory_space<vmem>>, vector<16xf32>,
      %parallel_loop3A_411 = vector.shape_cast %parallel_loop3A_410 : vector<16xf32> to vector<16xf32>
      %parallel_loop3A_412 = arith.constant 6 : i32
      %parallel_loop3A_413 = arith.subi %sub3A_331, %parallel_loop3A_412 : i32
      %parallel_loop3A_414 = arith.addi %parallel_loop3A_413, %parallel_loop3A_375 : i32
      %parallel_loop3A_415 = arith.index_cast %parallel_loop3A_414 : i32 to index
      %parallel_loop3A_416 = tpu.vector_load %arg7[%parallel_loop3A_415] {strides = array<i32>} : memref<4224xf32, #tpu.memory_space<vmem>>, vector<16xf32>,
      %parallel_loop3A_417 = vector.shape_cast %parallel_loop3A_416 : vector<16xf32> to vector<16xf32>
      %parallel_loop3A_418 = arith.constant 7 : i32
      %parallel_loop3A_419 = arith.subi %sub3A_331, %parallel_loop3A_418 : i32
      %parallel_loop3A_420 = arith.addi %parallel_loop3A_419, %parallel_loop3A_375 : i32
      %parallel_loop3A_421 = arith.index_cast %parallel_loop3A_420 : i32 to index
      %parallel_loop3A_422 = tpu.vector_load %arg7[%parallel_loop3A_421] {strides = array<i32>} : memref<4224xf32, #tpu.memory_space<vmem>>, vector<16xf32>,
      %parallel_loop3A_423 = vector.shape_cast %parallel_loop3A_422 : vector<16xf32> to vector<16xf32>
      %parallel_loop3A_424 = arith.constant 8 : i32
      %parallel_loop3A_425 = arith.subi %sub3A_331, %parallel_loop3A_424 : i32
      %parallel_loop3A_426 = arith.addi %parallel_loop3A_425, %parallel_loop3A_375 : i32
      %parallel_loop3A_427 = arith.index_cast %parallel_loop3A_426 : i32 to index
      %parallel_loop3A_428 = tpu.vector_load %arg7[%parallel_loop3A_427] {strides = array<i32>} : memref<4224xf32, #tpu.memory_space<vmem>>, vector<16xf32>,
      %parallel_loop3A_429 = vector.shape_cast %parallel_loop3A_428 : vector<16xf32> to vector<16xf32>
      %parallel_loop3A_430 = arith.constant 9 : i32
      %parallel_loop3A_431 = arith.subi %sub3A_331, %parallel_loop3A_430 : i32
      %parallel_loop3A_432 = arith.addi %parallel_loop3A_431, %parallel_loop3A_375 : i32
      %parallel_loop3A_433 = arith.index_cast %parallel_loop3A_432 : i32 to index
      %parallel_loop3A_434 = tpu.vector_load %arg7[%parallel_loop3A_433] {strides = array<i32>} : memref<4224xf32, #tpu.memory_space<vmem>>, vector<16xf32>,
      %parallel_loop3A_435 = vector.shape_cast %parallel_loop3A_434 : vector<16xf32> to vector<16xf32>
      %parallel_loop3A_436 = arith.constant 10 : i32
      %parallel_loop3A_437 = arith.subi %sub3A_331, %parallel_loop3A_436 : i32
      %parallel_loop3A_438 = arith.addi %parallel_loop3A_437, %parallel_loop3A_375 : i32
      %parallel_loop3A_439 = arith.index_cast %parallel_loop3A_438 : i32 to index
      %parallel_loop3A_440 = tpu.vector_load %arg7[%parallel_loop3A_439] {strides = array<i32>} : memref<4224xf32, #tpu.memory_space<vmem>>, vector<16xf32>,
      %parallel_loop3A_441 = vector.shape_cast %parallel_loop3A_440 : vector<16xf32> to vector<16xf32>
      %parallel_loop3A_442 = arith.constant 11 : i32
      %parallel_loop3A_443 = arith.subi %sub3A_331, %parallel_loop3A_442 : i32
      %parallel_loop3A_444 = arith.addi %parallel_loop3A_443, %parallel_loop3A_375 : i32
      %parallel_loop3A_445 = arith.index_cast %parallel_loop3A_444 : i32 to index
      %parallel_loop3A_446 = tpu.vector_load %arg7[%parallel_loop3A_445] {strides = array<i32>} : memref<4224xf32, #tpu.memory_space<vmem>>, vector<16xf32>,
      %parallel_loop3A_447 = vector.shape_cast %parallel_loop3A_446 : vector<16xf32> to vector<16xf32>
      %parallel_loop3A_448 = arith.constant 12 : i32
      %parallel_loop3A_449 = arith.subi %sub3A_331, %parallel_loop3A_448 : i32
      %parallel_loop3A_450 = arith.addi %parallel_loop3A_449, %parallel_loop3A_375 : i32
      %parallel_loop3A_451 = arith.index_cast %parallel_loop3A_450 : i32 to index
      %parallel_loop3A_452 = tpu.vector_load %arg7[%parallel_loop3A_451] {strides = array<i32>} : memref<4224xf32, #tpu.memory_space<vmem>>, vector<16xf32>,
      %parallel_loop3A_453 = vector.shape_cast %parallel_loop3A_452 : vector<16xf32> to vector<16xf32>
      %parallel_loop3A_454 = arith.constant 13 : i32
      %parallel_loop3A_455 = arith.subi %sub3A_331, %parallel_loop3A_454 : i32
      %parallel_loop3A_456 = arith.addi %parallel_loop3A_455, %parallel_loop3A_375 : i32
      %parallel_loop3A_457 = arith.index_cast %parallel_loop3A_456 : i32 to index
      %parallel_loop3A_458 = tpu.vector_load %arg7[%parallel_loop3A_457] {strides = array<i32>} : memref<4224xf32, #tpu.memory_space<vmem>>, vector<16xf32>,
      %parallel_loop3A_459 = vector.shape_cast %parallel_loop3A_458 : vector<16xf32> to vector<16xf32>
      %parallel_loop3A_460 = arith.constant 14 : i32
      %parallel_loop3A_461 = arith.subi %sub3A_331, %parallel_loop3A_460 : i32
      %parallel_loop3A_462 = arith.addi %parallel_loop3A_461, %parallel_loop3A_375 : i32
      %parallel_loop3A_463 = arith.index_cast %parallel_loop3A_462 : i32 to index
      %parallel_loop3A_464 = tpu.vector_load %arg7[%parallel_loop3A_463] {strides = array<i32>} : memref<4224xf32, #tpu.memory_space<vmem>>, vector<16xf32>,
      %parallel_loop3A_465 = vector.shape_cast %parallel_loop3A_464 : vector<16xf32> to vector<16xf32>
      %parallel_loop3A_466 = arith.constant 15 : i32
      %parallel_loop3A_467 = arith.subi %sub3A_331, %parallel_loop3A_466 : i32
      %parallel_loop3A_468 = arith.addi %parallel_loop3A_467, %parallel_loop3A_375 : i32
      %parallel_loop3A_469 = arith.index_cast %parallel_loop3A_468 : i32 to index
      %parallel_loop3A_470 = tpu.vector_load %arg7[%parallel_loop3A_469] {strides = array<i32>} : memref<4224xf32, #tpu.memory_space<vmem>>, vector<16xf32>,
      %parallel_loop3A_471 = vector.shape_cast %parallel_loop3A_470 : vector<16xf32> to vector<16xf32>
      %parallel_loop3A_472 = arith.constant 0 : i32
      %parallel_loop3A_473 = arith.addi %parallel_loop3A_472, %parallel_loop3A_375 : i32
      %parallel_loop3A_474 = arith.index_cast %parallel_loop3A_473 : i32 to index
      %parallel_loop3A_475 = tpu.vector_load %arg8[%parallel_loop3A_474] {strides = array<i32>} : memref<32768xf32, #tpu.memory_space<vmem>>, vector<16xf32>,
      %parallel_loop3A_476 = vector.shape_cast %parallel_loop3A_475 : vector<16xf32> to vector<16xf32>
      %parallel_loop3A_477 = vector.shape_cast %parallel_loop3A_381 : vector<16xf32> to vector<16xf32>
      tpu.vector_store %arg8[%parallel_loop3A_474], %parallel_loop3A_477 {strides = array<i32>} : memref<32768xf32, #tpu.memory_space<vmem>>, vector<16xf32>,
      %parallel_loop3A_478 = arith.constant 2048 : i32
      %parallel_loop3A_479 = arith.addi %parallel_loop3A_478, %parallel_loop3A_375 : i32
      %parallel_loop3A_480 = arith.index_cast %parallel_loop3A_479 : i32 to index
      %parallel_loop3A_481 = tpu.vector_load %arg8[%parallel_loop3A_480] {strides = array<i32>} : memref<32768xf32, #tpu.memory_space<vmem>>, vector<16xf32>,
      %parallel_loop3A_482 = vector.shape_cast %parallel_loop3A_481 : vector<16xf32> to vector<16xf32>
      %parallel_loop3A_483 = vector.shape_cast %parallel_loop3A_387 : vector<16xf32> to vector<16xf32>
      tpu.vector_store %arg8[%parallel_loop3A_480], %parallel_loop3A_483 {strides = array<i32>} : memref<32768xf32, #tpu.memory_space<vmem>>, vector<16xf32>,
      %parallel_loop3A_484 = arith.constant 4096 : i32
      %parallel_loop3A_485 = arith.addi %parallel_loop3A_484, %parallel_loop3A_375 : i32
      %parallel_loop3A_486 = arith.index_cast %parallel_loop3A_485 : i32 to index
      %parallel_loop3A_487 = tpu.vector_load %arg8[%parallel_loop3A_486] {strides = array<i32>} : memref<32768xf32, #tpu.memory_space<vmem>>, vector<16xf32>,
      %parallel_loop3A_488 = vector.shape_cast %parallel_loop3A_487 : vector<16xf32> to vector<16xf32>
      %parallel_loop3A_489 = vector.shape_cast %parallel_loop3A_393 : vector<16xf32> to vector<16xf32>
      tpu.vector_store %arg8[%parallel_loop3A_486], %parallel_loop3A_489 {strides = array<i32>} : memref<32768xf32, #tpu.memory_space<vmem>>, vector<16xf32>,
      %parallel_loop3A_490 = arith.constant 6144 : i32
      %parallel_loop3A_491 = arith.addi %parallel_loop3A_490, %parallel_loop3A_375 : i32
      %parallel_loop3A_492 = arith.index_cast %parallel_loop3A_491 : i32 to index
      %parallel_loop3A_493 = tpu.vector_load %arg8[%parallel_loop3A_492] {strides = array<i32>} : memref<32768xf32, #tpu.memory_space<vmem>>, vector<16xf32>,
      %parallel_loop3A_494 = vector.shape_cast %parallel_loop3A_493 : vector<16xf32> to vector<16xf32>
      %parallel_loop3A_495 = vector.shape_cast %parallel_loop3A_399 : vector<16xf32> to vector<16xf32>
      tpu.vector_store %arg8[%parallel_loop3A_492], %parallel_loop3A_495 {strides = array<i32>} : memref<32768xf32, #tpu.memory_space<vmem>>, vector<16xf32>,
      %parallel_loop3A_496 = arith.constant 8192 : i32
      %parallel_loop3A_497 = arith.addi %parallel_loop3A_496, %parallel_loop3A_375 : i32
      %parallel_loop3A_498 = arith.index_cast %parallel_loop3A_497 : i32 to index
      %parallel_loop3A_499 = tpu.vector_load %arg8[%parallel_loop3A_498] {strides = array<i32>} : memref<32768xf32, #tpu.memory_space<vmem>>, vector<16xf32>,
      %parallel_loop3A_500 = vector.shape_cast %parallel_loop3A_499 : vector<16xf32> to vector<16xf32>
      %parallel_loop3A_501 = vector.shape_cast %parallel_loop3A_405 : vector<16xf32> to vector<16xf32>
      tpu.vector_store %arg8[%parallel_loop3A_498], %parallel_loop3A_501 {strides = array<i32>} : memref<32768xf32, #tpu.memory_space<vmem>>, vector<16xf32>,
      %parallel_loop3A_502 = arith.constant 10240 : i32
      %parallel_loop3A_503 = arith.addi %parallel_loop3A_502, %parallel_loop3A_375 : i32
      %parallel_loop3A_504 = arith.index_cast %parallel_loop3A_503 : i32 to index
      %parallel_loop3A_505 = tpu.vector_load %arg8[%parallel_loop3A_504] {strides = array<i32>} : memref<32768xf32, #tpu.memory_space<vmem>>, vector<16xf32>,
      %parallel_loop3A_506 = vector.shape_cast %parallel_loop3A_505 : vector<16xf32> to vector<16xf32>
      %parallel_loop3A_507 = vector.shape_cast %parallel_loop3A_411 : vector<16xf32> to vector<16xf32>
      tpu.vector_store %arg8[%parallel_loop3A_504], %parallel_loop3A_507 {strides = array<i32>} : memref<32768xf32, #tpu.memory_space<vmem>>, vector<16xf32>,
      %parallel_loop3A_508 = arith.constant 12288 : i32
      %parallel_loop3A_509 = arith.addi %parallel_loop3A_508, %parallel_loop3A_375 : i32
      %parallel_loop3A_510 = arith.index_cast %parallel_loop3A_509 : i32 to index
      %parallel_loop3A_511 = tpu.vector_load %arg8[%parallel_loop3A_510] {strides = array<i32>} : memref<32768xf32, #tpu.memory_space<vmem>>, vector<16xf32>,
      %parallel_loop3A_512 = vector.shape_cast %parallel_loop3A_511 : vector<16xf32> to vector<16xf32>
      %parallel_loop3A_513 = vector.shape_cast %parallel_loop3A_417 : vector<16xf32> to vector<16xf32>
      tpu.vector_store %arg8[%parallel_loop3A_510], %parallel_loop3A_513 {strides = array<i32>} : memref<32768xf32, #tpu.memory_space<vmem>>, vector<16xf32>,
      %parallel_loop3A_514 = arith.constant 14336 : i32
      %parallel_loop3A_515 = arith.addi %parallel_loop3A_514, %parallel_loop3A_375 : i32
      %parallel_loop3A_516 = arith.index_cast %parallel_loop3A_515 : i32 to index
      %parallel_loop3A_517 = tpu.vector_load %arg8[%parallel_loop3A_516] {strides = array<i32>} : memref<32768xf32, #tpu.memory_space<vmem>>, vector<16xf32>,
      %parallel_loop3A_518 = vector.shape_cast %parallel_loop3A_517 : vector<16xf32> to vector<16xf32>
      %parallel_loop3A_519 = vector.shape_cast %parallel_loop3A_423 : vector<16xf32> to vector<16xf32>
      tpu.vector_store %arg8[%parallel_loop3A_516], %parallel_loop3A_519 {strides = array<i32>} : memref<32768xf32, #tpu.memory_space<vmem>>, vector<16xf32>,
      %parallel_loop3A_520 = arith.constant 16384 : i32
      %parallel_loop3A_521 = arith.addi %parallel_loop3A_520, %parallel_loop3A_375 : i32
      %parallel_loop3A_522 = arith.index_cast %parallel_loop3A_521 : i32 to index
      %parallel_loop3A_523 = tpu.vector_load %arg8[%parallel_loop3A_522] {strides = array<i32>} : memref<32768xf32, #tpu.memory_space<vmem>>, vector<16xf32>,
      %parallel_loop3A_524 = vector.shape_cast %parallel_loop3A_523 : vector<16xf32> to vector<16xf32>
      %parallel_loop3A_525 = vector.shape_cast %parallel_loop3A_429 : vector<16xf32> to vector<16xf32>
      tpu.vector_store %arg8[%parallel_loop3A_522], %parallel_loop3A_525 {strides = array<i32>} : memref<32768xf32, #tpu.memory_space<vmem>>, vector<16xf32>,
      %parallel_loop3A_526 = arith.constant 18432 : i32
      %parallel_loop3A_527 = arith.addi %parallel_loop3A_526, %parallel_loop3A_375 : i32
      %parallel_loop3A_528 = arith.index_cast %parallel_loop3A_527 : i32 to index
      %parallel_loop3A_529 = tpu.vector_load %arg8[%parallel_loop3A_528] {strides = array<i32>} : memref<32768xf32, #tpu.memory_space<vmem>>, vector<16xf32>,
      %parallel_loop3A_530 = vector.shape_cast %parallel_loop3A_529 : vector<16xf32> to vector<16xf32>
      %parallel_loop3A_531 = vector.shape_cast %parallel_loop3A_435 : vector<16xf32> to vector<16xf32>
      tpu.vector_store %arg8[%parallel_loop3A_528], %parallel_loop3A_531 {strides = array<i32>} : memref<32768xf32, #tpu.memory_space<vmem>>, vector<16xf32>,
      %parallel_loop3A_532 = arith.constant 20480 : i32
      %parallel_loop3A_533 = arith.addi %parallel_loop3A_532, %parallel_loop3A_375 : i32
      %parallel_loop3A_534 = arith.index_cast %parallel_loop3A_533 : i32 to index
      %parallel_loop3A_535 = tpu.vector_load %arg8[%parallel_loop3A_534] {strides = array<i32>} : memref<32768xf32, #tpu.memory_space<vmem>>, vector<16xf32>,
      %parallel_loop3A_536 = vector.shape_cast %parallel_loop3A_535 : vector<16xf32> to vector<16xf32>
      %parallel_loop3A_537 = vector.shape_cast %parallel_loop3A_441 : vector<16xf32> to vector<16xf32>
      tpu.vector_store %arg8[%parallel_loop3A_534], %parallel_loop3A_537 {strides = array<i32>} : memref<32768xf32, #tpu.memory_space<vmem>>, vector<16xf32>,
      %parallel_loop3A_538 = arith.constant 22528 : i32
      %parallel_loop3A_539 = arith.addi %parallel_loop3A_538, %parallel_loop3A_375 : i32
      %parallel_loop3A_540 = arith.index_cast %parallel_loop3A_539 : i32 to index
      %parallel_loop3A_541 = tpu.vector_load %arg8[%parallel_loop3A_540] {strides = array<i32>} : memref<32768xf32, #tpu.memory_space<vmem>>, vector<16xf32>,
      %parallel_loop3A_542 = vector.shape_cast %parallel_loop3A_541 : vector<16xf32> to vector<16xf32>
      %parallel_loop3A_543 = vector.shape_cast %parallel_loop3A_447 : vector<16xf32> to vector<16xf32>
      tpu.vector_store %arg8[%parallel_loop3A_540], %parallel_loop3A_543 {strides = array<i32>} : memref<32768xf32, #tpu.memory_space<vmem>>, vector<16xf32>,
      %parallel_loop3A_544 = arith.constant 24576 : i32
      %parallel_loop3A_545 = arith.addi %parallel_loop3A_544, %parallel_loop3A_375 : i32
      %parallel_loop3A_546 = arith.index_cast %parallel_loop3A_545 : i32 to index
      %parallel_loop3A_547 = tpu.vector_load %arg8[%parallel_loop3A_546] {strides = array<i32>} : memref<32768xf32, #tpu.memory_space<vmem>>, vector<16xf32>,
      %parallel_loop3A_548 = vector.shape_cast %parallel_loop3A_547 : vector<16xf32> to vector<16xf32>
      %parallel_loop3A_549 = vector.shape_cast %parallel_loop3A_453 : vector<16xf32> to vector<16xf32>
      tpu.vector_store %arg8[%parallel_loop3A_546], %parallel_loop3A_549 {strides = array<i32>} : memref<32768xf32, #tpu.memory_space<vmem>>, vector<16xf32>,
      %parallel_loop3A_550 = arith.constant 26624 : i32
      %parallel_loop3A_551 = arith.addi %parallel_loop3A_550, %parallel_loop3A_375 : i32
      %parallel_loop3A_552 = arith.index_cast %parallel_loop3A_551 : i32 to index
      %parallel_loop3A_553 = tpu.vector_load %arg8[%parallel_loop3A_552] {strides = array<i32>} : memref<32768xf32, #tpu.memory_space<vmem>>, vector<16xf32>,
      %parallel_loop3A_554 = vector.shape_cast %parallel_loop3A_553 : vector<16xf32> to vector<16xf32>
      %parallel_loop3A_555 = vector.shape_cast %parallel_loop3A_459 : vector<16xf32> to vector<16xf32>
      tpu.vector_store %arg8[%parallel_loop3A_552], %parallel_loop3A_555 {strides = array<i32>} : memref<32768xf32, #tpu.memory_space<vmem>>, vector<16xf32>,
      %parallel_loop3A_556 = arith.constant 28672 : i32
      %parallel_loop3A_557 = arith.addi %parallel_loop3A_556, %parallel_loop3A_375 : i32
      %parallel_loop3A_558 = arith.index_cast %parallel_loop3A_557 : i32 to index
      %parallel_loop3A_559 = tpu.vector_load %arg8[%parallel_loop3A_558] {strides = array<i32>} : memref<32768xf32, #tpu.memory_space<vmem>>, vector<16xf32>,
      %parallel_loop3A_560 = vector.shape_cast %parallel_loop3A_559 : vector<16xf32> to vector<16xf32>
      %parallel_loop3A_561 = vector.shape_cast %parallel_loop3A_465 : vector<16xf32> to vector<16xf32>
      tpu.vector_store %arg8[%parallel_loop3A_558], %parallel_loop3A_561 {strides = array<i32>} : memref<32768xf32, #tpu.memory_space<vmem>>, vector<16xf32>,
      %parallel_loop3A_562 = arith.constant 30720 : i32
      %parallel_loop3A_563 = arith.addi %parallel_loop3A_562, %parallel_loop3A_375 : i32
      %parallel_loop3A_564 = arith.index_cast %parallel_loop3A_563 : i32 to index
      %parallel_loop3A_565 = tpu.vector_load %arg8[%parallel_loop3A_564] {strides = array<i32>} : memref<32768xf32, #tpu.memory_space<vmem>>, vector<16xf32>,
      %parallel_loop3A_566 = vector.shape_cast %parallel_loop3A_565 : vector<16xf32> to vector<16xf32>
      %parallel_loop3A_567 = vector.shape_cast %parallel_loop3A_471 : vector<16xf32> to vector<16xf32>
      tpu.vector_store %arg8[%parallel_loop3A_564], %parallel_loop3A_567 {strides = array<i32>} : memref<32768xf32, #tpu.memory_space<vmem>>, vector<16xf32>,
    } {sc.loop_unroll_factor = 2 : i64, sc.parallel_access}
    %delay3A = arith.constant 100 : i32
    tpu.delay %delay3A
    %mul3A_335 = arith.constant 2048 : i32
    %mul3A_336 = arith.muli %mul3A_2, %mul3A_335 : i32
    %multiple_of3A = tpu.assume_multiple %mul3A_336, 32768 : i32
    %dma_start3A = arith.constant 0 : i32
    %dma_start3A_337 = tpu.memref_slice %arg8[%dma_start3A] : memref<32768xf32, #tpu.memory_space<vmem>> -> memref<32768xf32, #tpu.memory_space<vmem>>
    %dma_start3A_338 = tpu.memref_slice %arg4[%multiple_of3A] : memref<2097152xf32, #tpu.memory_space<hbm>> -> memref<32768xf32, #tpu.memory_space<hbm>>
    %dma_start3A_339 = tpu.memref_slice %arg4[%multiple_of3A] : memref<2097152xf32, #tpu.memory_space<hbm>> -> memref<32768xf32, #tpu.memory_space<hbm>>
    %dma_start3A_340 = arith.constant 0 : i32
    %dma_start3A_341 = tpu.memref_slice %arg8[%dma_start3A_340] : memref<32768xf32, #tpu.memory_space<vmem>> -> memref<32768xf32, #tpu.memory_space<vmem>>
    tpu.enqueue_dma source(%dma_start3A_341 : memref<32768xf32, #tpu.memory_space<vmem>>) target(%dma_start3A_339 : memref<32768xf32, #tpu.memory_space<hbm>>) target_semaphore(%arg10 : memref<!tpu.dma_semaphore, #tpu.memory_space<semaphore_mem>>)
    %scan3A = arith.constant 0 : i32
    %scan3A_342 = arith.constant 1 : i32
    %mul3A_343 = arith.constant 16 : i32
    %mul3A_344 = arith.muli %scan3A_342, %mul3A_343 : i32
    %add3A_345 = arith.addi %mul3A_2, %mul3A_344 : i32
    %rem3A_346 = arith.constant 2 : i32
    %rem3A_347 = arith.remsi %scan3A_342, %rem3A_346 : i32
    %eq3A = arith.constant 1 : i32
    %eq3A_348 = arith.cmpi eq, %rem3A_347, %eq3A : i32
    %convert_element_type3A = arith.extui %eq3A_348 : i1 to i32
    %cond3A = arith.constant 0 : i32
    %cond3A_349 = arith.cmpi ne, %convert_element_type3A, %cond3A : i32
    scf.if %cond3A_349 {
      %ge3A = arith.constant 2 : i32
      %ge3A_373 = arith.cmpi sge, %scan3A_342, %ge3A : i32
      %convert_element_type3A_374 = arith.extui %ge3A_373 : i1 to i32
      %cond3A_375 = arith.constant 0 : i32
      %cond3A_376 = arith.cmpi ne, %convert_element_type3A_374, %cond3A_375 : i32
      scf.if %cond3A_376 {
        %dma_wait3A_394 = arith.constant 0 : i32
        %dma_wait3A_395 = tpu.memref_slice %arg9[%dma_wait3A_394] : memref<32768xf32, #tpu.memory_space<vmem>> -> memref<32768xf32, #tpu.memory_space<vmem>>
        %dma_wait3A_396 = arith.constant 0 : i32
        %dma_wait3A_397 = tpu.memref_slice %arg4[%dma_wait3A_396] : memref<2097152xf32, #tpu.memory_space<hbm>> -> memref<32768xf32, #tpu.memory_space<hbm>>
        %dma_wait3A_398 = arith.constant 0 : i32
        %dma_wait3A_399 = tpu.memref_slice %arg4[%dma_wait3A_398] : memref<2097152xf32, #tpu.memory_space<hbm>> -> memref<32768xf32, #tpu.memory_space<hbm>>
        %dma_wait3A_400 = arith.constant 0 : i32
        %dma_wait3A_401 = tpu.memref_slice %arg9[%dma_wait3A_400] : memref<32768xf32, #tpu.memory_space<vmem>> -> memref<32768xf32, #tpu.memory_space<vmem>>
        tpu.wait_dma2 semaphore(%arg11 : memref<!tpu.dma_semaphore, #tpu.memory_space<semaphore_mem>>) src(%dma_wait3A_401 : memref<32768xf32, #tpu.memory_space<vmem>>) dst(%dma_wait3A_399 : memref<32768xf32, #tpu.memory_space<hbm>>)
      } else {
      }
      %rem3A_377 = arith.constant 2048 : i32
      %rem3A_378 = arith.remsi %add3A_345, %rem3A_377 : i32
      %sub3A_379 = arith.constant 2047 : i32
      %sub3A_380 = arith.subi %sub3A_379, %rem3A_378 : i32
      %parallel_loop3A_381 = arith.constant 0 : i32
      %parallel_loop3A_382 = arith.constant 128 : i32
      %parallel_loop3A_383 = arith.constant 1 : i32
      scf.for %parallel_loop3A_394 = %parallel_loop3A_381 to %parallel_loop3A_382 step %parallel_loop3A_383  : i32 {
        %parallel_loop3A_395 = arith.constant 16 : i32
        %parallel_loop3A_396 = arith.muli %parallel_loop3A_394, %parallel_loop3A_395 : i32
        %parallel_loop3A_397 = arith.constant 0 : i32
        %parallel_loop3A_398 = arith.subi %sub3A_380, %parallel_loop3A_397 : i32
        %parallel_loop3A_399 = arith.addi %parallel_loop3A_398, %parallel_loop3A_396 : i32
        %parallel_loop3A_400 = arith.index_cast %parallel_loop3A_399 : i32 to index
        %parallel_loop3A_401 = tpu.vector_load %arg7[%parallel_loop3A_400] {strides = array<i32>} : memref<4224xf32, #tpu.memory_space<vmem>>, vector<16xf32>,
        %parallel_loop3A_402 = vector.shape_cast %parallel_loop3A_401 : vector<16xf32> to vector<16xf32>
        %parallel_loop3A_403 = arith.constant 1 : i32
        %parallel_loop3A_404 = arith.subi %sub3A_380, %parallel_loop3A_403 : i32
        %parallel_loop3A_405 = arith.addi %parallel_loop3A_404, %parallel_loop3A_396 : i32
        %parallel_loop3A_406 = arith.index_cast %parallel_loop3A_405 : i32 to index
        %parallel_loop3A_407 = tpu.vector_load %arg7[%parallel_loop3A_406] {strides = array<i32>} : memref<4224xf32, #tpu.memory_space<vmem>>, vector<16xf32>,
        %parallel_loop3A_408 = vector.shape_cast %parallel_loop3A_407 : vector<16xf32> to vector<16xf32>
        %parallel_loop3A_409 = arith.constant 2 : i32
        %parallel_loop3A_410 = arith.subi %sub3A_380, %parallel_loop3A_409 : i32
        %parallel_loop3A_411 = arith.addi %parallel_loop3A_410, %parallel_loop3A_396 : i32
        %parallel_loop3A_412 = arith.index_cast %parallel_loop3A_411 : i32 to index
        %parallel_loop3A_413 = tpu.vector_load %arg7[%parallel_loop3A_412] {strides = array<i32>} : memref<4224xf32, #tpu.memory_space<vmem>>, vector<16xf32>,
        %parallel_loop3A_414 = vector.shape_cast %parallel_loop3A_413 : vector<16xf32> to vector<16xf32>
        %parallel_loop3A_415 = arith.constant 3 : i32
        %parallel_loop3A_416 = arith.subi %sub3A_380, %parallel_loop3A_415 : i32
        %parallel_loop3A_417 = arith.addi %parallel_loop3A_416, %parallel_loop3A_396 : i32
        %parallel_loop3A_418 = arith.index_cast %parallel_loop3A_417 : i32 to index
        %parallel_loop3A_419 = tpu.vector_load %arg7[%parallel_loop3A_418] {strides = array<i32>} : memref<4224xf32, #tpu.memory_space<vmem>>, vector<16xf32>,
        %parallel_loop3A_420 = vector.shape_cast %parallel_loop3A_419 : vector<16xf32> to vector<16xf32>
        %parallel_loop3A_421 = arith.constant 4 : i32
        %parallel_loop3A_422 = arith.subi %sub3A_380, %parallel_loop3A_421 : i32
        %parallel_loop3A_423 = arith.addi %parallel_loop3A_422, %parallel_loop3A_396 : i32
        %parallel_loop3A_424 = arith.index_cast %parallel_loop3A_423 : i32 to index
        %parallel_loop3A_425 = tpu.vector_load %arg7[%parallel_loop3A_424] {strides = array<i32>} : memref<4224xf32, #tpu.memory_space<vmem>>, vector<16xf32>,
        %parallel_loop3A_426 = vector.shape_cast %parallel_loop3A_425 : vector<16xf32> to vector<16xf32>
        %parallel_loop3A_427 = arith.constant 5 : i32
        %parallel_loop3A_428 = arith.subi %sub3A_380, %parallel_loop3A_427 : i32
        %parallel_loop3A_429 = arith.addi %parallel_loop3A_428, %parallel_loop3A_396 : i32
        %parallel_loop3A_430 = arith.index_cast %parallel_loop3A_429 : i32 to index
        %parallel_loop3A_431 = tpu.vector_load %arg7[%parallel_loop3A_430] {strides = array<i32>} : memref<4224xf32, #tpu.memory_space<vmem>>, vector<16xf32>,
        %parallel_loop3A_432 = vector.shape_cast %parallel_loop3A_431 : vector<16xf32> to vector<16xf32>
        %parallel_loop3A_433 = arith.constant 6 : i32
        %parallel_loop3A_434 = arith.subi %sub3A_380, %parallel_loop3A_433 : i32
        %parallel_loop3A_435 = arith.addi %parallel_loop3A_434, %parallel_loop3A_396 : i32
        %parallel_loop3A_436 = arith.index_cast %parallel_loop3A_435 : i32 to index
        %parallel_loop3A_437 = tpu.vector_load %arg7[%parallel_loop3A_436] {strides = array<i32>} : memref<4224xf32, #tpu.memory_space<vmem>>, vector<16xf32>,
        %parallel_loop3A_438 = vector.shape_cast %parallel_loop3A_437 : vector<16xf32> to vector<16xf32>
        %parallel_loop3A_439 = arith.constant 7 : i32
        %parallel_loop3A_440 = arith.subi %sub3A_380, %parallel_loop3A_439 : i32
        %parallel_loop3A_441 = arith.addi %parallel_loop3A_440, %parallel_loop3A_396 : i32
        %parallel_loop3A_442 = arith.index_cast %parallel_loop3A_441 : i32 to index
        %parallel_loop3A_443 = tpu.vector_load %arg7[%parallel_loop3A_442] {strides = array<i32>} : memref<4224xf32, #tpu.memory_space<vmem>>, vector<16xf32>,
        %parallel_loop3A_444 = vector.shape_cast %parallel_loop3A_443 : vector<16xf32> to vector<16xf32>
        %parallel_loop3A_445 = arith.constant 8 : i32
        %parallel_loop3A_446 = arith.subi %sub3A_380, %parallel_loop3A_445 : i32
        %parallel_loop3A_447 = arith.addi %parallel_loop3A_446, %parallel_loop3A_396 : i32
        %parallel_loop3A_448 = arith.index_cast %parallel_loop3A_447 : i32 to index
        %parallel_loop3A_449 = tpu.vector_load %arg7[%parallel_loop3A_448] {strides = array<i32>} : memref<4224xf32, #tpu.memory_space<vmem>>, vector<16xf32>,
        %parallel_loop3A_450 = vector.shape_cast %parallel_loop3A_449 : vector<16xf32> to vector<16xf32>
        %parallel_loop3A_451 = arith.constant 9 : i32
        %parallel_loop3A_452 = arith.subi %sub3A_380, %parallel_loop3A_451 : i32
        %parallel_loop3A_453 = arith.addi %parallel_loop3A_452, %parallel_loop3A_396 : i32
        %parallel_loop3A_454 = arith.index_cast %parallel_loop3A_453 : i32 to index
        %parallel_loop3A_455 = tpu.vector_load %arg7[%parallel_loop3A_454] {strides = array<i32>} : memref<4224xf32, #tpu.memory_space<vmem>>, vector<16xf32>,
        %parallel_loop3A_456 = vector.shape_cast %parallel_loop3A_455 : vector<16xf32> to vector<16xf32>
        %parallel_loop3A_457 = arith.constant 10 : i32
        %parallel_loop3A_458 = arith.subi %sub3A_380, %parallel_loop3A_457 : i32
        %parallel_loop3A_459 = arith.addi %parallel_loop3A_458, %parallel_loop3A_396 : i32
        %parallel_loop3A_460 = arith.index_cast %parallel_loop3A_459 : i32 to index
        %parallel_loop3A_461 = tpu.vector_load %arg7[%parallel_loop3A_460] {strides = array<i32>} : memref<4224xf32, #tpu.memory_space<vmem>>, vector<16xf32>,
        %parallel_loop3A_462 = vector.shape_cast %parallel_loop3A_461 : vector<16xf32> to vector<16xf32>
        %parallel_loop3A_463 = arith.constant 11 : i32
        %parallel_loop3A_464 = arith.subi %sub3A_380, %parallel_loop3A_463 : i32
        %parallel_loop3A_465 = arith.addi %parallel_loop3A_464, %parallel_loop3A_396 : i32
        %parallel_loop3A_466 = arith.index_cast %parallel_loop3A_465 : i32 to index
        %parallel_loop3A_467 = tpu.vector_load %arg7[%parallel_loop3A_466] {strides = array<i32>} : memref<4224xf32, #tpu.memory_space<vmem>>, vector<16xf32>,
        %parallel_loop3A_468 = vector.shape_cast %parallel_loop3A_467 : vector<16xf32> to vector<16xf32>
        %parallel_loop3A_469 = arith.constant 12 : i32
        %parallel_loop3A_470 = arith.subi %sub3A_380, %parallel_loop3A_469 : i32
        %parallel_loop3A_471 = arith.addi %parallel_loop3A_470, %parallel_loop3A_396 : i32
        %parallel_loop3A_472 = arith.index_cast %parallel_loop3A_471 : i32 to index
        %parallel_loop3A_473 = tpu.vector_load %arg7[%parallel_loop3A_472] {strides = array<i32>} : memref<4224xf32, #tpu.memory_space<vmem>>, vector<16xf32>,
        %parallel_loop3A_474 = vector.shape_cast %parallel_loop3A_473 : vector<16xf32> to vector<16xf32>
        %parallel_loop3A_475 = arith.constant 13 : i32
        %parallel_loop3A_476 = arith.subi %sub3A_380, %parallel_loop3A_475 : i32
        %parallel_loop3A_477 = arith.addi %parallel_loop3A_476, %parallel_loop3A_396 : i32
        %parallel_loop3A_478 = arith.index_cast %parallel_loop3A_477 : i32 to index
        %parallel_loop3A_479 = tpu.vector_load %arg7[%parallel_loop3A_478] {strides = array<i32>} : memref<4224xf32, #tpu.memory_space<vmem>>, vector<16xf32>,
        %parallel_loop3A_480 = vector.shape_cast %parallel_loop3A_479 : vector<16xf32> to vector<16xf32>
        %parallel_loop3A_481 = arith.constant 14 : i32
        %parallel_loop3A_482 = arith.subi %sub3A_380, %parallel_loop3A_481 : i32
        %parallel_loop3A_483 = arith.addi %parallel_loop3A_482, %parallel_loop3A_396 : i32
        %parallel_loop3A_484 = arith.index_cast %parallel_loop3A_483 : i32 to index
        %parallel_loop3A_485 = tpu.vector_load %arg7[%parallel_loop3A_484] {strides = array<i32>} : memref<4224xf32, #tpu.memory_space<vmem>>, vector<16xf32>,
        %parallel_loop3A_486 = vector.shape_cast %parallel_loop3A_485 : vector<16xf32> to vector<16xf32>
        %parallel_loop3A_487 = arith.constant 15 : i32
        %parallel_loop3A_488 = arith.subi %sub3A_380, %parallel_loop3A_487 : i32
        %parallel_loop3A_489 = arith.addi %parallel_loop3A_488, %parallel_loop3A_396 : i32
        %parallel_loop3A_490 = arith.index_cast %parallel_loop3A_489 : i32 to index
        %parallel_loop3A_491 = tpu.vector_load %arg7[%parallel_loop3A_490] {strides = array<i32>} : memref<4224xf32, #tpu.memory_space<vmem>>, vector<16xf32>,
        %parallel_loop3A_492 = vector.shape_cast %parallel_loop3A_491 : vector<16xf32> to vector<16xf32>
        %parallel_loop3A_493 = arith.constant 0 : i32
        %parallel_loop3A_494 = arith.addi %parallel_loop3A_493, %parallel_loop3A_396 : i32
        %parallel_loop3A_495 = arith.index_cast %parallel_loop3A_494 : i32 to index
        %parallel_loop3A_496 = tpu.vector_load %arg9[%parallel_loop3A_495] {strides = array<i32>} : memref<32768xf32, #tpu.memory_space<vmem>>, vector<16xf32>,
        %parallel_loop3A_497 = vector.shape_cast %parallel_loop3A_496 : vector<16xf32> to vector<16xf32>
        %parallel_loop3A_498 = vector.shape_cast %parallel_loop3A_402 : vector<16xf32> to vector<16xf32>
        tpu.vector_store %arg9[%parallel_loop3A_495], %parallel_loop3A_498 {strides = array<i32>} : memref<32768xf32, #tpu.memory_space<vmem>>, vector<16xf32>,
        %parallel_loop3A_499 = arith.constant 2048 : i32
        %parallel_loop3A_500 = arith.addi %parallel_loop3A_499, %parallel_loop3A_396 : i32
        %parallel_loop3A_501 = arith.index_cast %parallel_loop3A_500 : i32 to index
        %parallel_loop3A_502 = tpu.vector_load %arg9[%parallel_loop3A_501] {strides = array<i32>} : memref<32768xf32, #tpu.memory_space<vmem>>, vector<16xf32>,
        %parallel_loop3A_503 = vector.shape_cast %parallel_loop3A_502 : vector<16xf32> to vector<16xf32>
        %parallel_loop3A_504 = vector.shape_cast %parallel_loop3A_408 : vector<16xf32> to vector<16xf32>
        tpu.vector_store %arg9[%parallel_loop3A_501], %parallel_loop3A_504 {strides = array<i32>} : memref<32768xf32, #tpu.memory_space<vmem>>, vector<16xf32>,
        %parallel_loop3A_505 = arith.constant 4096 : i32
        %parallel_loop3A_506 = arith.addi %parallel_loop3A_505, %parallel_loop3A_396 : i32
        %parallel_loop3A_507 = arith.index_cast %parallel_loop3A_506 : i32 to index
        %parallel_loop3A_508 = tpu.vector_load %arg9[%parallel_loop3A_507] {strides = array<i32>} : memref<32768xf32, #tpu.memory_space<vmem>>, vector<16xf32>,
        %parallel_loop3A_509 = vector.shape_cast %parallel_loop3A_508 : vector<16xf32> to vector<16xf32>
        %parallel_loop3A_510 = vector.shape_cast %parallel_loop3A_414 : vector<16xf32> to vector<16xf32>
        tpu.vector_store %arg9[%parallel_loop3A_507], %parallel_loop3A_510 {strides = array<i32>} : memref<32768xf32, #tpu.memory_space<vmem>>, vector<16xf32>,
        %parallel_loop3A_511 = arith.constant 6144 : i32
        %parallel_loop3A_512 = arith.addi %parallel_loop3A_511, %parallel_loop3A_396 : i32
        %parallel_loop3A_513 = arith.index_cast %parallel_loop3A_512 : i32 to index
        %parallel_loop3A_514 = tpu.vector_load %arg9[%parallel_loop3A_513] {strides = array<i32>} : memref<32768xf32, #tpu.memory_space<vmem>>, vector<16xf32>,
        %parallel_loop3A_515 = vector.shape_cast %parallel_loop3A_514 : vector<16xf32> to vector<16xf32>
        %parallel_loop3A_516 = vector.shape_cast %parallel_loop3A_420 : vector<16xf32> to vector<16xf32>
        tpu.vector_store %arg9[%parallel_loop3A_513], %parallel_loop3A_516 {strides = array<i32>} : memref<32768xf32, #tpu.memory_space<vmem>>, vector<16xf32>,
        %parallel_loop3A_517 = arith.constant 8192 : i32
        %parallel_loop3A_518 = arith.addi %parallel_loop3A_517, %parallel_loop3A_396 : i32
        %parallel_loop3A_519 = arith.index_cast %parallel_loop3A_518 : i32 to index
        %parallel_loop3A_520 = tpu.vector_load %arg9[%parallel_loop3A_519] {strides = array<i32>} : memref<32768xf32, #tpu.memory_space<vmem>>, vector<16xf32>,
        %parallel_loop3A_521 = vector.shape_cast %parallel_loop3A_520 : vector<16xf32> to vector<16xf32>
        %parallel_loop3A_522 = vector.shape_cast %parallel_loop3A_426 : vector<16xf32> to vector<16xf32>
        tpu.vector_store %arg9[%parallel_loop3A_519], %parallel_loop3A_522 {strides = array<i32>} : memref<32768xf32, #tpu.memory_space<vmem>>, vector<16xf32>,
        %parallel_loop3A_523 = arith.constant 10240 : i32
        %parallel_loop3A_524 = arith.addi %parallel_loop3A_523, %parallel_loop3A_396 : i32
        %parallel_loop3A_525 = arith.index_cast %parallel_loop3A_524 : i32 to index
        %parallel_loop3A_526 = tpu.vector_load %arg9[%parallel_loop3A_525] {strides = array<i32>} : memref<32768xf32, #tpu.memory_space<vmem>>, vector<16xf32>,
        %parallel_loop3A_527 = vector.shape_cast %parallel_loop3A_526 : vector<16xf32> to vector<16xf32>
        %parallel_loop3A_528 = vector.shape_cast %parallel_loop3A_432 : vector<16xf32> to vector<16xf32>
        tpu.vector_store %arg9[%parallel_loop3A_525], %parallel_loop3A_528 {strides = array<i32>} : memref<32768xf32, #tpu.memory_space<vmem>>, vector<16xf32>,
        %parallel_loop3A_529 = arith.constant 12288 : i32
        %parallel_loop3A_530 = arith.addi %parallel_loop3A_529, %parallel_loop3A_396 : i32
        %parallel_loop3A_531 = arith.index_cast %parallel_loop3A_530 : i32 to index
        %parallel_loop3A_532 = tpu.vector_load %arg9[%parallel_loop3A_531] {strides = array<i32>} : memref<32768xf32, #tpu.memory_space<vmem>>, vector<16xf32>,
        %parallel_loop3A_533 = vector.shape_cast %parallel_loop3A_532 : vector<16xf32> to vector<16xf32>
        %parallel_loop3A_534 = vector.shape_cast %parallel_loop3A_438 : vector<16xf32> to vector<16xf32>
        tpu.vector_store %arg9[%parallel_loop3A_531], %parallel_loop3A_534 {strides = array<i32>} : memref<32768xf32, #tpu.memory_space<vmem>>, vector<16xf32>,
        %parallel_loop3A_535 = arith.constant 14336 : i32
        %parallel_loop3A_536 = arith.addi %parallel_loop3A_535, %parallel_loop3A_396 : i32
        %parallel_loop3A_537 = arith.index_cast %parallel_loop3A_536 : i32 to index
        %parallel_loop3A_538 = tpu.vector_load %arg9[%parallel_loop3A_537] {strides = array<i32>} : memref<32768xf32, #tpu.memory_space<vmem>>, vector<16xf32>,
        %parallel_loop3A_539 = vector.shape_cast %parallel_loop3A_538 : vector<16xf32> to vector<16xf32>
        %parallel_loop3A_540 = vector.shape_cast %parallel_loop3A_444 : vector<16xf32> to vector<16xf32>
        tpu.vector_store %arg9[%parallel_loop3A_537], %parallel_loop3A_540 {strides = array<i32>} : memref<32768xf32, #tpu.memory_space<vmem>>, vector<16xf32>,
        %parallel_loop3A_541 = arith.constant 16384 : i32
        %parallel_loop3A_542 = arith.addi %parallel_loop3A_541, %parallel_loop3A_396 : i32
        %parallel_loop3A_543 = arith.index_cast %parallel_loop3A_542 : i32 to index
        %parallel_loop3A_544 = tpu.vector_load %arg9[%parallel_loop3A_543] {strides = array<i32>} : memref<32768xf32, #tpu.memory_space<vmem>>, vector<16xf32>,
        %parallel_loop3A_545 = vector.shape_cast %parallel_loop3A_544 : vector<16xf32> to vector<16xf32>
        %parallel_loop3A_546 = vector.shape_cast %parallel_loop3A_450 : vector<16xf32> to vector<16xf32>
        tpu.vector_store %arg9[%parallel_loop3A_543], %parallel_loop3A_546 {strides = array<i32>} : memref<32768xf32, #tpu.memory_space<vmem>>, vector<16xf32>,
        %parallel_loop3A_547 = arith.constant 18432 : i32
        %parallel_loop3A_548 = arith.addi %parallel_loop3A_547, %parallel_loop3A_396 : i32
        %parallel_loop3A_549 = arith.index_cast %parallel_loop3A_548 : i32 to index
        %parallel_loop3A_550 = tpu.vector_load %arg9[%parallel_loop3A_549] {strides = array<i32>} : memref<32768xf32, #tpu.memory_space<vmem>>, vector<16xf32>,
        %parallel_loop3A_551 = vector.shape_cast %parallel_loop3A_550 : vector<16xf32> to vector<16xf32>
        %parallel_loop3A_552 = vector.shape_cast %parallel_loop3A_456 : vector<16xf32> to vector<16xf32>
        tpu.vector_store %arg9[%parallel_loop3A_549], %parallel_loop3A_552 {strides = array<i32>} : memref<32768xf32, #tpu.memory_space<vmem>>, vector<16xf32>,
        %parallel_loop3A_553 = arith.constant 20480 : i32
        %parallel_loop3A_554 = arith.addi %parallel_loop3A_553, %parallel_loop3A_396 : i32
        %parallel_loop3A_555 = arith.index_cast %parallel_loop3A_554 : i32 to index
        %parallel_loop3A_556 = tpu.vector_load %arg9[%parallel_loop3A_555] {strides = array<i32>} : memref<32768xf32, #tpu.memory_space<vmem>>, vector<16xf32>,
        %parallel_loop3A_557 = vector.shape_cast %parallel_loop3A_556 : vector<16xf32> to vector<16xf32>
        %parallel_loop3A_558 = vector.shape_cast %parallel_loop3A_462 : vector<16xf32> to vector<16xf32>
        tpu.vector_store %arg9[%parallel_loop3A_555], %parallel_loop3A_558 {strides = array<i32>} : memref<32768xf32, #tpu.memory_space<vmem>>, vector<16xf32>,
        %parallel_loop3A_559 = arith.constant 22528 : i32
        %parallel_loop3A_560 = arith.addi %parallel_loop3A_559, %parallel_loop3A_396 : i32
        %parallel_loop3A_561 = arith.index_cast %parallel_loop3A_560 : i32 to index
        %parallel_loop3A_562 = tpu.vector_load %arg9[%parallel_loop3A_561] {strides = array<i32>} : memref<32768xf32, #tpu.memory_space<vmem>>, vector<16xf32>,
        %parallel_loop3A_563 = vector.shape_cast %parallel_loop3A_562 : vector<16xf32> to vector<16xf32>
        %parallel_loop3A_564 = vector.shape_cast %parallel_loop3A_468 : vector<16xf32> to vector<16xf32>
        tpu.vector_store %arg9[%parallel_loop3A_561], %parallel_loop3A_564 {strides = array<i32>} : memref<32768xf32, #tpu.memory_space<vmem>>, vector<16xf32>,
        %parallel_loop3A_565 = arith.constant 24576 : i32
        %parallel_loop3A_566 = arith.addi %parallel_loop3A_565, %parallel_loop3A_396 : i32
        %parallel_loop3A_567 = arith.index_cast %parallel_loop3A_566 : i32 to index
        %parallel_loop3A_568 = tpu.vector_load %arg9[%parallel_loop3A_567] {strides = array<i32>} : memref<32768xf32, #tpu.memory_space<vmem>>, vector<16xf32>,
        %parallel_loop3A_569 = vector.shape_cast %parallel_loop3A_568 : vector<16xf32> to vector<16xf32>
        %parallel_loop3A_570 = vector.shape_cast %parallel_loop3A_474 : vector<16xf32> to vector<16xf32>
        tpu.vector_store %arg9[%parallel_loop3A_567], %parallel_loop3A_570 {strides = array<i32>} : memref<32768xf32, #tpu.memory_space<vmem>>, vector<16xf32>,
        %parallel_loop3A_571 = arith.constant 26624 : i32
        %parallel_loop3A_572 = arith.addi %parallel_loop3A_571, %parallel_loop3A_396 : i32
        %parallel_loop3A_573 = arith.index_cast %parallel_loop3A_572 : i32 to index
        %parallel_loop3A_574 = tpu.vector_load %arg9[%parallel_loop3A_573] {strides = array<i32>} : memref<32768xf32, #tpu.memory_space<vmem>>, vector<16xf32>,
        %parallel_loop3A_575 = vector.shape_cast %parallel_loop3A_574 : vector<16xf32> to vector<16xf32>
        %parallel_loop3A_576 = vector.shape_cast %parallel_loop3A_480 : vector<16xf32> to vector<16xf32>
        tpu.vector_store %arg9[%parallel_loop3A_573], %parallel_loop3A_576 {strides = array<i32>} : memref<32768xf32, #tpu.memory_space<vmem>>, vector<16xf32>,
        %parallel_loop3A_577 = arith.constant 28672 : i32
        %parallel_loop3A_578 = arith.addi %parallel_loop3A_577, %parallel_loop3A_396 : i32
        %parallel_loop3A_579 = arith.index_cast %parallel_loop3A_578 : i32 to index
        %parallel_loop3A_580 = tpu.vector_load %arg9[%parallel_loop3A_579] {strides = array<i32>} : memref<32768xf32, #tpu.memory_space<vmem>>, vector<16xf32>,
        %parallel_loop3A_581 = vector.shape_cast %parallel_loop3A_580 : vector<16xf32> to vector<16xf32>
        %parallel_loop3A_582 = vector.shape_cast %parallel_loop3A_486 : vector<16xf32> to vector<16xf32>
        tpu.vector_store %arg9[%parallel_loop3A_579], %parallel_loop3A_582 {strides = array<i32>} : memref<32768xf32, #tpu.memory_space<vmem>>, vector<16xf32>,
        %parallel_loop3A_583 = arith.constant 30720 : i32
        %parallel_loop3A_584 = arith.addi %parallel_loop3A_583, %parallel_loop3A_396 : i32
        %parallel_loop3A_585 = arith.index_cast %parallel_loop3A_584 : i32 to index
        %parallel_loop3A_586 = tpu.vector_load %arg9[%parallel_loop3A_585] {strides = array<i32>} : memref<32768xf32, #tpu.memory_space<vmem>>, vector<16xf32>,
        %parallel_loop3A_587 = vector.shape_cast %parallel_loop3A_586 : vector<16xf32> to vector<16xf32>
        %parallel_loop3A_588 = vector.shape_cast %parallel_loop3A_492 : vector<16xf32> to vector<16xf32>
        tpu.vector_store %arg9[%parallel_loop3A_585], %parallel_loop3A_588 {strides = array<i32>} : memref<32768xf32, #tpu.memory_space<vmem>>, vector<16xf32>,
      } {sc.loop_unroll_factor = 2 : i64, sc.parallel_access}
      %delay3A_384 = arith.constant 100 : i32
      tpu.delay %delay3A_384
      %mul3A_385 = arith.constant 2048 : i32
      %mul3A_386 = arith.muli %add3A_345, %mul3A_385 : i32
      %multiple_of3A_387 = tpu.assume_multiple %mul3A_386, 32768 : i32
      %dma_start3A_388 = arith.constant 0 : i32
      %dma_start3A_389 = tpu.memref_slice %arg9[%dma_start3A_388] : memref<32768xf32, #tpu.memory_space<vmem>> -> memref<32768xf32, #tpu.memory_space<vmem>>
      %dma_start3A_390 = tpu.memref_slice %arg4[%multiple_of3A_387] : memref<2097152xf32, #tpu.memory_space<hbm>> -> memref<32768xf32, #tpu.memory_space<hbm>>
      %dma_start3A_391 = tpu.memref_slice %arg4[%multiple_of3A_387] : memref<2097152xf32, #tpu.memory_space<hbm>> -> memref<32768xf32, #tpu.memory_space<hbm>>
      %dma_start3A_392 = arith.constant 0 : i32
      %dma_start3A_393 = tpu.memref_slice %arg9[%dma_start3A_392] : memref<32768xf32, #tpu.memory_space<vmem>> -> memref<32768xf32, #tpu.memory_space<vmem>>
      tpu.enqueue_dma source(%dma_start3A_393 : memref<32768xf32, #tpu.memory_space<vmem>>) target(%dma_start3A_391 : memref<32768xf32, #tpu.memory_space<hbm>>) target_semaphore(%arg11 : memref<!tpu.dma_semaphore, #tpu.memory_space<semaphore_mem>>)
    } else {
    }
    %rem3A_350 = arith.constant 2 : i32
    %rem3A_351 = arith.remsi %scan3A_342, %rem3A_350 : i32
    %eq3A_352 = arith.constant 0 : i32
    %eq3A_353 = arith.cmpi eq, %rem3A_351, %eq3A_352 : i32
    %convert_element_type3A_354 = arith.extui %eq3A_353 : i1 to i32
    %cond3A_355 = arith.constant 0 : i32
    %cond3A_356 = arith.cmpi ne, %convert_element_type3A_354, %cond3A_355 : i32
    scf.if %cond3A_356 {
      %ge3A = arith.constant 2 : i32
      %ge3A_373 = arith.cmpi sge, %scan3A_342, %ge3A : i32
      %convert_element_type3A_374 = arith.extui %ge3A_373 : i1 to i32
      %cond3A_375 = arith.constant 0 : i32
      %cond3A_376 = arith.cmpi ne, %convert_element_type3A_374, %cond3A_375 : i32
      scf.if %cond3A_376 {
        %dma_wait3A_394 = arith.constant 0 : i32
        %dma_wait3A_395 = tpu.memref_slice %arg8[%dma_wait3A_394] : memref<32768xf32, #tpu.memory_space<vmem>> -> memref<32768xf32, #tpu.memory_space<vmem>>
        %dma_wait3A_396 = arith.constant 0 : i32
        %dma_wait3A_397 = tpu.memref_slice %arg4[%dma_wait3A_396] : memref<2097152xf32, #tpu.memory_space<hbm>> -> memref<32768xf32, #tpu.memory_space<hbm>>
        %dma_wait3A_398 = arith.constant 0 : i32
        %dma_wait3A_399 = tpu.memref_slice %arg4[%dma_wait3A_398] : memref<2097152xf32, #tpu.memory_space<hbm>> -> memref<32768xf32, #tpu.memory_space<hbm>>
        %dma_wait3A_400 = arith.constant 0 : i32
        %dma_wait3A_401 = tpu.memref_slice %arg8[%dma_wait3A_400] : memref<32768xf32, #tpu.memory_space<vmem>> -> memref<32768xf32, #tpu.memory_space<vmem>>
        tpu.wait_dma2 semaphore(%arg10 : memref<!tpu.dma_semaphore, #tpu.memory_space<semaphore_mem>>) src(%dma_wait3A_401 : memref<32768xf32, #tpu.memory_space<vmem>>) dst(%dma_wait3A_399 : memref<32768xf32, #tpu.memory_space<hbm>>)
      } else {
      }
      %rem3A_377 = arith.constant 2048 : i32
      %rem3A_378 = arith.remsi %add3A_345, %rem3A_377 : i32
      %sub3A_379 = arith.constant 2047 : i32
      %sub3A_380 = arith.subi %sub3A_379, %rem3A_378 : i32
      %parallel_loop3A_381 = arith.constant 0 : i32
      %parallel_loop3A_382 = arith.constant 128 : i32
      %parallel_loop3A_383 = arith.constant 1 : i32
      scf.for %parallel_loop3A_394 = %parallel_loop3A_381 to %parallel_loop3A_382 step %parallel_loop3A_383  : i32 {
        %parallel_loop3A_395 = arith.constant 16 : i32
        %parallel_loop3A_396 = arith.muli %parallel_loop3A_394, %parallel_loop3A_395 : i32
        %parallel_loop3A_397 = arith.constant 0 : i32
        %parallel_loop3A_398 = arith.subi %sub3A_380, %parallel_loop3A_397 : i32
        %parallel_loop3A_399 = arith.addi %parallel_loop3A_398, %parallel_loop3A_396 : i32
        %parallel_loop3A_400 = arith.index_cast %parallel_loop3A_399 : i32 to index
        %parallel_loop3A_401 = tpu.vector_load %arg7[%parallel_loop3A_400] {strides = array<i32>} : memref<4224xf32, #tpu.memory_space<vmem>>, vector<16xf32>,
        %parallel_loop3A_402 = vector.shape_cast %parallel_loop3A_401 : vector<16xf32> to vector<16xf32>
        %parallel_loop3A_403 = arith.constant 1 : i32
        %parallel_loop3A_404 = arith.subi %sub3A_380, %parallel_loop3A_403 : i32
        %parallel_loop3A_405 = arith.addi %parallel_loop3A_404, %parallel_loop3A_396 : i32
        %parallel_loop3A_406 = arith.index_cast %parallel_loop3A_405 : i32 to index
        %parallel_loop3A_407 = tpu.vector_load %arg7[%parallel_loop3A_406] {strides = array<i32>} : memref<4224xf32, #tpu.memory_space<vmem>>, vector<16xf32>,
        %parallel_loop3A_408 = vector.shape_cast %parallel_loop3A_407 : vector<16xf32> to vector<16xf32>
        %parallel_loop3A_409 = arith.constant 2 : i32
        %parallel_loop3A_410 = arith.subi %sub3A_380, %parallel_loop3A_409 : i32
        %parallel_loop3A_411 = arith.addi %parallel_loop3A_410, %parallel_loop3A_396 : i32
        %parallel_loop3A_412 = arith.index_cast %parallel_loop3A_411 : i32 to index
        %parallel_loop3A_413 = tpu.vector_load %arg7[%parallel_loop3A_412] {strides = array<i32>} : memref<4224xf32, #tpu.memory_space<vmem>>, vector<16xf32>,
        %parallel_loop3A_414 = vector.shape_cast %parallel_loop3A_413 : vector<16xf32> to vector<16xf32>
        %parallel_loop3A_415 = arith.constant 3 : i32
        %parallel_loop3A_416 = arith.subi %sub3A_380, %parallel_loop3A_415 : i32
        %parallel_loop3A_417 = arith.addi %parallel_loop3A_416, %parallel_loop3A_396 : i32
        %parallel_loop3A_418 = arith.index_cast %parallel_loop3A_417 : i32 to index
        %parallel_loop3A_419 = tpu.vector_load %arg7[%parallel_loop3A_418] {strides = array<i32>} : memref<4224xf32, #tpu.memory_space<vmem>>, vector<16xf32>,
        %parallel_loop3A_420 = vector.shape_cast %parallel_loop3A_419 : vector<16xf32> to vector<16xf32>
        %parallel_loop3A_421 = arith.constant 4 : i32
        %parallel_loop3A_422 = arith.subi %sub3A_380, %parallel_loop3A_421 : i32
        %parallel_loop3A_423 = arith.addi %parallel_loop3A_422, %parallel_loop3A_396 : i32
        %parallel_loop3A_424 = arith.index_cast %parallel_loop3A_423 : i32 to index
        %parallel_loop3A_425 = tpu.vector_load %arg7[%parallel_loop3A_424] {strides = array<i32>} : memref<4224xf32, #tpu.memory_space<vmem>>, vector<16xf32>,
        %parallel_loop3A_426 = vector.shape_cast %parallel_loop3A_425 : vector<16xf32> to vector<16xf32>
        %parallel_loop3A_427 = arith.constant 5 : i32
        %parallel_loop3A_428 = arith.subi %sub3A_380, %parallel_loop3A_427 : i32
        %parallel_loop3A_429 = arith.addi %parallel_loop3A_428, %parallel_loop3A_396 : i32
        %parallel_loop3A_430 = arith.index_cast %parallel_loop3A_429 : i32 to index
        %parallel_loop3A_431 = tpu.vector_load %arg7[%parallel_loop3A_430] {strides = array<i32>} : memref<4224xf32, #tpu.memory_space<vmem>>, vector<16xf32>,
        %parallel_loop3A_432 = vector.shape_cast %parallel_loop3A_431 : vector<16xf32> to vector<16xf32>
        %parallel_loop3A_433 = arith.constant 6 : i32
        %parallel_loop3A_434 = arith.subi %sub3A_380, %parallel_loop3A_433 : i32
        %parallel_loop3A_435 = arith.addi %parallel_loop3A_434, %parallel_loop3A_396 : i32
        %parallel_loop3A_436 = arith.index_cast %parallel_loop3A_435 : i32 to index
        %parallel_loop3A_437 = tpu.vector_load %arg7[%parallel_loop3A_436] {strides = array<i32>} : memref<4224xf32, #tpu.memory_space<vmem>>, vector<16xf32>,
        %parallel_loop3A_438 = vector.shape_cast %parallel_loop3A_437 : vector<16xf32> to vector<16xf32>
        %parallel_loop3A_439 = arith.constant 7 : i32
        %parallel_loop3A_440 = arith.subi %sub3A_380, %parallel_loop3A_439 : i32
        %parallel_loop3A_441 = arith.addi %parallel_loop3A_440, %parallel_loop3A_396 : i32
        %parallel_loop3A_442 = arith.index_cast %parallel_loop3A_441 : i32 to index
        %parallel_loop3A_443 = tpu.vector_load %arg7[%parallel_loop3A_442] {strides = array<i32>} : memref<4224xf32, #tpu.memory_space<vmem>>, vector<16xf32>,
        %parallel_loop3A_444 = vector.shape_cast %parallel_loop3A_443 : vector<16xf32> to vector<16xf32>
        %parallel_loop3A_445 = arith.constant 8 : i32
        %parallel_loop3A_446 = arith.subi %sub3A_380, %parallel_loop3A_445 : i32
        %parallel_loop3A_447 = arith.addi %parallel_loop3A_446, %parallel_loop3A_396 : i32
        %parallel_loop3A_448 = arith.index_cast %parallel_loop3A_447 : i32 to index
        %parallel_loop3A_449 = tpu.vector_load %arg7[%parallel_loop3A_448] {strides = array<i32>} : memref<4224xf32, #tpu.memory_space<vmem>>, vector<16xf32>,
        %parallel_loop3A_450 = vector.shape_cast %parallel_loop3A_449 : vector<16xf32> to vector<16xf32>
        %parallel_loop3A_451 = arith.constant 9 : i32
        %parallel_loop3A_452 = arith.subi %sub3A_380, %parallel_loop3A_451 : i32
        %parallel_loop3A_453 = arith.addi %parallel_loop3A_452, %parallel_loop3A_396 : i32
        %parallel_loop3A_454 = arith.index_cast %parallel_loop3A_453 : i32 to index
        %parallel_loop3A_455 = tpu.vector_load %arg7[%parallel_loop3A_454] {strides = array<i32>} : memref<4224xf32, #tpu.memory_space<vmem>>, vector<16xf32>,
        %parallel_loop3A_456 = vector.shape_cast %parallel_loop3A_455 : vector<16xf32> to vector<16xf32>
        %parallel_loop3A_457 = arith.constant 10 : i32
        %parallel_loop3A_458 = arith.subi %sub3A_380, %parallel_loop3A_457 : i32
        %parallel_loop3A_459 = arith.addi %parallel_loop3A_458, %parallel_loop3A_396 : i32
        %parallel_loop3A_460 = arith.index_cast %parallel_loop3A_459 : i32 to index
        %parallel_loop3A_461 = tpu.vector_load %arg7[%parallel_loop3A_460] {strides = array<i32>} : memref<4224xf32, #tpu.memory_space<vmem>>, vector<16xf32>,
        %parallel_loop3A_462 = vector.shape_cast %parallel_loop3A_461 : vector<16xf32> to vector<16xf32>
        %parallel_loop3A_463 = arith.constant 11 : i32
        %parallel_loop3A_464 = arith.subi %sub3A_380, %parallel_loop3A_463 : i32
        %parallel_loop3A_465 = arith.addi %parallel_loop3A_464, %parallel_loop3A_396 : i32
        %parallel_loop3A_466 = arith.index_cast %parallel_loop3A_465 : i32 to index
        %parallel_loop3A_467 = tpu.vector_load %arg7[%parallel_loop3A_466] {strides = array<i32>} : memref<4224xf32, #tpu.memory_space<vmem>>, vector<16xf32>,
        %parallel_loop3A_468 = vector.shape_cast %parallel_loop3A_467 : vector<16xf32> to vector<16xf32>
        %parallel_loop3A_469 = arith.constant 12 : i32
        %parallel_loop3A_470 = arith.subi %sub3A_380, %parallel_loop3A_469 : i32
        %parallel_loop3A_471 = arith.addi %parallel_loop3A_470, %parallel_loop3A_396 : i32
        %parallel_loop3A_472 = arith.index_cast %parallel_loop3A_471 : i32 to index
        %parallel_loop3A_473 = tpu.vector_load %arg7[%parallel_loop3A_472] {strides = array<i32>} : memref<4224xf32, #tpu.memory_space<vmem>>, vector<16xf32>,
        %parallel_loop3A_474 = vector.shape_cast %parallel_loop3A_473 : vector<16xf32> to vector<16xf32>
        %parallel_loop3A_475 = arith.constant 13 : i32
        %parallel_loop3A_476 = arith.subi %sub3A_380, %parallel_loop3A_475 : i32
        %parallel_loop3A_477 = arith.addi %parallel_loop3A_476, %parallel_loop3A_396 : i32
        %parallel_loop3A_478 = arith.index_cast %parallel_loop3A_477 : i32 to index
        %parallel_loop3A_479 = tpu.vector_load %arg7[%parallel_loop3A_478] {strides = array<i32>} : memref<4224xf32, #tpu.memory_space<vmem>>, vector<16xf32>,
        %parallel_loop3A_480 = vector.shape_cast %parallel_loop3A_479 : vector<16xf32> to vector<16xf32>
        %parallel_loop3A_481 = arith.constant 14 : i32
        %parallel_loop3A_482 = arith.subi %sub3A_380, %parallel_loop3A_481 : i32
        %parallel_loop3A_483 = arith.addi %parallel_loop3A_482, %parallel_loop3A_396 : i32
        %parallel_loop3A_484 = arith.index_cast %parallel_loop3A_483 : i32 to index
        %parallel_loop3A_485 = tpu.vector_load %arg7[%parallel_loop3A_484] {strides = array<i32>} : memref<4224xf32, #tpu.memory_space<vmem>>, vector<16xf32>,
        %parallel_loop3A_486 = vector.shape_cast %parallel_loop3A_485 : vector<16xf32> to vector<16xf32>
        %parallel_loop3A_487 = arith.constant 15 : i32
        %parallel_loop3A_488 = arith.subi %sub3A_380, %parallel_loop3A_487 : i32
        %parallel_loop3A_489 = arith.addi %parallel_loop3A_488, %parallel_loop3A_396 : i32
        %parallel_loop3A_490 = arith.index_cast %parallel_loop3A_489 : i32 to index
        %parallel_loop3A_491 = tpu.vector_load %arg7[%parallel_loop3A_490] {strides = array<i32>} : memref<4224xf32, #tpu.memory_space<vmem>>, vector<16xf32>,
        %parallel_loop3A_492 = vector.shape_cast %parallel_loop3A_491 : vector<16xf32> to vector<16xf32>
        %parallel_loop3A_493 = arith.constant 0 : i32
        %parallel_loop3A_494 = arith.addi %parallel_loop3A_493, %parallel_loop3A_396 : i32
        %parallel_loop3A_495 = arith.index_cast %parallel_loop3A_494 : i32 to index
        %parallel_loop3A_496 = tpu.vector_load %arg8[%parallel_loop3A_495] {strides = array<i32>} : memref<32768xf32, #tpu.memory_space<vmem>>, vector<16xf32>,
        %parallel_loop3A_497 = vector.shape_cast %parallel_loop3A_496 : vector<16xf32> to vector<16xf32>
        %parallel_loop3A_498 = vector.shape_cast %parallel_loop3A_402 : vector<16xf32> to vector<16xf32>
        tpu.vector_store %arg8[%parallel_loop3A_495], %parallel_loop3A_498 {strides = array<i32>} : memref<32768xf32, #tpu.memory_space<vmem>>, vector<16xf32>,
        %parallel_loop3A_499 = arith.constant 2048 : i32
        %parallel_loop3A_500 = arith.addi %parallel_loop3A_499, %parallel_loop3A_396 : i32
        %parallel_loop3A_501 = arith.index_cast %parallel_loop3A_500 : i32 to index
        %parallel_loop3A_502 = tpu.vector_load %arg8[%parallel_loop3A_501] {strides = array<i32>} : memref<32768xf32, #tpu.memory_space<vmem>>, vector<16xf32>,
        %parallel_loop3A_503 = vector.shape_cast %parallel_loop3A_502 : vector<16xf32> to vector<16xf32>
        %parallel_loop3A_504 = vector.shape_cast %parallel_loop3A_408 : vector<16xf32> to vector<16xf32>
        tpu.vector_store %arg8[%parallel_loop3A_501], %parallel_loop3A_504 {strides = array<i32>} : memref<32768xf32, #tpu.memory_space<vmem>>, vector<16xf32>,
        %parallel_loop3A_505 = arith.constant 4096 : i32
        %parallel_loop3A_506 = arith.addi %parallel_loop3A_505, %parallel_loop3A_396 : i32
        %parallel_loop3A_507 = arith.index_cast %parallel_loop3A_506 : i32 to index
        %parallel_loop3A_508 = tpu.vector_load %arg8[%parallel_loop3A_507] {strides = array<i32>} : memref<32768xf32, #tpu.memory_space<vmem>>, vector<16xf32>,
        %parallel_loop3A_509 = vector.shape_cast %parallel_loop3A_508 : vector<16xf32> to vector<16xf32>
        %parallel_loop3A_510 = vector.shape_cast %parallel_loop3A_414 : vector<16xf32> to vector<16xf32>
        tpu.vector_store %arg8[%parallel_loop3A_507], %parallel_loop3A_510 {strides = array<i32>} : memref<32768xf32, #tpu.memory_space<vmem>>, vector<16xf32>,
        %parallel_loop3A_511 = arith.constant 6144 : i32
        %parallel_loop3A_512 = arith.addi %parallel_loop3A_511, %parallel_loop3A_396 : i32
        %parallel_loop3A_513 = arith.index_cast %parallel_loop3A_512 : i32 to index
        %parallel_loop3A_514 = tpu.vector_load %arg8[%parallel_loop3A_513] {strides = array<i32>} : memref<32768xf32, #tpu.memory_space<vmem>>, vector<16xf32>,
        %parallel_loop3A_515 = vector.shape_cast %parallel_loop3A_514 : vector<16xf32> to vector<16xf32>
        %parallel_loop3A_516 = vector.shape_cast %parallel_loop3A_420 : vector<16xf32> to vector<16xf32>
        tpu.vector_store %arg8[%parallel_loop3A_513], %parallel_loop3A_516 {strides = array<i32>} : memref<32768xf32, #tpu.memory_space<vmem>>, vector<16xf32>,
        %parallel_loop3A_517 = arith.constant 8192 : i32
        %parallel_loop3A_518 = arith.addi %parallel_loop3A_517, %parallel_loop3A_396 : i32
        %parallel_loop3A_519 = arith.index_cast %parallel_loop3A_518 : i32 to index
        %parallel_loop3A_520 = tpu.vector_load %arg8[%parallel_loop3A_519] {strides = array<i32>} : memref<32768xf32, #tpu.memory_space<vmem>>, vector<16xf32>,
        %parallel_loop3A_521 = vector.shape_cast %parallel_loop3A_520 : vector<16xf32> to vector<16xf32>
        %parallel_loop3A_522 = vector.shape_cast %parallel_loop3A_426 : vector<16xf32> to vector<16xf32>
        tpu.vector_store %arg8[%parallel_loop3A_519], %parallel_loop3A_522 {strides = array<i32>} : memref<32768xf32, #tpu.memory_space<vmem>>, vector<16xf32>,
        %parallel_loop3A_523 = arith.constant 10240 : i32
        %parallel_loop3A_524 = arith.addi %parallel_loop3A_523, %parallel_loop3A_396 : i32
        %parallel_loop3A_525 = arith.index_cast %parallel_loop3A_524 : i32 to index
        %parallel_loop3A_526 = tpu.vector_load %arg8[%parallel_loop3A_525] {strides = array<i32>} : memref<32768xf32, #tpu.memory_space<vmem>>, vector<16xf32>,
        %parallel_loop3A_527 = vector.shape_cast %parallel_loop3A_526 : vector<16xf32> to vector<16xf32>
        %parallel_loop3A_528 = vector.shape_cast %parallel_loop3A_432 : vector<16xf32> to vector<16xf32>
        tpu.vector_store %arg8[%parallel_loop3A_525], %parallel_loop3A_528 {strides = array<i32>} : memref<32768xf32, #tpu.memory_space<vmem>>, vector<16xf32>,
        %parallel_loop3A_529 = arith.constant 12288 : i32
        %parallel_loop3A_530 = arith.addi %parallel_loop3A_529, %parallel_loop3A_396 : i32
        %parallel_loop3A_531 = arith.index_cast %parallel_loop3A_530 : i32 to index
        %parallel_loop3A_532 = tpu.vector_load %arg8[%parallel_loop3A_531] {strides = array<i32>} : memref<32768xf32, #tpu.memory_space<vmem>>, vector<16xf32>,
        %parallel_loop3A_533 = vector.shape_cast %parallel_loop3A_532 : vector<16xf32> to vector<16xf32>
        %parallel_loop3A_534 = vector.shape_cast %parallel_loop3A_438 : vector<16xf32> to vector<16xf32>
        tpu.vector_store %arg8[%parallel_loop3A_531], %parallel_loop3A_534 {strides = array<i32>} : memref<32768xf32, #tpu.memory_space<vmem>>, vector<16xf32>,
        %parallel_loop3A_535 = arith.constant 14336 : i32
        %parallel_loop3A_536 = arith.addi %parallel_loop3A_535, %parallel_loop3A_396 : i32
        %parallel_loop3A_537 = arith.index_cast %parallel_loop3A_536 : i32 to index
        %parallel_loop3A_538 = tpu.vector_load %arg8[%parallel_loop3A_537] {strides = array<i32>} : memref<32768xf32, #tpu.memory_space<vmem>>, vector<16xf32>,
        %parallel_loop3A_539 = vector.shape_cast %parallel_loop3A_538 : vector<16xf32> to vector<16xf32>
        %parallel_loop3A_540 = vector.shape_cast %parallel_loop3A_444 : vector<16xf32> to vector<16xf32>
        tpu.vector_store %arg8[%parallel_loop3A_537], %parallel_loop3A_540 {strides = array<i32>} : memref<32768xf32, #tpu.memory_space<vmem>>, vector<16xf32>,
        %parallel_loop3A_541 = arith.constant 16384 : i32
        %parallel_loop3A_542 = arith.addi %parallel_loop3A_541, %parallel_loop3A_396 : i32
        %parallel_loop3A_543 = arith.index_cast %parallel_loop3A_542 : i32 to index
        %parallel_loop3A_544 = tpu.vector_load %arg8[%parallel_loop3A_543] {strides = array<i32>} : memref<32768xf32, #tpu.memory_space<vmem>>, vector<16xf32>,
        %parallel_loop3A_545 = vector.shape_cast %parallel_loop3A_544 : vector<16xf32> to vector<16xf32>
        %parallel_loop3A_546 = vector.shape_cast %parallel_loop3A_450 : vector<16xf32> to vector<16xf32>
        tpu.vector_store %arg8[%parallel_loop3A_543], %parallel_loop3A_546 {strides = array<i32>} : memref<32768xf32, #tpu.memory_space<vmem>>, vector<16xf32>,
        %parallel_loop3A_547 = arith.constant 18432 : i32
        %parallel_loop3A_548 = arith.addi %parallel_loop3A_547, %parallel_loop3A_396 : i32
        %parallel_loop3A_549 = arith.index_cast %parallel_loop3A_548 : i32 to index
        %parallel_loop3A_550 = tpu.vector_load %arg8[%parallel_loop3A_549] {strides = array<i32>} : memref<32768xf32, #tpu.memory_space<vmem>>, vector<16xf32>,
        %parallel_loop3A_551 = vector.shape_cast %parallel_loop3A_550 : vector<16xf32> to vector<16xf32>
        %parallel_loop3A_552 = vector.shape_cast %parallel_loop3A_456 : vector<16xf32> to vector<16xf32>
        tpu.vector_store %arg8[%parallel_loop3A_549], %parallel_loop3A_552 {strides = array<i32>} : memref<32768xf32, #tpu.memory_space<vmem>>, vector<16xf32>,
        %parallel_loop3A_553 = arith.constant 20480 : i32
        %parallel_loop3A_554 = arith.addi %parallel_loop3A_553, %parallel_loop3A_396 : i32
        %parallel_loop3A_555 = arith.index_cast %parallel_loop3A_554 : i32 to index
        %parallel_loop3A_556 = tpu.vector_load %arg8[%parallel_loop3A_555] {strides = array<i32>} : memref<32768xf32, #tpu.memory_space<vmem>>, vector<16xf32>,
        %parallel_loop3A_557 = vector.shape_cast %parallel_loop3A_556 : vector<16xf32> to vector<16xf32>
        %parallel_loop3A_558 = vector.shape_cast %parallel_loop3A_462 : vector<16xf32> to vector<16xf32>
        tpu.vector_store %arg8[%parallel_loop3A_555], %parallel_loop3A_558 {strides = array<i32>} : memref<32768xf32, #tpu.memory_space<vmem>>, vector<16xf32>,
        %parallel_loop3A_559 = arith.constant 22528 : i32
        %parallel_loop3A_560 = arith.addi %parallel_loop3A_559, %parallel_loop3A_396 : i32
        %parallel_loop3A_561 = arith.index_cast %parallel_loop3A_560 : i32 to index
        %parallel_loop3A_562 = tpu.vector_load %arg8[%parallel_loop3A_561] {strides = array<i32>} : memref<32768xf32, #tpu.memory_space<vmem>>, vector<16xf32>,
        %parallel_loop3A_563 = vector.shape_cast %parallel_loop3A_562 : vector<16xf32> to vector<16xf32>
        %parallel_loop3A_564 = vector.shape_cast %parallel_loop3A_468 : vector<16xf32> to vector<16xf32>
        tpu.vector_store %arg8[%parallel_loop3A_561], %parallel_loop3A_564 {strides = array<i32>} : memref<32768xf32, #tpu.memory_space<vmem>>, vector<16xf32>,
        %parallel_loop3A_565 = arith.constant 24576 : i32
        %parallel_loop3A_566 = arith.addi %parallel_loop3A_565, %parallel_loop3A_396 : i32
        %parallel_loop3A_567 = arith.index_cast %parallel_loop3A_566 : i32 to index
        %parallel_loop3A_568 = tpu.vector_load %arg8[%parallel_loop3A_567] {strides = array<i32>} : memref<32768xf32, #tpu.memory_space<vmem>>, vector<16xf32>,
        %parallel_loop3A_569 = vector.shape_cast %parallel_loop3A_568 : vector<16xf32> to vector<16xf32>
        %parallel_loop3A_570 = vector.shape_cast %parallel_loop3A_474 : vector<16xf32> to vector<16xf32>
        tpu.vector_store %arg8[%parallel_loop3A_567], %parallel_loop3A_570 {strides = array<i32>} : memref<32768xf32, #tpu.memory_space<vmem>>, vector<16xf32>,
        %parallel_loop3A_571 = arith.constant 26624 : i32
        %parallel_loop3A_572 = arith.addi %parallel_loop3A_571, %parallel_loop3A_396 : i32
        %parallel_loop3A_573 = arith.index_cast %parallel_loop3A_572 : i32 to index
        %parallel_loop3A_574 = tpu.vector_load %arg8[%parallel_loop3A_573] {strides = array<i32>} : memref<32768xf32, #tpu.memory_space<vmem>>, vector<16xf32>,
        %parallel_loop3A_575 = vector.shape_cast %parallel_loop3A_574 : vector<16xf32> to vector<16xf32>
        %parallel_loop3A_576 = vector.shape_cast %parallel_loop3A_480 : vector<16xf32> to vector<16xf32>
        tpu.vector_store %arg8[%parallel_loop3A_573], %parallel_loop3A_576 {strides = array<i32>} : memref<32768xf32, #tpu.memory_space<vmem>>, vector<16xf32>,
        %parallel_loop3A_577 = arith.constant 28672 : i32
        %parallel_loop3A_578 = arith.addi %parallel_loop3A_577, %parallel_loop3A_396 : i32
        %parallel_loop3A_579 = arith.index_cast %parallel_loop3A_578 : i32 to index
        %parallel_loop3A_580 = tpu.vector_load %arg8[%parallel_loop3A_579] {strides = array<i32>} : memref<32768xf32, #tpu.memory_space<vmem>>, vector<16xf32>,
        %parallel_loop3A_581 = vector.shape_cast %parallel_loop3A_580 : vector<16xf32> to vector<16xf32>
        %parallel_loop3A_582 = vector.shape_cast %parallel_loop3A_486 : vector<16xf32> to vector<16xf32>
        tpu.vector_store %arg8[%parallel_loop3A_579], %parallel_loop3A_582 {strides = array<i32>} : memref<32768xf32, #tpu.memory_space<vmem>>, vector<16xf32>,
        %parallel_loop3A_583 = arith.constant 30720 : i32
        %parallel_loop3A_584 = arith.addi %parallel_loop3A_583, %parallel_loop3A_396 : i32
        %parallel_loop3A_585 = arith.index_cast %parallel_loop3A_584 : i32 to index
        %parallel_loop3A_586 = tpu.vector_load %arg8[%parallel_loop3A_585] {strides = array<i32>} : memref<32768xf32, #tpu.memory_space<vmem>>, vector<16xf32>,
        %parallel_loop3A_587 = vector.shape_cast %parallel_loop3A_586 : vector<16xf32> to vector<16xf32>
        %parallel_loop3A_588 = vector.shape_cast %parallel_loop3A_492 : vector<16xf32> to vector<16xf32>
        tpu.vector_store %arg8[%parallel_loop3A_585], %parallel_loop3A_588 {strides = array<i32>} : memref<32768xf32, #tpu.memory_space<vmem>>, vector<16xf32>,
      } {sc.loop_unroll_factor = 2 : i64, sc.parallel_access}
      %delay3A_384 = arith.constant 100 : i32
      tpu.delay %delay3A_384
      %mul3A_385 = arith.constant 2048 : i32
      %mul3A_386 = arith.muli %add3A_345, %mul3A_385 : i32
      %multiple_of3A_387 = tpu.assume_multiple %mul3A_386, 32768 : i32
      %dma_start3A_388 = arith.constant 0 : i32
      %dma_start3A_389 = tpu.memref_slice %arg8[%dma_start3A_388] : memref<32768xf32, #tpu.memory_space<vmem>> -> memref<32768xf32, #tpu.memory_space<vmem>>
      %dma_start3A_390 = tpu.memref_slice %arg4[%multiple_of3A_387] : memref<2097152xf32, #tpu.memory_space<hbm>> -> memref<32768xf32, #tpu.memory_space<hbm>>
      %dma_start3A_391 = tpu.memref_slice %arg4[%multiple_of3A_387] : memref<2097152xf32, #tpu.memory_space<hbm>> -> memref<32768xf32, #tpu.memory_space<hbm>>
      %dma_start3A_392 = arith.constant 0 : i32
      %dma_start3A_393 = tpu.memref_slice %arg8[%dma_start3A_392] : memref<32768xf32, #tpu.memory_space<vmem>> -> memref<32768xf32, #tpu.memory_space<vmem>>
      tpu.enqueue_dma source(%dma_start3A_393 : memref<32768xf32, #tpu.memory_space<vmem>>) target(%dma_start3A_391 : memref<32768xf32, #tpu.memory_space<hbm>>) target_semaphore(%arg10 : memref<!tpu.dma_semaphore, #tpu.memory_space<semaphore_mem>>)
    } else {
    }
    %scan3A_357 = arith.constant 1 : i32
    %dma_wait3A = arith.constant 0 : i32
    %dma_wait3A_358 = tpu.memref_slice %arg9[%dma_wait3A] : memref<32768xf32, #tpu.memory_space<vmem>> -> memref<32768xf32, #tpu.memory_space<vmem>>
    %dma_wait3A_359 = arith.constant 0 : i32
    %dma_wait3A_360 = tpu.memref_slice %arg4[%dma_wait3A_359] : memref<2097152xf32, #tpu.memory_space<hbm>> -> memref<32768xf32, #tpu.memory_space<hbm>>
    %dma_wait3A_361 = arith.constant 0 : i32
    %dma_wait3A_362 = tpu.memref_slice %arg4[%dma_wait3A_361] : memref<2097152xf32, #tpu.memory_space<hbm>> -> memref<32768xf32, #tpu.memory_space<hbm>>
    %dma_wait3A_363 = arith.constant 0 : i32
    %dma_wait3A_364 = tpu.memref_slice %arg9[%dma_wait3A_363] : memref<32768xf32, #tpu.memory_space<vmem>> -> memref<32768xf32, #tpu.memory_space<vmem>>
    tpu.wait_dma2 semaphore(%arg11 : memref<!tpu.dma_semaphore, #tpu.memory_space<semaphore_mem>>) src(%dma_wait3A_364 : memref<32768xf32, #tpu.memory_space<vmem>>) dst(%dma_wait3A_362 : memref<32768xf32, #tpu.memory_space<hbm>>)
    %dma_wait3A_365 = arith.constant 0 : i32
    %dma_wait3A_366 = tpu.memref_slice %arg8[%dma_wait3A_365] : memref<32768xf32, #tpu.memory_space<vmem>> -> memref<32768xf32, #tpu.memory_space<vmem>>
    %dma_wait3A_367 = arith.constant 0 : i32
    %dma_wait3A_368 = tpu.memref_slice %arg4[%dma_wait3A_367] : memref<2097152xf32, #tpu.memory_space<hbm>> -> memref<32768xf32, #tpu.memory_space<hbm>>
    %dma_wait3A_369 = arith.constant 0 : i32
    %dma_wait3A_370 = tpu.memref_slice %arg4[%dma_wait3A_369] : memref<2097152xf32, #tpu.memory_space<hbm>> -> memref<32768xf32, #tpu.memory_space<hbm>>
    %dma_wait3A_371 = arith.constant 0 : i32
    %dma_wait3A_372 = tpu.memref_slice %arg8[%dma_wait3A_371] : memref<32768xf32, #tpu.memory_space<vmem>> -> memref<32768xf32, #tpu.memory_space<vmem>>
    tpu.wait_dma2 semaphore(%arg10 : memref<!tpu.dma_semaphore, #tpu.memory_space<semaphore_mem>>) src(%dma_wait3A_372 : memref<32768xf32, #tpu.memory_space<vmem>>) dst(%dma_wait3A_370 : memref<32768xf32, #tpu.memory_space<hbm>>)
    return
  }
}

module attributes {stable_mosaic.version = 14 : i64} {
  func.func @body(%arg0: i32, %arg1: memref<1024x2048xf32, #tpu.memory_space<vmem>>, %arg2: memref<24576x2048xf32, #tpu.memory_space<any>>, %arg3: memref<1024x2048xf32, #tpu.memory_space<vmem>>) attributes {dimension_semantics = [#tpu.dimension_semantics<arbitrary>], iteration_bounds = array<i64: 1>, scalar_prefetch = 0 : i64, scratch_operands = 0 : i64, tpu.core_type = #tpu.core_type<tc>, window_params = [{transform_indices = @transform_0, window_bounds = array<i64: 1024, 2048>}, {}, {transform_indices = @transform_2, window_bounds = array<i64: 1024, 2048>}]} {
    %get3A = arith.constant 0 : index
    %get3A_0 = arith.constant 0 : index
    %get3A_1 = vector.load %arg1[%get3A, %get3A_0] : memref<1024x2048xf32, #tpu.memory_space<vmem>>, vector<1024x2048xf32>
    %swap3A = arith.constant 0 : index
    %swap3A_2 = arith.constant 0 : index
    %swap3A_3 = vector.load %arg3[%swap3A, %swap3A_2] : memref<1024x2048xf32, #tpu.memory_space<vmem>>, vector<1024x2048xf32>
    tpu.vector_store %arg3[%swap3A, %swap3A_2], %get3A_1 {strides = array<i32>} : memref<1024x2048xf32, #tpu.memory_space<vmem>>, vector<1024x2048xf32>,
    return
  }
  func.func @transform_0(%arg0: i32) -> (i32, i32) {
    %c0_i32 = arith.constant 0 : i32
    %c0_i32_0 = arith.constant 0 : i32
    return %arg0, %c0_i32 : i32, i32
  }
  func.func @transform_2(%arg0: i32) -> (i32, i32) {
    %c0_i32 = arith.constant 0 : i32
    %c0_i32_0 = arith.constant 0 : i32
    return %arg0, %c0_i32 : i32, i32
  }
}

module attributes {stable_mosaic.version = 14 : i64} {
  func.func @body(%arg0: i32, %arg1: memref<1x4224xi32, #tpu.memory_space<vmem>>, %arg2: memref<16x32xf32, #tpu.memory_space<smem>>, %arg3: memref<1024x2048xf32, #tpu.memory_space<vmem>>, %arg4: memref<16x8x4352xf32, #tpu.memory_space<vmem>>) attributes {dimension_semantics = [#tpu.dimension_semantics<arbitrary>], iteration_bounds = array<i64: 23>, scalar_prefetch = 0 : i64, scratch_operands = 1 : i64, tpu.core_type = #tpu.core_type<tc>, window_params = [{pipeline_mode = #tpu.pipeline_mode<synchronous>, transform_indices = @transform_0, window_bounds = array<i64: 1, 4224>}, {transform_indices = @transform_1, window_bounds = array<i64: 16, 32>}, {transform_indices = @transform_2, window_bounds = array<i64: 1024, 2048>}]} {
    %mul3A = arith.constant 1024 : i32
    %mul3A_0 = arith.muli %arg0, %mul3A : i32
    %add3A = arith.constant 1024 : i32
    %add3A_1 = arith.addi %add3A, %mul3A_0 : i32
    %jit3A = arith.constant 2048 : i32
    %div3A = arith.divsi %add3A_1, %jit3A : i32
    %sign3A = arith.constant 0 : i32
    %sign3A_2 = arith.cmpi sgt, %add3A_1, %sign3A : i32
    %sign3A_3 = arith.extui %sign3A_2 : i1 to i32
    %sign3A_4 = arith.constant 0 : i32
    %sign3A_5 = arith.cmpi slt, %add3A_1, %sign3A_4 : i32
    %sign3A_6 = arith.extui %sign3A_5 : i1 to i32
    %sign3A_7 = arith.subi %sign3A_3, %sign3A_6 : i32
    %sign3A_8 = arith.constant 0 : i32
    %sign3A_9 = arith.cmpi sgt, %jit3A, %sign3A_8 : i32
    %sign3A_10 = arith.extui %sign3A_9 : i1 to i32
    %sign3A_11 = arith.constant 0 : i32
    %sign3A_12 = arith.cmpi slt, %jit3A, %sign3A_11 : i32
    %sign3A_13 = arith.extui %sign3A_12 : i1 to i32
    %sign3A_14 = arith.subi %sign3A_10, %sign3A_13 : i32
    %ne3A = arith.cmpi ne, %sign3A_7, %sign3A_14 : i32
    %rem3A = arith.remsi %add3A_1, %jit3A : i32
    %ne3A_15 = arith.constant 0 : i32
    %ne3A_16 = arith.cmpi ne, %rem3A, %ne3A_15 : i32
    %and3A = arith.andi %ne3A, %ne3A_16 : i1
    %sub3A = arith.constant 1 : i32
    %sub3A_17 = arith.subi %div3A, %sub3A : i32
    %select_n3A = arith.select %and3A, %sub3A_17, %div3A : i32
    %rem3A_18 = arith.constant 2048 : i32
    %rem3A_19 = arith.remsi %add3A_1, %rem3A_18 : i32
    %eq3A = arith.constant 0 : i32
    %eq3A_20 = arith.cmpi eq, %arg0, %eq3A : i32
    %eq3A_21 = arith.constant 0 : i32
    %eq3A_22 = arith.cmpi eq, %rem3A_19, %eq3A_21 : i32
    %or3A = arith.ori %eq3A_20, %eq3A_22 : i1
    %convert_element_type3A = arith.extui %or3A : i1 to i32
    %cond3A = arith.constant 0 : i32
    %cond3A_23 = arith.cmpi ne, %convert_element_type3A, %cond3A : i32
    scf.if %cond3A_23 {
      %get3A_1941 = arith.constant 0 : index
      %get3A_1942 = arith.constant 0 : index
      %get3A_1943 = vector.load %arg1[%get3A_1941, %get3A_1942] : memref<1x4224xi32, #tpu.memory_space<vmem>>, vector<1x4224xi32>
      %get3A_1944 = arith.index_cast %select_n3A : i32 to index
      %get3A_1945 = arith.constant 0 : index
      %get3A_1946 = memref.load %arg2[%get3A_1944, %get3A_1945] : memref<16x32xf32, #tpu.memory_space<smem>>
      %broadcast_in_dim3A = vector.broadcast %get3A_1946 : f32 to vector<1x4224xf32>
      %eq3A_1947 = arith.constant 1 : i32
      %eq3A_1948 = vector.broadcast %eq3A_1947 : i32 to vector<1x4224xi32>
      %eq3A_1949 = arith.cmpi eq, %get3A_1943, %eq3A_1948 : vector<1x4224xi32>
      %get3A_1950 = arith.index_cast %select_n3A : i32 to index
      %get3A_1951 = arith.constant 1 : index
      %get3A_1952 = memref.load %arg2[%get3A_1950, %get3A_1951] : memref<16x32xf32, #tpu.memory_space<smem>>
      %broadcast_in_dim3A_1953 = vector.broadcast %get3A_1952 : f32 to vector<1x4224xf32>
      %select_n3A_1954 = arith.select %eq3A_1949, %broadcast_in_dim3A_1953, %broadcast_in_dim3A : vector<1x4224xi1>, vector<1x4224xf32>
      %eq3A_1955 = arith.constant 2 : i32
      %eq3A_1956 = vector.broadcast %eq3A_1955 : i32 to vector<1x4224xi32>
      %eq3A_1957 = arith.cmpi eq, %get3A_1943, %eq3A_1956 : vector<1x4224xi32>
      %get3A_1958 = arith.index_cast %select_n3A : i32 to index
      %get3A_1959 = arith.constant 2 : index
      %get3A_1960 = memref.load %arg2[%get3A_1958, %get3A_1959] : memref<16x32xf32, #tpu.memory_space<smem>>
      %broadcast_in_dim3A_1961 = vector.broadcast %get3A_1960 : f32 to vector<1x4224xf32>
      %select_n3A_1962 = arith.select %eq3A_1957, %broadcast_in_dim3A_1961, %select_n3A_1954 : vector<1x4224xi1>, vector<1x4224xf32>
      %eq3A_1963 = arith.constant 3 : i32
      %eq3A_1964 = vector.broadcast %eq3A_1963 : i32 to vector<1x4224xi32>
      %eq3A_1965 = arith.cmpi eq, %get3A_1943, %eq3A_1964 : vector<1x4224xi32>
      %get3A_1966 = arith.index_cast %select_n3A : i32 to index
      %get3A_1967 = arith.constant 3 : index
      %get3A_1968 = memref.load %arg2[%get3A_1966, %get3A_1967] : memref<16x32xf32, #tpu.memory_space<smem>>
      %broadcast_in_dim3A_1969 = vector.broadcast %get3A_1968 : f32 to vector<1x4224xf32>
      %select_n3A_1970 = arith.select %eq3A_1965, %broadcast_in_dim3A_1969, %select_n3A_1962 : vector<1x4224xi1>, vector<1x4224xf32>
      %eq3A_1971 = arith.constant 4 : i32
      %eq3A_1972 = vector.broadcast %eq3A_1971 : i32 to vector<1x4224xi32>
      %eq3A_1973 = arith.cmpi eq, %get3A_1943, %eq3A_1972 : vector<1x4224xi32>
      %get3A_1974 = arith.index_cast %select_n3A : i32 to index
      %get3A_1975 = arith.constant 4 : index
      %get3A_1976 = memref.load %arg2[%get3A_1974, %get3A_1975] : memref<16x32xf32, #tpu.memory_space<smem>>
      %broadcast_in_dim3A_1977 = vector.broadcast %get3A_1976 : f32 to vector<1x4224xf32>
      %select_n3A_1978 = arith.select %eq3A_1973, %broadcast_in_dim3A_1977, %select_n3A_1970 : vector<1x4224xi1>, vector<1x4224xf32>
      %eq3A_1979 = arith.constant 5 : i32
      %eq3A_1980 = vector.broadcast %eq3A_1979 : i32 to vector<1x4224xi32>
      %eq3A_1981 = arith.cmpi eq, %get3A_1943, %eq3A_1980 : vector<1x4224xi32>
      %get3A_1982 = arith.index_cast %select_n3A : i32 to index
      %get3A_1983 = arith.constant 5 : index
      %get3A_1984 = memref.load %arg2[%get3A_1982, %get3A_1983] : memref<16x32xf32, #tpu.memory_space<smem>>
      %broadcast_in_dim3A_1985 = vector.broadcast %get3A_1984 : f32 to vector<1x4224xf32>
      %select_n3A_1986 = arith.select %eq3A_1981, %broadcast_in_dim3A_1985, %select_n3A_1978 : vector<1x4224xi1>, vector<1x4224xf32>
      %eq3A_1987 = arith.constant 6 : i32
      %eq3A_1988 = vector.broadcast %eq3A_1987 : i32 to vector<1x4224xi32>
      %eq3A_1989 = arith.cmpi eq, %get3A_1943, %eq3A_1988 : vector<1x4224xi32>
      %get3A_1990 = arith.index_cast %select_n3A : i32 to index
      %get3A_1991 = arith.constant 6 : index
      %get3A_1992 = memref.load %arg2[%get3A_1990, %get3A_1991] : memref<16x32xf32, #tpu.memory_space<smem>>
      %broadcast_in_dim3A_1993 = vector.broadcast %get3A_1992 : f32 to vector<1x4224xf32>
      %select_n3A_1994 = arith.select %eq3A_1989, %broadcast_in_dim3A_1993, %select_n3A_1986 : vector<1x4224xi1>, vector<1x4224xf32>
      %eq3A_1995 = arith.constant 7 : i32
      %eq3A_1996 = vector.broadcast %eq3A_1995 : i32 to vector<1x4224xi32>
      %eq3A_1997 = arith.cmpi eq, %get3A_1943, %eq3A_1996 : vector<1x4224xi32>
      %get3A_1998 = arith.index_cast %select_n3A : i32 to index
      %get3A_1999 = arith.constant 7 : index
      %get3A_2000 = memref.load %arg2[%get3A_1998, %get3A_1999] : memref<16x32xf32, #tpu.memory_space<smem>>
      %broadcast_in_dim3A_2001 = vector.broadcast %get3A_2000 : f32 to vector<1x4224xf32>
      %select_n3A_2002 = arith.select %eq3A_1997, %broadcast_in_dim3A_2001, %select_n3A_1994 : vector<1x4224xi1>, vector<1x4224xf32>
      %eq3A_2003 = arith.constant 8 : i32
      %eq3A_2004 = vector.broadcast %eq3A_2003 : i32 to vector<1x4224xi32>
      %eq3A_2005 = arith.cmpi eq, %get3A_1943, %eq3A_2004 : vector<1x4224xi32>
      %get3A_2006 = arith.index_cast %select_n3A : i32 to index
      %get3A_2007 = arith.constant 8 : index
      %get3A_2008 = memref.load %arg2[%get3A_2006, %get3A_2007] : memref<16x32xf32, #tpu.memory_space<smem>>
      %broadcast_in_dim3A_2009 = vector.broadcast %get3A_2008 : f32 to vector<1x4224xf32>
      %select_n3A_2010 = arith.select %eq3A_2005, %broadcast_in_dim3A_2009, %select_n3A_2002 : vector<1x4224xi1>, vector<1x4224xf32>
      %eq3A_2011 = arith.constant 9 : i32
      %eq3A_2012 = vector.broadcast %eq3A_2011 : i32 to vector<1x4224xi32>
      %eq3A_2013 = arith.cmpi eq, %get3A_1943, %eq3A_2012 : vector<1x4224xi32>
      %get3A_2014 = arith.index_cast %select_n3A : i32 to index
      %get3A_2015 = arith.constant 9 : index
      %get3A_2016 = memref.load %arg2[%get3A_2014, %get3A_2015] : memref<16x32xf32, #tpu.memory_space<smem>>
      %broadcast_in_dim3A_2017 = vector.broadcast %get3A_2016 : f32 to vector<1x4224xf32>
      %select_n3A_2018 = arith.select %eq3A_2013, %broadcast_in_dim3A_2017, %select_n3A_2010 : vector<1x4224xi1>, vector<1x4224xf32>
      %eq3A_2019 = arith.constant 10 : i32
      %eq3A_2020 = vector.broadcast %eq3A_2019 : i32 to vector<1x4224xi32>
      %eq3A_2021 = arith.cmpi eq, %get3A_1943, %eq3A_2020 : vector<1x4224xi32>
      %get3A_2022 = arith.index_cast %select_n3A : i32 to index
      %get3A_2023 = arith.constant 10 : index
      %get3A_2024 = memref.load %arg2[%get3A_2022, %get3A_2023] : memref<16x32xf32, #tpu.memory_space<smem>>
      %broadcast_in_dim3A_2025 = vector.broadcast %get3A_2024 : f32 to vector<1x4224xf32>
      %select_n3A_2026 = arith.select %eq3A_2021, %broadcast_in_dim3A_2025, %select_n3A_2018 : vector<1x4224xi1>, vector<1x4224xf32>
      %eq3A_2027 = arith.constant 11 : i32
      %eq3A_2028 = vector.broadcast %eq3A_2027 : i32 to vector<1x4224xi32>
      %eq3A_2029 = arith.cmpi eq, %get3A_1943, %eq3A_2028 : vector<1x4224xi32>
      %get3A_2030 = arith.index_cast %select_n3A : i32 to index
      %get3A_2031 = arith.constant 11 : index
      %get3A_2032 = memref.load %arg2[%get3A_2030, %get3A_2031] : memref<16x32xf32, #tpu.memory_space<smem>>
      %broadcast_in_dim3A_2033 = vector.broadcast %get3A_2032 : f32 to vector<1x4224xf32>
      %select_n3A_2034 = arith.select %eq3A_2029, %broadcast_in_dim3A_2033, %select_n3A_2026 : vector<1x4224xi1>, vector<1x4224xf32>
      %eq3A_2035 = arith.constant 12 : i32
      %eq3A_2036 = vector.broadcast %eq3A_2035 : i32 to vector<1x4224xi32>
      %eq3A_2037 = arith.cmpi eq, %get3A_1943, %eq3A_2036 : vector<1x4224xi32>
      %get3A_2038 = arith.index_cast %select_n3A : i32 to index
      %get3A_2039 = arith.constant 12 : index
      %get3A_2040 = memref.load %arg2[%get3A_2038, %get3A_2039] : memref<16x32xf32, #tpu.memory_space<smem>>
      %broadcast_in_dim3A_2041 = vector.broadcast %get3A_2040 : f32 to vector<1x4224xf32>
      %select_n3A_2042 = arith.select %eq3A_2037, %broadcast_in_dim3A_2041, %select_n3A_2034 : vector<1x4224xi1>, vector<1x4224xf32>
      %eq3A_2043 = arith.constant 13 : i32
      %eq3A_2044 = vector.broadcast %eq3A_2043 : i32 to vector<1x4224xi32>
      %eq3A_2045 = arith.cmpi eq, %get3A_1943, %eq3A_2044 : vector<1x4224xi32>
      %get3A_2046 = arith.index_cast %select_n3A : i32 to index
      %get3A_2047 = arith.constant 13 : index
      %get3A_2048 = memref.load %arg2[%get3A_2046, %get3A_2047] : memref<16x32xf32, #tpu.memory_space<smem>>
      %broadcast_in_dim3A_2049 = vector.broadcast %get3A_2048 : f32 to vector<1x4224xf32>
      %select_n3A_2050 = arith.select %eq3A_2045, %broadcast_in_dim3A_2049, %select_n3A_2042 : vector<1x4224xi1>, vector<1x4224xf32>
      %eq3A_2051 = arith.constant 14 : i32
      %eq3A_2052 = vector.broadcast %eq3A_2051 : i32 to vector<1x4224xi32>
      %eq3A_2053 = arith.cmpi eq, %get3A_1943, %eq3A_2052 : vector<1x4224xi32>
      %get3A_2054 = arith.index_cast %select_n3A : i32 to index
      %get3A_2055 = arith.constant 14 : index
      %get3A_2056 = memref.load %arg2[%get3A_2054, %get3A_2055] : memref<16x32xf32, #tpu.memory_space<smem>>
      %broadcast_in_dim3A_2057 = vector.broadcast %get3A_2056 : f32 to vector<1x4224xf32>
      %select_n3A_2058 = arith.select %eq3A_2053, %broadcast_in_dim3A_2057, %select_n3A_2050 : vector<1x4224xi1>, vector<1x4224xf32>
      %eq3A_2059 = arith.constant 15 : i32
      %eq3A_2060 = vector.broadcast %eq3A_2059 : i32 to vector<1x4224xi32>
      %eq3A_2061 = arith.cmpi eq, %get3A_1943, %eq3A_2060 : vector<1x4224xi32>
      %get3A_2062 = arith.index_cast %select_n3A : i32 to index
      %get3A_2063 = arith.constant 15 : index
      %get3A_2064 = memref.load %arg2[%get3A_2062, %get3A_2063] : memref<16x32xf32, #tpu.memory_space<smem>>
      %broadcast_in_dim3A_2065 = vector.broadcast %get3A_2064 : f32 to vector<1x4224xf32>
      %select_n3A_2066 = arith.select %eq3A_2061, %broadcast_in_dim3A_2065, %select_n3A_2058 : vector<1x4224xi1>, vector<1x4224xf32>
      %eq3A_2067 = arith.constant 16 : i32
      %eq3A_2068 = vector.broadcast %eq3A_2067 : i32 to vector<1x4224xi32>
      %eq3A_2069 = arith.cmpi eq, %get3A_1943, %eq3A_2068 : vector<1x4224xi32>
      %get3A_2070 = arith.index_cast %select_n3A : i32 to index
      %get3A_2071 = arith.constant 16 : index
      %get3A_2072 = memref.load %arg2[%get3A_2070, %get3A_2071] : memref<16x32xf32, #tpu.memory_space<smem>>
      %broadcast_in_dim3A_2073 = vector.broadcast %get3A_2072 : f32 to vector<1x4224xf32>
      %select_n3A_2074 = arith.select %eq3A_2069, %broadcast_in_dim3A_2073, %select_n3A_2066 : vector<1x4224xi1>, vector<1x4224xf32>
      %eq3A_2075 = arith.constant 17 : i32
      %eq3A_2076 = vector.broadcast %eq3A_2075 : i32 to vector<1x4224xi32>
      %eq3A_2077 = arith.cmpi eq, %get3A_1943, %eq3A_2076 : vector<1x4224xi32>
      %get3A_2078 = arith.index_cast %select_n3A : i32 to index
      %get3A_2079 = arith.constant 17 : index
      %get3A_2080 = memref.load %arg2[%get3A_2078, %get3A_2079] : memref<16x32xf32, #tpu.memory_space<smem>>
      %broadcast_in_dim3A_2081 = vector.broadcast %get3A_2080 : f32 to vector<1x4224xf32>
      %select_n3A_2082 = arith.select %eq3A_2077, %broadcast_in_dim3A_2081, %select_n3A_2074 : vector<1x4224xi1>, vector<1x4224xf32>
      %eq3A_2083 = arith.constant 18 : i32
      %eq3A_2084 = vector.broadcast %eq3A_2083 : i32 to vector<1x4224xi32>
      %eq3A_2085 = arith.cmpi eq, %get3A_1943, %eq3A_2084 : vector<1x4224xi32>
      %get3A_2086 = arith.index_cast %select_n3A : i32 to index
      %get3A_2087 = arith.constant 18 : index
      %get3A_2088 = memref.load %arg2[%get3A_2086, %get3A_2087] : memref<16x32xf32, #tpu.memory_space<smem>>
      %broadcast_in_dim3A_2089 = vector.broadcast %get3A_2088 : f32 to vector<1x4224xf32>
      %select_n3A_2090 = arith.select %eq3A_2085, %broadcast_in_dim3A_2089, %select_n3A_2082 : vector<1x4224xi1>, vector<1x4224xf32>
      %eq3A_2091 = arith.constant 19 : i32
      %eq3A_2092 = vector.broadcast %eq3A_2091 : i32 to vector<1x4224xi32>
      %eq3A_2093 = arith.cmpi eq, %get3A_1943, %eq3A_2092 : vector<1x4224xi32>
      %get3A_2094 = arith.index_cast %select_n3A : i32 to index
      %get3A_2095 = arith.constant 19 : index
      %get3A_2096 = memref.load %arg2[%get3A_2094, %get3A_2095] : memref<16x32xf32, #tpu.memory_space<smem>>
      %broadcast_in_dim3A_2097 = vector.broadcast %get3A_2096 : f32 to vector<1x4224xf32>
      %select_n3A_2098 = arith.select %eq3A_2093, %broadcast_in_dim3A_2097, %select_n3A_2090 : vector<1x4224xi1>, vector<1x4224xf32>
      %eq3A_2099 = arith.constant 20 : i32
      %eq3A_2100 = vector.broadcast %eq3A_2099 : i32 to vector<1x4224xi32>
      %eq3A_2101 = arith.cmpi eq, %get3A_1943, %eq3A_2100 : vector<1x4224xi32>
      %get3A_2102 = arith.index_cast %select_n3A : i32 to index
      %get3A_2103 = arith.constant 20 : index
      %get3A_2104 = memref.load %arg2[%get3A_2102, %get3A_2103] : memref<16x32xf32, #tpu.memory_space<smem>>
      %broadcast_in_dim3A_2105 = vector.broadcast %get3A_2104 : f32 to vector<1x4224xf32>
      %select_n3A_2106 = arith.select %eq3A_2101, %broadcast_in_dim3A_2105, %select_n3A_2098 : vector<1x4224xi1>, vector<1x4224xf32>
      %eq3A_2107 = arith.constant 21 : i32
      %eq3A_2108 = vector.broadcast %eq3A_2107 : i32 to vector<1x4224xi32>
      %eq3A_2109 = arith.cmpi eq, %get3A_1943, %eq3A_2108 : vector<1x4224xi32>
      %get3A_2110 = arith.index_cast %select_n3A : i32 to index
      %get3A_2111 = arith.constant 21 : index
      %get3A_2112 = memref.load %arg2[%get3A_2110, %get3A_2111] : memref<16x32xf32, #tpu.memory_space<smem>>
      %broadcast_in_dim3A_2113 = vector.broadcast %get3A_2112 : f32 to vector<1x4224xf32>
      %select_n3A_2114 = arith.select %eq3A_2109, %broadcast_in_dim3A_2113, %select_n3A_2106 : vector<1x4224xi1>, vector<1x4224xf32>
      %eq3A_2115 = arith.constant 22 : i32
      %eq3A_2116 = vector.broadcast %eq3A_2115 : i32 to vector<1x4224xi32>
      %eq3A_2117 = arith.cmpi eq, %get3A_1943, %eq3A_2116 : vector<1x4224xi32>
      %get3A_2118 = arith.index_cast %select_n3A : i32 to index
      %get3A_2119 = arith.constant 22 : index
      %get3A_2120 = memref.load %arg2[%get3A_2118, %get3A_2119] : memref<16x32xf32, #tpu.memory_space<smem>>
      %broadcast_in_dim3A_2121 = vector.broadcast %get3A_2120 : f32 to vector<1x4224xf32>
      %select_n3A_2122 = arith.select %eq3A_2117, %broadcast_in_dim3A_2121, %select_n3A_2114 : vector<1x4224xi1>, vector<1x4224xf32>
      %eq3A_2123 = arith.constant 23 : i32
      %eq3A_2124 = vector.broadcast %eq3A_2123 : i32 to vector<1x4224xi32>
      %eq3A_2125 = arith.cmpi eq, %get3A_1943, %eq3A_2124 : vector<1x4224xi32>
      %get3A_2126 = arith.index_cast %select_n3A : i32 to index
      %get3A_2127 = arith.constant 23 : index
      %get3A_2128 = memref.load %arg2[%get3A_2126, %get3A_2127] : memref<16x32xf32, #tpu.memory_space<smem>>
      %broadcast_in_dim3A_2129 = vector.broadcast %get3A_2128 : f32 to vector<1x4224xf32>
      %select_n3A_2130 = arith.select %eq3A_2125, %broadcast_in_dim3A_2129, %select_n3A_2122 : vector<1x4224xi1>, vector<1x4224xf32>
      %eq3A_2131 = arith.constant 24 : i32
      %eq3A_2132 = vector.broadcast %eq3A_2131 : i32 to vector<1x4224xi32>
      %eq3A_2133 = arith.cmpi eq, %get3A_1943, %eq3A_2132 : vector<1x4224xi32>
      %get3A_2134 = arith.index_cast %select_n3A : i32 to index
      %get3A_2135 = arith.constant 24 : index
      %get3A_2136 = memref.load %arg2[%get3A_2134, %get3A_2135] : memref<16x32xf32, #tpu.memory_space<smem>>
      %broadcast_in_dim3A_2137 = vector.broadcast %get3A_2136 : f32 to vector<1x4224xf32>
      %select_n3A_2138 = arith.select %eq3A_2133, %broadcast_in_dim3A_2137, %select_n3A_2130 : vector<1x4224xi1>, vector<1x4224xf32>
      %eq3A_2139 = arith.constant 25 : i32
      %eq3A_2140 = vector.broadcast %eq3A_2139 : i32 to vector<1x4224xi32>
      %eq3A_2141 = arith.cmpi eq, %get3A_1943, %eq3A_2140 : vector<1x4224xi32>
      %get3A_2142 = arith.index_cast %select_n3A : i32 to index
      %get3A_2143 = arith.constant 25 : index
      %get3A_2144 = memref.load %arg2[%get3A_2142, %get3A_2143] : memref<16x32xf32, #tpu.memory_space<smem>>
      %broadcast_in_dim3A_2145 = vector.broadcast %get3A_2144 : f32 to vector<1x4224xf32>
      %select_n3A_2146 = arith.select %eq3A_2141, %broadcast_in_dim3A_2145, %select_n3A_2138 : vector<1x4224xi1>, vector<1x4224xf32>
      %eq3A_2147 = arith.constant 26 : i32
      %eq3A_2148 = vector.broadcast %eq3A_2147 : i32 to vector<1x4224xi32>
      %eq3A_2149 = arith.cmpi eq, %get3A_1943, %eq3A_2148 : vector<1x4224xi32>
      %get3A_2150 = arith.index_cast %select_n3A : i32 to index
      %get3A_2151 = arith.constant 26 : index
      %get3A_2152 = memref.load %arg2[%get3A_2150, %get3A_2151] : memref<16x32xf32, #tpu.memory_space<smem>>
      %broadcast_in_dim3A_2153 = vector.broadcast %get3A_2152 : f32 to vector<1x4224xf32>
      %select_n3A_2154 = arith.select %eq3A_2149, %broadcast_in_dim3A_2153, %select_n3A_2146 : vector<1x4224xi1>, vector<1x4224xf32>
      %eq3A_2155 = arith.constant 27 : i32
      %eq3A_2156 = vector.broadcast %eq3A_2155 : i32 to vector<1x4224xi32>
      %eq3A_2157 = arith.cmpi eq, %get3A_1943, %eq3A_2156 : vector<1x4224xi32>
      %get3A_2158 = arith.index_cast %select_n3A : i32 to index
      %get3A_2159 = arith.constant 27 : index
      %get3A_2160 = memref.load %arg2[%get3A_2158, %get3A_2159] : memref<16x32xf32, #tpu.memory_space<smem>>
      %broadcast_in_dim3A_2161 = vector.broadcast %get3A_2160 : f32 to vector<1x4224xf32>
      %select_n3A_2162 = arith.select %eq3A_2157, %broadcast_in_dim3A_2161, %select_n3A_2154 : vector<1x4224xi1>, vector<1x4224xf32>
      %eq3A_2163 = arith.constant 28 : i32
      %eq3A_2164 = vector.broadcast %eq3A_2163 : i32 to vector<1x4224xi32>
      %eq3A_2165 = arith.cmpi eq, %get3A_1943, %eq3A_2164 : vector<1x4224xi32>
      %get3A_2166 = arith.index_cast %select_n3A : i32 to index
      %get3A_2167 = arith.constant 28 : index
      %get3A_2168 = memref.load %arg2[%get3A_2166, %get3A_2167] : memref<16x32xf32, #tpu.memory_space<smem>>
      %broadcast_in_dim3A_2169 = vector.broadcast %get3A_2168 : f32 to vector<1x4224xf32>
      %select_n3A_2170 = arith.select %eq3A_2165, %broadcast_in_dim3A_2169, %select_n3A_2162 : vector<1x4224xi1>, vector<1x4224xf32>
      %eq3A_2171 = arith.constant 29 : i32
      %eq3A_2172 = vector.broadcast %eq3A_2171 : i32 to vector<1x4224xi32>
      %eq3A_2173 = arith.cmpi eq, %get3A_1943, %eq3A_2172 : vector<1x4224xi32>
      %get3A_2174 = arith.index_cast %select_n3A : i32 to index
      %get3A_2175 = arith.constant 29 : index
      %get3A_2176 = memref.load %arg2[%get3A_2174, %get3A_2175] : memref<16x32xf32, #tpu.memory_space<smem>>
      %broadcast_in_dim3A_2177 = vector.broadcast %get3A_2176 : f32 to vector<1x4224xf32>
      %select_n3A_2178 = arith.select %eq3A_2173, %broadcast_in_dim3A_2177, %select_n3A_2170 : vector<1x4224xi1>, vector<1x4224xf32>
      %eq3A_2179 = arith.constant 30 : i32
      %eq3A_2180 = vector.broadcast %eq3A_2179 : i32 to vector<1x4224xi32>
      %eq3A_2181 = arith.cmpi eq, %get3A_1943, %eq3A_2180 : vector<1x4224xi32>
      %get3A_2182 = arith.index_cast %select_n3A : i32 to index
      %get3A_2183 = arith.constant 30 : index
      %get3A_2184 = memref.load %arg2[%get3A_2182, %get3A_2183] : memref<16x32xf32, #tpu.memory_space<smem>>
      %broadcast_in_dim3A_2185 = vector.broadcast %get3A_2184 : f32 to vector<1x4224xf32>
      %select_n3A_2186 = arith.select %eq3A_2181, %broadcast_in_dim3A_2185, %select_n3A_2178 : vector<1x4224xi1>, vector<1x4224xf32>
      %eq3A_2187 = arith.constant 31 : i32
      %eq3A_2188 = vector.broadcast %eq3A_2187 : i32 to vector<1x4224xi32>
      %eq3A_2189 = arith.cmpi eq, %get3A_1943, %eq3A_2188 : vector<1x4224xi32>
      %get3A_2190 = arith.index_cast %select_n3A : i32 to index
      %get3A_2191 = arith.constant 31 : index
      %get3A_2192 = memref.load %arg2[%get3A_2190, %get3A_2191] : memref<16x32xf32, #tpu.memory_space<smem>>
      %broadcast_in_dim3A_2193 = vector.broadcast %get3A_2192 : f32 to vector<1x4224xf32>
      %select_n3A_2194 = arith.select %eq3A_2189, %broadcast_in_dim3A_2193, %select_n3A_2186 : vector<1x4224xi1>, vector<1x4224xf32>
      %jit3A_2195 = arith.constant 0 : i32
      %convert_element_type3A_2196 = arith.sitofp %jit3A_2195 : i32 to f32
      %pad3A = vector.broadcast %convert_element_type3A_2196 : f32 to vector<1x128xf32>
      %pad3A_2197 = tpu.concatenate %select_n3A_2194, %pad3A in 1 : vector<1x4224xf32>, vector<1x128xf32> -> vector<1x4352xf32>
      %roll3A = arith.constant 0 : i32
      %roll3A_2198 = tpu.dynamic_rotate %pad3A_2197 by %roll3A dim 1 : vector<1x4352xf32>, i32 -> vector<1x4352xf32>
      %roll3A_2199 = arith.constant 1 : i32
      %roll3A_2200 = tpu.dynamic_rotate %pad3A_2197 by %roll3A_2199 dim 1 : vector<1x4352xf32>, i32 -> vector<1x4352xf32>
      %roll3A_2201 = arith.constant 2 : i32
      %roll3A_2202 = tpu.dynamic_rotate %pad3A_2197 by %roll3A_2201 dim 1 : vector<1x4352xf32>, i32 -> vector<1x4352xf32>
      %roll3A_2203 = arith.constant 3 : i32
      %roll3A_2204 = tpu.dynamic_rotate %pad3A_2197 by %roll3A_2203 dim 1 : vector<1x4352xf32>, i32 -> vector<1x4352xf32>
      %roll3A_2205 = arith.constant 4 : i32
      %roll3A_2206 = tpu.dynamic_rotate %pad3A_2197 by %roll3A_2205 dim 1 : vector<1x4352xf32>, i32 -> vector<1x4352xf32>
      %roll3A_2207 = arith.constant 5 : i32
      %roll3A_2208 = tpu.dynamic_rotate %pad3A_2197 by %roll3A_2207 dim 1 : vector<1x4352xf32>, i32 -> vector<1x4352xf32>
      %roll3A_2209 = arith.constant 6 : i32
      %roll3A_2210 = tpu.dynamic_rotate %pad3A_2197 by %roll3A_2209 dim 1 : vector<1x4352xf32>, i32 -> vector<1x4352xf32>
      %roll3A_2211 = arith.constant 7 : i32
      %roll3A_2212 = tpu.dynamic_rotate %pad3A_2197 by %roll3A_2211 dim 1 : vector<1x4352xf32>, i32 -> vector<1x4352xf32>
      %concatenate3A = tpu.concatenate %roll3A_2198, %roll3A_2200, %roll3A_2202, %roll3A_2204, %roll3A_2206, %roll3A_2208, %roll3A_2210, %roll3A_2212 in 0 : vector<1x4352xf32>, vector<1x4352xf32>, vector<1x4352xf32>, vector<1x4352xf32>, vector<1x4352xf32>, vector<1x4352xf32>, vector<1x4352xf32>, vector<1x4352xf32> -> vector<8x4352xf32>
      %roll3A_2213 = arith.constant 4225 : i32
      %roll3A_2214 = tpu.dynamic_rotate %concatenate3A by %roll3A_2213 dim 1 : vector<8x4352xf32>, i32 -> vector<8x4352xf32>
      %swap3A_2215 = arith.constant 0 : index
      %swap3A_2216 = arith.constant 0 : index
      %swap3A_2217 = arith.constant 0 : index
      %swap3A_2218 = vector.load %arg4[%swap3A_2215, %swap3A_2216, %swap3A_2217] : memref<16x8x4352xf32, #tpu.memory_space<vmem>>, vector<1x8x4352xf32>
      %swap3A_2219 = vector.shape_cast %swap3A_2218 : vector<1x8x4352xf32> to vector<8x4352xf32>
      %swap3A_2220 = vector.shape_cast %roll3A_2214 : vector<8x4352xf32> to vector<1x8x4352xf32>
      tpu.vector_store %arg4[%swap3A_2215, %swap3A_2216, %swap3A_2217], %swap3A_2220 {strides = array<i32>} : memref<16x8x4352xf32, #tpu.memory_space<vmem>>, vector<1x8x4352xf32>,
      %roll3A_2221 = arith.constant 4233 : i32
      %roll3A_2222 = tpu.dynamic_rotate %concatenate3A by %roll3A_2221 dim 1 : vector<8x4352xf32>, i32 -> vector<8x4352xf32>
      %swap3A_2223 = arith.constant 1 : index
      %swap3A_2224 = arith.constant 0 : index
      %swap3A_2225 = arith.constant 0 : index
      %swap3A_2226 = vector.load %arg4[%swap3A_2223, %swap3A_2224, %swap3A_2225] : memref<16x8x4352xf32, #tpu.memory_space<vmem>>, vector<1x8x4352xf32>
      %swap3A_2227 = vector.shape_cast %swap3A_2226 : vector<1x8x4352xf32> to vector<8x4352xf32>
      %swap3A_2228 = vector.shape_cast %roll3A_2222 : vector<8x4352xf32> to vector<1x8x4352xf32>
      tpu.vector_store %arg4[%swap3A_2223, %swap3A_2224, %swap3A_2225], %swap3A_2228 {strides = array<i32>} : memref<16x8x4352xf32, #tpu.memory_space<vmem>>, vector<1x8x4352xf32>,
      %roll3A_2229 = arith.constant 4241 : i32
      %roll3A_2230 = tpu.dynamic_rotate %concatenate3A by %roll3A_2229 dim 1 : vector<8x4352xf32>, i32 -> vector<8x4352xf32>
      %swap3A_2231 = arith.constant 2 : index
      %swap3A_2232 = arith.constant 0 : index
      %swap3A_2233 = arith.constant 0 : index
      %swap3A_2234 = vector.load %arg4[%swap3A_2231, %swap3A_2232, %swap3A_2233] : memref<16x8x4352xf32, #tpu.memory_space<vmem>>, vector<1x8x4352xf32>
      %swap3A_2235 = vector.shape_cast %swap3A_2234 : vector<1x8x4352xf32> to vector<8x4352xf32>
      %swap3A_2236 = vector.shape_cast %roll3A_2230 : vector<8x4352xf32> to vector<1x8x4352xf32>
      tpu.vector_store %arg4[%swap3A_2231, %swap3A_2232, %swap3A_2233], %swap3A_2236 {strides = array<i32>} : memref<16x8x4352xf32, #tpu.memory_space<vmem>>, vector<1x8x4352xf32>,
      %roll3A_2237 = arith.constant 4249 : i32
      %roll3A_2238 = tpu.dynamic_rotate %concatenate3A by %roll3A_2237 dim 1 : vector<8x4352xf32>, i32 -> vector<8x4352xf32>
      %swap3A_2239 = arith.constant 3 : index
      %swap3A_2240 = arith.constant 0 : index
      %swap3A_2241 = arith.constant 0 : index
      %swap3A_2242 = vector.load %arg4[%swap3A_2239, %swap3A_2240, %swap3A_2241] : memref<16x8x4352xf32, #tpu.memory_space<vmem>>, vector<1x8x4352xf32>
      %swap3A_2243 = vector.shape_cast %swap3A_2242 : vector<1x8x4352xf32> to vector<8x4352xf32>
      %swap3A_2244 = vector.shape_cast %roll3A_2238 : vector<8x4352xf32> to vector<1x8x4352xf32>
      tpu.vector_store %arg4[%swap3A_2239, %swap3A_2240, %swap3A_2241], %swap3A_2244 {strides = array<i32>} : memref<16x8x4352xf32, #tpu.memory_space<vmem>>, vector<1x8x4352xf32>,
      %roll3A_2245 = arith.constant 4257 : i32
      %roll3A_2246 = tpu.dynamic_rotate %concatenate3A by %roll3A_2245 dim 1 : vector<8x4352xf32>, i32 -> vector<8x4352xf32>
      %swap3A_2247 = arith.constant 4 : index
      %swap3A_2248 = arith.constant 0 : index
      %swap3A_2249 = arith.constant 0 : index
      %swap3A_2250 = vector.load %arg4[%swap3A_2247, %swap3A_2248, %swap3A_2249] : memref<16x8x4352xf32, #tpu.memory_space<vmem>>, vector<1x8x4352xf32>
      %swap3A_2251 = vector.shape_cast %swap3A_2250 : vector<1x8x4352xf32> to vector<8x4352xf32>
      %swap3A_2252 = vector.shape_cast %roll3A_2246 : vector<8x4352xf32> to vector<1x8x4352xf32>
      tpu.vector_store %arg4[%swap3A_2247, %swap3A_2248, %swap3A_2249], %swap3A_2252 {strides = array<i32>} : memref<16x8x4352xf32, #tpu.memory_space<vmem>>, vector<1x8x4352xf32>,
      %roll3A_2253 = arith.constant 4265 : i32
      %roll3A_2254 = tpu.dynamic_rotate %concatenate3A by %roll3A_2253 dim 1 : vector<8x4352xf32>, i32 -> vector<8x4352xf32>
      %swap3A_2255 = arith.constant 5 : index
      %swap3A_2256 = arith.constant 0 : index
      %swap3A_2257 = arith.constant 0 : index
      %swap3A_2258 = vector.load %arg4[%swap3A_2255, %swap3A_2256, %swap3A_2257] : memref<16x8x4352xf32, #tpu.memory_space<vmem>>, vector<1x8x4352xf32>
      %swap3A_2259 = vector.shape_cast %swap3A_2258 : vector<1x8x4352xf32> to vector<8x4352xf32>
      %swap3A_2260 = vector.shape_cast %roll3A_2254 : vector<8x4352xf32> to vector<1x8x4352xf32>
      tpu.vector_store %arg4[%swap3A_2255, %swap3A_2256, %swap3A_2257], %swap3A_2260 {strides = array<i32>} : memref<16x8x4352xf32, #tpu.memory_space<vmem>>, vector<1x8x4352xf32>,
      %roll3A_2261 = arith.constant 4273 : i32
      %roll3A_2262 = tpu.dynamic_rotate %concatenate3A by %roll3A_2261 dim 1 : vector<8x4352xf32>, i32 -> vector<8x4352xf32>
      %swap3A_2263 = arith.constant 6 : index
      %swap3A_2264 = arith.constant 0 : index
      %swap3A_2265 = arith.constant 0 : index
      %swap3A_2266 = vector.load %arg4[%swap3A_2263, %swap3A_2264, %swap3A_2265] : memref<16x8x4352xf32, #tpu.memory_space<vmem>>, vector<1x8x4352xf32>
      %swap3A_2267 = vector.shape_cast %swap3A_2266 : vector<1x8x4352xf32> to vector<8x4352xf32>
      %swap3A_2268 = vector.shape_cast %roll3A_2262 : vector<8x4352xf32> to vector<1x8x4352xf32>
      tpu.vector_store %arg4[%swap3A_2263, %swap3A_2264, %swap3A_2265], %swap3A_2268 {strides = array<i32>} : memref<16x8x4352xf32, #tpu.memory_space<vmem>>, vector<1x8x4352xf32>,
      %roll3A_2269 = arith.constant 4281 : i32
      %roll3A_2270 = tpu.dynamic_rotate %concatenate3A by %roll3A_2269 dim 1 : vector<8x4352xf32>, i32 -> vector<8x4352xf32>
      %swap3A_2271 = arith.constant 7 : index
      %swap3A_2272 = arith.constant 0 : index
      %swap3A_2273 = arith.constant 0 : index
      %swap3A_2274 = vector.load %arg4[%swap3A_2271, %swap3A_2272, %swap3A_2273] : memref<16x8x4352xf32, #tpu.memory_space<vmem>>, vector<1x8x4352xf32>
      %swap3A_2275 = vector.shape_cast %swap3A_2274 : vector<1x8x4352xf32> to vector<8x4352xf32>
      %swap3A_2276 = vector.shape_cast %roll3A_2270 : vector<8x4352xf32> to vector<1x8x4352xf32>
      tpu.vector_store %arg4[%swap3A_2271, %swap3A_2272, %swap3A_2273], %swap3A_2276 {strides = array<i32>} : memref<16x8x4352xf32, #tpu.memory_space<vmem>>, vector<1x8x4352xf32>,
      %roll3A_2277 = arith.constant 4289 : i32
      %roll3A_2278 = tpu.dynamic_rotate %concatenate3A by %roll3A_2277 dim 1 : vector<8x4352xf32>, i32 -> vector<8x4352xf32>
      %swap3A_2279 = arith.constant 8 : index
      %swap3A_2280 = arith.constant 0 : index
      %swap3A_2281 = arith.constant 0 : index
      %swap3A_2282 = vector.load %arg4[%swap3A_2279, %swap3A_2280, %swap3A_2281] : memref<16x8x4352xf32, #tpu.memory_space<vmem>>, vector<1x8x4352xf32>
      %swap3A_2283 = vector.shape_cast %swap3A_2282 : vector<1x8x4352xf32> to vector<8x4352xf32>
      %swap3A_2284 = vector.shape_cast %roll3A_2278 : vector<8x4352xf32> to vector<1x8x4352xf32>
      tpu.vector_store %arg4[%swap3A_2279, %swap3A_2280, %swap3A_2281], %swap3A_2284 {strides = array<i32>} : memref<16x8x4352xf32, #tpu.memory_space<vmem>>, vector<1x8x4352xf32>,
      %roll3A_2285 = arith.constant 4297 : i32
      %roll3A_2286 = tpu.dynamic_rotate %concatenate3A by %roll3A_2285 dim 1 : vector<8x4352xf32>, i32 -> vector<8x4352xf32>
      %swap3A_2287 = arith.constant 9 : index
      %swap3A_2288 = arith.constant 0 : index
      %swap3A_2289 = arith.constant 0 : index
      %swap3A_2290 = vector.load %arg4[%swap3A_2287, %swap3A_2288, %swap3A_2289] : memref<16x8x4352xf32, #tpu.memory_space<vmem>>, vector<1x8x4352xf32>
      %swap3A_2291 = vector.shape_cast %swap3A_2290 : vector<1x8x4352xf32> to vector<8x4352xf32>
      %swap3A_2292 = vector.shape_cast %roll3A_2286 : vector<8x4352xf32> to vector<1x8x4352xf32>
      tpu.vector_store %arg4[%swap3A_2287, %swap3A_2288, %swap3A_2289], %swap3A_2292 {strides = array<i32>} : memref<16x8x4352xf32, #tpu.memory_space<vmem>>, vector<1x8x4352xf32>,
      %roll3A_2293 = arith.constant 4305 : i32
      %roll3A_2294 = tpu.dynamic_rotate %concatenate3A by %roll3A_2293 dim 1 : vector<8x4352xf32>, i32 -> vector<8x4352xf32>
      %swap3A_2295 = arith.constant 10 : index
      %swap3A_2296 = arith.constant 0 : index
      %swap3A_2297 = arith.constant 0 : index
      %swap3A_2298 = vector.load %arg4[%swap3A_2295, %swap3A_2296, %swap3A_2297] : memref<16x8x4352xf32, #tpu.memory_space<vmem>>, vector<1x8x4352xf32>
      %swap3A_2299 = vector.shape_cast %swap3A_2298 : vector<1x8x4352xf32> to vector<8x4352xf32>
      %swap3A_2300 = vector.shape_cast %roll3A_2294 : vector<8x4352xf32> to vector<1x8x4352xf32>
      tpu.vector_store %arg4[%swap3A_2295, %swap3A_2296, %swap3A_2297], %swap3A_2300 {strides = array<i32>} : memref<16x8x4352xf32, #tpu.memory_space<vmem>>, vector<1x8x4352xf32>,
      %roll3A_2301 = arith.constant 4313 : i32
      %roll3A_2302 = tpu.dynamic_rotate %concatenate3A by %roll3A_2301 dim 1 : vector<8x4352xf32>, i32 -> vector<8x4352xf32>
      %swap3A_2303 = arith.constant 11 : index
      %swap3A_2304 = arith.constant 0 : index
      %swap3A_2305 = arith.constant 0 : index
      %swap3A_2306 = vector.load %arg4[%swap3A_2303, %swap3A_2304, %swap3A_2305] : memref<16x8x4352xf32, #tpu.memory_space<vmem>>, vector<1x8x4352xf32>
      %swap3A_2307 = vector.shape_cast %swap3A_2306 : vector<1x8x4352xf32> to vector<8x4352xf32>
      %swap3A_2308 = vector.shape_cast %roll3A_2302 : vector<8x4352xf32> to vector<1x8x4352xf32>
      tpu.vector_store %arg4[%swap3A_2303, %swap3A_2304, %swap3A_2305], %swap3A_2308 {strides = array<i32>} : memref<16x8x4352xf32, #tpu.memory_space<vmem>>, vector<1x8x4352xf32>,
      %roll3A_2309 = arith.constant 4321 : i32
      %roll3A_2310 = tpu.dynamic_rotate %concatenate3A by %roll3A_2309 dim 1 : vector<8x4352xf32>, i32 -> vector<8x4352xf32>
      %swap3A_2311 = arith.constant 12 : index
      %swap3A_2312 = arith.constant 0 : index
      %swap3A_2313 = arith.constant 0 : index
      %swap3A_2314 = vector.load %arg4[%swap3A_2311, %swap3A_2312, %swap3A_2313] : memref<16x8x4352xf32, #tpu.memory_space<vmem>>, vector<1x8x4352xf32>
      %swap3A_2315 = vector.shape_cast %swap3A_2314 : vector<1x8x4352xf32> to vector<8x4352xf32>
      %swap3A_2316 = vector.shape_cast %roll3A_2310 : vector<8x4352xf32> to vector<1x8x4352xf32>
      tpu.vector_store %arg4[%swap3A_2311, %swap3A_2312, %swap3A_2313], %swap3A_2316 {strides = array<i32>} : memref<16x8x4352xf32, #tpu.memory_space<vmem>>, vector<1x8x4352xf32>,
      %roll3A_2317 = arith.constant 4329 : i32
      %roll3A_2318 = tpu.dynamic_rotate %concatenate3A by %roll3A_2317 dim 1 : vector<8x4352xf32>, i32 -> vector<8x4352xf32>
      %swap3A_2319 = arith.constant 13 : index
      %swap3A_2320 = arith.constant 0 : index
      %swap3A_2321 = arith.constant 0 : index
      %swap3A_2322 = vector.load %arg4[%swap3A_2319, %swap3A_2320, %swap3A_2321] : memref<16x8x4352xf32, #tpu.memory_space<vmem>>, vector<1x8x4352xf32>
      %swap3A_2323 = vector.shape_cast %swap3A_2322 : vector<1x8x4352xf32> to vector<8x4352xf32>
      %swap3A_2324 = vector.shape_cast %roll3A_2318 : vector<8x4352xf32> to vector<1x8x4352xf32>
      tpu.vector_store %arg4[%swap3A_2319, %swap3A_2320, %swap3A_2321], %swap3A_2324 {strides = array<i32>} : memref<16x8x4352xf32, #tpu.memory_space<vmem>>, vector<1x8x4352xf32>,
      %roll3A_2325 = arith.constant 4337 : i32
      %roll3A_2326 = tpu.dynamic_rotate %concatenate3A by %roll3A_2325 dim 1 : vector<8x4352xf32>, i32 -> vector<8x4352xf32>
      %swap3A_2327 = arith.constant 14 : index
      %swap3A_2328 = arith.constant 0 : index
      %swap3A_2329 = arith.constant 0 : index
      %swap3A_2330 = vector.load %arg4[%swap3A_2327, %swap3A_2328, %swap3A_2329] : memref<16x8x4352xf32, #tpu.memory_space<vmem>>, vector<1x8x4352xf32>
      %swap3A_2331 = vector.shape_cast %swap3A_2330 : vector<1x8x4352xf32> to vector<8x4352xf32>
      %swap3A_2332 = vector.shape_cast %roll3A_2326 : vector<8x4352xf32> to vector<1x8x4352xf32>
      tpu.vector_store %arg4[%swap3A_2327, %swap3A_2328, %swap3A_2329], %swap3A_2332 {strides = array<i32>} : memref<16x8x4352xf32, #tpu.memory_space<vmem>>, vector<1x8x4352xf32>,
      %roll3A_2333 = arith.constant 4345 : i32
      %roll3A_2334 = tpu.dynamic_rotate %concatenate3A by %roll3A_2333 dim 1 : vector<8x4352xf32>, i32 -> vector<8x4352xf32>
      %swap3A_2335 = arith.constant 15 : index
      %swap3A_2336 = arith.constant 0 : index
      %swap3A_2337 = arith.constant 0 : index
      %swap3A_2338 = vector.load %arg4[%swap3A_2335, %swap3A_2336, %swap3A_2337] : memref<16x8x4352xf32, #tpu.memory_space<vmem>>, vector<1x8x4352xf32>
      %swap3A_2339 = vector.shape_cast %swap3A_2338 : vector<1x8x4352xf32> to vector<8x4352xf32>
      %swap3A_2340 = vector.shape_cast %roll3A_2334 : vector<8x4352xf32> to vector<1x8x4352xf32>
      tpu.vector_store %arg4[%swap3A_2335, %swap3A_2336, %swap3A_2337], %swap3A_2340 {strides = array<i32>} : memref<16x8x4352xf32, #tpu.memory_space<vmem>>, vector<1x8x4352xf32>,
    } else {
    }
    %sub3A_24 = arith.constant 2047 : i32
    %sub3A_25 = arith.subi %sub3A_24, %rem3A_19 : i32
    %sub3A_26 = arith.constant 0 : i32
    %sub3A_27 = arith.subi %sub3A_25, %sub3A_26 : i32
    %sub3A_28 = arith.constant 127 : i32
    %sub3A_29 = arith.subi %sub3A_27, %sub3A_28 : i32
    %multiple_of3A = tpu.assume_multiple %sub3A_29, 128 : i32
    %get3A = arith.constant 0 : index
    %get3A_30 = arith.constant 0 : index
    %get3A_31 = arith.index_cast %multiple_of3A : i32 to index
    %get3A_32 = vector.load %arg4[%get3A, %get3A_30, %get3A_31] : memref<16x8x4352xf32, #tpu.memory_space<vmem>>, vector<1x8x2048xf32>
    %get3A_33 = vector.shape_cast %get3A_32 : vector<1x8x2048xf32> to vector<8x2048xf32>
    %swap3A = arith.constant 0 : index
    %swap3A_34 = arith.constant 0 : index
    %swap3A_35 = vector.load %arg3[%swap3A, %swap3A_34] : memref<1024x2048xf32, #tpu.memory_space<vmem>>, vector<8x2048xf32>
    tpu.vector_store %arg3[%swap3A, %swap3A_34], %get3A_33 {strides = array<i32>} : memref<1024x2048xf32, #tpu.memory_space<vmem>>, vector<8x2048xf32>,
    %sub3A_36 = arith.constant 2047 : i32
    %sub3A_37 = arith.subi %sub3A_36, %rem3A_19 : i32
    %sub3A_38 = arith.constant 8 : i32
    %sub3A_39 = arith.subi %sub3A_37, %sub3A_38 : i32
    %sub3A_40 = arith.constant 119 : i32
    %sub3A_41 = arith.subi %sub3A_39, %sub3A_40 : i32
    %multiple_of3A_42 = tpu.assume_multiple %sub3A_41, 128 : i32
    %get3A_43 = arith.constant 1 : index
    %get3A_44 = arith.constant 0 : index
    %get3A_45 = arith.index_cast %multiple_of3A_42 : i32 to index
    %get3A_46 = vector.load %arg4[%get3A_43, %get3A_44, %get3A_45] : memref<16x8x4352xf32, #tpu.memory_space<vmem>>, vector<1x8x2048xf32>
    %get3A_47 = vector.shape_cast %get3A_46 : vector<1x8x2048xf32> to vector<8x2048xf32>
    %swap3A_48 = arith.constant 8 : index
    %swap3A_49 = arith.constant 0 : index
    %swap3A_50 = vector.load %arg3[%swap3A_48, %swap3A_49] : memref<1024x2048xf32, #tpu.memory_space<vmem>>, vector<8x2048xf32>
    tpu.vector_store %arg3[%swap3A_48, %swap3A_49], %get3A_47 {strides = array<i32>} : memref<1024x2048xf32, #tpu.memory_space<vmem>>, vector<8x2048xf32>,
    %sub3A_51 = arith.constant 2047 : i32
    %sub3A_52 = arith.subi %sub3A_51, %rem3A_19 : i32
    %sub3A_53 = arith.constant 16 : i32
    %sub3A_54 = arith.subi %sub3A_52, %sub3A_53 : i32
    %sub3A_55 = arith.constant 111 : i32
    %sub3A_56 = arith.subi %sub3A_54, %sub3A_55 : i32
    %multiple_of3A_57 = tpu.assume_multiple %sub3A_56, 128 : i32
    %get3A_58 = arith.constant 2 : index
    %get3A_59 = arith.constant 0 : index
    %get3A_60 = arith.index_cast %multiple_of3A_57 : i32 to index
    %get3A_61 = vector.load %arg4[%get3A_58, %get3A_59, %get3A_60] : memref<16x8x4352xf32, #tpu.memory_space<vmem>>, vector<1x8x2048xf32>
    %get3A_62 = vector.shape_cast %get3A_61 : vector<1x8x2048xf32> to vector<8x2048xf32>
    %swap3A_63 = arith.constant 16 : index
    %swap3A_64 = arith.constant 0 : index
    %swap3A_65 = vector.load %arg3[%swap3A_63, %swap3A_64] : memref<1024x2048xf32, #tpu.memory_space<vmem>>, vector<8x2048xf32>
    tpu.vector_store %arg3[%swap3A_63, %swap3A_64], %get3A_62 {strides = array<i32>} : memref<1024x2048xf32, #tpu.memory_space<vmem>>, vector<8x2048xf32>,
    %sub3A_66 = arith.constant 2047 : i32
    %sub3A_67 = arith.subi %sub3A_66, %rem3A_19 : i32
    %sub3A_68 = arith.constant 24 : i32
    %sub3A_69 = arith.subi %sub3A_67, %sub3A_68 : i32
    %sub3A_70 = arith.constant 103 : i32
    %sub3A_71 = arith.subi %sub3A_69, %sub3A_70 : i32
    %multiple_of3A_72 = tpu.assume_multiple %sub3A_71, 128 : i32
    %get3A_73 = arith.constant 3 : index
    %get3A_74 = arith.constant 0 : index
    %get3A_75 = arith.index_cast %multiple_of3A_72 : i32 to index
    %get3A_76 = vector.load %arg4[%get3A_73, %get3A_74, %get3A_75] : memref<16x8x4352xf32, #tpu.memory_space<vmem>>, vector<1x8x2048xf32>
    %get3A_77 = vector.shape_cast %get3A_76 : vector<1x8x2048xf32> to vector<8x2048xf32>
    %swap3A_78 = arith.constant 24 : index
    %swap3A_79 = arith.constant 0 : index
    %swap3A_80 = vector.load %arg3[%swap3A_78, %swap3A_79] : memref<1024x2048xf32, #tpu.memory_space<vmem>>, vector<8x2048xf32>
    tpu.vector_store %arg3[%swap3A_78, %swap3A_79], %get3A_77 {strides = array<i32>} : memref<1024x2048xf32, #tpu.memory_space<vmem>>, vector<8x2048xf32>,
    %sub3A_81 = arith.constant 2047 : i32
    %sub3A_82 = arith.subi %sub3A_81, %rem3A_19 : i32
    %sub3A_83 = arith.constant 32 : i32
    %sub3A_84 = arith.subi %sub3A_82, %sub3A_83 : i32
    %sub3A_85 = arith.constant 95 : i32
    %sub3A_86 = arith.subi %sub3A_84, %sub3A_85 : i32
    %multiple_of3A_87 = tpu.assume_multiple %sub3A_86, 128 : i32
    %get3A_88 = arith.constant 4 : index
    %get3A_89 = arith.constant 0 : index
    %get3A_90 = arith.index_cast %multiple_of3A_87 : i32 to index
    %get3A_91 = vector.load %arg4[%get3A_88, %get3A_89, %get3A_90] : memref<16x8x4352xf32, #tpu.memory_space<vmem>>, vector<1x8x2048xf32>
    %get3A_92 = vector.shape_cast %get3A_91 : vector<1x8x2048xf32> to vector<8x2048xf32>
    %swap3A_93 = arith.constant 32 : index
    %swap3A_94 = arith.constant 0 : index
    %swap3A_95 = vector.load %arg3[%swap3A_93, %swap3A_94] : memref<1024x2048xf32, #tpu.memory_space<vmem>>, vector<8x2048xf32>
    tpu.vector_store %arg3[%swap3A_93, %swap3A_94], %get3A_92 {strides = array<i32>} : memref<1024x2048xf32, #tpu.memory_space<vmem>>, vector<8x2048xf32>,
    %sub3A_96 = arith.constant 2047 : i32
    %sub3A_97 = arith.subi %sub3A_96, %rem3A_19 : i32
    %sub3A_98 = arith.constant 40 : i32
    %sub3A_99 = arith.subi %sub3A_97, %sub3A_98 : i32
    %sub3A_100 = arith.constant 87 : i32
    %sub3A_101 = arith.subi %sub3A_99, %sub3A_100 : i32
    %multiple_of3A_102 = tpu.assume_multiple %sub3A_101, 128 : i32
    %get3A_103 = arith.constant 5 : index
    %get3A_104 = arith.constant 0 : index
    %get3A_105 = arith.index_cast %multiple_of3A_102 : i32 to index
    %get3A_106 = vector.load %arg4[%get3A_103, %get3A_104, %get3A_105] : memref<16x8x4352xf32, #tpu.memory_space<vmem>>, vector<1x8x2048xf32>
    %get3A_107 = vector.shape_cast %get3A_106 : vector<1x8x2048xf32> to vector<8x2048xf32>
    %swap3A_108 = arith.constant 40 : index
    %swap3A_109 = arith.constant 0 : index
    %swap3A_110 = vector.load %arg3[%swap3A_108, %swap3A_109] : memref<1024x2048xf32, #tpu.memory_space<vmem>>, vector<8x2048xf32>
    tpu.vector_store %arg3[%swap3A_108, %swap3A_109], %get3A_107 {strides = array<i32>} : memref<1024x2048xf32, #tpu.memory_space<vmem>>, vector<8x2048xf32>,
    %sub3A_111 = arith.constant 2047 : i32
    %sub3A_112 = arith.subi %sub3A_111, %rem3A_19 : i32
    %sub3A_113 = arith.constant 48 : i32
    %sub3A_114 = arith.subi %sub3A_112, %sub3A_113 : i32
    %sub3A_115 = arith.constant 79 : i32
    %sub3A_116 = arith.subi %sub3A_114, %sub3A_115 : i32
    %multiple_of3A_117 = tpu.assume_multiple %sub3A_116, 128 : i32
    %get3A_118 = arith.constant 6 : index
    %get3A_119 = arith.constant 0 : index
    %get3A_120 = arith.index_cast %multiple_of3A_117 : i32 to index
    %get3A_121 = vector.load %arg4[%get3A_118, %get3A_119, %get3A_120] : memref<16x8x4352xf32, #tpu.memory_space<vmem>>, vector<1x8x2048xf32>
    %get3A_122 = vector.shape_cast %get3A_121 : vector<1x8x2048xf32> to vector<8x2048xf32>
    %swap3A_123 = arith.constant 48 : index
    %swap3A_124 = arith.constant 0 : index
    %swap3A_125 = vector.load %arg3[%swap3A_123, %swap3A_124] : memref<1024x2048xf32, #tpu.memory_space<vmem>>, vector<8x2048xf32>
    tpu.vector_store %arg3[%swap3A_123, %swap3A_124], %get3A_122 {strides = array<i32>} : memref<1024x2048xf32, #tpu.memory_space<vmem>>, vector<8x2048xf32>,
    %sub3A_126 = arith.constant 2047 : i32
    %sub3A_127 = arith.subi %sub3A_126, %rem3A_19 : i32
    %sub3A_128 = arith.constant 56 : i32
    %sub3A_129 = arith.subi %sub3A_127, %sub3A_128 : i32
    %sub3A_130 = arith.constant 71 : i32
    %sub3A_131 = arith.subi %sub3A_129, %sub3A_130 : i32
    %multiple_of3A_132 = tpu.assume_multiple %sub3A_131, 128 : i32
    %get3A_133 = arith.constant 7 : index
    %get3A_134 = arith.constant 0 : index
    %get3A_135 = arith.index_cast %multiple_of3A_132 : i32 to index
    %get3A_136 = vector.load %arg4[%get3A_133, %get3A_134, %get3A_135] : memref<16x8x4352xf32, #tpu.memory_space<vmem>>, vector<1x8x2048xf32>
    %get3A_137 = vector.shape_cast %get3A_136 : vector<1x8x2048xf32> to vector<8x2048xf32>
    %swap3A_138 = arith.constant 56 : index
    %swap3A_139 = arith.constant 0 : index
    %swap3A_140 = vector.load %arg3[%swap3A_138, %swap3A_139] : memref<1024x2048xf32, #tpu.memory_space<vmem>>, vector<8x2048xf32>
    tpu.vector_store %arg3[%swap3A_138, %swap3A_139], %get3A_137 {strides = array<i32>} : memref<1024x2048xf32, #tpu.memory_space<vmem>>, vector<8x2048xf32>,
    %sub3A_141 = arith.constant 2047 : i32
    %sub3A_142 = arith.subi %sub3A_141, %rem3A_19 : i32
    %sub3A_143 = arith.constant 64 : i32
    %sub3A_144 = arith.subi %sub3A_142, %sub3A_143 : i32
    %sub3A_145 = arith.constant 63 : i32
    %sub3A_146 = arith.subi %sub3A_144, %sub3A_145 : i32
    %multiple_of3A_147 = tpu.assume_multiple %sub3A_146, 128 : i32
    %get3A_148 = arith.constant 8 : index
    %get3A_149 = arith.constant 0 : index
    %get3A_150 = arith.index_cast %multiple_of3A_147 : i32 to index
    %get3A_151 = vector.load %arg4[%get3A_148, %get3A_149, %get3A_150] : memref<16x8x4352xf32, #tpu.memory_space<vmem>>, vector<1x8x2048xf32>
    %get3A_152 = vector.shape_cast %get3A_151 : vector<1x8x2048xf32> to vector<8x2048xf32>
    %swap3A_153 = arith.constant 64 : index
    %swap3A_154 = arith.constant 0 : index
    %swap3A_155 = vector.load %arg3[%swap3A_153, %swap3A_154] : memref<1024x2048xf32, #tpu.memory_space<vmem>>, vector<8x2048xf32>
    tpu.vector_store %arg3[%swap3A_153, %swap3A_154], %get3A_152 {strides = array<i32>} : memref<1024x2048xf32, #tpu.memory_space<vmem>>, vector<8x2048xf32>,
    %sub3A_156 = arith.constant 2047 : i32
    %sub3A_157 = arith.subi %sub3A_156, %rem3A_19 : i32
    %sub3A_158 = arith.constant 72 : i32
    %sub3A_159 = arith.subi %sub3A_157, %sub3A_158 : i32
    %sub3A_160 = arith.constant 55 : i32
    %sub3A_161 = arith.subi %sub3A_159, %sub3A_160 : i32
    %multiple_of3A_162 = tpu.assume_multiple %sub3A_161, 128 : i32
    %get3A_163 = arith.constant 9 : index
    %get3A_164 = arith.constant 0 : index
    %get3A_165 = arith.index_cast %multiple_of3A_162 : i32 to index
    %get3A_166 = vector.load %arg4[%get3A_163, %get3A_164, %get3A_165] : memref<16x8x4352xf32, #tpu.memory_space<vmem>>, vector<1x8x2048xf32>
    %get3A_167 = vector.shape_cast %get3A_166 : vector<1x8x2048xf32> to vector<8x2048xf32>
    %swap3A_168 = arith.constant 72 : index
    %swap3A_169 = arith.constant 0 : index
    %swap3A_170 = vector.load %arg3[%swap3A_168, %swap3A_169] : memref<1024x2048xf32, #tpu.memory_space<vmem>>, vector<8x2048xf32>
    tpu.vector_store %arg3[%swap3A_168, %swap3A_169], %get3A_167 {strides = array<i32>} : memref<1024x2048xf32, #tpu.memory_space<vmem>>, vector<8x2048xf32>,
    %sub3A_171 = arith.constant 2047 : i32
    %sub3A_172 = arith.subi %sub3A_171, %rem3A_19 : i32
    %sub3A_173 = arith.constant 80 : i32
    %sub3A_174 = arith.subi %sub3A_172, %sub3A_173 : i32
    %sub3A_175 = arith.constant 47 : i32
    %sub3A_176 = arith.subi %sub3A_174, %sub3A_175 : i32
    %multiple_of3A_177 = tpu.assume_multiple %sub3A_176, 128 : i32
    %get3A_178 = arith.constant 10 : index
    %get3A_179 = arith.constant 0 : index
    %get3A_180 = arith.index_cast %multiple_of3A_177 : i32 to index
    %get3A_181 = vector.load %arg4[%get3A_178, %get3A_179, %get3A_180] : memref<16x8x4352xf32, #tpu.memory_space<vmem>>, vector<1x8x2048xf32>
    %get3A_182 = vector.shape_cast %get3A_181 : vector<1x8x2048xf32> to vector<8x2048xf32>
    %swap3A_183 = arith.constant 80 : index
    %swap3A_184 = arith.constant 0 : index
    %swap3A_185 = vector.load %arg3[%swap3A_183, %swap3A_184] : memref<1024x2048xf32, #tpu.memory_space<vmem>>, vector<8x2048xf32>
    tpu.vector_store %arg3[%swap3A_183, %swap3A_184], %get3A_182 {strides = array<i32>} : memref<1024x2048xf32, #tpu.memory_space<vmem>>, vector<8x2048xf32>,
    %sub3A_186 = arith.constant 2047 : i32
    %sub3A_187 = arith.subi %sub3A_186, %rem3A_19 : i32
    %sub3A_188 = arith.constant 88 : i32
    %sub3A_189 = arith.subi %sub3A_187, %sub3A_188 : i32
    %sub3A_190 = arith.constant 39 : i32
    %sub3A_191 = arith.subi %sub3A_189, %sub3A_190 : i32
    %multiple_of3A_192 = tpu.assume_multiple %sub3A_191, 128 : i32
    %get3A_193 = arith.constant 11 : index
    %get3A_194 = arith.constant 0 : index
    %get3A_195 = arith.index_cast %multiple_of3A_192 : i32 to index
    %get3A_196 = vector.load %arg4[%get3A_193, %get3A_194, %get3A_195] : memref<16x8x4352xf32, #tpu.memory_space<vmem>>, vector<1x8x2048xf32>
    %get3A_197 = vector.shape_cast %get3A_196 : vector<1x8x2048xf32> to vector<8x2048xf32>
    %swap3A_198 = arith.constant 88 : index
    %swap3A_199 = arith.constant 0 : index
    %swap3A_200 = vector.load %arg3[%swap3A_198, %swap3A_199] : memref<1024x2048xf32, #tpu.memory_space<vmem>>, vector<8x2048xf32>
    tpu.vector_store %arg3[%swap3A_198, %swap3A_199], %get3A_197 {strides = array<i32>} : memref<1024x2048xf32, #tpu.memory_space<vmem>>, vector<8x2048xf32>,
    %sub3A_201 = arith.constant 2047 : i32
    %sub3A_202 = arith.subi %sub3A_201, %rem3A_19 : i32
    %sub3A_203 = arith.constant 96 : i32
    %sub3A_204 = arith.subi %sub3A_202, %sub3A_203 : i32
    %sub3A_205 = arith.constant 31 : i32
    %sub3A_206 = arith.subi %sub3A_204, %sub3A_205 : i32
    %multiple_of3A_207 = tpu.assume_multiple %sub3A_206, 128 : i32
    %get3A_208 = arith.constant 12 : index
    %get3A_209 = arith.constant 0 : index
    %get3A_210 = arith.index_cast %multiple_of3A_207 : i32 to index
    %get3A_211 = vector.load %arg4[%get3A_208, %get3A_209, %get3A_210] : memref<16x8x4352xf32, #tpu.memory_space<vmem>>, vector<1x8x2048xf32>
    %get3A_212 = vector.shape_cast %get3A_211 : vector<1x8x2048xf32> to vector<8x2048xf32>
    %swap3A_213 = arith.constant 96 : index
    %swap3A_214 = arith.constant 0 : index
    %swap3A_215 = vector.load %arg3[%swap3A_213, %swap3A_214] : memref<1024x2048xf32, #tpu.memory_space<vmem>>, vector<8x2048xf32>
    tpu.vector_store %arg3[%swap3A_213, %swap3A_214], %get3A_212 {strides = array<i32>} : memref<1024x2048xf32, #tpu.memory_space<vmem>>, vector<8x2048xf32>,
    %sub3A_216 = arith.constant 2047 : i32
    %sub3A_217 = arith.subi %sub3A_216, %rem3A_19 : i32
    %sub3A_218 = arith.constant 104 : i32
    %sub3A_219 = arith.subi %sub3A_217, %sub3A_218 : i32
    %sub3A_220 = arith.constant 23 : i32
    %sub3A_221 = arith.subi %sub3A_219, %sub3A_220 : i32
    %multiple_of3A_222 = tpu.assume_multiple %sub3A_221, 128 : i32
    %get3A_223 = arith.constant 13 : index
    %get3A_224 = arith.constant 0 : index
    %get3A_225 = arith.index_cast %multiple_of3A_222 : i32 to index
    %get3A_226 = vector.load %arg4[%get3A_223, %get3A_224, %get3A_225] : memref<16x8x4352xf32, #tpu.memory_space<vmem>>, vector<1x8x2048xf32>
    %get3A_227 = vector.shape_cast %get3A_226 : vector<1x8x2048xf32> to vector<8x2048xf32>
    %swap3A_228 = arith.constant 104 : index
    %swap3A_229 = arith.constant 0 : index
    %swap3A_230 = vector.load %arg3[%swap3A_228, %swap3A_229] : memref<1024x2048xf32, #tpu.memory_space<vmem>>, vector<8x2048xf32>
    tpu.vector_store %arg3[%swap3A_228, %swap3A_229], %get3A_227 {strides = array<i32>} : memref<1024x2048xf32, #tpu.memory_space<vmem>>, vector<8x2048xf32>,
    %sub3A_231 = arith.constant 2047 : i32
    %sub3A_232 = arith.subi %sub3A_231, %rem3A_19 : i32
    %sub3A_233 = arith.constant 112 : i32
    %sub3A_234 = arith.subi %sub3A_232, %sub3A_233 : i32
    %sub3A_235 = arith.constant 15 : i32
    %sub3A_236 = arith.subi %sub3A_234, %sub3A_235 : i32
    %multiple_of3A_237 = tpu.assume_multiple %sub3A_236, 128 : i32
    %get3A_238 = arith.constant 14 : index
    %get3A_239 = arith.constant 0 : index
    %get3A_240 = arith.index_cast %multiple_of3A_237 : i32 to index
    %get3A_241 = vector.load %arg4[%get3A_238, %get3A_239, %get3A_240] : memref<16x8x4352xf32, #tpu.memory_space<vmem>>, vector<1x8x2048xf32>
    %get3A_242 = vector.shape_cast %get3A_241 : vector<1x8x2048xf32> to vector<8x2048xf32>
    %swap3A_243 = arith.constant 112 : index
    %swap3A_244 = arith.constant 0 : index
    %swap3A_245 = vector.load %arg3[%swap3A_243, %swap3A_244] : memref<1024x2048xf32, #tpu.memory_space<vmem>>, vector<8x2048xf32>
    tpu.vector_store %arg3[%swap3A_243, %swap3A_244], %get3A_242 {strides = array<i32>} : memref<1024x2048xf32, #tpu.memory_space<vmem>>, vector<8x2048xf32>,
    %sub3A_246 = arith.constant 2047 : i32
    %sub3A_247 = arith.subi %sub3A_246, %rem3A_19 : i32
    %sub3A_248 = arith.constant 120 : i32
    %sub3A_249 = arith.subi %sub3A_247, %sub3A_248 : i32
    %sub3A_250 = arith.constant 7 : i32
    %sub3A_251 = arith.subi %sub3A_249, %sub3A_250 : i32
    %multiple_of3A_252 = tpu.assume_multiple %sub3A_251, 128 : i32
    %get3A_253 = arith.constant 15 : index
    %get3A_254 = arith.constant 0 : index
    %get3A_255 = arith.index_cast %multiple_of3A_252 : i32 to index
    %get3A_256 = vector.load %arg4[%get3A_253, %get3A_254, %get3A_255] : memref<16x8x4352xf32, #tpu.memory_space<vmem>>, vector<1x8x2048xf32>
    %get3A_257 = vector.shape_cast %get3A_256 : vector<1x8x2048xf32> to vector<8x2048xf32>
    %swap3A_258 = arith.constant 120 : index
    %swap3A_259 = arith.constant 0 : index
    %swap3A_260 = vector.load %arg3[%swap3A_258, %swap3A_259] : memref<1024x2048xf32, #tpu.memory_space<vmem>>, vector<8x2048xf32>
    tpu.vector_store %arg3[%swap3A_258, %swap3A_259], %get3A_257 {strides = array<i32>} : memref<1024x2048xf32, #tpu.memory_space<vmem>>, vector<8x2048xf32>,
    %sub3A_261 = arith.constant 2047 : i32
    %sub3A_262 = arith.subi %sub3A_261, %rem3A_19 : i32
    %sub3A_263 = arith.constant 128 : i32
    %sub3A_264 = arith.subi %sub3A_262, %sub3A_263 : i32
    %sub3A_265 = arith.constant 127 : i32
    %sub3A_266 = arith.subi %sub3A_264, %sub3A_265 : i32
    %multiple_of3A_267 = tpu.assume_multiple %sub3A_266, 128 : i32
    %get3A_268 = arith.constant 0 : index
    %get3A_269 = arith.constant 0 : index
    %get3A_270 = arith.index_cast %multiple_of3A_267 : i32 to index
    %get3A_271 = vector.load %arg4[%get3A_268, %get3A_269, %get3A_270] : memref<16x8x4352xf32, #tpu.memory_space<vmem>>, vector<1x8x2048xf32>
    %get3A_272 = vector.shape_cast %get3A_271 : vector<1x8x2048xf32> to vector<8x2048xf32>
    %swap3A_273 = arith.constant 128 : index
    %swap3A_274 = arith.constant 0 : index
    %swap3A_275 = vector.load %arg3[%swap3A_273, %swap3A_274] : memref<1024x2048xf32, #tpu.memory_space<vmem>>, vector<8x2048xf32>
    tpu.vector_store %arg3[%swap3A_273, %swap3A_274], %get3A_272 {strides = array<i32>} : memref<1024x2048xf32, #tpu.memory_space<vmem>>, vector<8x2048xf32>,
    %sub3A_276 = arith.constant 2047 : i32
    %sub3A_277 = arith.subi %sub3A_276, %rem3A_19 : i32
    %sub3A_278 = arith.constant 136 : i32
    %sub3A_279 = arith.subi %sub3A_277, %sub3A_278 : i32
    %sub3A_280 = arith.constant 119 : i32
    %sub3A_281 = arith.subi %sub3A_279, %sub3A_280 : i32
    %multiple_of3A_282 = tpu.assume_multiple %sub3A_281, 128 : i32
    %get3A_283 = arith.constant 1 : index
    %get3A_284 = arith.constant 0 : index
    %get3A_285 = arith.index_cast %multiple_of3A_282 : i32 to index
    %get3A_286 = vector.load %arg4[%get3A_283, %get3A_284, %get3A_285] : memref<16x8x4352xf32, #tpu.memory_space<vmem>>, vector<1x8x2048xf32>
    %get3A_287 = vector.shape_cast %get3A_286 : vector<1x8x2048xf32> to vector<8x2048xf32>
    %swap3A_288 = arith.constant 136 : index
    %swap3A_289 = arith.constant 0 : index
    %swap3A_290 = vector.load %arg3[%swap3A_288, %swap3A_289] : memref<1024x2048xf32, #tpu.memory_space<vmem>>, vector<8x2048xf32>
    tpu.vector_store %arg3[%swap3A_288, %swap3A_289], %get3A_287 {strides = array<i32>} : memref<1024x2048xf32, #tpu.memory_space<vmem>>, vector<8x2048xf32>,
    %sub3A_291 = arith.constant 2047 : i32
    %sub3A_292 = arith.subi %sub3A_291, %rem3A_19 : i32
    %sub3A_293 = arith.constant 144 : i32
    %sub3A_294 = arith.subi %sub3A_292, %sub3A_293 : i32
    %sub3A_295 = arith.constant 111 : i32
    %sub3A_296 = arith.subi %sub3A_294, %sub3A_295 : i32
    %multiple_of3A_297 = tpu.assume_multiple %sub3A_296, 128 : i32
    %get3A_298 = arith.constant 2 : index
    %get3A_299 = arith.constant 0 : index
    %get3A_300 = arith.index_cast %multiple_of3A_297 : i32 to index
    %get3A_301 = vector.load %arg4[%get3A_298, %get3A_299, %get3A_300] : memref<16x8x4352xf32, #tpu.memory_space<vmem>>, vector<1x8x2048xf32>
    %get3A_302 = vector.shape_cast %get3A_301 : vector<1x8x2048xf32> to vector<8x2048xf32>
    %swap3A_303 = arith.constant 144 : index
    %swap3A_304 = arith.constant 0 : index
    %swap3A_305 = vector.load %arg3[%swap3A_303, %swap3A_304] : memref<1024x2048xf32, #tpu.memory_space<vmem>>, vector<8x2048xf32>
    tpu.vector_store %arg3[%swap3A_303, %swap3A_304], %get3A_302 {strides = array<i32>} : memref<1024x2048xf32, #tpu.memory_space<vmem>>, vector<8x2048xf32>,
    %sub3A_306 = arith.constant 2047 : i32
    %sub3A_307 = arith.subi %sub3A_306, %rem3A_19 : i32
    %sub3A_308 = arith.constant 152 : i32
    %sub3A_309 = arith.subi %sub3A_307, %sub3A_308 : i32
    %sub3A_310 = arith.constant 103 : i32
    %sub3A_311 = arith.subi %sub3A_309, %sub3A_310 : i32
    %multiple_of3A_312 = tpu.assume_multiple %sub3A_311, 128 : i32
    %get3A_313 = arith.constant 3 : index
    %get3A_314 = arith.constant 0 : index
    %get3A_315 = arith.index_cast %multiple_of3A_312 : i32 to index
    %get3A_316 = vector.load %arg4[%get3A_313, %get3A_314, %get3A_315] : memref<16x8x4352xf32, #tpu.memory_space<vmem>>, vector<1x8x2048xf32>
    %get3A_317 = vector.shape_cast %get3A_316 : vector<1x8x2048xf32> to vector<8x2048xf32>
    %swap3A_318 = arith.constant 152 : index
    %swap3A_319 = arith.constant 0 : index
    %swap3A_320 = vector.load %arg3[%swap3A_318, %swap3A_319] : memref<1024x2048xf32, #tpu.memory_space<vmem>>, vector<8x2048xf32>
    tpu.vector_store %arg3[%swap3A_318, %swap3A_319], %get3A_317 {strides = array<i32>} : memref<1024x2048xf32, #tpu.memory_space<vmem>>, vector<8x2048xf32>,
    %sub3A_321 = arith.constant 2047 : i32
    %sub3A_322 = arith.subi %sub3A_321, %rem3A_19 : i32
    %sub3A_323 = arith.constant 160 : i32
    %sub3A_324 = arith.subi %sub3A_322, %sub3A_323 : i32
    %sub3A_325 = arith.constant 95 : i32
    %sub3A_326 = arith.subi %sub3A_324, %sub3A_325 : i32
    %multiple_of3A_327 = tpu.assume_multiple %sub3A_326, 128 : i32
    %get3A_328 = arith.constant 4 : index
    %get3A_329 = arith.constant 0 : index
    %get3A_330 = arith.index_cast %multiple_of3A_327 : i32 to index
    %get3A_331 = vector.load %arg4[%get3A_328, %get3A_329, %get3A_330] : memref<16x8x4352xf32, #tpu.memory_space<vmem>>, vector<1x8x2048xf32>
    %get3A_332 = vector.shape_cast %get3A_331 : vector<1x8x2048xf32> to vector<8x2048xf32>
    %swap3A_333 = arith.constant 160 : index
    %swap3A_334 = arith.constant 0 : index
    %swap3A_335 = vector.load %arg3[%swap3A_333, %swap3A_334] : memref<1024x2048xf32, #tpu.memory_space<vmem>>, vector<8x2048xf32>
    tpu.vector_store %arg3[%swap3A_333, %swap3A_334], %get3A_332 {strides = array<i32>} : memref<1024x2048xf32, #tpu.memory_space<vmem>>, vector<8x2048xf32>,
    %sub3A_336 = arith.constant 2047 : i32
    %sub3A_337 = arith.subi %sub3A_336, %rem3A_19 : i32
    %sub3A_338 = arith.constant 168 : i32
    %sub3A_339 = arith.subi %sub3A_337, %sub3A_338 : i32
    %sub3A_340 = arith.constant 87 : i32
    %sub3A_341 = arith.subi %sub3A_339, %sub3A_340 : i32
    %multiple_of3A_342 = tpu.assume_multiple %sub3A_341, 128 : i32
    %get3A_343 = arith.constant 5 : index
    %get3A_344 = arith.constant 0 : index
    %get3A_345 = arith.index_cast %multiple_of3A_342 : i32 to index
    %get3A_346 = vector.load %arg4[%get3A_343, %get3A_344, %get3A_345] : memref<16x8x4352xf32, #tpu.memory_space<vmem>>, vector<1x8x2048xf32>
    %get3A_347 = vector.shape_cast %get3A_346 : vector<1x8x2048xf32> to vector<8x2048xf32>
    %swap3A_348 = arith.constant 168 : index
    %swap3A_349 = arith.constant 0 : index
    %swap3A_350 = vector.load %arg3[%swap3A_348, %swap3A_349] : memref<1024x2048xf32, #tpu.memory_space<vmem>>, vector<8x2048xf32>
    tpu.vector_store %arg3[%swap3A_348, %swap3A_349], %get3A_347 {strides = array<i32>} : memref<1024x2048xf32, #tpu.memory_space<vmem>>, vector<8x2048xf32>,
    %sub3A_351 = arith.constant 2047 : i32
    %sub3A_352 = arith.subi %sub3A_351, %rem3A_19 : i32
    %sub3A_353 = arith.constant 176 : i32
    %sub3A_354 = arith.subi %sub3A_352, %sub3A_353 : i32
    %sub3A_355 = arith.constant 79 : i32
    %sub3A_356 = arith.subi %sub3A_354, %sub3A_355 : i32
    %multiple_of3A_357 = tpu.assume_multiple %sub3A_356, 128 : i32
    %get3A_358 = arith.constant 6 : index
    %get3A_359 = arith.constant 0 : index
    %get3A_360 = arith.index_cast %multiple_of3A_357 : i32 to index
    %get3A_361 = vector.load %arg4[%get3A_358, %get3A_359, %get3A_360] : memref<16x8x4352xf32, #tpu.memory_space<vmem>>, vector<1x8x2048xf32>
    %get3A_362 = vector.shape_cast %get3A_361 : vector<1x8x2048xf32> to vector<8x2048xf32>
    %swap3A_363 = arith.constant 176 : index
    %swap3A_364 = arith.constant 0 : index
    %swap3A_365 = vector.load %arg3[%swap3A_363, %swap3A_364] : memref<1024x2048xf32, #tpu.memory_space<vmem>>, vector<8x2048xf32>
    tpu.vector_store %arg3[%swap3A_363, %swap3A_364], %get3A_362 {strides = array<i32>} : memref<1024x2048xf32, #tpu.memory_space<vmem>>, vector<8x2048xf32>,
    %sub3A_366 = arith.constant 2047 : i32
    %sub3A_367 = arith.subi %sub3A_366, %rem3A_19 : i32
    %sub3A_368 = arith.constant 184 : i32
    %sub3A_369 = arith.subi %sub3A_367, %sub3A_368 : i32
    %sub3A_370 = arith.constant 71 : i32
    %sub3A_371 = arith.subi %sub3A_369, %sub3A_370 : i32
    %multiple_of3A_372 = tpu.assume_multiple %sub3A_371, 128 : i32
    %get3A_373 = arith.constant 7 : index
    %get3A_374 = arith.constant 0 : index
    %get3A_375 = arith.index_cast %multiple_of3A_372 : i32 to index
    %get3A_376 = vector.load %arg4[%get3A_373, %get3A_374, %get3A_375] : memref<16x8x4352xf32, #tpu.memory_space<vmem>>, vector<1x8x2048xf32>
    %get3A_377 = vector.shape_cast %get3A_376 : vector<1x8x2048xf32> to vector<8x2048xf32>
    %swap3A_378 = arith.constant 184 : index
    %swap3A_379 = arith.constant 0 : index
    %swap3A_380 = vector.load %arg3[%swap3A_378, %swap3A_379] : memref<1024x2048xf32, #tpu.memory_space<vmem>>, vector<8x2048xf32>
    tpu.vector_store %arg3[%swap3A_378, %swap3A_379], %get3A_377 {strides = array<i32>} : memref<1024x2048xf32, #tpu.memory_space<vmem>>, vector<8x2048xf32>,
    %sub3A_381 = arith.constant 2047 : i32
    %sub3A_382 = arith.subi %sub3A_381, %rem3A_19 : i32
    %sub3A_383 = arith.constant 192 : i32
    %sub3A_384 = arith.subi %sub3A_382, %sub3A_383 : i32
    %sub3A_385 = arith.constant 63 : i32
    %sub3A_386 = arith.subi %sub3A_384, %sub3A_385 : i32
    %multiple_of3A_387 = tpu.assume_multiple %sub3A_386, 128 : i32
    %get3A_388 = arith.constant 8 : index
    %get3A_389 = arith.constant 0 : index
    %get3A_390 = arith.index_cast %multiple_of3A_387 : i32 to index
    %get3A_391 = vector.load %arg4[%get3A_388, %get3A_389, %get3A_390] : memref<16x8x4352xf32, #tpu.memory_space<vmem>>, vector<1x8x2048xf32>
    %get3A_392 = vector.shape_cast %get3A_391 : vector<1x8x2048xf32> to vector<8x2048xf32>
    %swap3A_393 = arith.constant 192 : index
    %swap3A_394 = arith.constant 0 : index
    %swap3A_395 = vector.load %arg3[%swap3A_393, %swap3A_394] : memref<1024x2048xf32, #tpu.memory_space<vmem>>, vector<8x2048xf32>
    tpu.vector_store %arg3[%swap3A_393, %swap3A_394], %get3A_392 {strides = array<i32>} : memref<1024x2048xf32, #tpu.memory_space<vmem>>, vector<8x2048xf32>,
    %sub3A_396 = arith.constant 2047 : i32
    %sub3A_397 = arith.subi %sub3A_396, %rem3A_19 : i32
    %sub3A_398 = arith.constant 200 : i32
    %sub3A_399 = arith.subi %sub3A_397, %sub3A_398 : i32
    %sub3A_400 = arith.constant 55 : i32
    %sub3A_401 = arith.subi %sub3A_399, %sub3A_400 : i32
    %multiple_of3A_402 = tpu.assume_multiple %sub3A_401, 128 : i32
    %get3A_403 = arith.constant 9 : index
    %get3A_404 = arith.constant 0 : index
    %get3A_405 = arith.index_cast %multiple_of3A_402 : i32 to index
    %get3A_406 = vector.load %arg4[%get3A_403, %get3A_404, %get3A_405] : memref<16x8x4352xf32, #tpu.memory_space<vmem>>, vector<1x8x2048xf32>
    %get3A_407 = vector.shape_cast %get3A_406 : vector<1x8x2048xf32> to vector<8x2048xf32>
    %swap3A_408 = arith.constant 200 : index
    %swap3A_409 = arith.constant 0 : index
    %swap3A_410 = vector.load %arg3[%swap3A_408, %swap3A_409] : memref<1024x2048xf32, #tpu.memory_space<vmem>>, vector<8x2048xf32>
    tpu.vector_store %arg3[%swap3A_408, %swap3A_409], %get3A_407 {strides = array<i32>} : memref<1024x2048xf32, #tpu.memory_space<vmem>>, vector<8x2048xf32>,
    %sub3A_411 = arith.constant 2047 : i32
    %sub3A_412 = arith.subi %sub3A_411, %rem3A_19 : i32
    %sub3A_413 = arith.constant 208 : i32
    %sub3A_414 = arith.subi %sub3A_412, %sub3A_413 : i32
    %sub3A_415 = arith.constant 47 : i32
    %sub3A_416 = arith.subi %sub3A_414, %sub3A_415 : i32
    %multiple_of3A_417 = tpu.assume_multiple %sub3A_416, 128 : i32
    %get3A_418 = arith.constant 10 : index
    %get3A_419 = arith.constant 0 : index
    %get3A_420 = arith.index_cast %multiple_of3A_417 : i32 to index
    %get3A_421 = vector.load %arg4[%get3A_418, %get3A_419, %get3A_420] : memref<16x8x4352xf32, #tpu.memory_space<vmem>>, vector<1x8x2048xf32>
    %get3A_422 = vector.shape_cast %get3A_421 : vector<1x8x2048xf32> to vector<8x2048xf32>
    %swap3A_423 = arith.constant 208 : index
    %swap3A_424 = arith.constant 0 : index
    %swap3A_425 = vector.load %arg3[%swap3A_423, %swap3A_424] : memref<1024x2048xf32, #tpu.memory_space<vmem>>, vector<8x2048xf32>
    tpu.vector_store %arg3[%swap3A_423, %swap3A_424], %get3A_422 {strides = array<i32>} : memref<1024x2048xf32, #tpu.memory_space<vmem>>, vector<8x2048xf32>,
    %sub3A_426 = arith.constant 2047 : i32
    %sub3A_427 = arith.subi %sub3A_426, %rem3A_19 : i32
    %sub3A_428 = arith.constant 216 : i32
    %sub3A_429 = arith.subi %sub3A_427, %sub3A_428 : i32
    %sub3A_430 = arith.constant 39 : i32
    %sub3A_431 = arith.subi %sub3A_429, %sub3A_430 : i32
    %multiple_of3A_432 = tpu.assume_multiple %sub3A_431, 128 : i32
    %get3A_433 = arith.constant 11 : index
    %get3A_434 = arith.constant 0 : index
    %get3A_435 = arith.index_cast %multiple_of3A_432 : i32 to index
    %get3A_436 = vector.load %arg4[%get3A_433, %get3A_434, %get3A_435] : memref<16x8x4352xf32, #tpu.memory_space<vmem>>, vector<1x8x2048xf32>
    %get3A_437 = vector.shape_cast %get3A_436 : vector<1x8x2048xf32> to vector<8x2048xf32>
    %swap3A_438 = arith.constant 216 : index
    %swap3A_439 = arith.constant 0 : index
    %swap3A_440 = vector.load %arg3[%swap3A_438, %swap3A_439] : memref<1024x2048xf32, #tpu.memory_space<vmem>>, vector<8x2048xf32>
    tpu.vector_store %arg3[%swap3A_438, %swap3A_439], %get3A_437 {strides = array<i32>} : memref<1024x2048xf32, #tpu.memory_space<vmem>>, vector<8x2048xf32>,
    %sub3A_441 = arith.constant 2047 : i32
    %sub3A_442 = arith.subi %sub3A_441, %rem3A_19 : i32
    %sub3A_443 = arith.constant 224 : i32
    %sub3A_444 = arith.subi %sub3A_442, %sub3A_443 : i32
    %sub3A_445 = arith.constant 31 : i32
    %sub3A_446 = arith.subi %sub3A_444, %sub3A_445 : i32
    %multiple_of3A_447 = tpu.assume_multiple %sub3A_446, 128 : i32
    %get3A_448 = arith.constant 12 : index
    %get3A_449 = arith.constant 0 : index
    %get3A_450 = arith.index_cast %multiple_of3A_447 : i32 to index
    %get3A_451 = vector.load %arg4[%get3A_448, %get3A_449, %get3A_450] : memref<16x8x4352xf32, #tpu.memory_space<vmem>>, vector<1x8x2048xf32>
    %get3A_452 = vector.shape_cast %get3A_451 : vector<1x8x2048xf32> to vector<8x2048xf32>
    %swap3A_453 = arith.constant 224 : index
    %swap3A_454 = arith.constant 0 : index
    %swap3A_455 = vector.load %arg3[%swap3A_453, %swap3A_454] : memref<1024x2048xf32, #tpu.memory_space<vmem>>, vector<8x2048xf32>
    tpu.vector_store %arg3[%swap3A_453, %swap3A_454], %get3A_452 {strides = array<i32>} : memref<1024x2048xf32, #tpu.memory_space<vmem>>, vector<8x2048xf32>,
    %sub3A_456 = arith.constant 2047 : i32
    %sub3A_457 = arith.subi %sub3A_456, %rem3A_19 : i32
    %sub3A_458 = arith.constant 232 : i32
    %sub3A_459 = arith.subi %sub3A_457, %sub3A_458 : i32
    %sub3A_460 = arith.constant 23 : i32
    %sub3A_461 = arith.subi %sub3A_459, %sub3A_460 : i32
    %multiple_of3A_462 = tpu.assume_multiple %sub3A_461, 128 : i32
    %get3A_463 = arith.constant 13 : index
    %get3A_464 = arith.constant 0 : index
    %get3A_465 = arith.index_cast %multiple_of3A_462 : i32 to index
    %get3A_466 = vector.load %arg4[%get3A_463, %get3A_464, %get3A_465] : memref<16x8x4352xf32, #tpu.memory_space<vmem>>, vector<1x8x2048xf32>
    %get3A_467 = vector.shape_cast %get3A_466 : vector<1x8x2048xf32> to vector<8x2048xf32>
    %swap3A_468 = arith.constant 232 : index
    %swap3A_469 = arith.constant 0 : index
    %swap3A_470 = vector.load %arg3[%swap3A_468, %swap3A_469] : memref<1024x2048xf32, #tpu.memory_space<vmem>>, vector<8x2048xf32>
    tpu.vector_store %arg3[%swap3A_468, %swap3A_469], %get3A_467 {strides = array<i32>} : memref<1024x2048xf32, #tpu.memory_space<vmem>>, vector<8x2048xf32>,
    %sub3A_471 = arith.constant 2047 : i32
    %sub3A_472 = arith.subi %sub3A_471, %rem3A_19 : i32
    %sub3A_473 = arith.constant 240 : i32
    %sub3A_474 = arith.subi %sub3A_472, %sub3A_473 : i32
    %sub3A_475 = arith.constant 15 : i32
    %sub3A_476 = arith.subi %sub3A_474, %sub3A_475 : i32
    %multiple_of3A_477 = tpu.assume_multiple %sub3A_476, 128 : i32
    %get3A_478 = arith.constant 14 : index
    %get3A_479 = arith.constant 0 : index
    %get3A_480 = arith.index_cast %multiple_of3A_477 : i32 to index
    %get3A_481 = vector.load %arg4[%get3A_478, %get3A_479, %get3A_480] : memref<16x8x4352xf32, #tpu.memory_space<vmem>>, vector<1x8x2048xf32>
    %get3A_482 = vector.shape_cast %get3A_481 : vector<1x8x2048xf32> to vector<8x2048xf32>
    %swap3A_483 = arith.constant 240 : index
    %swap3A_484 = arith.constant 0 : index
    %swap3A_485 = vector.load %arg3[%swap3A_483, %swap3A_484] : memref<1024x2048xf32, #tpu.memory_space<vmem>>, vector<8x2048xf32>
    tpu.vector_store %arg3[%swap3A_483, %swap3A_484], %get3A_482 {strides = array<i32>} : memref<1024x2048xf32, #tpu.memory_space<vmem>>, vector<8x2048xf32>,
    %sub3A_486 = arith.constant 2047 : i32
    %sub3A_487 = arith.subi %sub3A_486, %rem3A_19 : i32
    %sub3A_488 = arith.constant 248 : i32
    %sub3A_489 = arith.subi %sub3A_487, %sub3A_488 : i32
    %sub3A_490 = arith.constant 7 : i32
    %sub3A_491 = arith.subi %sub3A_489, %sub3A_490 : i32
    %multiple_of3A_492 = tpu.assume_multiple %sub3A_491, 128 : i32
    %get3A_493 = arith.constant 15 : index
    %get3A_494 = arith.constant 0 : index
    %get3A_495 = arith.index_cast %multiple_of3A_492 : i32 to index
    %get3A_496 = vector.load %arg4[%get3A_493, %get3A_494, %get3A_495] : memref<16x8x4352xf32, #tpu.memory_space<vmem>>, vector<1x8x2048xf32>
    %get3A_497 = vector.shape_cast %get3A_496 : vector<1x8x2048xf32> to vector<8x2048xf32>
    %swap3A_498 = arith.constant 248 : index
    %swap3A_499 = arith.constant 0 : index
    %swap3A_500 = vector.load %arg3[%swap3A_498, %swap3A_499] : memref<1024x2048xf32, #tpu.memory_space<vmem>>, vector<8x2048xf32>
    tpu.vector_store %arg3[%swap3A_498, %swap3A_499], %get3A_497 {strides = array<i32>} : memref<1024x2048xf32, #tpu.memory_space<vmem>>, vector<8x2048xf32>,
    %sub3A_501 = arith.constant 2047 : i32
    %sub3A_502 = arith.subi %sub3A_501, %rem3A_19 : i32
    %sub3A_503 = arith.constant 256 : i32
    %sub3A_504 = arith.subi %sub3A_502, %sub3A_503 : i32
    %sub3A_505 = arith.constant 127 : i32
    %sub3A_506 = arith.subi %sub3A_504, %sub3A_505 : i32
    %multiple_of3A_507 = tpu.assume_multiple %sub3A_506, 128 : i32
    %get3A_508 = arith.constant 0 : index
    %get3A_509 = arith.constant 0 : index
    %get3A_510 = arith.index_cast %multiple_of3A_507 : i32 to index
    %get3A_511 = vector.load %arg4[%get3A_508, %get3A_509, %get3A_510] : memref<16x8x4352xf32, #tpu.memory_space<vmem>>, vector<1x8x2048xf32>
    %get3A_512 = vector.shape_cast %get3A_511 : vector<1x8x2048xf32> to vector<8x2048xf32>
    %swap3A_513 = arith.constant 256 : index
    %swap3A_514 = arith.constant 0 : index
    %swap3A_515 = vector.load %arg3[%swap3A_513, %swap3A_514] : memref<1024x2048xf32, #tpu.memory_space<vmem>>, vector<8x2048xf32>
    tpu.vector_store %arg3[%swap3A_513, %swap3A_514], %get3A_512 {strides = array<i32>} : memref<1024x2048xf32, #tpu.memory_space<vmem>>, vector<8x2048xf32>,
    %sub3A_516 = arith.constant 2047 : i32
    %sub3A_517 = arith.subi %sub3A_516, %rem3A_19 : i32
    %sub3A_518 = arith.constant 264 : i32
    %sub3A_519 = arith.subi %sub3A_517, %sub3A_518 : i32
    %sub3A_520 = arith.constant 119 : i32
    %sub3A_521 = arith.subi %sub3A_519, %sub3A_520 : i32
    %multiple_of3A_522 = tpu.assume_multiple %sub3A_521, 128 : i32
    %get3A_523 = arith.constant 1 : index
    %get3A_524 = arith.constant 0 : index
    %get3A_525 = arith.index_cast %multiple_of3A_522 : i32 to index
    %get3A_526 = vector.load %arg4[%get3A_523, %get3A_524, %get3A_525] : memref<16x8x4352xf32, #tpu.memory_space<vmem>>, vector<1x8x2048xf32>
    %get3A_527 = vector.shape_cast %get3A_526 : vector<1x8x2048xf32> to vector<8x2048xf32>
    %swap3A_528 = arith.constant 264 : index
    %swap3A_529 = arith.constant 0 : index
    %swap3A_530 = vector.load %arg3[%swap3A_528, %swap3A_529] : memref<1024x2048xf32, #tpu.memory_space<vmem>>, vector<8x2048xf32>
    tpu.vector_store %arg3[%swap3A_528, %swap3A_529], %get3A_527 {strides = array<i32>} : memref<1024x2048xf32, #tpu.memory_space<vmem>>, vector<8x2048xf32>,
    %sub3A_531 = arith.constant 2047 : i32
    %sub3A_532 = arith.subi %sub3A_531, %rem3A_19 : i32
    %sub3A_533 = arith.constant 272 : i32
    %sub3A_534 = arith.subi %sub3A_532, %sub3A_533 : i32
    %sub3A_535 = arith.constant 111 : i32
    %sub3A_536 = arith.subi %sub3A_534, %sub3A_535 : i32
    %multiple_of3A_537 = tpu.assume_multiple %sub3A_536, 128 : i32
    %get3A_538 = arith.constant 2 : index
    %get3A_539 = arith.constant 0 : index
    %get3A_540 = arith.index_cast %multiple_of3A_537 : i32 to index
    %get3A_541 = vector.load %arg4[%get3A_538, %get3A_539, %get3A_540] : memref<16x8x4352xf32, #tpu.memory_space<vmem>>, vector<1x8x2048xf32>
    %get3A_542 = vector.shape_cast %get3A_541 : vector<1x8x2048xf32> to vector<8x2048xf32>
    %swap3A_543 = arith.constant 272 : index
    %swap3A_544 = arith.constant 0 : index
    %swap3A_545 = vector.load %arg3[%swap3A_543, %swap3A_544] : memref<1024x2048xf32, #tpu.memory_space<vmem>>, vector<8x2048xf32>
    tpu.vector_store %arg3[%swap3A_543, %swap3A_544], %get3A_542 {strides = array<i32>} : memref<1024x2048xf32, #tpu.memory_space<vmem>>, vector<8x2048xf32>,
    %sub3A_546 = arith.constant 2047 : i32
    %sub3A_547 = arith.subi %sub3A_546, %rem3A_19 : i32
    %sub3A_548 = arith.constant 280 : i32
    %sub3A_549 = arith.subi %sub3A_547, %sub3A_548 : i32
    %sub3A_550 = arith.constant 103 : i32
    %sub3A_551 = arith.subi %sub3A_549, %sub3A_550 : i32
    %multiple_of3A_552 = tpu.assume_multiple %sub3A_551, 128 : i32
    %get3A_553 = arith.constant 3 : index
    %get3A_554 = arith.constant 0 : index
    %get3A_555 = arith.index_cast %multiple_of3A_552 : i32 to index
    %get3A_556 = vector.load %arg4[%get3A_553, %get3A_554, %get3A_555] : memref<16x8x4352xf32, #tpu.memory_space<vmem>>, vector<1x8x2048xf32>
    %get3A_557 = vector.shape_cast %get3A_556 : vector<1x8x2048xf32> to vector<8x2048xf32>
    %swap3A_558 = arith.constant 280 : index
    %swap3A_559 = arith.constant 0 : index
    %swap3A_560 = vector.load %arg3[%swap3A_558, %swap3A_559] : memref<1024x2048xf32, #tpu.memory_space<vmem>>, vector<8x2048xf32>
    tpu.vector_store %arg3[%swap3A_558, %swap3A_559], %get3A_557 {strides = array<i32>} : memref<1024x2048xf32, #tpu.memory_space<vmem>>, vector<8x2048xf32>,
    %sub3A_561 = arith.constant 2047 : i32
    %sub3A_562 = arith.subi %sub3A_561, %rem3A_19 : i32
    %sub3A_563 = arith.constant 288 : i32
    %sub3A_564 = arith.subi %sub3A_562, %sub3A_563 : i32
    %sub3A_565 = arith.constant 95 : i32
    %sub3A_566 = arith.subi %sub3A_564, %sub3A_565 : i32
    %multiple_of3A_567 = tpu.assume_multiple %sub3A_566, 128 : i32
    %get3A_568 = arith.constant 4 : index
    %get3A_569 = arith.constant 0 : index
    %get3A_570 = arith.index_cast %multiple_of3A_567 : i32 to index
    %get3A_571 = vector.load %arg4[%get3A_568, %get3A_569, %get3A_570] : memref<16x8x4352xf32, #tpu.memory_space<vmem>>, vector<1x8x2048xf32>
    %get3A_572 = vector.shape_cast %get3A_571 : vector<1x8x2048xf32> to vector<8x2048xf32>
    %swap3A_573 = arith.constant 288 : index
    %swap3A_574 = arith.constant 0 : index
    %swap3A_575 = vector.load %arg3[%swap3A_573, %swap3A_574] : memref<1024x2048xf32, #tpu.memory_space<vmem>>, vector<8x2048xf32>
    tpu.vector_store %arg3[%swap3A_573, %swap3A_574], %get3A_572 {strides = array<i32>} : memref<1024x2048xf32, #tpu.memory_space<vmem>>, vector<8x2048xf32>,
    %sub3A_576 = arith.constant 2047 : i32
    %sub3A_577 = arith.subi %sub3A_576, %rem3A_19 : i32
    %sub3A_578 = arith.constant 296 : i32
    %sub3A_579 = arith.subi %sub3A_577, %sub3A_578 : i32
    %sub3A_580 = arith.constant 87 : i32
    %sub3A_581 = arith.subi %sub3A_579, %sub3A_580 : i32
    %multiple_of3A_582 = tpu.assume_multiple %sub3A_581, 128 : i32
    %get3A_583 = arith.constant 5 : index
    %get3A_584 = arith.constant 0 : index
    %get3A_585 = arith.index_cast %multiple_of3A_582 : i32 to index
    %get3A_586 = vector.load %arg4[%get3A_583, %get3A_584, %get3A_585] : memref<16x8x4352xf32, #tpu.memory_space<vmem>>, vector<1x8x2048xf32>
    %get3A_587 = vector.shape_cast %get3A_586 : vector<1x8x2048xf32> to vector<8x2048xf32>
    %swap3A_588 = arith.constant 296 : index
    %swap3A_589 = arith.constant 0 : index
    %swap3A_590 = vector.load %arg3[%swap3A_588, %swap3A_589] : memref<1024x2048xf32, #tpu.memory_space<vmem>>, vector<8x2048xf32>
    tpu.vector_store %arg3[%swap3A_588, %swap3A_589], %get3A_587 {strides = array<i32>} : memref<1024x2048xf32, #tpu.memory_space<vmem>>, vector<8x2048xf32>,
    %sub3A_591 = arith.constant 2047 : i32
    %sub3A_592 = arith.subi %sub3A_591, %rem3A_19 : i32
    %sub3A_593 = arith.constant 304 : i32
    %sub3A_594 = arith.subi %sub3A_592, %sub3A_593 : i32
    %sub3A_595 = arith.constant 79 : i32
    %sub3A_596 = arith.subi %sub3A_594, %sub3A_595 : i32
    %multiple_of3A_597 = tpu.assume_multiple %sub3A_596, 128 : i32
    %get3A_598 = arith.constant 6 : index
    %get3A_599 = arith.constant 0 : index
    %get3A_600 = arith.index_cast %multiple_of3A_597 : i32 to index
    %get3A_601 = vector.load %arg4[%get3A_598, %get3A_599, %get3A_600] : memref<16x8x4352xf32, #tpu.memory_space<vmem>>, vector<1x8x2048xf32>
    %get3A_602 = vector.shape_cast %get3A_601 : vector<1x8x2048xf32> to vector<8x2048xf32>
    %swap3A_603 = arith.constant 304 : index
    %swap3A_604 = arith.constant 0 : index
    %swap3A_605 = vector.load %arg3[%swap3A_603, %swap3A_604] : memref<1024x2048xf32, #tpu.memory_space<vmem>>, vector<8x2048xf32>
    tpu.vector_store %arg3[%swap3A_603, %swap3A_604], %get3A_602 {strides = array<i32>} : memref<1024x2048xf32, #tpu.memory_space<vmem>>, vector<8x2048xf32>,
    %sub3A_606 = arith.constant 2047 : i32
    %sub3A_607 = arith.subi %sub3A_606, %rem3A_19 : i32
    %sub3A_608 = arith.constant 312 : i32
    %sub3A_609 = arith.subi %sub3A_607, %sub3A_608 : i32
    %sub3A_610 = arith.constant 71 : i32
    %sub3A_611 = arith.subi %sub3A_609, %sub3A_610 : i32
    %multiple_of3A_612 = tpu.assume_multiple %sub3A_611, 128 : i32
    %get3A_613 = arith.constant 7 : index
    %get3A_614 = arith.constant 0 : index
    %get3A_615 = arith.index_cast %multiple_of3A_612 : i32 to index
    %get3A_616 = vector.load %arg4[%get3A_613, %get3A_614, %get3A_615] : memref<16x8x4352xf32, #tpu.memory_space<vmem>>, vector<1x8x2048xf32>
    %get3A_617 = vector.shape_cast %get3A_616 : vector<1x8x2048xf32> to vector<8x2048xf32>
    %swap3A_618 = arith.constant 312 : index
    %swap3A_619 = arith.constant 0 : index
    %swap3A_620 = vector.load %arg3[%swap3A_618, %swap3A_619] : memref<1024x2048xf32, #tpu.memory_space<vmem>>, vector<8x2048xf32>
    tpu.vector_store %arg3[%swap3A_618, %swap3A_619], %get3A_617 {strides = array<i32>} : memref<1024x2048xf32, #tpu.memory_space<vmem>>, vector<8x2048xf32>,
    %sub3A_621 = arith.constant 2047 : i32
    %sub3A_622 = arith.subi %sub3A_621, %rem3A_19 : i32
    %sub3A_623 = arith.constant 320 : i32
    %sub3A_624 = arith.subi %sub3A_622, %sub3A_623 : i32
    %sub3A_625 = arith.constant 63 : i32
    %sub3A_626 = arith.subi %sub3A_624, %sub3A_625 : i32
    %multiple_of3A_627 = tpu.assume_multiple %sub3A_626, 128 : i32
    %get3A_628 = arith.constant 8 : index
    %get3A_629 = arith.constant 0 : index
    %get3A_630 = arith.index_cast %multiple_of3A_627 : i32 to index
    %get3A_631 = vector.load %arg4[%get3A_628, %get3A_629, %get3A_630] : memref<16x8x4352xf32, #tpu.memory_space<vmem>>, vector<1x8x2048xf32>
    %get3A_632 = vector.shape_cast %get3A_631 : vector<1x8x2048xf32> to vector<8x2048xf32>
    %swap3A_633 = arith.constant 320 : index
    %swap3A_634 = arith.constant 0 : index
    %swap3A_635 = vector.load %arg3[%swap3A_633, %swap3A_634] : memref<1024x2048xf32, #tpu.memory_space<vmem>>, vector<8x2048xf32>
    tpu.vector_store %arg3[%swap3A_633, %swap3A_634], %get3A_632 {strides = array<i32>} : memref<1024x2048xf32, #tpu.memory_space<vmem>>, vector<8x2048xf32>,
    %sub3A_636 = arith.constant 2047 : i32
    %sub3A_637 = arith.subi %sub3A_636, %rem3A_19 : i32
    %sub3A_638 = arith.constant 328 : i32
    %sub3A_639 = arith.subi %sub3A_637, %sub3A_638 : i32
    %sub3A_640 = arith.constant 55 : i32
    %sub3A_641 = arith.subi %sub3A_639, %sub3A_640 : i32
    %multiple_of3A_642 = tpu.assume_multiple %sub3A_641, 128 : i32
    %get3A_643 = arith.constant 9 : index
    %get3A_644 = arith.constant 0 : index
    %get3A_645 = arith.index_cast %multiple_of3A_642 : i32 to index
    %get3A_646 = vector.load %arg4[%get3A_643, %get3A_644, %get3A_645] : memref<16x8x4352xf32, #tpu.memory_space<vmem>>, vector<1x8x2048xf32>
    %get3A_647 = vector.shape_cast %get3A_646 : vector<1x8x2048xf32> to vector<8x2048xf32>
    %swap3A_648 = arith.constant 328 : index
    %swap3A_649 = arith.constant 0 : index
    %swap3A_650 = vector.load %arg3[%swap3A_648, %swap3A_649] : memref<1024x2048xf32, #tpu.memory_space<vmem>>, vector<8x2048xf32>
    tpu.vector_store %arg3[%swap3A_648, %swap3A_649], %get3A_647 {strides = array<i32>} : memref<1024x2048xf32, #tpu.memory_space<vmem>>, vector<8x2048xf32>,
    %sub3A_651 = arith.constant 2047 : i32
    %sub3A_652 = arith.subi %sub3A_651, %rem3A_19 : i32
    %sub3A_653 = arith.constant 336 : i32
    %sub3A_654 = arith.subi %sub3A_652, %sub3A_653 : i32
    %sub3A_655 = arith.constant 47 : i32
    %sub3A_656 = arith.subi %sub3A_654, %sub3A_655 : i32
    %multiple_of3A_657 = tpu.assume_multiple %sub3A_656, 128 : i32
    %get3A_658 = arith.constant 10 : index
    %get3A_659 = arith.constant 0 : index
    %get3A_660 = arith.index_cast %multiple_of3A_657 : i32 to index
    %get3A_661 = vector.load %arg4[%get3A_658, %get3A_659, %get3A_660] : memref<16x8x4352xf32, #tpu.memory_space<vmem>>, vector<1x8x2048xf32>
    %get3A_662 = vector.shape_cast %get3A_661 : vector<1x8x2048xf32> to vector<8x2048xf32>
    %swap3A_663 = arith.constant 336 : index
    %swap3A_664 = arith.constant 0 : index
    %swap3A_665 = vector.load %arg3[%swap3A_663, %swap3A_664] : memref<1024x2048xf32, #tpu.memory_space<vmem>>, vector<8x2048xf32>
    tpu.vector_store %arg3[%swap3A_663, %swap3A_664], %get3A_662 {strides = array<i32>} : memref<1024x2048xf32, #tpu.memory_space<vmem>>, vector<8x2048xf32>,
    %sub3A_666 = arith.constant 2047 : i32
    %sub3A_667 = arith.subi %sub3A_666, %rem3A_19 : i32
    %sub3A_668 = arith.constant 344 : i32
    %sub3A_669 = arith.subi %sub3A_667, %sub3A_668 : i32
    %sub3A_670 = arith.constant 39 : i32
    %sub3A_671 = arith.subi %sub3A_669, %sub3A_670 : i32
    %multiple_of3A_672 = tpu.assume_multiple %sub3A_671, 128 : i32
    %get3A_673 = arith.constant 11 : index
    %get3A_674 = arith.constant 0 : index
    %get3A_675 = arith.index_cast %multiple_of3A_672 : i32 to index
    %get3A_676 = vector.load %arg4[%get3A_673, %get3A_674, %get3A_675] : memref<16x8x4352xf32, #tpu.memory_space<vmem>>, vector<1x8x2048xf32>
    %get3A_677 = vector.shape_cast %get3A_676 : vector<1x8x2048xf32> to vector<8x2048xf32>
    %swap3A_678 = arith.constant 344 : index
    %swap3A_679 = arith.constant 0 : index
    %swap3A_680 = vector.load %arg3[%swap3A_678, %swap3A_679] : memref<1024x2048xf32, #tpu.memory_space<vmem>>, vector<8x2048xf32>
    tpu.vector_store %arg3[%swap3A_678, %swap3A_679], %get3A_677 {strides = array<i32>} : memref<1024x2048xf32, #tpu.memory_space<vmem>>, vector<8x2048xf32>,
    %sub3A_681 = arith.constant 2047 : i32
    %sub3A_682 = arith.subi %sub3A_681, %rem3A_19 : i32
    %sub3A_683 = arith.constant 352 : i32
    %sub3A_684 = arith.subi %sub3A_682, %sub3A_683 : i32
    %sub3A_685 = arith.constant 31 : i32
    %sub3A_686 = arith.subi %sub3A_684, %sub3A_685 : i32
    %multiple_of3A_687 = tpu.assume_multiple %sub3A_686, 128 : i32
    %get3A_688 = arith.constant 12 : index
    %get3A_689 = arith.constant 0 : index
    %get3A_690 = arith.index_cast %multiple_of3A_687 : i32 to index
    %get3A_691 = vector.load %arg4[%get3A_688, %get3A_689, %get3A_690] : memref<16x8x4352xf32, #tpu.memory_space<vmem>>, vector<1x8x2048xf32>
    %get3A_692 = vector.shape_cast %get3A_691 : vector<1x8x2048xf32> to vector<8x2048xf32>
    %swap3A_693 = arith.constant 352 : index
    %swap3A_694 = arith.constant 0 : index
    %swap3A_695 = vector.load %arg3[%swap3A_693, %swap3A_694] : memref<1024x2048xf32, #tpu.memory_space<vmem>>, vector<8x2048xf32>
    tpu.vector_store %arg3[%swap3A_693, %swap3A_694], %get3A_692 {strides = array<i32>} : memref<1024x2048xf32, #tpu.memory_space<vmem>>, vector<8x2048xf32>,
    %sub3A_696 = arith.constant 2047 : i32
    %sub3A_697 = arith.subi %sub3A_696, %rem3A_19 : i32
    %sub3A_698 = arith.constant 360 : i32
    %sub3A_699 = arith.subi %sub3A_697, %sub3A_698 : i32
    %sub3A_700 = arith.constant 23 : i32
    %sub3A_701 = arith.subi %sub3A_699, %sub3A_700 : i32
    %multiple_of3A_702 = tpu.assume_multiple %sub3A_701, 128 : i32
    %get3A_703 = arith.constant 13 : index
    %get3A_704 = arith.constant 0 : index
    %get3A_705 = arith.index_cast %multiple_of3A_702 : i32 to index
    %get3A_706 = vector.load %arg4[%get3A_703, %get3A_704, %get3A_705] : memref<16x8x4352xf32, #tpu.memory_space<vmem>>, vector<1x8x2048xf32>
    %get3A_707 = vector.shape_cast %get3A_706 : vector<1x8x2048xf32> to vector<8x2048xf32>
    %swap3A_708 = arith.constant 360 : index
    %swap3A_709 = arith.constant 0 : index
    %swap3A_710 = vector.load %arg3[%swap3A_708, %swap3A_709] : memref<1024x2048xf32, #tpu.memory_space<vmem>>, vector<8x2048xf32>
    tpu.vector_store %arg3[%swap3A_708, %swap3A_709], %get3A_707 {strides = array<i32>} : memref<1024x2048xf32, #tpu.memory_space<vmem>>, vector<8x2048xf32>,
    %sub3A_711 = arith.constant 2047 : i32
    %sub3A_712 = arith.subi %sub3A_711, %rem3A_19 : i32
    %sub3A_713 = arith.constant 368 : i32
    %sub3A_714 = arith.subi %sub3A_712, %sub3A_713 : i32
    %sub3A_715 = arith.constant 15 : i32
    %sub3A_716 = arith.subi %sub3A_714, %sub3A_715 : i32
    %multiple_of3A_717 = tpu.assume_multiple %sub3A_716, 128 : i32
    %get3A_718 = arith.constant 14 : index
    %get3A_719 = arith.constant 0 : index
    %get3A_720 = arith.index_cast %multiple_of3A_717 : i32 to index
    %get3A_721 = vector.load %arg4[%get3A_718, %get3A_719, %get3A_720] : memref<16x8x4352xf32, #tpu.memory_space<vmem>>, vector<1x8x2048xf32>
    %get3A_722 = vector.shape_cast %get3A_721 : vector<1x8x2048xf32> to vector<8x2048xf32>
    %swap3A_723 = arith.constant 368 : index
    %swap3A_724 = arith.constant 0 : index
    %swap3A_725 = vector.load %arg3[%swap3A_723, %swap3A_724] : memref<1024x2048xf32, #tpu.memory_space<vmem>>, vector<8x2048xf32>
    tpu.vector_store %arg3[%swap3A_723, %swap3A_724], %get3A_722 {strides = array<i32>} : memref<1024x2048xf32, #tpu.memory_space<vmem>>, vector<8x2048xf32>,
    %sub3A_726 = arith.constant 2047 : i32
    %sub3A_727 = arith.subi %sub3A_726, %rem3A_19 : i32
    %sub3A_728 = arith.constant 376 : i32
    %sub3A_729 = arith.subi %sub3A_727, %sub3A_728 : i32
    %sub3A_730 = arith.constant 7 : i32
    %sub3A_731 = arith.subi %sub3A_729, %sub3A_730 : i32
    %multiple_of3A_732 = tpu.assume_multiple %sub3A_731, 128 : i32
    %get3A_733 = arith.constant 15 : index
    %get3A_734 = arith.constant 0 : index
    %get3A_735 = arith.index_cast %multiple_of3A_732 : i32 to index
    %get3A_736 = vector.load %arg4[%get3A_733, %get3A_734, %get3A_735] : memref<16x8x4352xf32, #tpu.memory_space<vmem>>, vector<1x8x2048xf32>
    %get3A_737 = vector.shape_cast %get3A_736 : vector<1x8x2048xf32> to vector<8x2048xf32>
    %swap3A_738 = arith.constant 376 : index
    %swap3A_739 = arith.constant 0 : index
    %swap3A_740 = vector.load %arg3[%swap3A_738, %swap3A_739] : memref<1024x2048xf32, #tpu.memory_space<vmem>>, vector<8x2048xf32>
    tpu.vector_store %arg3[%swap3A_738, %swap3A_739], %get3A_737 {strides = array<i32>} : memref<1024x2048xf32, #tpu.memory_space<vmem>>, vector<8x2048xf32>,
    %sub3A_741 = arith.constant 2047 : i32
    %sub3A_742 = arith.subi %sub3A_741, %rem3A_19 : i32
    %sub3A_743 = arith.constant 384 : i32
    %sub3A_744 = arith.subi %sub3A_742, %sub3A_743 : i32
    %sub3A_745 = arith.constant 127 : i32
    %sub3A_746 = arith.subi %sub3A_744, %sub3A_745 : i32
    %multiple_of3A_747 = tpu.assume_multiple %sub3A_746, 128 : i32
    %get3A_748 = arith.constant 0 : index
    %get3A_749 = arith.constant 0 : index
    %get3A_750 = arith.index_cast %multiple_of3A_747 : i32 to index
    %get3A_751 = vector.load %arg4[%get3A_748, %get3A_749, %get3A_750] : memref<16x8x4352xf32, #tpu.memory_space<vmem>>, vector<1x8x2048xf32>
    %get3A_752 = vector.shape_cast %get3A_751 : vector<1x8x2048xf32> to vector<8x2048xf32>
    %swap3A_753 = arith.constant 384 : index
    %swap3A_754 = arith.constant 0 : index
    %swap3A_755 = vector.load %arg3[%swap3A_753, %swap3A_754] : memref<1024x2048xf32, #tpu.memory_space<vmem>>, vector<8x2048xf32>
    tpu.vector_store %arg3[%swap3A_753, %swap3A_754], %get3A_752 {strides = array<i32>} : memref<1024x2048xf32, #tpu.memory_space<vmem>>, vector<8x2048xf32>,
    %sub3A_756 = arith.constant 2047 : i32
    %sub3A_757 = arith.subi %sub3A_756, %rem3A_19 : i32
    %sub3A_758 = arith.constant 392 : i32
    %sub3A_759 = arith.subi %sub3A_757, %sub3A_758 : i32
    %sub3A_760 = arith.constant 119 : i32
    %sub3A_761 = arith.subi %sub3A_759, %sub3A_760 : i32
    %multiple_of3A_762 = tpu.assume_multiple %sub3A_761, 128 : i32
    %get3A_763 = arith.constant 1 : index
    %get3A_764 = arith.constant 0 : index
    %get3A_765 = arith.index_cast %multiple_of3A_762 : i32 to index
    %get3A_766 = vector.load %arg4[%get3A_763, %get3A_764, %get3A_765] : memref<16x8x4352xf32, #tpu.memory_space<vmem>>, vector<1x8x2048xf32>
    %get3A_767 = vector.shape_cast %get3A_766 : vector<1x8x2048xf32> to vector<8x2048xf32>
    %swap3A_768 = arith.constant 392 : index
    %swap3A_769 = arith.constant 0 : index
    %swap3A_770 = vector.load %arg3[%swap3A_768, %swap3A_769] : memref<1024x2048xf32, #tpu.memory_space<vmem>>, vector<8x2048xf32>
    tpu.vector_store %arg3[%swap3A_768, %swap3A_769], %get3A_767 {strides = array<i32>} : memref<1024x2048xf32, #tpu.memory_space<vmem>>, vector<8x2048xf32>,
    %sub3A_771 = arith.constant 2047 : i32
    %sub3A_772 = arith.subi %sub3A_771, %rem3A_19 : i32
    %sub3A_773 = arith.constant 400 : i32
    %sub3A_774 = arith.subi %sub3A_772, %sub3A_773 : i32
    %sub3A_775 = arith.constant 111 : i32
    %sub3A_776 = arith.subi %sub3A_774, %sub3A_775 : i32
    %multiple_of3A_777 = tpu.assume_multiple %sub3A_776, 128 : i32
    %get3A_778 = arith.constant 2 : index
    %get3A_779 = arith.constant 0 : index
    %get3A_780 = arith.index_cast %multiple_of3A_777 : i32 to index
    %get3A_781 = vector.load %arg4[%get3A_778, %get3A_779, %get3A_780] : memref<16x8x4352xf32, #tpu.memory_space<vmem>>, vector<1x8x2048xf32>
    %get3A_782 = vector.shape_cast %get3A_781 : vector<1x8x2048xf32> to vector<8x2048xf32>
    %swap3A_783 = arith.constant 400 : index
    %swap3A_784 = arith.constant 0 : index
    %swap3A_785 = vector.load %arg3[%swap3A_783, %swap3A_784] : memref<1024x2048xf32, #tpu.memory_space<vmem>>, vector<8x2048xf32>
    tpu.vector_store %arg3[%swap3A_783, %swap3A_784], %get3A_782 {strides = array<i32>} : memref<1024x2048xf32, #tpu.memory_space<vmem>>, vector<8x2048xf32>,
    %sub3A_786 = arith.constant 2047 : i32
    %sub3A_787 = arith.subi %sub3A_786, %rem3A_19 : i32
    %sub3A_788 = arith.constant 408 : i32
    %sub3A_789 = arith.subi %sub3A_787, %sub3A_788 : i32
    %sub3A_790 = arith.constant 103 : i32
    %sub3A_791 = arith.subi %sub3A_789, %sub3A_790 : i32
    %multiple_of3A_792 = tpu.assume_multiple %sub3A_791, 128 : i32
    %get3A_793 = arith.constant 3 : index
    %get3A_794 = arith.constant 0 : index
    %get3A_795 = arith.index_cast %multiple_of3A_792 : i32 to index
    %get3A_796 = vector.load %arg4[%get3A_793, %get3A_794, %get3A_795] : memref<16x8x4352xf32, #tpu.memory_space<vmem>>, vector<1x8x2048xf32>
    %get3A_797 = vector.shape_cast %get3A_796 : vector<1x8x2048xf32> to vector<8x2048xf32>
    %swap3A_798 = arith.constant 408 : index
    %swap3A_799 = arith.constant 0 : index
    %swap3A_800 = vector.load %arg3[%swap3A_798, %swap3A_799] : memref<1024x2048xf32, #tpu.memory_space<vmem>>, vector<8x2048xf32>
    tpu.vector_store %arg3[%swap3A_798, %swap3A_799], %get3A_797 {strides = array<i32>} : memref<1024x2048xf32, #tpu.memory_space<vmem>>, vector<8x2048xf32>,
    %sub3A_801 = arith.constant 2047 : i32
    %sub3A_802 = arith.subi %sub3A_801, %rem3A_19 : i32
    %sub3A_803 = arith.constant 416 : i32
    %sub3A_804 = arith.subi %sub3A_802, %sub3A_803 : i32
    %sub3A_805 = arith.constant 95 : i32
    %sub3A_806 = arith.subi %sub3A_804, %sub3A_805 : i32
    %multiple_of3A_807 = tpu.assume_multiple %sub3A_806, 128 : i32
    %get3A_808 = arith.constant 4 : index
    %get3A_809 = arith.constant 0 : index
    %get3A_810 = arith.index_cast %multiple_of3A_807 : i32 to index
    %get3A_811 = vector.load %arg4[%get3A_808, %get3A_809, %get3A_810] : memref<16x8x4352xf32, #tpu.memory_space<vmem>>, vector<1x8x2048xf32>
    %get3A_812 = vector.shape_cast %get3A_811 : vector<1x8x2048xf32> to vector<8x2048xf32>
    %swap3A_813 = arith.constant 416 : index
    %swap3A_814 = arith.constant 0 : index
    %swap3A_815 = vector.load %arg3[%swap3A_813, %swap3A_814] : memref<1024x2048xf32, #tpu.memory_space<vmem>>, vector<8x2048xf32>
    tpu.vector_store %arg3[%swap3A_813, %swap3A_814], %get3A_812 {strides = array<i32>} : memref<1024x2048xf32, #tpu.memory_space<vmem>>, vector<8x2048xf32>,
    %sub3A_816 = arith.constant 2047 : i32
    %sub3A_817 = arith.subi %sub3A_816, %rem3A_19 : i32
    %sub3A_818 = arith.constant 424 : i32
    %sub3A_819 = arith.subi %sub3A_817, %sub3A_818 : i32
    %sub3A_820 = arith.constant 87 : i32
    %sub3A_821 = arith.subi %sub3A_819, %sub3A_820 : i32
    %multiple_of3A_822 = tpu.assume_multiple %sub3A_821, 128 : i32
    %get3A_823 = arith.constant 5 : index
    %get3A_824 = arith.constant 0 : index
    %get3A_825 = arith.index_cast %multiple_of3A_822 : i32 to index
    %get3A_826 = vector.load %arg4[%get3A_823, %get3A_824, %get3A_825] : memref<16x8x4352xf32, #tpu.memory_space<vmem>>, vector<1x8x2048xf32>
    %get3A_827 = vector.shape_cast %get3A_826 : vector<1x8x2048xf32> to vector<8x2048xf32>
    %swap3A_828 = arith.constant 424 : index
    %swap3A_829 = arith.constant 0 : index
    %swap3A_830 = vector.load %arg3[%swap3A_828, %swap3A_829] : memref<1024x2048xf32, #tpu.memory_space<vmem>>, vector<8x2048xf32>
    tpu.vector_store %arg3[%swap3A_828, %swap3A_829], %get3A_827 {strides = array<i32>} : memref<1024x2048xf32, #tpu.memory_space<vmem>>, vector<8x2048xf32>,
    %sub3A_831 = arith.constant 2047 : i32
    %sub3A_832 = arith.subi %sub3A_831, %rem3A_19 : i32
    %sub3A_833 = arith.constant 432 : i32
    %sub3A_834 = arith.subi %sub3A_832, %sub3A_833 : i32
    %sub3A_835 = arith.constant 79 : i32
    %sub3A_836 = arith.subi %sub3A_834, %sub3A_835 : i32
    %multiple_of3A_837 = tpu.assume_multiple %sub3A_836, 128 : i32
    %get3A_838 = arith.constant 6 : index
    %get3A_839 = arith.constant 0 : index
    %get3A_840 = arith.index_cast %multiple_of3A_837 : i32 to index
    %get3A_841 = vector.load %arg4[%get3A_838, %get3A_839, %get3A_840] : memref<16x8x4352xf32, #tpu.memory_space<vmem>>, vector<1x8x2048xf32>
    %get3A_842 = vector.shape_cast %get3A_841 : vector<1x8x2048xf32> to vector<8x2048xf32>
    %swap3A_843 = arith.constant 432 : index
    %swap3A_844 = arith.constant 0 : index
    %swap3A_845 = vector.load %arg3[%swap3A_843, %swap3A_844] : memref<1024x2048xf32, #tpu.memory_space<vmem>>, vector<8x2048xf32>
    tpu.vector_store %arg3[%swap3A_843, %swap3A_844], %get3A_842 {strides = array<i32>} : memref<1024x2048xf32, #tpu.memory_space<vmem>>, vector<8x2048xf32>,
    %sub3A_846 = arith.constant 2047 : i32
    %sub3A_847 = arith.subi %sub3A_846, %rem3A_19 : i32
    %sub3A_848 = arith.constant 440 : i32
    %sub3A_849 = arith.subi %sub3A_847, %sub3A_848 : i32
    %sub3A_850 = arith.constant 71 : i32
    %sub3A_851 = arith.subi %sub3A_849, %sub3A_850 : i32
    %multiple_of3A_852 = tpu.assume_multiple %sub3A_851, 128 : i32
    %get3A_853 = arith.constant 7 : index
    %get3A_854 = arith.constant 0 : index
    %get3A_855 = arith.index_cast %multiple_of3A_852 : i32 to index
    %get3A_856 = vector.load %arg4[%get3A_853, %get3A_854, %get3A_855] : memref<16x8x4352xf32, #tpu.memory_space<vmem>>, vector<1x8x2048xf32>
    %get3A_857 = vector.shape_cast %get3A_856 : vector<1x8x2048xf32> to vector<8x2048xf32>
    %swap3A_858 = arith.constant 440 : index
    %swap3A_859 = arith.constant 0 : index
    %swap3A_860 = vector.load %arg3[%swap3A_858, %swap3A_859] : memref<1024x2048xf32, #tpu.memory_space<vmem>>, vector<8x2048xf32>
    tpu.vector_store %arg3[%swap3A_858, %swap3A_859], %get3A_857 {strides = array<i32>} : memref<1024x2048xf32, #tpu.memory_space<vmem>>, vector<8x2048xf32>,
    %sub3A_861 = arith.constant 2047 : i32
    %sub3A_862 = arith.subi %sub3A_861, %rem3A_19 : i32
    %sub3A_863 = arith.constant 448 : i32
    %sub3A_864 = arith.subi %sub3A_862, %sub3A_863 : i32
    %sub3A_865 = arith.constant 63 : i32
    %sub3A_866 = arith.subi %sub3A_864, %sub3A_865 : i32
    %multiple_of3A_867 = tpu.assume_multiple %sub3A_866, 128 : i32
    %get3A_868 = arith.constant 8 : index
    %get3A_869 = arith.constant 0 : index
    %get3A_870 = arith.index_cast %multiple_of3A_867 : i32 to index
    %get3A_871 = vector.load %arg4[%get3A_868, %get3A_869, %get3A_870] : memref<16x8x4352xf32, #tpu.memory_space<vmem>>, vector<1x8x2048xf32>
    %get3A_872 = vector.shape_cast %get3A_871 : vector<1x8x2048xf32> to vector<8x2048xf32>
    %swap3A_873 = arith.constant 448 : index
    %swap3A_874 = arith.constant 0 : index
    %swap3A_875 = vector.load %arg3[%swap3A_873, %swap3A_874] : memref<1024x2048xf32, #tpu.memory_space<vmem>>, vector<8x2048xf32>
    tpu.vector_store %arg3[%swap3A_873, %swap3A_874], %get3A_872 {strides = array<i32>} : memref<1024x2048xf32, #tpu.memory_space<vmem>>, vector<8x2048xf32>,
    %sub3A_876 = arith.constant 2047 : i32
    %sub3A_877 = arith.subi %sub3A_876, %rem3A_19 : i32
    %sub3A_878 = arith.constant 456 : i32
    %sub3A_879 = arith.subi %sub3A_877, %sub3A_878 : i32
    %sub3A_880 = arith.constant 55 : i32
    %sub3A_881 = arith.subi %sub3A_879, %sub3A_880 : i32
    %multiple_of3A_882 = tpu.assume_multiple %sub3A_881, 128 : i32
    %get3A_883 = arith.constant 9 : index
    %get3A_884 = arith.constant 0 : index
    %get3A_885 = arith.index_cast %multiple_of3A_882 : i32 to index
    %get3A_886 = vector.load %arg4[%get3A_883, %get3A_884, %get3A_885] : memref<16x8x4352xf32, #tpu.memory_space<vmem>>, vector<1x8x2048xf32>
    %get3A_887 = vector.shape_cast %get3A_886 : vector<1x8x2048xf32> to vector<8x2048xf32>
    %swap3A_888 = arith.constant 456 : index
    %swap3A_889 = arith.constant 0 : index
    %swap3A_890 = vector.load %arg3[%swap3A_888, %swap3A_889] : memref<1024x2048xf32, #tpu.memory_space<vmem>>, vector<8x2048xf32>
    tpu.vector_store %arg3[%swap3A_888, %swap3A_889], %get3A_887 {strides = array<i32>} : memref<1024x2048xf32, #tpu.memory_space<vmem>>, vector<8x2048xf32>,
    %sub3A_891 = arith.constant 2047 : i32
    %sub3A_892 = arith.subi %sub3A_891, %rem3A_19 : i32
    %sub3A_893 = arith.constant 464 : i32
    %sub3A_894 = arith.subi %sub3A_892, %sub3A_893 : i32
    %sub3A_895 = arith.constant 47 : i32
    %sub3A_896 = arith.subi %sub3A_894, %sub3A_895 : i32
    %multiple_of3A_897 = tpu.assume_multiple %sub3A_896, 128 : i32
    %get3A_898 = arith.constant 10 : index
    %get3A_899 = arith.constant 0 : index
    %get3A_900 = arith.index_cast %multiple_of3A_897 : i32 to index
    %get3A_901 = vector.load %arg4[%get3A_898, %get3A_899, %get3A_900] : memref<16x8x4352xf32, #tpu.memory_space<vmem>>, vector<1x8x2048xf32>
    %get3A_902 = vector.shape_cast %get3A_901 : vector<1x8x2048xf32> to vector<8x2048xf32>
    %swap3A_903 = arith.constant 464 : index
    %swap3A_904 = arith.constant 0 : index
    %swap3A_905 = vector.load %arg3[%swap3A_903, %swap3A_904] : memref<1024x2048xf32, #tpu.memory_space<vmem>>, vector<8x2048xf32>
    tpu.vector_store %arg3[%swap3A_903, %swap3A_904], %get3A_902 {strides = array<i32>} : memref<1024x2048xf32, #tpu.memory_space<vmem>>, vector<8x2048xf32>,
    %sub3A_906 = arith.constant 2047 : i32
    %sub3A_907 = arith.subi %sub3A_906, %rem3A_19 : i32
    %sub3A_908 = arith.constant 472 : i32
    %sub3A_909 = arith.subi %sub3A_907, %sub3A_908 : i32
    %sub3A_910 = arith.constant 39 : i32
    %sub3A_911 = arith.subi %sub3A_909, %sub3A_910 : i32
    %multiple_of3A_912 = tpu.assume_multiple %sub3A_911, 128 : i32
    %get3A_913 = arith.constant 11 : index
    %get3A_914 = arith.constant 0 : index
    %get3A_915 = arith.index_cast %multiple_of3A_912 : i32 to index
    %get3A_916 = vector.load %arg4[%get3A_913, %get3A_914, %get3A_915] : memref<16x8x4352xf32, #tpu.memory_space<vmem>>, vector<1x8x2048xf32>
    %get3A_917 = vector.shape_cast %get3A_916 : vector<1x8x2048xf32> to vector<8x2048xf32>
    %swap3A_918 = arith.constant 472 : index
    %swap3A_919 = arith.constant 0 : index
    %swap3A_920 = vector.load %arg3[%swap3A_918, %swap3A_919] : memref<1024x2048xf32, #tpu.memory_space<vmem>>, vector<8x2048xf32>
    tpu.vector_store %arg3[%swap3A_918, %swap3A_919], %get3A_917 {strides = array<i32>} : memref<1024x2048xf32, #tpu.memory_space<vmem>>, vector<8x2048xf32>,
    %sub3A_921 = arith.constant 2047 : i32
    %sub3A_922 = arith.subi %sub3A_921, %rem3A_19 : i32
    %sub3A_923 = arith.constant 480 : i32
    %sub3A_924 = arith.subi %sub3A_922, %sub3A_923 : i32
    %sub3A_925 = arith.constant 31 : i32
    %sub3A_926 = arith.subi %sub3A_924, %sub3A_925 : i32
    %multiple_of3A_927 = tpu.assume_multiple %sub3A_926, 128 : i32
    %get3A_928 = arith.constant 12 : index
    %get3A_929 = arith.constant 0 : index
    %get3A_930 = arith.index_cast %multiple_of3A_927 : i32 to index
    %get3A_931 = vector.load %arg4[%get3A_928, %get3A_929, %get3A_930] : memref<16x8x4352xf32, #tpu.memory_space<vmem>>, vector<1x8x2048xf32>
    %get3A_932 = vector.shape_cast %get3A_931 : vector<1x8x2048xf32> to vector<8x2048xf32>
    %swap3A_933 = arith.constant 480 : index
    %swap3A_934 = arith.constant 0 : index
    %swap3A_935 = vector.load %arg3[%swap3A_933, %swap3A_934] : memref<1024x2048xf32, #tpu.memory_space<vmem>>, vector<8x2048xf32>
    tpu.vector_store %arg3[%swap3A_933, %swap3A_934], %get3A_932 {strides = array<i32>} : memref<1024x2048xf32, #tpu.memory_space<vmem>>, vector<8x2048xf32>,
    %sub3A_936 = arith.constant 2047 : i32
    %sub3A_937 = arith.subi %sub3A_936, %rem3A_19 : i32
    %sub3A_938 = arith.constant 488 : i32
    %sub3A_939 = arith.subi %sub3A_937, %sub3A_938 : i32
    %sub3A_940 = arith.constant 23 : i32
    %sub3A_941 = arith.subi %sub3A_939, %sub3A_940 : i32
    %multiple_of3A_942 = tpu.assume_multiple %sub3A_941, 128 : i32
    %get3A_943 = arith.constant 13 : index
    %get3A_944 = arith.constant 0 : index
    %get3A_945 = arith.index_cast %multiple_of3A_942 : i32 to index
    %get3A_946 = vector.load %arg4[%get3A_943, %get3A_944, %get3A_945] : memref<16x8x4352xf32, #tpu.memory_space<vmem>>, vector<1x8x2048xf32>
    %get3A_947 = vector.shape_cast %get3A_946 : vector<1x8x2048xf32> to vector<8x2048xf32>
    %swap3A_948 = arith.constant 488 : index
    %swap3A_949 = arith.constant 0 : index
    %swap3A_950 = vector.load %arg3[%swap3A_948, %swap3A_949] : memref<1024x2048xf32, #tpu.memory_space<vmem>>, vector<8x2048xf32>
    tpu.vector_store %arg3[%swap3A_948, %swap3A_949], %get3A_947 {strides = array<i32>} : memref<1024x2048xf32, #tpu.memory_space<vmem>>, vector<8x2048xf32>,
    %sub3A_951 = arith.constant 2047 : i32
    %sub3A_952 = arith.subi %sub3A_951, %rem3A_19 : i32
    %sub3A_953 = arith.constant 496 : i32
    %sub3A_954 = arith.subi %sub3A_952, %sub3A_953 : i32
    %sub3A_955 = arith.constant 15 : i32
    %sub3A_956 = arith.subi %sub3A_954, %sub3A_955 : i32
    %multiple_of3A_957 = tpu.assume_multiple %sub3A_956, 128 : i32
    %get3A_958 = arith.constant 14 : index
    %get3A_959 = arith.constant 0 : index
    %get3A_960 = arith.index_cast %multiple_of3A_957 : i32 to index
    %get3A_961 = vector.load %arg4[%get3A_958, %get3A_959, %get3A_960] : memref<16x8x4352xf32, #tpu.memory_space<vmem>>, vector<1x8x2048xf32>
    %get3A_962 = vector.shape_cast %get3A_961 : vector<1x8x2048xf32> to vector<8x2048xf32>
    %swap3A_963 = arith.constant 496 : index
    %swap3A_964 = arith.constant 0 : index
    %swap3A_965 = vector.load %arg3[%swap3A_963, %swap3A_964] : memref<1024x2048xf32, #tpu.memory_space<vmem>>, vector<8x2048xf32>
    tpu.vector_store %arg3[%swap3A_963, %swap3A_964], %get3A_962 {strides = array<i32>} : memref<1024x2048xf32, #tpu.memory_space<vmem>>, vector<8x2048xf32>,
    %sub3A_966 = arith.constant 2047 : i32
    %sub3A_967 = arith.subi %sub3A_966, %rem3A_19 : i32
    %sub3A_968 = arith.constant 504 : i32
    %sub3A_969 = arith.subi %sub3A_967, %sub3A_968 : i32
    %sub3A_970 = arith.constant 7 : i32
    %sub3A_971 = arith.subi %sub3A_969, %sub3A_970 : i32
    %multiple_of3A_972 = tpu.assume_multiple %sub3A_971, 128 : i32
    %get3A_973 = arith.constant 15 : index
    %get3A_974 = arith.constant 0 : index
    %get3A_975 = arith.index_cast %multiple_of3A_972 : i32 to index
    %get3A_976 = vector.load %arg4[%get3A_973, %get3A_974, %get3A_975] : memref<16x8x4352xf32, #tpu.memory_space<vmem>>, vector<1x8x2048xf32>
    %get3A_977 = vector.shape_cast %get3A_976 : vector<1x8x2048xf32> to vector<8x2048xf32>
    %swap3A_978 = arith.constant 504 : index
    %swap3A_979 = arith.constant 0 : index
    %swap3A_980 = vector.load %arg3[%swap3A_978, %swap3A_979] : memref<1024x2048xf32, #tpu.memory_space<vmem>>, vector<8x2048xf32>
    tpu.vector_store %arg3[%swap3A_978, %swap3A_979], %get3A_977 {strides = array<i32>} : memref<1024x2048xf32, #tpu.memory_space<vmem>>, vector<8x2048xf32>,
    %sub3A_981 = arith.constant 2047 : i32
    %sub3A_982 = arith.subi %sub3A_981, %rem3A_19 : i32
    %sub3A_983 = arith.constant 512 : i32
    %sub3A_984 = arith.subi %sub3A_982, %sub3A_983 : i32
    %sub3A_985 = arith.constant 127 : i32
    %sub3A_986 = arith.subi %sub3A_984, %sub3A_985 : i32
    %multiple_of3A_987 = tpu.assume_multiple %sub3A_986, 128 : i32
    %get3A_988 = arith.constant 0 : index
    %get3A_989 = arith.constant 0 : index
    %get3A_990 = arith.index_cast %multiple_of3A_987 : i32 to index
    %get3A_991 = vector.load %arg4[%get3A_988, %get3A_989, %get3A_990] : memref<16x8x4352xf32, #tpu.memory_space<vmem>>, vector<1x8x2048xf32>
    %get3A_992 = vector.shape_cast %get3A_991 : vector<1x8x2048xf32> to vector<8x2048xf32>
    %swap3A_993 = arith.constant 512 : index
    %swap3A_994 = arith.constant 0 : index
    %swap3A_995 = vector.load %arg3[%swap3A_993, %swap3A_994] : memref<1024x2048xf32, #tpu.memory_space<vmem>>, vector<8x2048xf32>
    tpu.vector_store %arg3[%swap3A_993, %swap3A_994], %get3A_992 {strides = array<i32>} : memref<1024x2048xf32, #tpu.memory_space<vmem>>, vector<8x2048xf32>,
    %sub3A_996 = arith.constant 2047 : i32
    %sub3A_997 = arith.subi %sub3A_996, %rem3A_19 : i32
    %sub3A_998 = arith.constant 520 : i32
    %sub3A_999 = arith.subi %sub3A_997, %sub3A_998 : i32
    %sub3A_1000 = arith.constant 119 : i32
    %sub3A_1001 = arith.subi %sub3A_999, %sub3A_1000 : i32
    %multiple_of3A_1002 = tpu.assume_multiple %sub3A_1001, 128 : i32
    %get3A_1003 = arith.constant 1 : index
    %get3A_1004 = arith.constant 0 : index
    %get3A_1005 = arith.index_cast %multiple_of3A_1002 : i32 to index
    %get3A_1006 = vector.load %arg4[%get3A_1003, %get3A_1004, %get3A_1005] : memref<16x8x4352xf32, #tpu.memory_space<vmem>>, vector<1x8x2048xf32>
    %get3A_1007 = vector.shape_cast %get3A_1006 : vector<1x8x2048xf32> to vector<8x2048xf32>
    %swap3A_1008 = arith.constant 520 : index
    %swap3A_1009 = arith.constant 0 : index
    %swap3A_1010 = vector.load %arg3[%swap3A_1008, %swap3A_1009] : memref<1024x2048xf32, #tpu.memory_space<vmem>>, vector<8x2048xf32>
    tpu.vector_store %arg3[%swap3A_1008, %swap3A_1009], %get3A_1007 {strides = array<i32>} : memref<1024x2048xf32, #tpu.memory_space<vmem>>, vector<8x2048xf32>,
    %sub3A_1011 = arith.constant 2047 : i32
    %sub3A_1012 = arith.subi %sub3A_1011, %rem3A_19 : i32
    %sub3A_1013 = arith.constant 528 : i32
    %sub3A_1014 = arith.subi %sub3A_1012, %sub3A_1013 : i32
    %sub3A_1015 = arith.constant 111 : i32
    %sub3A_1016 = arith.subi %sub3A_1014, %sub3A_1015 : i32
    %multiple_of3A_1017 = tpu.assume_multiple %sub3A_1016, 128 : i32
    %get3A_1018 = arith.constant 2 : index
    %get3A_1019 = arith.constant 0 : index
    %get3A_1020 = arith.index_cast %multiple_of3A_1017 : i32 to index
    %get3A_1021 = vector.load %arg4[%get3A_1018, %get3A_1019, %get3A_1020] : memref<16x8x4352xf32, #tpu.memory_space<vmem>>, vector<1x8x2048xf32>
    %get3A_1022 = vector.shape_cast %get3A_1021 : vector<1x8x2048xf32> to vector<8x2048xf32>
    %swap3A_1023 = arith.constant 528 : index
    %swap3A_1024 = arith.constant 0 : index
    %swap3A_1025 = vector.load %arg3[%swap3A_1023, %swap3A_1024] : memref<1024x2048xf32, #tpu.memory_space<vmem>>, vector<8x2048xf32>
    tpu.vector_store %arg3[%swap3A_1023, %swap3A_1024], %get3A_1022 {strides = array<i32>} : memref<1024x2048xf32, #tpu.memory_space<vmem>>, vector<8x2048xf32>,
    %sub3A_1026 = arith.constant 2047 : i32
    %sub3A_1027 = arith.subi %sub3A_1026, %rem3A_19 : i32
    %sub3A_1028 = arith.constant 536 : i32
    %sub3A_1029 = arith.subi %sub3A_1027, %sub3A_1028 : i32
    %sub3A_1030 = arith.constant 103 : i32
    %sub3A_1031 = arith.subi %sub3A_1029, %sub3A_1030 : i32
    %multiple_of3A_1032 = tpu.assume_multiple %sub3A_1031, 128 : i32
    %get3A_1033 = arith.constant 3 : index
    %get3A_1034 = arith.constant 0 : index
    %get3A_1035 = arith.index_cast %multiple_of3A_1032 : i32 to index
    %get3A_1036 = vector.load %arg4[%get3A_1033, %get3A_1034, %get3A_1035] : memref<16x8x4352xf32, #tpu.memory_space<vmem>>, vector<1x8x2048xf32>
    %get3A_1037 = vector.shape_cast %get3A_1036 : vector<1x8x2048xf32> to vector<8x2048xf32>
    %swap3A_1038 = arith.constant 536 : index
    %swap3A_1039 = arith.constant 0 : index
    %swap3A_1040 = vector.load %arg3[%swap3A_1038, %swap3A_1039] : memref<1024x2048xf32, #tpu.memory_space<vmem>>, vector<8x2048xf32>
    tpu.vector_store %arg3[%swap3A_1038, %swap3A_1039], %get3A_1037 {strides = array<i32>} : memref<1024x2048xf32, #tpu.memory_space<vmem>>, vector<8x2048xf32>,
    %sub3A_1041 = arith.constant 2047 : i32
    %sub3A_1042 = arith.subi %sub3A_1041, %rem3A_19 : i32
    %sub3A_1043 = arith.constant 544 : i32
    %sub3A_1044 = arith.subi %sub3A_1042, %sub3A_1043 : i32
    %sub3A_1045 = arith.constant 95 : i32
    %sub3A_1046 = arith.subi %sub3A_1044, %sub3A_1045 : i32
    %multiple_of3A_1047 = tpu.assume_multiple %sub3A_1046, 128 : i32
    %get3A_1048 = arith.constant 4 : index
    %get3A_1049 = arith.constant 0 : index
    %get3A_1050 = arith.index_cast %multiple_of3A_1047 : i32 to index
    %get3A_1051 = vector.load %arg4[%get3A_1048, %get3A_1049, %get3A_1050] : memref<16x8x4352xf32, #tpu.memory_space<vmem>>, vector<1x8x2048xf32>
    %get3A_1052 = vector.shape_cast %get3A_1051 : vector<1x8x2048xf32> to vector<8x2048xf32>
    %swap3A_1053 = arith.constant 544 : index
    %swap3A_1054 = arith.constant 0 : index
    %swap3A_1055 = vector.load %arg3[%swap3A_1053, %swap3A_1054] : memref<1024x2048xf32, #tpu.memory_space<vmem>>, vector<8x2048xf32>
    tpu.vector_store %arg3[%swap3A_1053, %swap3A_1054], %get3A_1052 {strides = array<i32>} : memref<1024x2048xf32, #tpu.memory_space<vmem>>, vector<8x2048xf32>,
    %sub3A_1056 = arith.constant 2047 : i32
    %sub3A_1057 = arith.subi %sub3A_1056, %rem3A_19 : i32
    %sub3A_1058 = arith.constant 552 : i32
    %sub3A_1059 = arith.subi %sub3A_1057, %sub3A_1058 : i32
    %sub3A_1060 = arith.constant 87 : i32
    %sub3A_1061 = arith.subi %sub3A_1059, %sub3A_1060 : i32
    %multiple_of3A_1062 = tpu.assume_multiple %sub3A_1061, 128 : i32
    %get3A_1063 = arith.constant 5 : index
    %get3A_1064 = arith.constant 0 : index
    %get3A_1065 = arith.index_cast %multiple_of3A_1062 : i32 to index
    %get3A_1066 = vector.load %arg4[%get3A_1063, %get3A_1064, %get3A_1065] : memref<16x8x4352xf32, #tpu.memory_space<vmem>>, vector<1x8x2048xf32>
    %get3A_1067 = vector.shape_cast %get3A_1066 : vector<1x8x2048xf32> to vector<8x2048xf32>
    %swap3A_1068 = arith.constant 552 : index
    %swap3A_1069 = arith.constant 0 : index
    %swap3A_1070 = vector.load %arg3[%swap3A_1068, %swap3A_1069] : memref<1024x2048xf32, #tpu.memory_space<vmem>>, vector<8x2048xf32>
    tpu.vector_store %arg3[%swap3A_1068, %swap3A_1069], %get3A_1067 {strides = array<i32>} : memref<1024x2048xf32, #tpu.memory_space<vmem>>, vector<8x2048xf32>,
    %sub3A_1071 = arith.constant 2047 : i32
    %sub3A_1072 = arith.subi %sub3A_1071, %rem3A_19 : i32
    %sub3A_1073 = arith.constant 560 : i32
    %sub3A_1074 = arith.subi %sub3A_1072, %sub3A_1073 : i32
    %sub3A_1075 = arith.constant 79 : i32
    %sub3A_1076 = arith.subi %sub3A_1074, %sub3A_1075 : i32
    %multiple_of3A_1077 = tpu.assume_multiple %sub3A_1076, 128 : i32
    %get3A_1078 = arith.constant 6 : index
    %get3A_1079 = arith.constant 0 : index
    %get3A_1080 = arith.index_cast %multiple_of3A_1077 : i32 to index
    %get3A_1081 = vector.load %arg4[%get3A_1078, %get3A_1079, %get3A_1080] : memref<16x8x4352xf32, #tpu.memory_space<vmem>>, vector<1x8x2048xf32>
    %get3A_1082 = vector.shape_cast %get3A_1081 : vector<1x8x2048xf32> to vector<8x2048xf32>
    %swap3A_1083 = arith.constant 560 : index
    %swap3A_1084 = arith.constant 0 : index
    %swap3A_1085 = vector.load %arg3[%swap3A_1083, %swap3A_1084] : memref<1024x2048xf32, #tpu.memory_space<vmem>>, vector<8x2048xf32>
    tpu.vector_store %arg3[%swap3A_1083, %swap3A_1084], %get3A_1082 {strides = array<i32>} : memref<1024x2048xf32, #tpu.memory_space<vmem>>, vector<8x2048xf32>,
    %sub3A_1086 = arith.constant 2047 : i32
    %sub3A_1087 = arith.subi %sub3A_1086, %rem3A_19 : i32
    %sub3A_1088 = arith.constant 568 : i32
    %sub3A_1089 = arith.subi %sub3A_1087, %sub3A_1088 : i32
    %sub3A_1090 = arith.constant 71 : i32
    %sub3A_1091 = arith.subi %sub3A_1089, %sub3A_1090 : i32
    %multiple_of3A_1092 = tpu.assume_multiple %sub3A_1091, 128 : i32
    %get3A_1093 = arith.constant 7 : index
    %get3A_1094 = arith.constant 0 : index
    %get3A_1095 = arith.index_cast %multiple_of3A_1092 : i32 to index
    %get3A_1096 = vector.load %arg4[%get3A_1093, %get3A_1094, %get3A_1095] : memref<16x8x4352xf32, #tpu.memory_space<vmem>>, vector<1x8x2048xf32>
    %get3A_1097 = vector.shape_cast %get3A_1096 : vector<1x8x2048xf32> to vector<8x2048xf32>
    %swap3A_1098 = arith.constant 568 : index
    %swap3A_1099 = arith.constant 0 : index
    %swap3A_1100 = vector.load %arg3[%swap3A_1098, %swap3A_1099] : memref<1024x2048xf32, #tpu.memory_space<vmem>>, vector<8x2048xf32>
    tpu.vector_store %arg3[%swap3A_1098, %swap3A_1099], %get3A_1097 {strides = array<i32>} : memref<1024x2048xf32, #tpu.memory_space<vmem>>, vector<8x2048xf32>,
    %sub3A_1101 = arith.constant 2047 : i32
    %sub3A_1102 = arith.subi %sub3A_1101, %rem3A_19 : i32
    %sub3A_1103 = arith.constant 576 : i32
    %sub3A_1104 = arith.subi %sub3A_1102, %sub3A_1103 : i32
    %sub3A_1105 = arith.constant 63 : i32
    %sub3A_1106 = arith.subi %sub3A_1104, %sub3A_1105 : i32
    %multiple_of3A_1107 = tpu.assume_multiple %sub3A_1106, 128 : i32
    %get3A_1108 = arith.constant 8 : index
    %get3A_1109 = arith.constant 0 : index
    %get3A_1110 = arith.index_cast %multiple_of3A_1107 : i32 to index
    %get3A_1111 = vector.load %arg4[%get3A_1108, %get3A_1109, %get3A_1110] : memref<16x8x4352xf32, #tpu.memory_space<vmem>>, vector<1x8x2048xf32>
    %get3A_1112 = vector.shape_cast %get3A_1111 : vector<1x8x2048xf32> to vector<8x2048xf32>
    %swap3A_1113 = arith.constant 576 : index
    %swap3A_1114 = arith.constant 0 : index
    %swap3A_1115 = vector.load %arg3[%swap3A_1113, %swap3A_1114] : memref<1024x2048xf32, #tpu.memory_space<vmem>>, vector<8x2048xf32>
    tpu.vector_store %arg3[%swap3A_1113, %swap3A_1114], %get3A_1112 {strides = array<i32>} : memref<1024x2048xf32, #tpu.memory_space<vmem>>, vector<8x2048xf32>,
    %sub3A_1116 = arith.constant 2047 : i32
    %sub3A_1117 = arith.subi %sub3A_1116, %rem3A_19 : i32
    %sub3A_1118 = arith.constant 584 : i32
    %sub3A_1119 = arith.subi %sub3A_1117, %sub3A_1118 : i32
    %sub3A_1120 = arith.constant 55 : i32
    %sub3A_1121 = arith.subi %sub3A_1119, %sub3A_1120 : i32
    %multiple_of3A_1122 = tpu.assume_multiple %sub3A_1121, 128 : i32
    %get3A_1123 = arith.constant 9 : index
    %get3A_1124 = arith.constant 0 : index
    %get3A_1125 = arith.index_cast %multiple_of3A_1122 : i32 to index
    %get3A_1126 = vector.load %arg4[%get3A_1123, %get3A_1124, %get3A_1125] : memref<16x8x4352xf32, #tpu.memory_space<vmem>>, vector<1x8x2048xf32>
    %get3A_1127 = vector.shape_cast %get3A_1126 : vector<1x8x2048xf32> to vector<8x2048xf32>
    %swap3A_1128 = arith.constant 584 : index
    %swap3A_1129 = arith.constant 0 : index
    %swap3A_1130 = vector.load %arg3[%swap3A_1128, %swap3A_1129] : memref<1024x2048xf32, #tpu.memory_space<vmem>>, vector<8x2048xf32>
    tpu.vector_store %arg3[%swap3A_1128, %swap3A_1129], %get3A_1127 {strides = array<i32>} : memref<1024x2048xf32, #tpu.memory_space<vmem>>, vector<8x2048xf32>,
    %sub3A_1131 = arith.constant 2047 : i32
    %sub3A_1132 = arith.subi %sub3A_1131, %rem3A_19 : i32
    %sub3A_1133 = arith.constant 592 : i32
    %sub3A_1134 = arith.subi %sub3A_1132, %sub3A_1133 : i32
    %sub3A_1135 = arith.constant 47 : i32
    %sub3A_1136 = arith.subi %sub3A_1134, %sub3A_1135 : i32
    %multiple_of3A_1137 = tpu.assume_multiple %sub3A_1136, 128 : i32
    %get3A_1138 = arith.constant 10 : index
    %get3A_1139 = arith.constant 0 : index
    %get3A_1140 = arith.index_cast %multiple_of3A_1137 : i32 to index
    %get3A_1141 = vector.load %arg4[%get3A_1138, %get3A_1139, %get3A_1140] : memref<16x8x4352xf32, #tpu.memory_space<vmem>>, vector<1x8x2048xf32>
    %get3A_1142 = vector.shape_cast %get3A_1141 : vector<1x8x2048xf32> to vector<8x2048xf32>
    %swap3A_1143 = arith.constant 592 : index
    %swap3A_1144 = arith.constant 0 : index
    %swap3A_1145 = vector.load %arg3[%swap3A_1143, %swap3A_1144] : memref<1024x2048xf32, #tpu.memory_space<vmem>>, vector<8x2048xf32>
    tpu.vector_store %arg3[%swap3A_1143, %swap3A_1144], %get3A_1142 {strides = array<i32>} : memref<1024x2048xf32, #tpu.memory_space<vmem>>, vector<8x2048xf32>,
    %sub3A_1146 = arith.constant 2047 : i32
    %sub3A_1147 = arith.subi %sub3A_1146, %rem3A_19 : i32
    %sub3A_1148 = arith.constant 600 : i32
    %sub3A_1149 = arith.subi %sub3A_1147, %sub3A_1148 : i32
    %sub3A_1150 = arith.constant 39 : i32
    %sub3A_1151 = arith.subi %sub3A_1149, %sub3A_1150 : i32
    %multiple_of3A_1152 = tpu.assume_multiple %sub3A_1151, 128 : i32
    %get3A_1153 = arith.constant 11 : index
    %get3A_1154 = arith.constant 0 : index
    %get3A_1155 = arith.index_cast %multiple_of3A_1152 : i32 to index
    %get3A_1156 = vector.load %arg4[%get3A_1153, %get3A_1154, %get3A_1155] : memref<16x8x4352xf32, #tpu.memory_space<vmem>>, vector<1x8x2048xf32>
    %get3A_1157 = vector.shape_cast %get3A_1156 : vector<1x8x2048xf32> to vector<8x2048xf32>
    %swap3A_1158 = arith.constant 600 : index
    %swap3A_1159 = arith.constant 0 : index
    %swap3A_1160 = vector.load %arg3[%swap3A_1158, %swap3A_1159] : memref<1024x2048xf32, #tpu.memory_space<vmem>>, vector<8x2048xf32>
    tpu.vector_store %arg3[%swap3A_1158, %swap3A_1159], %get3A_1157 {strides = array<i32>} : memref<1024x2048xf32, #tpu.memory_space<vmem>>, vector<8x2048xf32>,
    %sub3A_1161 = arith.constant 2047 : i32
    %sub3A_1162 = arith.subi %sub3A_1161, %rem3A_19 : i32
    %sub3A_1163 = arith.constant 608 : i32
    %sub3A_1164 = arith.subi %sub3A_1162, %sub3A_1163 : i32
    %sub3A_1165 = arith.constant 31 : i32
    %sub3A_1166 = arith.subi %sub3A_1164, %sub3A_1165 : i32
    %multiple_of3A_1167 = tpu.assume_multiple %sub3A_1166, 128 : i32
    %get3A_1168 = arith.constant 12 : index
    %get3A_1169 = arith.constant 0 : index
    %get3A_1170 = arith.index_cast %multiple_of3A_1167 : i32 to index
    %get3A_1171 = vector.load %arg4[%get3A_1168, %get3A_1169, %get3A_1170] : memref<16x8x4352xf32, #tpu.memory_space<vmem>>, vector<1x8x2048xf32>
    %get3A_1172 = vector.shape_cast %get3A_1171 : vector<1x8x2048xf32> to vector<8x2048xf32>
    %swap3A_1173 = arith.constant 608 : index
    %swap3A_1174 = arith.constant 0 : index
    %swap3A_1175 = vector.load %arg3[%swap3A_1173, %swap3A_1174] : memref<1024x2048xf32, #tpu.memory_space<vmem>>, vector<8x2048xf32>
    tpu.vector_store %arg3[%swap3A_1173, %swap3A_1174], %get3A_1172 {strides = array<i32>} : memref<1024x2048xf32, #tpu.memory_space<vmem>>, vector<8x2048xf32>,
    %sub3A_1176 = arith.constant 2047 : i32
    %sub3A_1177 = arith.subi %sub3A_1176, %rem3A_19 : i32
    %sub3A_1178 = arith.constant 616 : i32
    %sub3A_1179 = arith.subi %sub3A_1177, %sub3A_1178 : i32
    %sub3A_1180 = arith.constant 23 : i32
    %sub3A_1181 = arith.subi %sub3A_1179, %sub3A_1180 : i32
    %multiple_of3A_1182 = tpu.assume_multiple %sub3A_1181, 128 : i32
    %get3A_1183 = arith.constant 13 : index
    %get3A_1184 = arith.constant 0 : index
    %get3A_1185 = arith.index_cast %multiple_of3A_1182 : i32 to index
    %get3A_1186 = vector.load %arg4[%get3A_1183, %get3A_1184, %get3A_1185] : memref<16x8x4352xf32, #tpu.memory_space<vmem>>, vector<1x8x2048xf32>
    %get3A_1187 = vector.shape_cast %get3A_1186 : vector<1x8x2048xf32> to vector<8x2048xf32>
    %swap3A_1188 = arith.constant 616 : index
    %swap3A_1189 = arith.constant 0 : index
    %swap3A_1190 = vector.load %arg3[%swap3A_1188, %swap3A_1189] : memref<1024x2048xf32, #tpu.memory_space<vmem>>, vector<8x2048xf32>
    tpu.vector_store %arg3[%swap3A_1188, %swap3A_1189], %get3A_1187 {strides = array<i32>} : memref<1024x2048xf32, #tpu.memory_space<vmem>>, vector<8x2048xf32>,
    %sub3A_1191 = arith.constant 2047 : i32
    %sub3A_1192 = arith.subi %sub3A_1191, %rem3A_19 : i32
    %sub3A_1193 = arith.constant 624 : i32
    %sub3A_1194 = arith.subi %sub3A_1192, %sub3A_1193 : i32
    %sub3A_1195 = arith.constant 15 : i32
    %sub3A_1196 = arith.subi %sub3A_1194, %sub3A_1195 : i32
    %multiple_of3A_1197 = tpu.assume_multiple %sub3A_1196, 128 : i32
    %get3A_1198 = arith.constant 14 : index
    %get3A_1199 = arith.constant 0 : index
    %get3A_1200 = arith.index_cast %multiple_of3A_1197 : i32 to index
    %get3A_1201 = vector.load %arg4[%get3A_1198, %get3A_1199, %get3A_1200] : memref<16x8x4352xf32, #tpu.memory_space<vmem>>, vector<1x8x2048xf32>
    %get3A_1202 = vector.shape_cast %get3A_1201 : vector<1x8x2048xf32> to vector<8x2048xf32>
    %swap3A_1203 = arith.constant 624 : index
    %swap3A_1204 = arith.constant 0 : index
    %swap3A_1205 = vector.load %arg3[%swap3A_1203, %swap3A_1204] : memref<1024x2048xf32, #tpu.memory_space<vmem>>, vector<8x2048xf32>
    tpu.vector_store %arg3[%swap3A_1203, %swap3A_1204], %get3A_1202 {strides = array<i32>} : memref<1024x2048xf32, #tpu.memory_space<vmem>>, vector<8x2048xf32>,
    %sub3A_1206 = arith.constant 2047 : i32
    %sub3A_1207 = arith.subi %sub3A_1206, %rem3A_19 : i32
    %sub3A_1208 = arith.constant 632 : i32
    %sub3A_1209 = arith.subi %sub3A_1207, %sub3A_1208 : i32
    %sub3A_1210 = arith.constant 7 : i32
    %sub3A_1211 = arith.subi %sub3A_1209, %sub3A_1210 : i32
    %multiple_of3A_1212 = tpu.assume_multiple %sub3A_1211, 128 : i32
    %get3A_1213 = arith.constant 15 : index
    %get3A_1214 = arith.constant 0 : index
    %get3A_1215 = arith.index_cast %multiple_of3A_1212 : i32 to index
    %get3A_1216 = vector.load %arg4[%get3A_1213, %get3A_1214, %get3A_1215] : memref<16x8x4352xf32, #tpu.memory_space<vmem>>, vector<1x8x2048xf32>
    %get3A_1217 = vector.shape_cast %get3A_1216 : vector<1x8x2048xf32> to vector<8x2048xf32>
    %swap3A_1218 = arith.constant 632 : index
    %swap3A_1219 = arith.constant 0 : index
    %swap3A_1220 = vector.load %arg3[%swap3A_1218, %swap3A_1219] : memref<1024x2048xf32, #tpu.memory_space<vmem>>, vector<8x2048xf32>
    tpu.vector_store %arg3[%swap3A_1218, %swap3A_1219], %get3A_1217 {strides = array<i32>} : memref<1024x2048xf32, #tpu.memory_space<vmem>>, vector<8x2048xf32>,
    %sub3A_1221 = arith.constant 2047 : i32
    %sub3A_1222 = arith.subi %sub3A_1221, %rem3A_19 : i32
    %sub3A_1223 = arith.constant 640 : i32
    %sub3A_1224 = arith.subi %sub3A_1222, %sub3A_1223 : i32
    %sub3A_1225 = arith.constant 127 : i32
    %sub3A_1226 = arith.subi %sub3A_1224, %sub3A_1225 : i32
    %multiple_of3A_1227 = tpu.assume_multiple %sub3A_1226, 128 : i32
    %get3A_1228 = arith.constant 0 : index
    %get3A_1229 = arith.constant 0 : index
    %get3A_1230 = arith.index_cast %multiple_of3A_1227 : i32 to index
    %get3A_1231 = vector.load %arg4[%get3A_1228, %get3A_1229, %get3A_1230] : memref<16x8x4352xf32, #tpu.memory_space<vmem>>, vector<1x8x2048xf32>
    %get3A_1232 = vector.shape_cast %get3A_1231 : vector<1x8x2048xf32> to vector<8x2048xf32>
    %swap3A_1233 = arith.constant 640 : index
    %swap3A_1234 = arith.constant 0 : index
    %swap3A_1235 = vector.load %arg3[%swap3A_1233, %swap3A_1234] : memref<1024x2048xf32, #tpu.memory_space<vmem>>, vector<8x2048xf32>
    tpu.vector_store %arg3[%swap3A_1233, %swap3A_1234], %get3A_1232 {strides = array<i32>} : memref<1024x2048xf32, #tpu.memory_space<vmem>>, vector<8x2048xf32>,
    %sub3A_1236 = arith.constant 2047 : i32
    %sub3A_1237 = arith.subi %sub3A_1236, %rem3A_19 : i32
    %sub3A_1238 = arith.constant 648 : i32
    %sub3A_1239 = arith.subi %sub3A_1237, %sub3A_1238 : i32
    %sub3A_1240 = arith.constant 119 : i32
    %sub3A_1241 = arith.subi %sub3A_1239, %sub3A_1240 : i32
    %multiple_of3A_1242 = tpu.assume_multiple %sub3A_1241, 128 : i32
    %get3A_1243 = arith.constant 1 : index
    %get3A_1244 = arith.constant 0 : index
    %get3A_1245 = arith.index_cast %multiple_of3A_1242 : i32 to index
    %get3A_1246 = vector.load %arg4[%get3A_1243, %get3A_1244, %get3A_1245] : memref<16x8x4352xf32, #tpu.memory_space<vmem>>, vector<1x8x2048xf32>
    %get3A_1247 = vector.shape_cast %get3A_1246 : vector<1x8x2048xf32> to vector<8x2048xf32>
    %swap3A_1248 = arith.constant 648 : index
    %swap3A_1249 = arith.constant 0 : index
    %swap3A_1250 = vector.load %arg3[%swap3A_1248, %swap3A_1249] : memref<1024x2048xf32, #tpu.memory_space<vmem>>, vector<8x2048xf32>
    tpu.vector_store %arg3[%swap3A_1248, %swap3A_1249], %get3A_1247 {strides = array<i32>} : memref<1024x2048xf32, #tpu.memory_space<vmem>>, vector<8x2048xf32>,
    %sub3A_1251 = arith.constant 2047 : i32
    %sub3A_1252 = arith.subi %sub3A_1251, %rem3A_19 : i32
    %sub3A_1253 = arith.constant 656 : i32
    %sub3A_1254 = arith.subi %sub3A_1252, %sub3A_1253 : i32
    %sub3A_1255 = arith.constant 111 : i32
    %sub3A_1256 = arith.subi %sub3A_1254, %sub3A_1255 : i32
    %multiple_of3A_1257 = tpu.assume_multiple %sub3A_1256, 128 : i32
    %get3A_1258 = arith.constant 2 : index
    %get3A_1259 = arith.constant 0 : index
    %get3A_1260 = arith.index_cast %multiple_of3A_1257 : i32 to index
    %get3A_1261 = vector.load %arg4[%get3A_1258, %get3A_1259, %get3A_1260] : memref<16x8x4352xf32, #tpu.memory_space<vmem>>, vector<1x8x2048xf32>
    %get3A_1262 = vector.shape_cast %get3A_1261 : vector<1x8x2048xf32> to vector<8x2048xf32>
    %swap3A_1263 = arith.constant 656 : index
    %swap3A_1264 = arith.constant 0 : index
    %swap3A_1265 = vector.load %arg3[%swap3A_1263, %swap3A_1264] : memref<1024x2048xf32, #tpu.memory_space<vmem>>, vector<8x2048xf32>
    tpu.vector_store %arg3[%swap3A_1263, %swap3A_1264], %get3A_1262 {strides = array<i32>} : memref<1024x2048xf32, #tpu.memory_space<vmem>>, vector<8x2048xf32>,
    %sub3A_1266 = arith.constant 2047 : i32
    %sub3A_1267 = arith.subi %sub3A_1266, %rem3A_19 : i32
    %sub3A_1268 = arith.constant 664 : i32
    %sub3A_1269 = arith.subi %sub3A_1267, %sub3A_1268 : i32
    %sub3A_1270 = arith.constant 103 : i32
    %sub3A_1271 = arith.subi %sub3A_1269, %sub3A_1270 : i32
    %multiple_of3A_1272 = tpu.assume_multiple %sub3A_1271, 128 : i32
    %get3A_1273 = arith.constant 3 : index
    %get3A_1274 = arith.constant 0 : index
    %get3A_1275 = arith.index_cast %multiple_of3A_1272 : i32 to index
    %get3A_1276 = vector.load %arg4[%get3A_1273, %get3A_1274, %get3A_1275] : memref<16x8x4352xf32, #tpu.memory_space<vmem>>, vector<1x8x2048xf32>
    %get3A_1277 = vector.shape_cast %get3A_1276 : vector<1x8x2048xf32> to vector<8x2048xf32>
    %swap3A_1278 = arith.constant 664 : index
    %swap3A_1279 = arith.constant 0 : index
    %swap3A_1280 = vector.load %arg3[%swap3A_1278, %swap3A_1279] : memref<1024x2048xf32, #tpu.memory_space<vmem>>, vector<8x2048xf32>
    tpu.vector_store %arg3[%swap3A_1278, %swap3A_1279], %get3A_1277 {strides = array<i32>} : memref<1024x2048xf32, #tpu.memory_space<vmem>>, vector<8x2048xf32>,
    %sub3A_1281 = arith.constant 2047 : i32
    %sub3A_1282 = arith.subi %sub3A_1281, %rem3A_19 : i32
    %sub3A_1283 = arith.constant 672 : i32
    %sub3A_1284 = arith.subi %sub3A_1282, %sub3A_1283 : i32
    %sub3A_1285 = arith.constant 95 : i32
    %sub3A_1286 = arith.subi %sub3A_1284, %sub3A_1285 : i32
    %multiple_of3A_1287 = tpu.assume_multiple %sub3A_1286, 128 : i32
    %get3A_1288 = arith.constant 4 : index
    %get3A_1289 = arith.constant 0 : index
    %get3A_1290 = arith.index_cast %multiple_of3A_1287 : i32 to index
    %get3A_1291 = vector.load %arg4[%get3A_1288, %get3A_1289, %get3A_1290] : memref<16x8x4352xf32, #tpu.memory_space<vmem>>, vector<1x8x2048xf32>
    %get3A_1292 = vector.shape_cast %get3A_1291 : vector<1x8x2048xf32> to vector<8x2048xf32>
    %swap3A_1293 = arith.constant 672 : index
    %swap3A_1294 = arith.constant 0 : index
    %swap3A_1295 = vector.load %arg3[%swap3A_1293, %swap3A_1294] : memref<1024x2048xf32, #tpu.memory_space<vmem>>, vector<8x2048xf32>
    tpu.vector_store %arg3[%swap3A_1293, %swap3A_1294], %get3A_1292 {strides = array<i32>} : memref<1024x2048xf32, #tpu.memory_space<vmem>>, vector<8x2048xf32>,
    %sub3A_1296 = arith.constant 2047 : i32
    %sub3A_1297 = arith.subi %sub3A_1296, %rem3A_19 : i32
    %sub3A_1298 = arith.constant 680 : i32
    %sub3A_1299 = arith.subi %sub3A_1297, %sub3A_1298 : i32
    %sub3A_1300 = arith.constant 87 : i32
    %sub3A_1301 = arith.subi %sub3A_1299, %sub3A_1300 : i32
    %multiple_of3A_1302 = tpu.assume_multiple %sub3A_1301, 128 : i32
    %get3A_1303 = arith.constant 5 : index
    %get3A_1304 = arith.constant 0 : index
    %get3A_1305 = arith.index_cast %multiple_of3A_1302 : i32 to index
    %get3A_1306 = vector.load %arg4[%get3A_1303, %get3A_1304, %get3A_1305] : memref<16x8x4352xf32, #tpu.memory_space<vmem>>, vector<1x8x2048xf32>
    %get3A_1307 = vector.shape_cast %get3A_1306 : vector<1x8x2048xf32> to vector<8x2048xf32>
    %swap3A_1308 = arith.constant 680 : index
    %swap3A_1309 = arith.constant 0 : index
    %swap3A_1310 = vector.load %arg3[%swap3A_1308, %swap3A_1309] : memref<1024x2048xf32, #tpu.memory_space<vmem>>, vector<8x2048xf32>
    tpu.vector_store %arg3[%swap3A_1308, %swap3A_1309], %get3A_1307 {strides = array<i32>} : memref<1024x2048xf32, #tpu.memory_space<vmem>>, vector<8x2048xf32>,
    %sub3A_1311 = arith.constant 2047 : i32
    %sub3A_1312 = arith.subi %sub3A_1311, %rem3A_19 : i32
    %sub3A_1313 = arith.constant 688 : i32
    %sub3A_1314 = arith.subi %sub3A_1312, %sub3A_1313 : i32
    %sub3A_1315 = arith.constant 79 : i32
    %sub3A_1316 = arith.subi %sub3A_1314, %sub3A_1315 : i32
    %multiple_of3A_1317 = tpu.assume_multiple %sub3A_1316, 128 : i32
    %get3A_1318 = arith.constant 6 : index
    %get3A_1319 = arith.constant 0 : index
    %get3A_1320 = arith.index_cast %multiple_of3A_1317 : i32 to index
    %get3A_1321 = vector.load %arg4[%get3A_1318, %get3A_1319, %get3A_1320] : memref<16x8x4352xf32, #tpu.memory_space<vmem>>, vector<1x8x2048xf32>
    %get3A_1322 = vector.shape_cast %get3A_1321 : vector<1x8x2048xf32> to vector<8x2048xf32>
    %swap3A_1323 = arith.constant 688 : index
    %swap3A_1324 = arith.constant 0 : index
    %swap3A_1325 = vector.load %arg3[%swap3A_1323, %swap3A_1324] : memref<1024x2048xf32, #tpu.memory_space<vmem>>, vector<8x2048xf32>
    tpu.vector_store %arg3[%swap3A_1323, %swap3A_1324], %get3A_1322 {strides = array<i32>} : memref<1024x2048xf32, #tpu.memory_space<vmem>>, vector<8x2048xf32>,
    %sub3A_1326 = arith.constant 2047 : i32
    %sub3A_1327 = arith.subi %sub3A_1326, %rem3A_19 : i32
    %sub3A_1328 = arith.constant 696 : i32
    %sub3A_1329 = arith.subi %sub3A_1327, %sub3A_1328 : i32
    %sub3A_1330 = arith.constant 71 : i32
    %sub3A_1331 = arith.subi %sub3A_1329, %sub3A_1330 : i32
    %multiple_of3A_1332 = tpu.assume_multiple %sub3A_1331, 128 : i32
    %get3A_1333 = arith.constant 7 : index
    %get3A_1334 = arith.constant 0 : index
    %get3A_1335 = arith.index_cast %multiple_of3A_1332 : i32 to index
    %get3A_1336 = vector.load %arg4[%get3A_1333, %get3A_1334, %get3A_1335] : memref<16x8x4352xf32, #tpu.memory_space<vmem>>, vector<1x8x2048xf32>
    %get3A_1337 = vector.shape_cast %get3A_1336 : vector<1x8x2048xf32> to vector<8x2048xf32>
    %swap3A_1338 = arith.constant 696 : index
    %swap3A_1339 = arith.constant 0 : index
    %swap3A_1340 = vector.load %arg3[%swap3A_1338, %swap3A_1339] : memref<1024x2048xf32, #tpu.memory_space<vmem>>, vector<8x2048xf32>
    tpu.vector_store %arg3[%swap3A_1338, %swap3A_1339], %get3A_1337 {strides = array<i32>} : memref<1024x2048xf32, #tpu.memory_space<vmem>>, vector<8x2048xf32>,
    %sub3A_1341 = arith.constant 2047 : i32
    %sub3A_1342 = arith.subi %sub3A_1341, %rem3A_19 : i32
    %sub3A_1343 = arith.constant 704 : i32
    %sub3A_1344 = arith.subi %sub3A_1342, %sub3A_1343 : i32
    %sub3A_1345 = arith.constant 63 : i32
    %sub3A_1346 = arith.subi %sub3A_1344, %sub3A_1345 : i32
    %multiple_of3A_1347 = tpu.assume_multiple %sub3A_1346, 128 : i32
    %get3A_1348 = arith.constant 8 : index
    %get3A_1349 = arith.constant 0 : index
    %get3A_1350 = arith.index_cast %multiple_of3A_1347 : i32 to index
    %get3A_1351 = vector.load %arg4[%get3A_1348, %get3A_1349, %get3A_1350] : memref<16x8x4352xf32, #tpu.memory_space<vmem>>, vector<1x8x2048xf32>
    %get3A_1352 = vector.shape_cast %get3A_1351 : vector<1x8x2048xf32> to vector<8x2048xf32>
    %swap3A_1353 = arith.constant 704 : index
    %swap3A_1354 = arith.constant 0 : index
    %swap3A_1355 = vector.load %arg3[%swap3A_1353, %swap3A_1354] : memref<1024x2048xf32, #tpu.memory_space<vmem>>, vector<8x2048xf32>
    tpu.vector_store %arg3[%swap3A_1353, %swap3A_1354], %get3A_1352 {strides = array<i32>} : memref<1024x2048xf32, #tpu.memory_space<vmem>>, vector<8x2048xf32>,
    %sub3A_1356 = arith.constant 2047 : i32
    %sub3A_1357 = arith.subi %sub3A_1356, %rem3A_19 : i32
    %sub3A_1358 = arith.constant 712 : i32
    %sub3A_1359 = arith.subi %sub3A_1357, %sub3A_1358 : i32
    %sub3A_1360 = arith.constant 55 : i32
    %sub3A_1361 = arith.subi %sub3A_1359, %sub3A_1360 : i32
    %multiple_of3A_1362 = tpu.assume_multiple %sub3A_1361, 128 : i32
    %get3A_1363 = arith.constant 9 : index
    %get3A_1364 = arith.constant 0 : index
    %get3A_1365 = arith.index_cast %multiple_of3A_1362 : i32 to index
    %get3A_1366 = vector.load %arg4[%get3A_1363, %get3A_1364, %get3A_1365] : memref<16x8x4352xf32, #tpu.memory_space<vmem>>, vector<1x8x2048xf32>
    %get3A_1367 = vector.shape_cast %get3A_1366 : vector<1x8x2048xf32> to vector<8x2048xf32>
    %swap3A_1368 = arith.constant 712 : index
    %swap3A_1369 = arith.constant 0 : index
    %swap3A_1370 = vector.load %arg3[%swap3A_1368, %swap3A_1369] : memref<1024x2048xf32, #tpu.memory_space<vmem>>, vector<8x2048xf32>
    tpu.vector_store %arg3[%swap3A_1368, %swap3A_1369], %get3A_1367 {strides = array<i32>} : memref<1024x2048xf32, #tpu.memory_space<vmem>>, vector<8x2048xf32>,
    %sub3A_1371 = arith.constant 2047 : i32
    %sub3A_1372 = arith.subi %sub3A_1371, %rem3A_19 : i32
    %sub3A_1373 = arith.constant 720 : i32
    %sub3A_1374 = arith.subi %sub3A_1372, %sub3A_1373 : i32
    %sub3A_1375 = arith.constant 47 : i32
    %sub3A_1376 = arith.subi %sub3A_1374, %sub3A_1375 : i32
    %multiple_of3A_1377 = tpu.assume_multiple %sub3A_1376, 128 : i32
    %get3A_1378 = arith.constant 10 : index
    %get3A_1379 = arith.constant 0 : index
    %get3A_1380 = arith.index_cast %multiple_of3A_1377 : i32 to index
    %get3A_1381 = vector.load %arg4[%get3A_1378, %get3A_1379, %get3A_1380] : memref<16x8x4352xf32, #tpu.memory_space<vmem>>, vector<1x8x2048xf32>
    %get3A_1382 = vector.shape_cast %get3A_1381 : vector<1x8x2048xf32> to vector<8x2048xf32>
    %swap3A_1383 = arith.constant 720 : index
    %swap3A_1384 = arith.constant 0 : index
    %swap3A_1385 = vector.load %arg3[%swap3A_1383, %swap3A_1384] : memref<1024x2048xf32, #tpu.memory_space<vmem>>, vector<8x2048xf32>
    tpu.vector_store %arg3[%swap3A_1383, %swap3A_1384], %get3A_1382 {strides = array<i32>} : memref<1024x2048xf32, #tpu.memory_space<vmem>>, vector<8x2048xf32>,
    %sub3A_1386 = arith.constant 2047 : i32
    %sub3A_1387 = arith.subi %sub3A_1386, %rem3A_19 : i32
    %sub3A_1388 = arith.constant 728 : i32
    %sub3A_1389 = arith.subi %sub3A_1387, %sub3A_1388 : i32
    %sub3A_1390 = arith.constant 39 : i32
    %sub3A_1391 = arith.subi %sub3A_1389, %sub3A_1390 : i32
    %multiple_of3A_1392 = tpu.assume_multiple %sub3A_1391, 128 : i32
    %get3A_1393 = arith.constant 11 : index
    %get3A_1394 = arith.constant 0 : index
    %get3A_1395 = arith.index_cast %multiple_of3A_1392 : i32 to index
    %get3A_1396 = vector.load %arg4[%get3A_1393, %get3A_1394, %get3A_1395] : memref<16x8x4352xf32, #tpu.memory_space<vmem>>, vector<1x8x2048xf32>
    %get3A_1397 = vector.shape_cast %get3A_1396 : vector<1x8x2048xf32> to vector<8x2048xf32>
    %swap3A_1398 = arith.constant 728 : index
    %swap3A_1399 = arith.constant 0 : index
    %swap3A_1400 = vector.load %arg3[%swap3A_1398, %swap3A_1399] : memref<1024x2048xf32, #tpu.memory_space<vmem>>, vector<8x2048xf32>
    tpu.vector_store %arg3[%swap3A_1398, %swap3A_1399], %get3A_1397 {strides = array<i32>} : memref<1024x2048xf32, #tpu.memory_space<vmem>>, vector<8x2048xf32>,
    %sub3A_1401 = arith.constant 2047 : i32
    %sub3A_1402 = arith.subi %sub3A_1401, %rem3A_19 : i32
    %sub3A_1403 = arith.constant 736 : i32
    %sub3A_1404 = arith.subi %sub3A_1402, %sub3A_1403 : i32
    %sub3A_1405 = arith.constant 31 : i32
    %sub3A_1406 = arith.subi %sub3A_1404, %sub3A_1405 : i32
    %multiple_of3A_1407 = tpu.assume_multiple %sub3A_1406, 128 : i32
    %get3A_1408 = arith.constant 12 : index
    %get3A_1409 = arith.constant 0 : index
    %get3A_1410 = arith.index_cast %multiple_of3A_1407 : i32 to index
    %get3A_1411 = vector.load %arg4[%get3A_1408, %get3A_1409, %get3A_1410] : memref<16x8x4352xf32, #tpu.memory_space<vmem>>, vector<1x8x2048xf32>
    %get3A_1412 = vector.shape_cast %get3A_1411 : vector<1x8x2048xf32> to vector<8x2048xf32>
    %swap3A_1413 = arith.constant 736 : index
    %swap3A_1414 = arith.constant 0 : index
    %swap3A_1415 = vector.load %arg3[%swap3A_1413, %swap3A_1414] : memref<1024x2048xf32, #tpu.memory_space<vmem>>, vector<8x2048xf32>
    tpu.vector_store %arg3[%swap3A_1413, %swap3A_1414], %get3A_1412 {strides = array<i32>} : memref<1024x2048xf32, #tpu.memory_space<vmem>>, vector<8x2048xf32>,
    %sub3A_1416 = arith.constant 2047 : i32
    %sub3A_1417 = arith.subi %sub3A_1416, %rem3A_19 : i32
    %sub3A_1418 = arith.constant 744 : i32
    %sub3A_1419 = arith.subi %sub3A_1417, %sub3A_1418 : i32
    %sub3A_1420 = arith.constant 23 : i32
    %sub3A_1421 = arith.subi %sub3A_1419, %sub3A_1420 : i32
    %multiple_of3A_1422 = tpu.assume_multiple %sub3A_1421, 128 : i32
    %get3A_1423 = arith.constant 13 : index
    %get3A_1424 = arith.constant 0 : index
    %get3A_1425 = arith.index_cast %multiple_of3A_1422 : i32 to index
    %get3A_1426 = vector.load %arg4[%get3A_1423, %get3A_1424, %get3A_1425] : memref<16x8x4352xf32, #tpu.memory_space<vmem>>, vector<1x8x2048xf32>
    %get3A_1427 = vector.shape_cast %get3A_1426 : vector<1x8x2048xf32> to vector<8x2048xf32>
    %swap3A_1428 = arith.constant 744 : index
    %swap3A_1429 = arith.constant 0 : index
    %swap3A_1430 = vector.load %arg3[%swap3A_1428, %swap3A_1429] : memref<1024x2048xf32, #tpu.memory_space<vmem>>, vector<8x2048xf32>
    tpu.vector_store %arg3[%swap3A_1428, %swap3A_1429], %get3A_1427 {strides = array<i32>} : memref<1024x2048xf32, #tpu.memory_space<vmem>>, vector<8x2048xf32>,
    %sub3A_1431 = arith.constant 2047 : i32
    %sub3A_1432 = arith.subi %sub3A_1431, %rem3A_19 : i32
    %sub3A_1433 = arith.constant 752 : i32
    %sub3A_1434 = arith.subi %sub3A_1432, %sub3A_1433 : i32
    %sub3A_1435 = arith.constant 15 : i32
    %sub3A_1436 = arith.subi %sub3A_1434, %sub3A_1435 : i32
    %multiple_of3A_1437 = tpu.assume_multiple %sub3A_1436, 128 : i32
    %get3A_1438 = arith.constant 14 : index
    %get3A_1439 = arith.constant 0 : index
    %get3A_1440 = arith.index_cast %multiple_of3A_1437 : i32 to index
    %get3A_1441 = vector.load %arg4[%get3A_1438, %get3A_1439, %get3A_1440] : memref<16x8x4352xf32, #tpu.memory_space<vmem>>, vector<1x8x2048xf32>
    %get3A_1442 = vector.shape_cast %get3A_1441 : vector<1x8x2048xf32> to vector<8x2048xf32>
    %swap3A_1443 = arith.constant 752 : index
    %swap3A_1444 = arith.constant 0 : index
    %swap3A_1445 = vector.load %arg3[%swap3A_1443, %swap3A_1444] : memref<1024x2048xf32, #tpu.memory_space<vmem>>, vector<8x2048xf32>
    tpu.vector_store %arg3[%swap3A_1443, %swap3A_1444], %get3A_1442 {strides = array<i32>} : memref<1024x2048xf32, #tpu.memory_space<vmem>>, vector<8x2048xf32>,
    %sub3A_1446 = arith.constant 2047 : i32
    %sub3A_1447 = arith.subi %sub3A_1446, %rem3A_19 : i32
    %sub3A_1448 = arith.constant 760 : i32
    %sub3A_1449 = arith.subi %sub3A_1447, %sub3A_1448 : i32
    %sub3A_1450 = arith.constant 7 : i32
    %sub3A_1451 = arith.subi %sub3A_1449, %sub3A_1450 : i32
    %multiple_of3A_1452 = tpu.assume_multiple %sub3A_1451, 128 : i32
    %get3A_1453 = arith.constant 15 : index
    %get3A_1454 = arith.constant 0 : index
    %get3A_1455 = arith.index_cast %multiple_of3A_1452 : i32 to index
    %get3A_1456 = vector.load %arg4[%get3A_1453, %get3A_1454, %get3A_1455] : memref<16x8x4352xf32, #tpu.memory_space<vmem>>, vector<1x8x2048xf32>
    %get3A_1457 = vector.shape_cast %get3A_1456 : vector<1x8x2048xf32> to vector<8x2048xf32>
    %swap3A_1458 = arith.constant 760 : index
    %swap3A_1459 = arith.constant 0 : index
    %swap3A_1460 = vector.load %arg3[%swap3A_1458, %swap3A_1459] : memref<1024x2048xf32, #tpu.memory_space<vmem>>, vector<8x2048xf32>
    tpu.vector_store %arg3[%swap3A_1458, %swap3A_1459], %get3A_1457 {strides = array<i32>} : memref<1024x2048xf32, #tpu.memory_space<vmem>>, vector<8x2048xf32>,
    %sub3A_1461 = arith.constant 2047 : i32
    %sub3A_1462 = arith.subi %sub3A_1461, %rem3A_19 : i32
    %sub3A_1463 = arith.constant 768 : i32
    %sub3A_1464 = arith.subi %sub3A_1462, %sub3A_1463 : i32
    %sub3A_1465 = arith.constant 127 : i32
    %sub3A_1466 = arith.subi %sub3A_1464, %sub3A_1465 : i32
    %multiple_of3A_1467 = tpu.assume_multiple %sub3A_1466, 128 : i32
    %get3A_1468 = arith.constant 0 : index
    %get3A_1469 = arith.constant 0 : index
    %get3A_1470 = arith.index_cast %multiple_of3A_1467 : i32 to index
    %get3A_1471 = vector.load %arg4[%get3A_1468, %get3A_1469, %get3A_1470] : memref<16x8x4352xf32, #tpu.memory_space<vmem>>, vector<1x8x2048xf32>
    %get3A_1472 = vector.shape_cast %get3A_1471 : vector<1x8x2048xf32> to vector<8x2048xf32>
    %swap3A_1473 = arith.constant 768 : index
    %swap3A_1474 = arith.constant 0 : index
    %swap3A_1475 = vector.load %arg3[%swap3A_1473, %swap3A_1474] : memref<1024x2048xf32, #tpu.memory_space<vmem>>, vector<8x2048xf32>
    tpu.vector_store %arg3[%swap3A_1473, %swap3A_1474], %get3A_1472 {strides = array<i32>} : memref<1024x2048xf32, #tpu.memory_space<vmem>>, vector<8x2048xf32>,
    %sub3A_1476 = arith.constant 2047 : i32
    %sub3A_1477 = arith.subi %sub3A_1476, %rem3A_19 : i32
    %sub3A_1478 = arith.constant 776 : i32
    %sub3A_1479 = arith.subi %sub3A_1477, %sub3A_1478 : i32
    %sub3A_1480 = arith.constant 119 : i32
    %sub3A_1481 = arith.subi %sub3A_1479, %sub3A_1480 : i32
    %multiple_of3A_1482 = tpu.assume_multiple %sub3A_1481, 128 : i32
    %get3A_1483 = arith.constant 1 : index
    %get3A_1484 = arith.constant 0 : index
    %get3A_1485 = arith.index_cast %multiple_of3A_1482 : i32 to index
    %get3A_1486 = vector.load %arg4[%get3A_1483, %get3A_1484, %get3A_1485] : memref<16x8x4352xf32, #tpu.memory_space<vmem>>, vector<1x8x2048xf32>
    %get3A_1487 = vector.shape_cast %get3A_1486 : vector<1x8x2048xf32> to vector<8x2048xf32>
    %swap3A_1488 = arith.constant 776 : index
    %swap3A_1489 = arith.constant 0 : index
    %swap3A_1490 = vector.load %arg3[%swap3A_1488, %swap3A_1489] : memref<1024x2048xf32, #tpu.memory_space<vmem>>, vector<8x2048xf32>
    tpu.vector_store %arg3[%swap3A_1488, %swap3A_1489], %get3A_1487 {strides = array<i32>} : memref<1024x2048xf32, #tpu.memory_space<vmem>>, vector<8x2048xf32>,
    %sub3A_1491 = arith.constant 2047 : i32
    %sub3A_1492 = arith.subi %sub3A_1491, %rem3A_19 : i32
    %sub3A_1493 = arith.constant 784 : i32
    %sub3A_1494 = arith.subi %sub3A_1492, %sub3A_1493 : i32
    %sub3A_1495 = arith.constant 111 : i32
    %sub3A_1496 = arith.subi %sub3A_1494, %sub3A_1495 : i32
    %multiple_of3A_1497 = tpu.assume_multiple %sub3A_1496, 128 : i32
    %get3A_1498 = arith.constant 2 : index
    %get3A_1499 = arith.constant 0 : index
    %get3A_1500 = arith.index_cast %multiple_of3A_1497 : i32 to index
    %get3A_1501 = vector.load %arg4[%get3A_1498, %get3A_1499, %get3A_1500] : memref<16x8x4352xf32, #tpu.memory_space<vmem>>, vector<1x8x2048xf32>
    %get3A_1502 = vector.shape_cast %get3A_1501 : vector<1x8x2048xf32> to vector<8x2048xf32>
    %swap3A_1503 = arith.constant 784 : index
    %swap3A_1504 = arith.constant 0 : index
    %swap3A_1505 = vector.load %arg3[%swap3A_1503, %swap3A_1504] : memref<1024x2048xf32, #tpu.memory_space<vmem>>, vector<8x2048xf32>
    tpu.vector_store %arg3[%swap3A_1503, %swap3A_1504], %get3A_1502 {strides = array<i32>} : memref<1024x2048xf32, #tpu.memory_space<vmem>>, vector<8x2048xf32>,
    %sub3A_1506 = arith.constant 2047 : i32
    %sub3A_1507 = arith.subi %sub3A_1506, %rem3A_19 : i32
    %sub3A_1508 = arith.constant 792 : i32
    %sub3A_1509 = arith.subi %sub3A_1507, %sub3A_1508 : i32
    %sub3A_1510 = arith.constant 103 : i32
    %sub3A_1511 = arith.subi %sub3A_1509, %sub3A_1510 : i32
    %multiple_of3A_1512 = tpu.assume_multiple %sub3A_1511, 128 : i32
    %get3A_1513 = arith.constant 3 : index
    %get3A_1514 = arith.constant 0 : index
    %get3A_1515 = arith.index_cast %multiple_of3A_1512 : i32 to index
    %get3A_1516 = vector.load %arg4[%get3A_1513, %get3A_1514, %get3A_1515] : memref<16x8x4352xf32, #tpu.memory_space<vmem>>, vector<1x8x2048xf32>
    %get3A_1517 = vector.shape_cast %get3A_1516 : vector<1x8x2048xf32> to vector<8x2048xf32>
    %swap3A_1518 = arith.constant 792 : index
    %swap3A_1519 = arith.constant 0 : index
    %swap3A_1520 = vector.load %arg3[%swap3A_1518, %swap3A_1519] : memref<1024x2048xf32, #tpu.memory_space<vmem>>, vector<8x2048xf32>
    tpu.vector_store %arg3[%swap3A_1518, %swap3A_1519], %get3A_1517 {strides = array<i32>} : memref<1024x2048xf32, #tpu.memory_space<vmem>>, vector<8x2048xf32>,
    %sub3A_1521 = arith.constant 2047 : i32
    %sub3A_1522 = arith.subi %sub3A_1521, %rem3A_19 : i32
    %sub3A_1523 = arith.constant 800 : i32
    %sub3A_1524 = arith.subi %sub3A_1522, %sub3A_1523 : i32
    %sub3A_1525 = arith.constant 95 : i32
    %sub3A_1526 = arith.subi %sub3A_1524, %sub3A_1525 : i32
    %multiple_of3A_1527 = tpu.assume_multiple %sub3A_1526, 128 : i32
    %get3A_1528 = arith.constant 4 : index
    %get3A_1529 = arith.constant 0 : index
    %get3A_1530 = arith.index_cast %multiple_of3A_1527 : i32 to index
    %get3A_1531 = vector.load %arg4[%get3A_1528, %get3A_1529, %get3A_1530] : memref<16x8x4352xf32, #tpu.memory_space<vmem>>, vector<1x8x2048xf32>
    %get3A_1532 = vector.shape_cast %get3A_1531 : vector<1x8x2048xf32> to vector<8x2048xf32>
    %swap3A_1533 = arith.constant 800 : index
    %swap3A_1534 = arith.constant 0 : index
    %swap3A_1535 = vector.load %arg3[%swap3A_1533, %swap3A_1534] : memref<1024x2048xf32, #tpu.memory_space<vmem>>, vector<8x2048xf32>
    tpu.vector_store %arg3[%swap3A_1533, %swap3A_1534], %get3A_1532 {strides = array<i32>} : memref<1024x2048xf32, #tpu.memory_space<vmem>>, vector<8x2048xf32>,
    %sub3A_1536 = arith.constant 2047 : i32
    %sub3A_1537 = arith.subi %sub3A_1536, %rem3A_19 : i32
    %sub3A_1538 = arith.constant 808 : i32
    %sub3A_1539 = arith.subi %sub3A_1537, %sub3A_1538 : i32
    %sub3A_1540 = arith.constant 87 : i32
    %sub3A_1541 = arith.subi %sub3A_1539, %sub3A_1540 : i32
    %multiple_of3A_1542 = tpu.assume_multiple %sub3A_1541, 128 : i32
    %get3A_1543 = arith.constant 5 : index
    %get3A_1544 = arith.constant 0 : index
    %get3A_1545 = arith.index_cast %multiple_of3A_1542 : i32 to index
    %get3A_1546 = vector.load %arg4[%get3A_1543, %get3A_1544, %get3A_1545] : memref<16x8x4352xf32, #tpu.memory_space<vmem>>, vector<1x8x2048xf32>
    %get3A_1547 = vector.shape_cast %get3A_1546 : vector<1x8x2048xf32> to vector<8x2048xf32>
    %swap3A_1548 = arith.constant 808 : index
    %swap3A_1549 = arith.constant 0 : index
    %swap3A_1550 = vector.load %arg3[%swap3A_1548, %swap3A_1549] : memref<1024x2048xf32, #tpu.memory_space<vmem>>, vector<8x2048xf32>
    tpu.vector_store %arg3[%swap3A_1548, %swap3A_1549], %get3A_1547 {strides = array<i32>} : memref<1024x2048xf32, #tpu.memory_space<vmem>>, vector<8x2048xf32>,
    %sub3A_1551 = arith.constant 2047 : i32
    %sub3A_1552 = arith.subi %sub3A_1551, %rem3A_19 : i32
    %sub3A_1553 = arith.constant 816 : i32
    %sub3A_1554 = arith.subi %sub3A_1552, %sub3A_1553 : i32
    %sub3A_1555 = arith.constant 79 : i32
    %sub3A_1556 = arith.subi %sub3A_1554, %sub3A_1555 : i32
    %multiple_of3A_1557 = tpu.assume_multiple %sub3A_1556, 128 : i32
    %get3A_1558 = arith.constant 6 : index
    %get3A_1559 = arith.constant 0 : index
    %get3A_1560 = arith.index_cast %multiple_of3A_1557 : i32 to index
    %get3A_1561 = vector.load %arg4[%get3A_1558, %get3A_1559, %get3A_1560] : memref<16x8x4352xf32, #tpu.memory_space<vmem>>, vector<1x8x2048xf32>
    %get3A_1562 = vector.shape_cast %get3A_1561 : vector<1x8x2048xf32> to vector<8x2048xf32>
    %swap3A_1563 = arith.constant 816 : index
    %swap3A_1564 = arith.constant 0 : index
    %swap3A_1565 = vector.load %arg3[%swap3A_1563, %swap3A_1564] : memref<1024x2048xf32, #tpu.memory_space<vmem>>, vector<8x2048xf32>
    tpu.vector_store %arg3[%swap3A_1563, %swap3A_1564], %get3A_1562 {strides = array<i32>} : memref<1024x2048xf32, #tpu.memory_space<vmem>>, vector<8x2048xf32>,
    %sub3A_1566 = arith.constant 2047 : i32
    %sub3A_1567 = arith.subi %sub3A_1566, %rem3A_19 : i32
    %sub3A_1568 = arith.constant 824 : i32
    %sub3A_1569 = arith.subi %sub3A_1567, %sub3A_1568 : i32
    %sub3A_1570 = arith.constant 71 : i32
    %sub3A_1571 = arith.subi %sub3A_1569, %sub3A_1570 : i32
    %multiple_of3A_1572 = tpu.assume_multiple %sub3A_1571, 128 : i32
    %get3A_1573 = arith.constant 7 : index
    %get3A_1574 = arith.constant 0 : index
    %get3A_1575 = arith.index_cast %multiple_of3A_1572 : i32 to index
    %get3A_1576 = vector.load %arg4[%get3A_1573, %get3A_1574, %get3A_1575] : memref<16x8x4352xf32, #tpu.memory_space<vmem>>, vector<1x8x2048xf32>
    %get3A_1577 = vector.shape_cast %get3A_1576 : vector<1x8x2048xf32> to vector<8x2048xf32>
    %swap3A_1578 = arith.constant 824 : index
    %swap3A_1579 = arith.constant 0 : index
    %swap3A_1580 = vector.load %arg3[%swap3A_1578, %swap3A_1579] : memref<1024x2048xf32, #tpu.memory_space<vmem>>, vector<8x2048xf32>
    tpu.vector_store %arg3[%swap3A_1578, %swap3A_1579], %get3A_1577 {strides = array<i32>} : memref<1024x2048xf32, #tpu.memory_space<vmem>>, vector<8x2048xf32>,
    %sub3A_1581 = arith.constant 2047 : i32
    %sub3A_1582 = arith.subi %sub3A_1581, %rem3A_19 : i32
    %sub3A_1583 = arith.constant 832 : i32
    %sub3A_1584 = arith.subi %sub3A_1582, %sub3A_1583 : i32
    %sub3A_1585 = arith.constant 63 : i32
    %sub3A_1586 = arith.subi %sub3A_1584, %sub3A_1585 : i32
    %multiple_of3A_1587 = tpu.assume_multiple %sub3A_1586, 128 : i32
    %get3A_1588 = arith.constant 8 : index
    %get3A_1589 = arith.constant 0 : index
    %get3A_1590 = arith.index_cast %multiple_of3A_1587 : i32 to index
    %get3A_1591 = vector.load %arg4[%get3A_1588, %get3A_1589, %get3A_1590] : memref<16x8x4352xf32, #tpu.memory_space<vmem>>, vector<1x8x2048xf32>
    %get3A_1592 = vector.shape_cast %get3A_1591 : vector<1x8x2048xf32> to vector<8x2048xf32>
    %swap3A_1593 = arith.constant 832 : index
    %swap3A_1594 = arith.constant 0 : index
    %swap3A_1595 = vector.load %arg3[%swap3A_1593, %swap3A_1594] : memref<1024x2048xf32, #tpu.memory_space<vmem>>, vector<8x2048xf32>
    tpu.vector_store %arg3[%swap3A_1593, %swap3A_1594], %get3A_1592 {strides = array<i32>} : memref<1024x2048xf32, #tpu.memory_space<vmem>>, vector<8x2048xf32>,
    %sub3A_1596 = arith.constant 2047 : i32
    %sub3A_1597 = arith.subi %sub3A_1596, %rem3A_19 : i32
    %sub3A_1598 = arith.constant 840 : i32
    %sub3A_1599 = arith.subi %sub3A_1597, %sub3A_1598 : i32
    %sub3A_1600 = arith.constant 55 : i32
    %sub3A_1601 = arith.subi %sub3A_1599, %sub3A_1600 : i32
    %multiple_of3A_1602 = tpu.assume_multiple %sub3A_1601, 128 : i32
    %get3A_1603 = arith.constant 9 : index
    %get3A_1604 = arith.constant 0 : index
    %get3A_1605 = arith.index_cast %multiple_of3A_1602 : i32 to index
    %get3A_1606 = vector.load %arg4[%get3A_1603, %get3A_1604, %get3A_1605] : memref<16x8x4352xf32, #tpu.memory_space<vmem>>, vector<1x8x2048xf32>
    %get3A_1607 = vector.shape_cast %get3A_1606 : vector<1x8x2048xf32> to vector<8x2048xf32>
    %swap3A_1608 = arith.constant 840 : index
    %swap3A_1609 = arith.constant 0 : index
    %swap3A_1610 = vector.load %arg3[%swap3A_1608, %swap3A_1609] : memref<1024x2048xf32, #tpu.memory_space<vmem>>, vector<8x2048xf32>
    tpu.vector_store %arg3[%swap3A_1608, %swap3A_1609], %get3A_1607 {strides = array<i32>} : memref<1024x2048xf32, #tpu.memory_space<vmem>>, vector<8x2048xf32>,
    %sub3A_1611 = arith.constant 2047 : i32
    %sub3A_1612 = arith.subi %sub3A_1611, %rem3A_19 : i32
    %sub3A_1613 = arith.constant 848 : i32
    %sub3A_1614 = arith.subi %sub3A_1612, %sub3A_1613 : i32
    %sub3A_1615 = arith.constant 47 : i32
    %sub3A_1616 = arith.subi %sub3A_1614, %sub3A_1615 : i32
    %multiple_of3A_1617 = tpu.assume_multiple %sub3A_1616, 128 : i32
    %get3A_1618 = arith.constant 10 : index
    %get3A_1619 = arith.constant 0 : index
    %get3A_1620 = arith.index_cast %multiple_of3A_1617 : i32 to index
    %get3A_1621 = vector.load %arg4[%get3A_1618, %get3A_1619, %get3A_1620] : memref<16x8x4352xf32, #tpu.memory_space<vmem>>, vector<1x8x2048xf32>
    %get3A_1622 = vector.shape_cast %get3A_1621 : vector<1x8x2048xf32> to vector<8x2048xf32>
    %swap3A_1623 = arith.constant 848 : index
    %swap3A_1624 = arith.constant 0 : index
    %swap3A_1625 = vector.load %arg3[%swap3A_1623, %swap3A_1624] : memref<1024x2048xf32, #tpu.memory_space<vmem>>, vector<8x2048xf32>
    tpu.vector_store %arg3[%swap3A_1623, %swap3A_1624], %get3A_1622 {strides = array<i32>} : memref<1024x2048xf32, #tpu.memory_space<vmem>>, vector<8x2048xf32>,
    %sub3A_1626 = arith.constant 2047 : i32
    %sub3A_1627 = arith.subi %sub3A_1626, %rem3A_19 : i32
    %sub3A_1628 = arith.constant 856 : i32
    %sub3A_1629 = arith.subi %sub3A_1627, %sub3A_1628 : i32
    %sub3A_1630 = arith.constant 39 : i32
    %sub3A_1631 = arith.subi %sub3A_1629, %sub3A_1630 : i32
    %multiple_of3A_1632 = tpu.assume_multiple %sub3A_1631, 128 : i32
    %get3A_1633 = arith.constant 11 : index
    %get3A_1634 = arith.constant 0 : index
    %get3A_1635 = arith.index_cast %multiple_of3A_1632 : i32 to index
    %get3A_1636 = vector.load %arg4[%get3A_1633, %get3A_1634, %get3A_1635] : memref<16x8x4352xf32, #tpu.memory_space<vmem>>, vector<1x8x2048xf32>
    %get3A_1637 = vector.shape_cast %get3A_1636 : vector<1x8x2048xf32> to vector<8x2048xf32>
    %swap3A_1638 = arith.constant 856 : index
    %swap3A_1639 = arith.constant 0 : index
    %swap3A_1640 = vector.load %arg3[%swap3A_1638, %swap3A_1639] : memref<1024x2048xf32, #tpu.memory_space<vmem>>, vector<8x2048xf32>
    tpu.vector_store %arg3[%swap3A_1638, %swap3A_1639], %get3A_1637 {strides = array<i32>} : memref<1024x2048xf32, #tpu.memory_space<vmem>>, vector<8x2048xf32>,
    %sub3A_1641 = arith.constant 2047 : i32
    %sub3A_1642 = arith.subi %sub3A_1641, %rem3A_19 : i32
    %sub3A_1643 = arith.constant 864 : i32
    %sub3A_1644 = arith.subi %sub3A_1642, %sub3A_1643 : i32
    %sub3A_1645 = arith.constant 31 : i32
    %sub3A_1646 = arith.subi %sub3A_1644, %sub3A_1645 : i32
    %multiple_of3A_1647 = tpu.assume_multiple %sub3A_1646, 128 : i32
    %get3A_1648 = arith.constant 12 : index
    %get3A_1649 = arith.constant 0 : index
    %get3A_1650 = arith.index_cast %multiple_of3A_1647 : i32 to index
    %get3A_1651 = vector.load %arg4[%get3A_1648, %get3A_1649, %get3A_1650] : memref<16x8x4352xf32, #tpu.memory_space<vmem>>, vector<1x8x2048xf32>
    %get3A_1652 = vector.shape_cast %get3A_1651 : vector<1x8x2048xf32> to vector<8x2048xf32>
    %swap3A_1653 = arith.constant 864 : index
    %swap3A_1654 = arith.constant 0 : index
    %swap3A_1655 = vector.load %arg3[%swap3A_1653, %swap3A_1654] : memref<1024x2048xf32, #tpu.memory_space<vmem>>, vector<8x2048xf32>
    tpu.vector_store %arg3[%swap3A_1653, %swap3A_1654], %get3A_1652 {strides = array<i32>} : memref<1024x2048xf32, #tpu.memory_space<vmem>>, vector<8x2048xf32>,
    %sub3A_1656 = arith.constant 2047 : i32
    %sub3A_1657 = arith.subi %sub3A_1656, %rem3A_19 : i32
    %sub3A_1658 = arith.constant 872 : i32
    %sub3A_1659 = arith.subi %sub3A_1657, %sub3A_1658 : i32
    %sub3A_1660 = arith.constant 23 : i32
    %sub3A_1661 = arith.subi %sub3A_1659, %sub3A_1660 : i32
    %multiple_of3A_1662 = tpu.assume_multiple %sub3A_1661, 128 : i32
    %get3A_1663 = arith.constant 13 : index
    %get3A_1664 = arith.constant 0 : index
    %get3A_1665 = arith.index_cast %multiple_of3A_1662 : i32 to index
    %get3A_1666 = vector.load %arg4[%get3A_1663, %get3A_1664, %get3A_1665] : memref<16x8x4352xf32, #tpu.memory_space<vmem>>, vector<1x8x2048xf32>
    %get3A_1667 = vector.shape_cast %get3A_1666 : vector<1x8x2048xf32> to vector<8x2048xf32>
    %swap3A_1668 = arith.constant 872 : index
    %swap3A_1669 = arith.constant 0 : index
    %swap3A_1670 = vector.load %arg3[%swap3A_1668, %swap3A_1669] : memref<1024x2048xf32, #tpu.memory_space<vmem>>, vector<8x2048xf32>
    tpu.vector_store %arg3[%swap3A_1668, %swap3A_1669], %get3A_1667 {strides = array<i32>} : memref<1024x2048xf32, #tpu.memory_space<vmem>>, vector<8x2048xf32>,
    %sub3A_1671 = arith.constant 2047 : i32
    %sub3A_1672 = arith.subi %sub3A_1671, %rem3A_19 : i32
    %sub3A_1673 = arith.constant 880 : i32
    %sub3A_1674 = arith.subi %sub3A_1672, %sub3A_1673 : i32
    %sub3A_1675 = arith.constant 15 : i32
    %sub3A_1676 = arith.subi %sub3A_1674, %sub3A_1675 : i32
    %multiple_of3A_1677 = tpu.assume_multiple %sub3A_1676, 128 : i32
    %get3A_1678 = arith.constant 14 : index
    %get3A_1679 = arith.constant 0 : index
    %get3A_1680 = arith.index_cast %multiple_of3A_1677 : i32 to index
    %get3A_1681 = vector.load %arg4[%get3A_1678, %get3A_1679, %get3A_1680] : memref<16x8x4352xf32, #tpu.memory_space<vmem>>, vector<1x8x2048xf32>
    %get3A_1682 = vector.shape_cast %get3A_1681 : vector<1x8x2048xf32> to vector<8x2048xf32>
    %swap3A_1683 = arith.constant 880 : index
    %swap3A_1684 = arith.constant 0 : index
    %swap3A_1685 = vector.load %arg3[%swap3A_1683, %swap3A_1684] : memref<1024x2048xf32, #tpu.memory_space<vmem>>, vector<8x2048xf32>
    tpu.vector_store %arg3[%swap3A_1683, %swap3A_1684], %get3A_1682 {strides = array<i32>} : memref<1024x2048xf32, #tpu.memory_space<vmem>>, vector<8x2048xf32>,
    %sub3A_1686 = arith.constant 2047 : i32
    %sub3A_1687 = arith.subi %sub3A_1686, %rem3A_19 : i32
    %sub3A_1688 = arith.constant 888 : i32
    %sub3A_1689 = arith.subi %sub3A_1687, %sub3A_1688 : i32
    %sub3A_1690 = arith.constant 7 : i32
    %sub3A_1691 = arith.subi %sub3A_1689, %sub3A_1690 : i32
    %multiple_of3A_1692 = tpu.assume_multiple %sub3A_1691, 128 : i32
    %get3A_1693 = arith.constant 15 : index
    %get3A_1694 = arith.constant 0 : index
    %get3A_1695 = arith.index_cast %multiple_of3A_1692 : i32 to index
    %get3A_1696 = vector.load %arg4[%get3A_1693, %get3A_1694, %get3A_1695] : memref<16x8x4352xf32, #tpu.memory_space<vmem>>, vector<1x8x2048xf32>
    %get3A_1697 = vector.shape_cast %get3A_1696 : vector<1x8x2048xf32> to vector<8x2048xf32>
    %swap3A_1698 = arith.constant 888 : index
    %swap3A_1699 = arith.constant 0 : index
    %swap3A_1700 = vector.load %arg3[%swap3A_1698, %swap3A_1699] : memref<1024x2048xf32, #tpu.memory_space<vmem>>, vector<8x2048xf32>
    tpu.vector_store %arg3[%swap3A_1698, %swap3A_1699], %get3A_1697 {strides = array<i32>} : memref<1024x2048xf32, #tpu.memory_space<vmem>>, vector<8x2048xf32>,
    %sub3A_1701 = arith.constant 2047 : i32
    %sub3A_1702 = arith.subi %sub3A_1701, %rem3A_19 : i32
    %sub3A_1703 = arith.constant 896 : i32
    %sub3A_1704 = arith.subi %sub3A_1702, %sub3A_1703 : i32
    %sub3A_1705 = arith.constant 127 : i32
    %sub3A_1706 = arith.subi %sub3A_1704, %sub3A_1705 : i32
    %multiple_of3A_1707 = tpu.assume_multiple %sub3A_1706, 128 : i32
    %get3A_1708 = arith.constant 0 : index
    %get3A_1709 = arith.constant 0 : index
    %get3A_1710 = arith.index_cast %multiple_of3A_1707 : i32 to index
    %get3A_1711 = vector.load %arg4[%get3A_1708, %get3A_1709, %get3A_1710] : memref<16x8x4352xf32, #tpu.memory_space<vmem>>, vector<1x8x2048xf32>
    %get3A_1712 = vector.shape_cast %get3A_1711 : vector<1x8x2048xf32> to vector<8x2048xf32>
    %swap3A_1713 = arith.constant 896 : index
    %swap3A_1714 = arith.constant 0 : index
    %swap3A_1715 = vector.load %arg3[%swap3A_1713, %swap3A_1714] : memref<1024x2048xf32, #tpu.memory_space<vmem>>, vector<8x2048xf32>
    tpu.vector_store %arg3[%swap3A_1713, %swap3A_1714], %get3A_1712 {strides = array<i32>} : memref<1024x2048xf32, #tpu.memory_space<vmem>>, vector<8x2048xf32>,
    %sub3A_1716 = arith.constant 2047 : i32
    %sub3A_1717 = arith.subi %sub3A_1716, %rem3A_19 : i32
    %sub3A_1718 = arith.constant 904 : i32
    %sub3A_1719 = arith.subi %sub3A_1717, %sub3A_1718 : i32
    %sub3A_1720 = arith.constant 119 : i32
    %sub3A_1721 = arith.subi %sub3A_1719, %sub3A_1720 : i32
    %multiple_of3A_1722 = tpu.assume_multiple %sub3A_1721, 128 : i32
    %get3A_1723 = arith.constant 1 : index
    %get3A_1724 = arith.constant 0 : index
    %get3A_1725 = arith.index_cast %multiple_of3A_1722 : i32 to index
    %get3A_1726 = vector.load %arg4[%get3A_1723, %get3A_1724, %get3A_1725] : memref<16x8x4352xf32, #tpu.memory_space<vmem>>, vector<1x8x2048xf32>
    %get3A_1727 = vector.shape_cast %get3A_1726 : vector<1x8x2048xf32> to vector<8x2048xf32>
    %swap3A_1728 = arith.constant 904 : index
    %swap3A_1729 = arith.constant 0 : index
    %swap3A_1730 = vector.load %arg3[%swap3A_1728, %swap3A_1729] : memref<1024x2048xf32, #tpu.memory_space<vmem>>, vector<8x2048xf32>
    tpu.vector_store %arg3[%swap3A_1728, %swap3A_1729], %get3A_1727 {strides = array<i32>} : memref<1024x2048xf32, #tpu.memory_space<vmem>>, vector<8x2048xf32>,
    %sub3A_1731 = arith.constant 2047 : i32
    %sub3A_1732 = arith.subi %sub3A_1731, %rem3A_19 : i32
    %sub3A_1733 = arith.constant 912 : i32
    %sub3A_1734 = arith.subi %sub3A_1732, %sub3A_1733 : i32
    %sub3A_1735 = arith.constant 111 : i32
    %sub3A_1736 = arith.subi %sub3A_1734, %sub3A_1735 : i32
    %multiple_of3A_1737 = tpu.assume_multiple %sub3A_1736, 128 : i32
    %get3A_1738 = arith.constant 2 : index
    %get3A_1739 = arith.constant 0 : index
    %get3A_1740 = arith.index_cast %multiple_of3A_1737 : i32 to index
    %get3A_1741 = vector.load %arg4[%get3A_1738, %get3A_1739, %get3A_1740] : memref<16x8x4352xf32, #tpu.memory_space<vmem>>, vector<1x8x2048xf32>
    %get3A_1742 = vector.shape_cast %get3A_1741 : vector<1x8x2048xf32> to vector<8x2048xf32>
    %swap3A_1743 = arith.constant 912 : index
    %swap3A_1744 = arith.constant 0 : index
    %swap3A_1745 = vector.load %arg3[%swap3A_1743, %swap3A_1744] : memref<1024x2048xf32, #tpu.memory_space<vmem>>, vector<8x2048xf32>
    tpu.vector_store %arg3[%swap3A_1743, %swap3A_1744], %get3A_1742 {strides = array<i32>} : memref<1024x2048xf32, #tpu.memory_space<vmem>>, vector<8x2048xf32>,
    %sub3A_1746 = arith.constant 2047 : i32
    %sub3A_1747 = arith.subi %sub3A_1746, %rem3A_19 : i32
    %sub3A_1748 = arith.constant 920 : i32
    %sub3A_1749 = arith.subi %sub3A_1747, %sub3A_1748 : i32
    %sub3A_1750 = arith.constant 103 : i32
    %sub3A_1751 = arith.subi %sub3A_1749, %sub3A_1750 : i32
    %multiple_of3A_1752 = tpu.assume_multiple %sub3A_1751, 128 : i32
    %get3A_1753 = arith.constant 3 : index
    %get3A_1754 = arith.constant 0 : index
    %get3A_1755 = arith.index_cast %multiple_of3A_1752 : i32 to index
    %get3A_1756 = vector.load %arg4[%get3A_1753, %get3A_1754, %get3A_1755] : memref<16x8x4352xf32, #tpu.memory_space<vmem>>, vector<1x8x2048xf32>
    %get3A_1757 = vector.shape_cast %get3A_1756 : vector<1x8x2048xf32> to vector<8x2048xf32>
    %swap3A_1758 = arith.constant 920 : index
    %swap3A_1759 = arith.constant 0 : index
    %swap3A_1760 = vector.load %arg3[%swap3A_1758, %swap3A_1759] : memref<1024x2048xf32, #tpu.memory_space<vmem>>, vector<8x2048xf32>
    tpu.vector_store %arg3[%swap3A_1758, %swap3A_1759], %get3A_1757 {strides = array<i32>} : memref<1024x2048xf32, #tpu.memory_space<vmem>>, vector<8x2048xf32>,
    %sub3A_1761 = arith.constant 2047 : i32
    %sub3A_1762 = arith.subi %sub3A_1761, %rem3A_19 : i32
    %sub3A_1763 = arith.constant 928 : i32
    %sub3A_1764 = arith.subi %sub3A_1762, %sub3A_1763 : i32
    %sub3A_1765 = arith.constant 95 : i32
    %sub3A_1766 = arith.subi %sub3A_1764, %sub3A_1765 : i32
    %multiple_of3A_1767 = tpu.assume_multiple %sub3A_1766, 128 : i32
    %get3A_1768 = arith.constant 4 : index
    %get3A_1769 = arith.constant 0 : index
    %get3A_1770 = arith.index_cast %multiple_of3A_1767 : i32 to index
    %get3A_1771 = vector.load %arg4[%get3A_1768, %get3A_1769, %get3A_1770] : memref<16x8x4352xf32, #tpu.memory_space<vmem>>, vector<1x8x2048xf32>
    %get3A_1772 = vector.shape_cast %get3A_1771 : vector<1x8x2048xf32> to vector<8x2048xf32>
    %swap3A_1773 = arith.constant 928 : index
    %swap3A_1774 = arith.constant 0 : index
    %swap3A_1775 = vector.load %arg3[%swap3A_1773, %swap3A_1774] : memref<1024x2048xf32, #tpu.memory_space<vmem>>, vector<8x2048xf32>
    tpu.vector_store %arg3[%swap3A_1773, %swap3A_1774], %get3A_1772 {strides = array<i32>} : memref<1024x2048xf32, #tpu.memory_space<vmem>>, vector<8x2048xf32>,
    %sub3A_1776 = arith.constant 2047 : i32
    %sub3A_1777 = arith.subi %sub3A_1776, %rem3A_19 : i32
    %sub3A_1778 = arith.constant 936 : i32
    %sub3A_1779 = arith.subi %sub3A_1777, %sub3A_1778 : i32
    %sub3A_1780 = arith.constant 87 : i32
    %sub3A_1781 = arith.subi %sub3A_1779, %sub3A_1780 : i32
    %multiple_of3A_1782 = tpu.assume_multiple %sub3A_1781, 128 : i32
    %get3A_1783 = arith.constant 5 : index
    %get3A_1784 = arith.constant 0 : index
    %get3A_1785 = arith.index_cast %multiple_of3A_1782 : i32 to index
    %get3A_1786 = vector.load %arg4[%get3A_1783, %get3A_1784, %get3A_1785] : memref<16x8x4352xf32, #tpu.memory_space<vmem>>, vector<1x8x2048xf32>
    %get3A_1787 = vector.shape_cast %get3A_1786 : vector<1x8x2048xf32> to vector<8x2048xf32>
    %swap3A_1788 = arith.constant 936 : index
    %swap3A_1789 = arith.constant 0 : index
    %swap3A_1790 = vector.load %arg3[%swap3A_1788, %swap3A_1789] : memref<1024x2048xf32, #tpu.memory_space<vmem>>, vector<8x2048xf32>
    tpu.vector_store %arg3[%swap3A_1788, %swap3A_1789], %get3A_1787 {strides = array<i32>} : memref<1024x2048xf32, #tpu.memory_space<vmem>>, vector<8x2048xf32>,
    %sub3A_1791 = arith.constant 2047 : i32
    %sub3A_1792 = arith.subi %sub3A_1791, %rem3A_19 : i32
    %sub3A_1793 = arith.constant 944 : i32
    %sub3A_1794 = arith.subi %sub3A_1792, %sub3A_1793 : i32
    %sub3A_1795 = arith.constant 79 : i32
    %sub3A_1796 = arith.subi %sub3A_1794, %sub3A_1795 : i32
    %multiple_of3A_1797 = tpu.assume_multiple %sub3A_1796, 128 : i32
    %get3A_1798 = arith.constant 6 : index
    %get3A_1799 = arith.constant 0 : index
    %get3A_1800 = arith.index_cast %multiple_of3A_1797 : i32 to index
    %get3A_1801 = vector.load %arg4[%get3A_1798, %get3A_1799, %get3A_1800] : memref<16x8x4352xf32, #tpu.memory_space<vmem>>, vector<1x8x2048xf32>
    %get3A_1802 = vector.shape_cast %get3A_1801 : vector<1x8x2048xf32> to vector<8x2048xf32>
    %swap3A_1803 = arith.constant 944 : index
    %swap3A_1804 = arith.constant 0 : index
    %swap3A_1805 = vector.load %arg3[%swap3A_1803, %swap3A_1804] : memref<1024x2048xf32, #tpu.memory_space<vmem>>, vector<8x2048xf32>
    tpu.vector_store %arg3[%swap3A_1803, %swap3A_1804], %get3A_1802 {strides = array<i32>} : memref<1024x2048xf32, #tpu.memory_space<vmem>>, vector<8x2048xf32>,
    %sub3A_1806 = arith.constant 2047 : i32
    %sub3A_1807 = arith.subi %sub3A_1806, %rem3A_19 : i32
    %sub3A_1808 = arith.constant 952 : i32
    %sub3A_1809 = arith.subi %sub3A_1807, %sub3A_1808 : i32
    %sub3A_1810 = arith.constant 71 : i32
    %sub3A_1811 = arith.subi %sub3A_1809, %sub3A_1810 : i32
    %multiple_of3A_1812 = tpu.assume_multiple %sub3A_1811, 128 : i32
    %get3A_1813 = arith.constant 7 : index
    %get3A_1814 = arith.constant 0 : index
    %get3A_1815 = arith.index_cast %multiple_of3A_1812 : i32 to index
    %get3A_1816 = vector.load %arg4[%get3A_1813, %get3A_1814, %get3A_1815] : memref<16x8x4352xf32, #tpu.memory_space<vmem>>, vector<1x8x2048xf32>
    %get3A_1817 = vector.shape_cast %get3A_1816 : vector<1x8x2048xf32> to vector<8x2048xf32>
    %swap3A_1818 = arith.constant 952 : index
    %swap3A_1819 = arith.constant 0 : index
    %swap3A_1820 = vector.load %arg3[%swap3A_1818, %swap3A_1819] : memref<1024x2048xf32, #tpu.memory_space<vmem>>, vector<8x2048xf32>
    tpu.vector_store %arg3[%swap3A_1818, %swap3A_1819], %get3A_1817 {strides = array<i32>} : memref<1024x2048xf32, #tpu.memory_space<vmem>>, vector<8x2048xf32>,
    %sub3A_1821 = arith.constant 2047 : i32
    %sub3A_1822 = arith.subi %sub3A_1821, %rem3A_19 : i32
    %sub3A_1823 = arith.constant 960 : i32
    %sub3A_1824 = arith.subi %sub3A_1822, %sub3A_1823 : i32
    %sub3A_1825 = arith.constant 63 : i32
    %sub3A_1826 = arith.subi %sub3A_1824, %sub3A_1825 : i32
    %multiple_of3A_1827 = tpu.assume_multiple %sub3A_1826, 128 : i32
    %get3A_1828 = arith.constant 8 : index
    %get3A_1829 = arith.constant 0 : index
    %get3A_1830 = arith.index_cast %multiple_of3A_1827 : i32 to index
    %get3A_1831 = vector.load %arg4[%get3A_1828, %get3A_1829, %get3A_1830] : memref<16x8x4352xf32, #tpu.memory_space<vmem>>, vector<1x8x2048xf32>
    %get3A_1832 = vector.shape_cast %get3A_1831 : vector<1x8x2048xf32> to vector<8x2048xf32>
    %swap3A_1833 = arith.constant 960 : index
    %swap3A_1834 = arith.constant 0 : index
    %swap3A_1835 = vector.load %arg3[%swap3A_1833, %swap3A_1834] : memref<1024x2048xf32, #tpu.memory_space<vmem>>, vector<8x2048xf32>
    tpu.vector_store %arg3[%swap3A_1833, %swap3A_1834], %get3A_1832 {strides = array<i32>} : memref<1024x2048xf32, #tpu.memory_space<vmem>>, vector<8x2048xf32>,
    %sub3A_1836 = arith.constant 2047 : i32
    %sub3A_1837 = arith.subi %sub3A_1836, %rem3A_19 : i32
    %sub3A_1838 = arith.constant 968 : i32
    %sub3A_1839 = arith.subi %sub3A_1837, %sub3A_1838 : i32
    %sub3A_1840 = arith.constant 55 : i32
    %sub3A_1841 = arith.subi %sub3A_1839, %sub3A_1840 : i32
    %multiple_of3A_1842 = tpu.assume_multiple %sub3A_1841, 128 : i32
    %get3A_1843 = arith.constant 9 : index
    %get3A_1844 = arith.constant 0 : index
    %get3A_1845 = arith.index_cast %multiple_of3A_1842 : i32 to index
    %get3A_1846 = vector.load %arg4[%get3A_1843, %get3A_1844, %get3A_1845] : memref<16x8x4352xf32, #tpu.memory_space<vmem>>, vector<1x8x2048xf32>
    %get3A_1847 = vector.shape_cast %get3A_1846 : vector<1x8x2048xf32> to vector<8x2048xf32>
    %swap3A_1848 = arith.constant 968 : index
    %swap3A_1849 = arith.constant 0 : index
    %swap3A_1850 = vector.load %arg3[%swap3A_1848, %swap3A_1849] : memref<1024x2048xf32, #tpu.memory_space<vmem>>, vector<8x2048xf32>
    tpu.vector_store %arg3[%swap3A_1848, %swap3A_1849], %get3A_1847 {strides = array<i32>} : memref<1024x2048xf32, #tpu.memory_space<vmem>>, vector<8x2048xf32>,
    %sub3A_1851 = arith.constant 2047 : i32
    %sub3A_1852 = arith.subi %sub3A_1851, %rem3A_19 : i32
    %sub3A_1853 = arith.constant 976 : i32
    %sub3A_1854 = arith.subi %sub3A_1852, %sub3A_1853 : i32
    %sub3A_1855 = arith.constant 47 : i32
    %sub3A_1856 = arith.subi %sub3A_1854, %sub3A_1855 : i32
    %multiple_of3A_1857 = tpu.assume_multiple %sub3A_1856, 128 : i32
    %get3A_1858 = arith.constant 10 : index
    %get3A_1859 = arith.constant 0 : index
    %get3A_1860 = arith.index_cast %multiple_of3A_1857 : i32 to index
    %get3A_1861 = vector.load %arg4[%get3A_1858, %get3A_1859, %get3A_1860] : memref<16x8x4352xf32, #tpu.memory_space<vmem>>, vector<1x8x2048xf32>
    %get3A_1862 = vector.shape_cast %get3A_1861 : vector<1x8x2048xf32> to vector<8x2048xf32>
    %swap3A_1863 = arith.constant 976 : index
    %swap3A_1864 = arith.constant 0 : index
    %swap3A_1865 = vector.load %arg3[%swap3A_1863, %swap3A_1864] : memref<1024x2048xf32, #tpu.memory_space<vmem>>, vector<8x2048xf32>
    tpu.vector_store %arg3[%swap3A_1863, %swap3A_1864], %get3A_1862 {strides = array<i32>} : memref<1024x2048xf32, #tpu.memory_space<vmem>>, vector<8x2048xf32>,
    %sub3A_1866 = arith.constant 2047 : i32
    %sub3A_1867 = arith.subi %sub3A_1866, %rem3A_19 : i32
    %sub3A_1868 = arith.constant 984 : i32
    %sub3A_1869 = arith.subi %sub3A_1867, %sub3A_1868 : i32
    %sub3A_1870 = arith.constant 39 : i32
    %sub3A_1871 = arith.subi %sub3A_1869, %sub3A_1870 : i32
    %multiple_of3A_1872 = tpu.assume_multiple %sub3A_1871, 128 : i32
    %get3A_1873 = arith.constant 11 : index
    %get3A_1874 = arith.constant 0 : index
    %get3A_1875 = arith.index_cast %multiple_of3A_1872 : i32 to index
    %get3A_1876 = vector.load %arg4[%get3A_1873, %get3A_1874, %get3A_1875] : memref<16x8x4352xf32, #tpu.memory_space<vmem>>, vector<1x8x2048xf32>
    %get3A_1877 = vector.shape_cast %get3A_1876 : vector<1x8x2048xf32> to vector<8x2048xf32>
    %swap3A_1878 = arith.constant 984 : index
    %swap3A_1879 = arith.constant 0 : index
    %swap3A_1880 = vector.load %arg3[%swap3A_1878, %swap3A_1879] : memref<1024x2048xf32, #tpu.memory_space<vmem>>, vector<8x2048xf32>
    tpu.vector_store %arg3[%swap3A_1878, %swap3A_1879], %get3A_1877 {strides = array<i32>} : memref<1024x2048xf32, #tpu.memory_space<vmem>>, vector<8x2048xf32>,
    %sub3A_1881 = arith.constant 2047 : i32
    %sub3A_1882 = arith.subi %sub3A_1881, %rem3A_19 : i32
    %sub3A_1883 = arith.constant 992 : i32
    %sub3A_1884 = arith.subi %sub3A_1882, %sub3A_1883 : i32
    %sub3A_1885 = arith.constant 31 : i32
    %sub3A_1886 = arith.subi %sub3A_1884, %sub3A_1885 : i32
    %multiple_of3A_1887 = tpu.assume_multiple %sub3A_1886, 128 : i32
    %get3A_1888 = arith.constant 12 : index
    %get3A_1889 = arith.constant 0 : index
    %get3A_1890 = arith.index_cast %multiple_of3A_1887 : i32 to index
    %get3A_1891 = vector.load %arg4[%get3A_1888, %get3A_1889, %get3A_1890] : memref<16x8x4352xf32, #tpu.memory_space<vmem>>, vector<1x8x2048xf32>
    %get3A_1892 = vector.shape_cast %get3A_1891 : vector<1x8x2048xf32> to vector<8x2048xf32>
    %swap3A_1893 = arith.constant 992 : index
    %swap3A_1894 = arith.constant 0 : index
    %swap3A_1895 = vector.load %arg3[%swap3A_1893, %swap3A_1894] : memref<1024x2048xf32, #tpu.memory_space<vmem>>, vector<8x2048xf32>
    tpu.vector_store %arg3[%swap3A_1893, %swap3A_1894], %get3A_1892 {strides = array<i32>} : memref<1024x2048xf32, #tpu.memory_space<vmem>>, vector<8x2048xf32>,
    %sub3A_1896 = arith.constant 2047 : i32
    %sub3A_1897 = arith.subi %sub3A_1896, %rem3A_19 : i32
    %sub3A_1898 = arith.constant 1000 : i32
    %sub3A_1899 = arith.subi %sub3A_1897, %sub3A_1898 : i32
    %sub3A_1900 = arith.constant 23 : i32
    %sub3A_1901 = arith.subi %sub3A_1899, %sub3A_1900 : i32
    %multiple_of3A_1902 = tpu.assume_multiple %sub3A_1901, 128 : i32
    %get3A_1903 = arith.constant 13 : index
    %get3A_1904 = arith.constant 0 : index
    %get3A_1905 = arith.index_cast %multiple_of3A_1902 : i32 to index
    %get3A_1906 = vector.load %arg4[%get3A_1903, %get3A_1904, %get3A_1905] : memref<16x8x4352xf32, #tpu.memory_space<vmem>>, vector<1x8x2048xf32>
    %get3A_1907 = vector.shape_cast %get3A_1906 : vector<1x8x2048xf32> to vector<8x2048xf32>
    %swap3A_1908 = arith.constant 1000 : index
    %swap3A_1909 = arith.constant 0 : index
    %swap3A_1910 = vector.load %arg3[%swap3A_1908, %swap3A_1909] : memref<1024x2048xf32, #tpu.memory_space<vmem>>, vector<8x2048xf32>
    tpu.vector_store %arg3[%swap3A_1908, %swap3A_1909], %get3A_1907 {strides = array<i32>} : memref<1024x2048xf32, #tpu.memory_space<vmem>>, vector<8x2048xf32>,
    %sub3A_1911 = arith.constant 2047 : i32
    %sub3A_1912 = arith.subi %sub3A_1911, %rem3A_19 : i32
    %sub3A_1913 = arith.constant 1008 : i32
    %sub3A_1914 = arith.subi %sub3A_1912, %sub3A_1913 : i32
    %sub3A_1915 = arith.constant 15 : i32
    %sub3A_1916 = arith.subi %sub3A_1914, %sub3A_1915 : i32
    %multiple_of3A_1917 = tpu.assume_multiple %sub3A_1916, 128 : i32
    %get3A_1918 = arith.constant 14 : index
    %get3A_1919 = arith.constant 0 : index
    %get3A_1920 = arith.index_cast %multiple_of3A_1917 : i32 to index
    %get3A_1921 = vector.load %arg4[%get3A_1918, %get3A_1919, %get3A_1920] : memref<16x8x4352xf32, #tpu.memory_space<vmem>>, vector<1x8x2048xf32>
    %get3A_1922 = vector.shape_cast %get3A_1921 : vector<1x8x2048xf32> to vector<8x2048xf32>
    %swap3A_1923 = arith.constant 1008 : index
    %swap3A_1924 = arith.constant 0 : index
    %swap3A_1925 = vector.load %arg3[%swap3A_1923, %swap3A_1924] : memref<1024x2048xf32, #tpu.memory_space<vmem>>, vector<8x2048xf32>
    tpu.vector_store %arg3[%swap3A_1923, %swap3A_1924], %get3A_1922 {strides = array<i32>} : memref<1024x2048xf32, #tpu.memory_space<vmem>>, vector<8x2048xf32>,
    %sub3A_1926 = arith.constant 2047 : i32
    %sub3A_1927 = arith.subi %sub3A_1926, %rem3A_19 : i32
    %sub3A_1928 = arith.constant 1016 : i32
    %sub3A_1929 = arith.subi %sub3A_1927, %sub3A_1928 : i32
    %sub3A_1930 = arith.constant 7 : i32
    %sub3A_1931 = arith.subi %sub3A_1929, %sub3A_1930 : i32
    %multiple_of3A_1932 = tpu.assume_multiple %sub3A_1931, 128 : i32
    %get3A_1933 = arith.constant 15 : index
    %get3A_1934 = arith.constant 0 : index
    %get3A_1935 = arith.index_cast %multiple_of3A_1932 : i32 to index
    %get3A_1936 = vector.load %arg4[%get3A_1933, %get3A_1934, %get3A_1935] : memref<16x8x4352xf32, #tpu.memory_space<vmem>>, vector<1x8x2048xf32>
    %get3A_1937 = vector.shape_cast %get3A_1936 : vector<1x8x2048xf32> to vector<8x2048xf32>
    %swap3A_1938 = arith.constant 1016 : index
    %swap3A_1939 = arith.constant 0 : index
    %swap3A_1940 = vector.load %arg3[%swap3A_1938, %swap3A_1939] : memref<1024x2048xf32, #tpu.memory_space<vmem>>, vector<8x2048xf32>
    tpu.vector_store %arg3[%swap3A_1938, %swap3A_1939], %get3A_1937 {strides = array<i32>} : memref<1024x2048xf32, #tpu.memory_space<vmem>>, vector<8x2048xf32>,
    return
  }
  func.func @transform_0(%arg0: i32) -> (i32, i32) {
    %c0_i32 = arith.constant 0 : i32
    %c0_i32_0 = arith.constant 0 : i32
    %c0_i32_1 = arith.constant 0 : i32
    return %c0_i32, %c0_i32_0 : i32, i32
  }
  func.func @transform_1(%arg0: i32) -> (i32, i32) {
    %c0_i32 = arith.constant 0 : i32
    %c0_i32_0 = arith.constant 0 : i32
    %c0_i32_1 = arith.constant 0 : i32
    return %c0_i32, %c0_i32_0 : i32, i32
  }
  func.func @transform_2(%arg0: i32) -> (i32, i32) {
    %add3A = arith.constant 1 : i32
    %add3A_0 = arith.addi %add3A, %arg0 : i32
    %c0_i32 = arith.constant 0 : i32
    %c0_i32_1 = arith.constant 0 : i32
    return %add3A_0, %c0_i32 : i32, i32
  }
}

</mosaic_0001>

<sc_bundles>
// kernel: kernel.5.cloned.1.call-start
scs
__scs_entry_jumppad:
0x0: {  	(pc) =	sbr.rel $0x88, $3  }
0x1: {  	(tag) =	ssettag $0x0;
	lr =	simm.s32 $0x1  }
0x2: {  	[smem:$0x3FA0] =	sst lr;
	_ =	strace $0xD0000000  }
0x3: {  	_ = 	snop  }
0x4: {  	_ = 	snop  }
0x5: {  	_ = 	snop  }
0x6: {  	_ = 	snop  }
0x7: {  	_ = 	snop  }
__scs_overlays_trampoline_lowered:
0x8: {  	[smem:$0x3FAF] =	sst s0  }
0x9: {  	[smem:$0x3FB0] =	sst s1  }
0xa: {  	[smem:$0x3FB1] =	sst s2  }
0xb: {  	[smem:$0x3FB2] =	sst s3  }
0xc: {  	[smem:$0x3FB3] =	sst s4  }
0xd: {  	[smem:$0x3FB4] =	sst s5  }
0xe: {  	[smem:$0x3FB5] =	sst s6  }
0xf: {  	[smem:$0x3FB6] =	sst s7  }
0x10: {  	[smem:$0x3FB7] =	sst s8  }
0x11: {  	[smem:$0x3FB8] =	sst s9;
	s0 =	simm.s32 @!p0 $0x0  }
0x12: {  	s1 =	sld [smem:$0x3F9E];
	s0 =	simm.s32 @p0 $0x1  }
0x13: {  	[smem:$0x3FB9] =	sst s0;
	s0 =	simm.s32 @!p1 $0x0  }
0x14: {  	s2 =	sld [smem:$0x3F9D];
	s0 =	simm.s32 @p1 $0x1  }
0x15: {  	[smem:$0x3FBA] =	sst s0;
	s0 =	simm.s32 @!p2 $0x0  }
0x16: {  	s3 =	sld [smem:$0x3FDB];
	s0 =	simm.s32 @p2 $0x1  }
0x17: {  	s4 =	simm.s32 $0x1BF5;
	[smem:$0x3FBC] =	sst s0  }
0x18: {  	s0 =	sld [smem:$0x3F9F];
	_ =	swait.ge [sflag:s4], $0x0  }
0x19: {  	s7 =	sld [smem:$0x3FA0]  }
0x1a: {  	s8 =	sadd.s32 $0xFFFFE003, lr  }
0x1b: {  	s9 =	sadd.s32 $0xFFFFFEF7, lr;
	s5 =	simm.s32 $0xFFFFFFFF;
	p2 =	slt.u32 s8, $0xFFFFF086  }
0x1c: {  	p1 =	slt.u32 s9, $0xF7A;
	s5 =	simm.s32 @!p2 $0x0  }
0x1d: {  	s5 =	simm.s32 @p1 $0x1;
	p0 =	seq.s32 s7, s2  }
0x1e: {  	s7 =	smul.u32 @!p0 $0xF7A, s2;
	p2 =	seq.s32 @!p0 s5, $0x0  }
0x1f: {  	s9 =	smul.u32 $0xF7A, s1;
	s8 =	simm.s32 @!p0 $0x1BF5;
	p2 =	por !p2, p0  }
0x20: {  	[sflag:s8] =	ssyncset.s32 @!p0 $0xFFFFF086;
	s6 =	sadd.s32 @!p0 s3, s7;
	s7 =	simm.s32 @!p0 $0x108  }
0x21: {  	s3 =	sadd.s32 s3, s9;
	s6 =	sadd.s32 @!p0 $0x88, s6;
	s7 =	simm.s32 @p2 $0x1082  }
0x22: {  	[simem:s7], [sflag:s8] =	dma.local @!p0 [hbm:s6], $0xF7A  }
0x23: {  	s9 =	sor.u32 $0xD0000000, s2;
	s6 =	simm.s32 $0x108;
	_ =	swait.ge @!p0 [sflag:s8], $0x0  }
0x24: {  	s3 =	sadd.s32 $0x88, s3;
	s6 =	simm.s32 @!p1 $0x1082;
	[sflag:s4] =	ssyncset.s32 $0xFFFFF086  }
0x25: {  	[simem:s6], [sflag:s4] =	dma.local [hbm:s3], $0xF7A  }
0x26: {  	[smem:$0x3FA0] =	sst s1;
	(tag) =	ssettag s2;
	_ =	strace s9  }
0x27: {  	s1 =	sld [smem:$0x3FB0]  }
0x28: {  	s2 =	sld [smem:$0x3FB1]  }
0x29: {  	s4 =	sld [smem:$0x3FB3]  }
0x2a: {  	p0 =	seq.s32 s5, $0x0;
	s5 =	sld [smem:$0x3FB4]  }
0x2b: {  	s6 =	sld [smem:$0x3FB5]  }
0x2c: {  	s7 =	sld [smem:$0x3FB6]  }
0x2d: {  	s3 =	simm.s32 $0x108;
	s8 =	sld [smem:$0x3FB7]  }
0x2e: {  	s3 =	simm.s32 @!p0 $0x1082;
	s9 =	sld [smem:$0x3FB8]  }
0x2f: {  	lr =	sadd.s32 s0, s3;
	s0 =	sld [smem:$0x3FAF]  }
0x30: {  	s3 =	sld [smem:$0x3FB2]  }
0x31: {  	[smem:$0x3FBB] =	sst s10  }
0x32: {  	s10 =	sld [smem:$0x3FB9];
	_ =	sdelay $0x3  }
0x33: {  	p0 =	seq.s32 s10, $0x1;
	s10 =	sld [smem:$0x3FBB];
	_ =	sdelay $0x3  }
0x34: {  	[smem:$0x3FBB] =	sst s10  }
0x35: {  	s10 =	sld [smem:$0x3FBA];
	_ =	sdelay $0x3  }
0x36: {  	p1 =	seq.s32 s10, $0x1;
	s10 =	sld [smem:$0x3FBB];
	_ =	sdelay $0x3  }
0x37: {  	[smem:$0x3FBB] =	sst s10  }
0x38: {  	s10 =	sld [smem:$0x3FBC]  }
0x39: {  	_ = 	snop;
	(pc) =	sbr.ind lr, $3  }
0x3a: {  	_ = 	snop  }
0x3b: {  	_ = 	snop  }
0x3c: {  	p2 =	seq.s32 s10, $0x1;
	s10 =	sld [smem:$0x3FBB]  }
0x3d: {  	_ =	shalt  }
0x3e: {  	_ =	shalt  }
0x3f: {  	_ =	shalt  }
0x40: {  	_ =	shalt  }
0x41: {  	_ =	shalt  }
0x42: {  	_ =	shalt  }
0x43: {  	_ =	shalt  }
0x44: {  	_ =	shalt  }
0x45: {  	_ =	shalt  }
0x46: {  	_ =	shalt  }
0x47: {  	_ =	shalt  }
0x48: {  	_ =	shalt  }
0x49: {  	_ =	shalt  }
0x4a: {  	_ =	shalt  }
0x4b: {  	_ =	shalt  }
0x4c: {  	_ =	shalt  }
0x4d: {  	_ =	shalt  }
0x4e: {  	_ =	shalt  }
0x4f: {  	_ =	shalt  }
0x50: {  	_ =	shalt  }
0x51: {  	_ =	shalt  }
0x52: {  	_ =	shalt  }
0x53: {  	_ =	shalt  }
0x54: {  	_ =	shalt  }
0x55: {  	_ =	shalt  }
0x56: {  	_ =	shalt  }
0x57: {  	_ =	shalt  }
0x58: {  	_ =	shalt  }
0x59: {  	_ =	shalt  }
0x5a: {  	_ =	shalt  }
0x5b: {  	_ =	shalt  }
0x5c: {  	_ =	shalt  }
0x5d: {  	_ =	shalt  }
0x5e: {  	_ =	shalt  }
0x5f: {  	_ =	shalt  }
0x60: {  	_ =	shalt  }
0x61: {  	_ =	shalt  }
0x62: {  	_ =	shalt  }
0x63: {  	_ =	shalt  }
0x64: {  	_ =	shalt  }
0x65: {  	_ =	shalt  }
0x66: {  	_ =	shalt  }
0x67: {  	_ =	shalt  }
0x68: {  	_ =	shalt  }
0x69: {  	_ =	shalt  }
0x6a: {  	_ =	shalt  }
0x6b: {  	_ =	shalt  }
0x6c: {  	_ =	shalt  }
0x6d: {  	_ =	shalt  }
0x6e: {  	_ =	shalt  }
0x6f: {  	_ =	shalt  }
0x70: {  	_ =	shalt  }
0x71: {  	_ =	shalt  }
0x72: {  	_ =	shalt  }
0x73: {  	_ =	shalt  }
0x74: {  	_ =	shalt  }
0x75: {  	_ =	shalt  }
0x76: {  	_ =	shalt  }
0x77: {  	_ =	shalt  }
0x78: {  	_ =	shalt  }
0x79: {  	_ =	shalt  }
0x7a: {  	_ =	shalt  }
0x7b: {  	_ =	shalt  }
0x7c: {  	_ =	shalt  }
0x7d: {  	_ =	shalt  }
0x7e: {  	_ =	shalt  }
0x7f: {  	_ =	shalt  }
0x80: {  	_ =	shalt  }
0x81: {  	_ =	shalt  }
0x82: {  	_ =	shalt  }
0x83: {  	_ =	shalt  }
0x84: {  	_ =	shalt  }
0x85: {  	_ =	shalt  }
0x86: {  	_ =	shalt  }
0x87: {  	_ =	shalt  }
.Lfunc_end0:
.L_simem_size_0:
called_computation_lowered:
.L_overlay_start_0:
0x88: {  	s2 =	sld [smem:$0x3FD9]  }
0x89: {  	s3 =	sld [smem:$0x3FFE];
	_ =	sdelay $0x1  }
0x8a: {  	s1 =	srdreg.scid  }
0x8b: {  	s0 =	sand.u32 $0x1, s1  }
0x8c: {  	s16 =	sshll.u32 s0, $0xA;
	s2 =	sadd.s32 s3, s2  }
0x8d: {  	s2 =	sadd.s32 s2, s16  }
0x8e: {  	[smem:$0x3FC7] =	sst s2  }
0x8f: {  	_ = 	snop  }
0x90: {  	(tm) =	ssettm $0x1  }
0x91: {  	s17 =	sld [smem:$0x3FFB];
	_ =	sdelay $0x3  }
0x92: {  	_ =	strace s17  }
0x93: {  	s2 =	sld [smem:$0x3FFC];
	_ =	sdelay $0x3  }
0x94: {  	_ =	strace s2  }
0x95: {  	s2 =	sld [smem:$0x3FFD];
	_ =	sdelay $0x3  }
0x96: {  	_ =	strace s2  }
0x97: {  	_ =	strace $0x8FFFFFFF  }
0x98: {  	s18 =	sld [smem:$0x3FDB];
	_ =	sdelay $0x1  }
0x99: {  	s19 =	simm.s32 $_scs_section_size  }
0x9a: {  	s4 =	simm.s32 $_size__tile_overlayer_lowered;
	s5 =	simm.s32 $_tile_overlayer_lowered  }
0x9b: {  	s22 =	simm.s32 $0x1BFF;
	s21 =	sshll.u32 s5, $0x1;
	s2 =	sadd.s32 s19, s18  }
0x9c: {  	s6 =	simm.s32 $0x0;
	s20 =	sshll.u32 s4, $0x1;
	s4 =	sadd.s32 s21, s2  }
0x9d: {  	[timem:s6], [sflag:s22] =	dma.local [hbm:s4], s20  }
0x9e: {  	_ =	swait.ge [sflag:s22], s20  }
0x9f: {  	s3 =	ssub.s32 $0x0, s20;
	[sflag:s22] =	ssyncset.done $0x0  }
0xa0: {  	[sflag:s22] =	ssyncadd.s32 s3;
	_ =	sdelay $0x1  }
0xa1: {  	s23 =	simm.s32 $0x1B8B  }
0xa2: {  	_ =	swait.ge [sflag:s23], $0x1  }
0xa3: {  	[sflag:s23] =	ssyncset.done $0x0  }
0xa4: {  	s25 =	simm.s32 $0x1B8E;
	s24 =	sld [smem:$0x3FFE];
	[sflag:s23] =	ssyncadd.s32 $0xFFFFFFFF  }
0xa5: {  	s26 =	simm.s32 $execute0_lowered;
	[smem:$0x3FD2] =	sst s25  }
0xa6: {  	s4 =	sshll.u32 s26, $0x1;
	_ =	strace $0x80000046;
	[dreg:$0x1] =	wrdreg $0xFFFFFFFF  }
0xa7: {  	s28 =	simm.s32 $_size_execute0_lowered;
	s2 =	sadd.s32 s2, s4;
	[dreg:$0x0] =	wrdreg $0x0  }
0xa8: {  	s4 =	sshll.u32 s28, $0x1;
	[dreg:$0x2] =	wrdreg s2  }
0xa9: {  	[dreg:$0x3] =	wrdreg s4  }
0xaa: {  	[dreg:$0x4] =	wrdreg $0xC0  }
0xab: {  	_ =	task [dreg:s6], $0x5FFFF  }
0xac: {  	[dreg:$0x1] =	wrdreg $0xFFFFFFFF  }
0xad: {  	[dreg:$0x0] =	wrdreg $0x60  }
0xae: {  	[dreg:$0x2] =	wrdreg s24  }
0xaf: {  	[dreg:$0x3] =	wrdreg $0x9  }
0xb0: {  	_ =	task.clear_ibuf [dreg:s6], $0x4FFFF;
	_ =	strace $0x90000046  }
0xb1: {  	s29 =	simm.s32 $0x9;
	_ =	strace $0x80000048  }
0xb2: {  	_ =	swait.ge [sflag:s29], $0x1  }
0xb3: {  	[sflag:s29] =	ssyncadd.s32 $0xFFFFFFFF  }
0xb4: {  	_ =	strace $0x90000048  }
0xb5: {  	_ =	sfence  }
0xb6: {  	s30 =	sld [smem:$0x0];
	_ =	sdelay $0x2  }
0xb7: {  	s31 =	sshll.u32 s1, $0xD;
	s1 =	sshrl.u32 s1, $0x2  }
0xb8: {  	s3 =	sand.u32 $0x4000, s31;
	s1 =	sadd.s32 s1, s30  }
0xb9: {  	s0 =	sor.u32 s3, s0;
	s1 =	sshll.u32 s1, $0x11  }
0xba: {  	s0 =	sor.u32 s1, s0  }
0xbb: {  	s0 =	sadd.s32 $0x8F2B, s0  }
0xbc: {  	[sflag:s0] =	ssyncadd.remote.s32 $0x1  }
0xbd: {  	_ =	sfence.sel $0xFFFF  }
0xbe: {  	[dreg:$0x0] =	wrdreg $0xFFFFFFFF;
	(pc) =	sbr.abs _section_cstart, $3  }
0xbf: {  	[dreg:$0x1] =	wrdreg $0xFFFFFFFF  }
0xc0: {  	_ =	task.clear_ibuf [dreg:s6], $0x2FFFF;
	_ =	strace $0x9FFFFFFF  }
0xc1: {  	(tm) =	ssettm $0x7FFFFFFF  }
tec
execute0_lowered:
.L_overlay_start_1:
0x0: {  	(tag) =	ssettag $0x1  }
0x1: {  	s5 =	rddreg [dreg:$0x0]  }
0x2: {  	s0 =	rddreg [dreg:$0x1]  }
0x3: {  	s2 =	simm.s32 $0x0;
	s3 =	srdreg.scid;
	s1 =	stileid.u32  }
0x4: {  	[smem:$0x7FF] =	sst s2;
	s9 =	sand.u32 $0x1, s3;
	s4 =	sshll.u32 s1, $0x1  }
0x5: {  	s3 =	sadd.s32 $0x600, s5;
	s12 =	sshll.u32 s1, $0x6;
	s24 =	sshll.u32 s1, $0x8  }
0x6: {  	_ =	strace $0x80000047;
	s6 =	sor.u32 s9, s4;
	s4 =	sadd.s32 $0x400, s5  }
0x7: {  	s8 =	ssub.s32 $0x2, s9;
	s19 =	sshll.u32 s9, $0x5;
	s23 =	sshll.u32 s9, $0x7  }
0x8: {  	s7 =	sshll.u32 s6, $0xD;
	s17 =	sshrl.u32 s8, $0x1;
	s11 =	sshll.u32 s6, $0x5  }
0x9: {  	s12 =	sor.u32 s12, s19;
	s19 =	sor.u32 s24, s23;
	s10 =	sadd.s32 s7, s5  }
0xa: {  	s18 =	ssub.s32 $0x7D0, s11;
	s13 =	sshrl.u32 s11, $0x4;
	s20 =	ssub.s32 $0x7D0, s12  }
0xb: {  	s12 =	sxor.u32 $0xFF0, s12;
	s15 =	ssub.s32 s8, s17;
	s16 =	sxor.u32 $0x7FF, s11  }
0xc: {  	s17 =	sxor.u32 $0x7EF, s11;
	s25 =	sxor.u32 $0x1F80, s19;
	s28 =	ssub.s32 $0x2038, s19  }
0xd: {  	s30 =	sxor.u32 $0x1FF8, s19;
	s19 =	simm.s32 $0xA380;
	s5 =	sshrl.u32 s18, $0x4  }
0xe: {  	s6 =	sxor.u32 $0xFF, s13;
	s13 =	sshrl.u32 s20, $0x4;
	s12 =	sshrl.u32 s12, $0x4  }
0xf: {  	s8 =	sadd.s32 $0xA00, s10;
	s9 =	sadd.s32 $0x1A00, s10;
	s22 =	ssub.s32 s12, s13  }
0x10: {  	s10 =	smax.u32 s15, $0x1;
	s20 =	sadd.s32 $0x1310, s16;
	s12 =	sshrl.u32 s22, $0x1  }
0x11: {  	s29 =	sshrl.u32 s28, $0x2;
	s31 =	sshrl.u32 s30, $0x2;
	s12 =	sand.u32 $0xFF, s12  }
0x12: {  	s16 =	simm.s32 $0x3;
	s14 =	ssub.s32 s6, s5;
	s18 =	sshll.u32 s12, $0x7  }
0x13: {  	v0 =	vmov s20;
	s20 =	simm.s32 $0x2;
	s21 =	sand.u32 $0x1FE, s14;
	s11 =	ssub.s32 s18, s23  }
0x14: {  	s22 =	sadd.s32 $0x1300, s29;
	s14 =	ssub.s32 s11, s24;
	s24 =	sadd.s32 $0x1300, s31  }
0x15: {  	s7 =	sadd.s32 s5, s21;
	s21 =	simm.s32 $0x1;
	v1 =	vmov s22;
	s23 =	sadd.s32 $0x1310, s17;
	v3 =	vmov s24  }
0x16: {  	s22 =	simm.s32 $0x0;
	s26 =	sshll.u32 s12, $0x1;
	p0 =	sgt.u32 s7, s6;
	v2 =	vmov s23  }
0x17: {  	s15 =	sadd.s32 s26, s13;
	s17 =	simm.s32 $0x1080;
	s14 =	sadd.s32 $0x1F40, s14  }
0x18: {  	s18 =	simm.s32 $0x2380;
	s11 =	sshrl.u32 s25, $0x2;
	s13 =	sshra.s32 s14, $0x2  }
0x19: {  	s12 =	sadd.s32 $0x1300, s11;
	s14 =	sadd.s32 $0xFFFFFFFF, s15;
	s15 =	sadd.s32 $0x1300, s13  }
.LBB2_1:
0x1a: {  	[tilespmem:s2], [sflag:$0x3] =	stream.linear.gather [hbm4b:s3+s2], $0x1080, $0x38;
	[tilespmem:$0x12380] =	vst v63  }
0x1b: {  	_ =	swait.ge [sflag:s16], $0x1080  }
0x1c: {  	[sflag:s16] =	ssyncset.done $0x0  }
0x1d: {  	[sflag:s16] =	ssyncadd.s32 $0xFFFFEF80  }
0x1e: {  	[tilespmem:s17], [sflag:$0x3] =	stream.linear.gather [hbm4b:s4+s2], $0x280, $0x38;
	[tilespmem:$0x12380] =	vst v63  }
0x1f: {  	_ =	swait.ge [sflag:s16], $0x280  }
0x20: {  	[sflag:s16] =	ssyncset.done $0x0  }
0x21: {  	[sflag:s16] =	ssyncadd.s32 $0xFFFFFD80  }
0x22: {  	v36 =	vld [tilespmem:s11+$0x0]  }
0x23: {  	v38 =	vld [tilespmem:s11+$0xFFFFFFF0]  }
0x24: {  	v4 =	vld.msk [tilespmem:$0x1080 ss:$0x0], $0xffff  }
0x25: {  	v5 =	vld.msk [tilespmem:$0x1090 ss:$0x0], $0xffff  }
0x26: {  	v6 =	vld.msk [tilespmem:$0x10A0 ss:$0x0], $0xffff  }
0x27: {  	v7 =	vld.msk [tilespmem:$0x10B0 ss:$0x0], $0xffff;
	vm0 =	veq.s32 v36, $0x1  }
0x28: {  	v8 =	vld.msk [tilespmem:$0x10C0 ss:$0x0], $0xffff;
	vm1 =	veq.s32 v38, $0x1;
	vm12 =	veq.s32 v36, $0x2;
	vm13 =	veq.s32 v36, $0x3  }
0x29: {  	v9 =	vld.msk [tilespmem:$0x10D0 ss:$0x0], $0xffff;
	vm14 =	veq.s32 v38, $0x2;
	vm15 =	veq.s32 v36, $0x4;
	vm2 =	veq.s32 v38, $0x11  }
0x2a: {  	v10 =	vld.msk [tilespmem:$0x10E0 ss:$0x0], $0xffff;
	vm10 =	veq.s32 v38, $0x15;
	vm9 =	veq.s32 v38, $0x16;
	v37 =	vsel vm0, v5, v4  }
0x2b: {  	v11 =	vld.msk [tilespmem:$0x10F0 ss:$0x0], $0xffff;
	vm7 =	veq.s32 v38, $0x17;
	v39 =	vsel vm1, v5, v4;
	v37 =	vsel vm12, v6, v37  }
0x2c: {  	v12 =	vld.msk [tilespmem:$0x1100 ss:$0x0], $0xffff;
	v39 =	vsel vm14, v6, v39;
	vm12 =	veq.s32 v36, $0x5;
	v37 =	vsel vm13, v7, v37  }
0x2d: {  	v13 =	vld.msk [tilespmem:$0x1110 ss:$0x0], $0xffff;
	vm14 =	veq.s32 v36, $0x6;
	vm13 =	veq.s32 v38, $0x3;
	v37 =	vsel vm15, v8, v37  }
0x2e: {  	v14 =	vld.msk [tilespmem:$0x1120 ss:$0x0], $0xffff;
	v39 =	vsel vm13, v7, v39;
	vm15 =	veq.s32 v36, $0x7;
	v37 =	vsel vm12, v9, v37  }
0x2f: {  	v15 =	vld.msk [tilespmem:$0x1130 ss:$0x0], $0xffff;
	vm13 =	veq.s32 v36, $0x8;
	vm12 =	veq.s32 v38, $0x4;
	v37 =	vsel vm14, v10, v37  }
0x30: {  	v16 =	vld.msk [tilespmem:$0x1140 ss:$0x0], $0xffff;
	v39 =	vsel vm12, v8, v39;
	vm14 =	veq.s32 v36, $0x9;
	v37 =	vsel vm15, v11, v37  }
0x31: {  	v17 =	vld.msk [tilespmem:$0x1150 ss:$0x0], $0xffff;
	vm12 =	veq.s32 v36, $0xA;
	vm15 =	veq.s32 v38, $0x5;
	v37 =	vsel vm13, v12, v37  }
0x32: {  	v18 =	vld.msk [tilespmem:$0x1160 ss:$0x0], $0xffff;
	v39 =	vsel vm15, v9, v39;
	vm13 =	veq.s32 v36, $0xB;
	v37 =	vsel vm14, v13, v37  }
0x33: {  	v19 =	vld.msk [tilespmem:$0x1170 ss:$0x0], $0xffff;
	vm15 =	veq.s32 v36, $0xC;
	vm14 =	veq.s32 v38, $0x6;
	v37 =	vsel vm12, v14, v37  }
0x34: {  	v20 =	vld.msk [tilespmem:$0x1180 ss:$0x0], $0xffff;
	v39 =	vsel vm14, v10, v39;
	vm12 =	veq.s32 v36, $0xD;
	v37 =	vsel vm13, v15, v37  }
0x35: {  	v21 =	vld.msk [tilespmem:$0x1190 ss:$0x0], $0xffff;
	vm14 =	veq.s32 v36, $0xE;
	vm13 =	veq.s32 v38, $0x7;
	v37 =	vsel vm15, v16, v37  }
0x36: {  	v22 =	vld.msk [tilespmem:$0x11A0 ss:$0x0], $0xffff;
	v39 =	vsel vm13, v11, v39;
	vm15 =	veq.s32 v36, $0xF;
	v37 =	vsel vm12, v17, v37  }
0x37: {  	v23 =	vld.msk [tilespmem:$0x11B0 ss:$0x0], $0xffff;
	vm13 =	veq.s32 v36, $0x10;
	vm12 =	veq.s32 v38, $0x8;
	v37 =	vsel vm14, v18, v37  }
0x38: {  	v24 =	vld.msk [tilespmem:$0x11C0 ss:$0x0], $0xffff;
	v39 =	vsel vm12, v12, v39;
	vm14 =	veq.s32 v36, $0x11;
	v37 =	vsel vm15, v19, v37  }
0x39: {  	v25 =	vld.msk [tilespmem:$0x11D0 ss:$0x0], $0xffff;
	vm12 =	veq.s32 v36, $0x12;
	vm15 =	veq.s32 v38, $0x9;
	v37 =	vsel vm13, v20, v37  }
0x3a: {  	v26 =	vld.msk [tilespmem:$0x11E0 ss:$0x0], $0xffff;
	v39 =	vsel vm15, v13, v39;
	vm13 =	veq.s32 v36, $0x13;
	v37 =	vsel vm14, v21, v37  }
0x3b: {  	v27 =	vld.msk [tilespmem:$0x11F0 ss:$0x0], $0xffff;
	vm15 =	veq.s32 v36, $0x14;
	vm14 =	veq.s32 v38, $0xA;
	v37 =	vsel vm12, v22, v37  }
0x3c: {  	v28 =	vld.msk [tilespmem:$0x1200 ss:$0x0], $0xffff;
	v39 =	vsel vm14, v14, v39;
	vm12 =	veq.s32 v36, $0x15;
	v37 =	vsel vm13, v23, v37  }
0x3d: {  	v29 =	vld.msk [tilespmem:$0x1210 ss:$0x0], $0xffff;
	vm14 =	veq.s32 v36, $0x16;
	vm13 =	veq.s32 v38, $0xB;
	v37 =	vsel vm15, v24, v37  }
0x3e: {  	v30 =	vld.msk [tilespmem:$0x1220 ss:$0x0], $0xffff;
	v39 =	vsel vm13, v15, v39;
	vm15 =	veq.s32 v36, $0x17;
	v37 =	vsel vm12, v25, v37  }
0x3f: {  	v31 =	vld.msk [tilespmem:$0x1230 ss:$0x0], $0xffff;
	vm13 =	veq.s32 v36, $0x18;
	vm12 =	veq.s32 v38, $0xC;
	v37 =	vsel vm14, v26, v37  }
0x40: {  	v32 =	vld.msk [tilespmem:$0x1240 ss:$0x0], $0xffff;
	v39 =	vsel vm12, v16, v39;
	vm14 =	veq.s32 v36, $0x19;
	v37 =	vsel vm15, v27, v37  }
0x41: {  	v33 =	vld.msk [tilespmem:$0x1250 ss:$0x0], $0xffff;
	vm12 =	veq.s32 v36, $0x1A;
	vm15 =	veq.s32 v38, $0xD;
	v37 =	vsel vm13, v28, v37  }
0x42: {  	v34 =	vld.msk [tilespmem:$0x1260 ss:$0x0], $0xffff;
	v39 =	vsel vm15, v17, v39;
	vm13 =	veq.s32 v36, $0x1B;
	v37 =	vsel vm14, v29, v37  }
0x43: {  	v35 =	vld.msk [tilespmem:$0x1270 ss:$0x0], $0xffff;
	vm15 =	veq.s32 v36, $0x1C;
	vm14 =	veq.s32 v38, $0xE;
	v37 =	vsel vm12, v30, v37  }
0x44: {  	v39 =	vsel vm14, v18, v39;
	vm12 =	veq.s32 v36, $0x1D;
	v37 =	vsel vm13, v31, v37  }
0x45: {  	s23 =	sadd.s32 $0x2, s5;
	vm14 =	veq.s32 v36, $0x1E;
	vm13 =	veq.s32 v38, $0xF;
	v37 =	vsel vm15, v32, v37  }
0x46: {  	p2 =	slt.u32 s23, s7;
	v39 =	vsel vm13, v19, v39;
	v37 =	vsel vm12, v33, v37;
	vm12 =	veq.s32 v38, $0x10  }
.Ltmp0:
0x47: {  	vm15 =	veq.s32 v36, $0x1F;
	v37 =	vsel vm14, v34, v37;
	v63 =	vsel vm12, v20, v39;
	(pc) =	sbr.rel @!p2 .LBB2_2-.Ltmp0, $4  }
0x48: {  	vm13 =	veq.s32 v38, $0x12;
	v36 =	vsel vm15, v35, v37;
	v37 =	vsel vm2, v21, v63  }
0x49: {  	vm8 =	veq.s32 v38, $0x18;
	vm14 =	veq.s32 v38, $0x13;
	v37 =	vsel vm13, v22, v37  }
0x4a: {  	vm6 =	veq.s32 v38, $0x19;
	vm15 =	veq.s32 v38, $0x14;
	v37 =	vsel vm14, v23, v37  }
0x4b: {  	s24 =	sadd.s32 $0x20, s11;
	p1 =	por $0x0, $0x0;
	vm5 =	veq.s32 v38, $0x1A;
	vm11 =	veq.s32 v38, $0x1B;
	[tilespmem:s12+$0x0] =	vst v36;
	v39 =	vsel vm15, v24, v37  }
0x4c: {  	v40 =	vld [tilespmem:s24+$0x0];
	v37 =	vsel vm10, v25, v39  }
0x4d: {  	v36 =	vld [tilespmem:s24+$0xFFFFFFF0];
	v37 =	vsel vm9, v26, v37  }
0x4e: {  	vm2 =	veq.s32 v38, $0x1C;
	vm0 =	vmmov vm11;
	v37 =	vsel vm7, v27, v37  }
0x4f: {  	vm3 =	veq.s32 v38, $0x1D;
	vm1 =	veq.s32 v38, $0x1E;
	v37 =	vsel vm8, v28, v37  }
0x50: {  	vm4 =	veq.s32 v38, $0x1F;
	vm2 =	vmmov vm2;
	v37 =	vsel vm6, v29, v37  }
0x51: {  	vm3 =	vmmov vm3;
	vm6 =	veq.s32 v40, $0x1;
	v37 =	vsel vm5, v30, v37  }
0x52: {  	vm5 =	veq.s32 v36, $0x1;
	vm7 =	veq.s32 v36, $0x11;
	vm11 =	veq.s32 v36, $0x14  }
0x53: {  	vm10 =	veq.s32 v36, $0x15;
	v62 =	vsel vm6, v5, v4;
	vm6 =	veq.s32 v40, $0x2  }
0x54: {  	v63 =	vsel vm5, v5, v4;
	vm5 =	veq.s32 v40, $0x3;
	v38 =	vsel vm6, v6, v62  }
0x55: {  	vm9 =	veq.s32 v36, $0x16;
	vm6 =	veq.s32 v36, $0x2;
	v38 =	vsel vm5, v7, v38  }
0x56: {  	vm5 =	veq.s32 v40, $0x4;
	v39 =	vsel vm6, v6, v63;
	vm6 =	veq.s32 v36, $0x3  }
0x57: {  	v38 =	vsel vm5, v8, v38;
	vm5 =	veq.s32 v40, $0x5;
	v39 =	vsel vm6, v7, v39  }
0x58: {  	vm6 =	veq.s32 v36, $0x4;
	v38 =	vsel vm5, v9, v38;
	vm5 =	veq.s32 v40, $0x6  }
0x59: {  	v39 =	vsel vm6, v8, v39;
	v38 =	vsel vm5, v10, v38;
	vm5 =	veq.s32 v40, $0x7  }
0x5a: {  	vm6 =	veq.s32 v36, $0x5;
	v38 =	vsel vm5, v11, v38;
	vm5 =	veq.s32 v40, $0x8  }
0x5b: {  	v39 =	vsel vm6, v9, v39;
	v38 =	vsel vm5, v12, v38;
	vm5 =	veq.s32 v40, $0x9  }
0x5c: {  	vm6 =	veq.s32 v36, $0x6;
	v38 =	vsel vm5, v13, v38;
	vm5 =	veq.s32 v40, $0xA  }
0x5d: {  	v39 =	vsel vm6, v10, v39;
	v38 =	vsel vm5, v14, v38;
	vm5 =	veq.s32 v40, $0xB  }
0x5e: {  	vm6 =	veq.s32 v36, $0x7;
	v38 =	vsel vm5, v15, v38;
	vm5 =	veq.s32 v40, $0xC  }
0x5f: {  	v39 =	vsel vm6, v11, v39;
	v38 =	vsel vm5, v16, v38;
	vm5 =	veq.s32 v40, $0xD  }
0x60: {  	vm6 =	veq.s32 v36, $0x8;
	v38 =	vsel vm5, v17, v38;
	vm5 =	veq.s32 v40, $0xE  }
0x61: {  	v39 =	vsel vm6, v12, v39;
	v38 =	vsel vm5, v18, v38;
	vm5 =	veq.s32 v40, $0xF  }
0x62: {  	vm6 =	veq.s32 v36, $0x9;
	v38 =	vsel vm5, v19, v38;
	vm5 =	veq.s32 v40, $0x10  }
0x63: {  	v39 =	vsel vm6, v13, v39;
	v38 =	vsel vm5, v20, v38;
	vm5 =	veq.s32 v40, $0x11  }
0x64: {  	vm6 =	veq.s32 v36, $0xA;
	v38 =	vsel vm5, v21, v38;
	vm5 =	veq.s32 v40, $0x12  }
0x65: {  	v39 =	vsel vm6, v14, v39;
	v38 =	vsel vm5, v22, v38;
	vm5 =	veq.s32 v40, $0x13  }
0x66: {  	vm6 =	veq.s32 v36, $0xB;
	v38 =	vsel vm5, v23, v38;
	vm5 =	veq.s32 v40, $0x14  }
0x67: {  	v39 =	vsel vm6, v15, v39;
	v38 =	vsel vm5, v24, v38;
	vm5 =	veq.s32 v40, $0x15  }
0x68: {  	vm6 =	veq.s32 v36, $0xC;
	v38 =	vsel vm5, v25, v38;
	vm5 =	veq.s32 v40, $0x16  }
0x69: {  	v39 =	vsel vm6, v16, v39;
	v38 =	vsel vm5, v26, v38;
	vm5 =	veq.s32 v40, $0x17  }
0x6a: {  	vm6 =	veq.s32 v36, $0xD;
	v38 =	vsel vm5, v27, v38;
	vm5 =	veq.s32 v40, $0x18  }
0x6b: {  	v39 =	vsel vm6, v17, v39;
	v38 =	vsel vm5, v28, v38;
	vm5 =	veq.s32 v40, $0x19  }
0x6c: {  	vm6 =	veq.s32 v36, $0xE;
	v38 =	vsel vm5, v29, v38;
	vm5 =	veq.s32 v40, $0x1A  }
0x6d: {  	v39 =	vsel vm6, v18, v39;
	v38 =	vsel vm5, v30, v38;
	vm5 =	veq.s32 v40, $0x1B  }
0x6e: {  	vm6 =	veq.s32 v36, $0xF;
	v38 =	vsel vm5, v31, v38;
	vm5 =	veq.s32 v40, $0x1C  }
0x6f: {  	s25 =	sadd.s32 $0x2, s23;
	v39 =	vsel vm6, v19, v39;
	v38 =	vsel vm5, v32, v38;
	vm5 =	veq.s32 v40, $0x1D  }
0x70: {  	p2 =	slt.u32 s25, s7;
	vm6 =	veq.s32 v36, $0x10;
	v38 =	vsel vm5, v33, v38;
	vm5 =	veq.s32 v40, $0x1E  }
.Ltmp1:
0x71: {  	v39 =	vsel vm6, v20, v39;
	v38 =	vsel vm5, v34, v38;
	vm5 =	veq.s32 v40, $0x1F;
	(pc) =	sbr.rel @!p2 .LBB2_4-.Ltmp1, $4  }
0x72: {  	v39 =	vsel vm7, v21, v39;
	v38 =	vsel vm5, v35, v38;
	vm5 =	veq.s32 v36, $0x12  }
0x73: {  	vm8 =	veq.s32 v36, $0x18;
	vm6 =	veq.s32 v36, $0x13;
	v39 =	vsel vm5, v22, v39  }
0x74: {  	s23 =	sadd.s32 $0x20, s12;
	vm7 =	veq.s32 v36, $0x17;
	vm5 =	veq.s32 v36, $0x1A;
	v39 =	vsel vm6, v23, v39  }
0x75: {  	s26 =	sadd.s32 $0x20, s24;
	p1 =	por $0x1, $0x1;
	s24 =	smov.u32 s12;
	[tilespmem:s23+$0x0] =	vst v38;
	vm6 =	veq.s32 v36, $0x19;
	v39 =	vsel vm11, v24, v39;
	vm11 =	veq.s32 v36, $0x1B  }
.LBB2_5:
0x76: {  	v39 =	vsel vm10, v25, v39;
	vm10 =	veq.s32 v36, $0x1C;
	v37 =	vsel vm0, v31, v37  }
0x77: {  	v38 =	vld [tilespmem:s26+$0x0];
	s25 =	sadd.s32 $0x2, s25;
	vm12 =	vmmov vm1;
	vm13 =	vmmov vm4;
	vm0 =	vmmov vm11  }
0x78: {  	v40 =	vld [tilespmem:s26+$0xFFFFFFF0];
	p2 =	slt.u32 s25, s7;
	v39 =	vsel vm9, v26, v39;
	vm9 =	veq.s32 v36, $0x1D;
	v37 =	vsel vm2, v32, v37  }
0x79: {  	vm1 =	veq.s32 v36, $0x1E;
	v39 =	vsel vm7, v27, v39;
	v37 =	vsel vm3, v33, v37  }
0x7a: {  	vm4 =	veq.s32 v36, $0x1F;
	v39 =	vsel vm8, v28, v39;
	v36 =	vsel vm12, v34, v37  }
0x7b: {  	vm2 =	vmmov vm10;
	v37 =	vsel vm6, v29, v39;
	v41 =	vsel vm13, v35, v36  }
0x7c: {  	vm3 =	vmmov vm9;
	vm6 =	veq.s32 v38, $0x1;
	v37 =	vsel vm5, v30, v37;
	[tilespmem:s24+$0xFFFFFFF0] =	vst v41;
	s24 =	smov.u32 s23  }
0x7d: {  	vm5 =	veq.s32 v40, $0x1;
	v39 =	vsel vm6, v5, v4;
	vm6 =	veq.s32 v38, $0x2;
	v36 =	vmovc v40  }
0x7e: {  	v40 =	vsel vm5, v5, v4;
	v39 =	vsel vm6, v6, v39;
	vm5 =	veq.s32 v38, $0x3  }
0x7f: {  	vm6 =	veq.s32 v36, $0x2;
	v39 =	vsel vm5, v7, v39;
	vm5 =	veq.s32 v38, $0x4  }
0x80: {  	v40 =	vsel vm6, v6, v40;
	v39 =	vsel vm5, v8, v39;
	vm5 =	veq.s32 v38, $0x5  }
0x81: {  	vm6 =	veq.s32 v36, $0x3;
	v39 =	vsel vm5, v9, v39;
	vm5 =	veq.s32 v38, $0x6  }
0x82: {  	v40 =	vsel vm6, v7, v40;
	v39 =	vsel vm5, v10, v39;
	vm5 =	veq.s32 v38, $0x7  }
0x83: {  	vm6 =	veq.s32 v36, $0x4;
	v39 =	vsel vm5, v11, v39;
	vm5 =	veq.s32 v38, $0x8  }
0x84: {  	v40 =	vsel vm6, v8, v40;
	v39 =	vsel vm5, v12, v39;
	vm5 =	veq.s32 v38, $0x9  }
0x85: {  	vm6 =	veq.s32 v36, $0x5;
	v39 =	vsel vm5, v13, v39;
	vm5 =	veq.s32 v38, $0xA  }
0x86: {  	v40 =	vsel vm6, v9, v40;
	v39 =	vsel vm5, v14, v39;
	vm5 =	veq.s32 v38, $0xB  }
0x87: {  	vm6 =	veq.s32 v36, $0x6;
	v39 =	vsel vm5, v15, v39;
	vm5 =	veq.s32 v38, $0xC  }
0x88: {  	v40 =	vsel vm6, v10, v40;
	v39 =	vsel vm5, v16, v39;
	vm5 =	veq.s32 v38, $0xD  }
0x89: {  	vm6 =	veq.s32 v36, $0x7;
	v39 =	vsel vm5, v17, v39;
	vm5 =	veq.s32 v38, $0xE  }
0x8a: {  	v40 =	vsel vm6, v11, v40;
	v39 =	vsel vm5, v18, v39;
	vm5 =	veq.s32 v38, $0xF  }
0x8b: {  	vm6 =	veq.s32 v36, $0x8;
	v39 =	vsel vm5, v19, v39;
	vm5 =	veq.s32 v38, $0x10  }
0x8c: {  	v40 =	vsel vm6, v12, v40;
	v39 =	vsel vm5, v20, v39;
	vm5 =	veq.s32 v38, $0x11  }
0x8d: {  	vm6 =	veq.s32 v36, $0x9;
	v39 =	vsel vm5, v21, v39;
	vm5 =	veq.s32 v38, $0x12  }
0x8e: {  	v40 =	vsel vm6, v13, v40;
	v39 =	vsel vm5, v22, v39;
	vm5 =	veq.s32 v38, $0x13  }
0x8f: {  	vm6 =	veq.s32 v36, $0xA;
	v39 =	vsel vm5, v23, v39;
	vm5 =	veq.s32 v38, $0x14  }
0x90: {  	v40 =	vsel vm6, v14, v40;
	v39 =	vsel vm5, v24, v39;
	vm5 =	veq.s32 v38, $0x15  }
0x91: {  	vm6 =	veq.s32 v36, $0xB;
	v39 =	vsel vm5, v25, v39;
	vm5 =	veq.s32 v38, $0x16  }
0x92: {  	v40 =	vsel vm6, v15, v40;
	v39 =	vsel vm5, v26, v39;
	vm5 =	veq.s32 v38, $0x17  }
0x93: {  	vm6 =	veq.s32 v36, $0xC;
	v39 =	vsel vm5, v27, v39;
	vm5 =	veq.s32 v38, $0x18  }
0x94: {  	v40 =	vsel vm6, v16, v40;
	v39 =	vsel vm5, v28, v39;
	vm5 =	veq.s32 v38, $0x19  }
0x95: {  	vm6 =	veq.s32 v36, $0xD;
	v39 =	vsel vm5, v29, v39;
	vm5 =	veq.s32 v38, $0x1A  }
0x96: {  	v40 =	vsel vm6, v17, v40;
	v39 =	vsel vm5, v30, v39;
	vm5 =	veq.s32 v38, $0x1B  }
0x97: {  	vm6 =	veq.s32 v36, $0xE;
	v39 =	vsel vm5, v31, v39;
	vm5 =	veq.s32 v38, $0x1C  }
0x98: {  	v40 =	vsel vm6, v18, v40;
	v39 =	vsel vm5, v32, v39;
	vm5 =	veq.s32 v38, $0x1D  }
0x99: {  	vm6 =	veq.s32 v36, $0xF;
	v39 =	vsel vm5, v33, v39;
	vm5 =	veq.s32 v38, $0x1E  }
0x9a: {  	v40 =	vsel vm6, v19, v40;
	v39 =	vsel vm5, v34, v39;
	vm5 =	veq.s32 v38, $0x1F  }
0x9b: {  	s23 =	sadd.s32 $0x20, s23;
	vm7 =	veq.s32 v36, $0x11;
	vm6 =	veq.s32 v36, $0x10;
	v38 =	vsel vm5, v35, v39  }
.Ltmp2:
0x9c: {  	v39 =	vsel vm6, v20, v40;
	vm5 =	veq.s32 v36, $0x12;
	vm6 =	veq.s32 v36, $0x13;
	[tilespmem:s23+$0x0] =	vst v38;
	(pc) =	sbr.rel @p2 .LBB2_5-.Ltmp2, $4  }
0x9d: {  	vm11 =	veq.s32 v36, $0x14;
	vm10 =	veq.s32 v36, $0x15;
	v38 =	vsel vm7, v21, v39  }
0x9e: {  	vm9 =	veq.s32 v36, $0x16;
	vm7 =	veq.s32 v36, $0x17;
	v38 =	vsel vm5, v22, v38  }
0x9f: {  	vm8 =	veq.s32 v36, $0x18;
	v38 =	vsel vm6, v23, v38;
	vm6 =	veq.s32 v36, $0x19  }
0xa0: {  	s26 =	sadd.s32 $0x20, s26;
	vm5 =	veq.s32 v36, $0x1A;
	v39 =	vsel vm11, v24, v38;
	vm11 =	veq.s32 v36, $0x1B  }
0xa1: {  	v38 =	vmov v36  }
.LBB2_7:
0xa2: {  	v36 =	vsel vm10, v25, v39  }
0xa3: {  	v36 =	vsel vm9, v26, v36  }
0xa4: {  	vm13 =	veq.s32 v38, $0x1C;
	v37 =	vsel @p1 vm0, v31, v37;
	v36 =	vsel vm7, v27, v36  }
0xa5: {  	vm0 =	vmmov @p1 vm1;
	vm1 =	vmmov @p1 vm4;
	v36 =	vsel vm8, v28, v36  }
0xa6: {  	vm14 =	vmmov vm11;
	vm15 =	veq.s32 v38, $0x1D;
	v36 =	vsel vm6, v29, v36  }
0xa7: {  	vm10 =	veq.s32 v38, $0x1E;
	vm12 =	veq.s32 v38, $0x1F;
	v36 =	vsel vm5, v30, v36  }
0xa8: {  	v37 =	vsel @p1 vm2, v32, v37;
	vm11 =	vmmov vm13;
	v36 =	vsel vm14, v31, v36  }
.Ltmp3:
0xa9: {  	vm13 =	vmmov vm15;
	v37 =	vsel @p1 vm3, v33, v37;
	v36 =	vsel vm11, v32, v36;
	(pc) =	sbr.rel @p0 .LBB2_9-.Ltmp3, $4  }
0xaa: {  	v37 =	vsel @p1 vm0, v34, v37;
	vm14 =	vmmov vm10;
	v36 =	vsel vm13, v33, v36  }
0xab: {  	vm15 =	vmmov vm12;
	v37 =	vsel @p1 vm1, v35, v37;
	v36 =	vsel vm14, v34, v36  }
0xac: {  	[tilespmem:s24+$0xFFFFFFF0] =	vst @p1 v37;
	v36 =	vsel vm15, v35, v36  }
0xad: {  	s25 =	smov.u32 s14;
	s24 =	smov.u32 s13;
	[tilespmem:s23+$0xFFFFFFF0] =	vst v36;
	s23 =	smov.u32 s15  }
.LBB2_8:
0xae: {  	v36 =	vld [tilespmem:s24+$0x0];
	_ =	sdelay $0x4  }
0xaf: {  	vm0 =	veq.s32 v36, $0x1  }
0xb0: {  	vm10 =	veq.s32 v36, $0x2;
	v37 =	vsel vm0, v5, v4  }
0xb1: {  	vm11 =	veq.s32 v36, $0x3;
	v37 =	vsel vm10, v6, v37  }
0xb2: {  	vm12 =	veq.s32 v36, $0x4;
	v37 =	vsel vm11, v7, v37  }
0xb3: {  	vm13 =	veq.s32 v36, $0x5;
	v37 =	vsel vm12, v8, v37  }
0xb4: {  	vm14 =	veq.s32 v36, $0x6;
	v37 =	vsel vm13, v9, v37  }
0xb5: {  	vm15 =	veq.s32 v36, $0x7;
	v37 =	vsel vm14, v10, v37  }
0xb6: {  	vm4 =	veq.s32 v36, $0x8;
	v37 =	vsel vm15, v11, v37  }
0xb7: {  	vm5 =	veq.s32 v36, $0x9;
	v37 =	vsel vm4, v12, v37  }
0xb8: {  	vm6 =	veq.s32 v36, $0xA;
	v37 =	vsel vm5, v13, v37  }
0xb9: {  	vm7 =	veq.s32 v36, $0xB;
	v37 =	vsel vm6, v14, v37  }
0xba: {  	vm8 =	veq.s32 v36, $0xC;
	v37 =	vsel vm7, v15, v37  }
0xbb: {  	vm9 =	veq.s32 v36, $0xD;
	v37 =	vsel vm8, v16, v37  }
0xbc: {  	vm10 =	veq.s32 v36, $0xE;
	v37 =	vsel vm9, v17, v37  }
0xbd: {  	vm11 =	veq.s32 v36, $0xF;
	v37 =	vsel vm10, v18, v37  }
0xbe: {  	vm12 =	veq.s32 v36, $0x10;
	v37 =	vsel vm11, v19, v37  }
0xbf: {  	vm13 =	veq.s32 v36, $0x11;
	v37 =	vsel vm12, v20, v37  }
0xc0: {  	vm14 =	veq.s32 v36, $0x12;
	v37 =	vsel vm13, v21, v37  }
0xc1: {  	vm15 =	veq.s32 v36, $0x13;
	v37 =	vsel vm14, v22, v37  }
0xc2: {  	vm4 =	veq.s32 v36, $0x14;
	v37 =	vsel vm15, v23, v37  }
0xc3: {  	vm5 =	veq.s32 v36, $0x15;
	v37 =	vsel vm4, v24, v37  }
0xc4: {  	vm6 =	veq.s32 v36, $0x16;
	v37 =	vsel vm5, v25, v37  }
0xc5: {  	vm7 =	veq.s32 v36, $0x17;
	v37 =	vsel vm6, v26, v37  }
0xc6: {  	vm8 =	veq.s32 v36, $0x18;
	v37 =	vsel vm7, v27, v37  }
0xc7: {  	vm9 =	veq.s32 v36, $0x19;
	v37 =	vsel vm8, v28, v37  }
0xc8: {  	vm10 =	veq.s32 v36, $0x1A;
	v37 =	vsel vm9, v29, v37  }
0xc9: {  	s25 =	sadd.s32 $0x1, s25;
	vm11 =	veq.s32 v36, $0x1B;
	v37 =	vsel vm10, v30, v37  }
0xca: {  	p1 =	slt.u32 s25, s6;
	vm12 =	veq.s32 v36, $0x1C;
	v37 =	vsel vm11, v31, v37  }
.Ltmp4:
0xcb: {  	vm13 =	veq.s32 v36, $0x1D;
	v37 =	vsel vm12, v32, v37;
	(pc) =	sbr.rel @p1 .LBB2_8-.Ltmp4, $4  }
0xcc: {  	vm14 =	veq.s32 v36, $0x1E;
	v37 =	vsel vm13, v33, v37  }
0xcd: {  	vm15 =	veq.s32 v36, $0x1F;
	v37 =	vsel vm14, v34, v37  }
0xce: {  	v36 =	vsel vm15, v35, v37  }
0xcf: {  	s24 =	sadd.s32 $0x10, s24;
	[tilespmem:s23+$0x0] =	vst v36;
	s23 =	sadd.s32 $0x10, s23  }
.LBB2_9:
0xd0: {  	_ =	sdelay $0x2  }
0xd1: {  	s23 =	simm.s32 $0x0  }
0xd2: {  	v4 =	vld.idx.msk [tilespmem:v0+s23+$0x0 ss:$0x1], $0xffff  }
0xd3: {  	v5 =	vld.idx.msk [tilespmem:v1+s23+$0x0 ss:$0x1], $0xffff  }
0xd4: {  	v7 =	vld.idx.msk [tilespmem:v1+s23+$0xFFFFFFFF ss:$0x1], $0xffff  }
0xd5: {  	v8 =	vld.idx.msk [tilespmem:v1+s23+$0xFFFFFFFE ss:$0x1], $0xffff  }
0xd6: {  	v9 =	vld.idx.msk [tilespmem:v1+s23+$0xFFFFFFFD ss:$0x1], $0xffff  }
0xd7: {  	v10 =	vld.idx.msk [tilespmem:v1+s23+$0xFFFFFFFC ss:$0x1], $0xffff  }
0xd8: {  	v11 =	vld.idx.msk [tilespmem:v1+s23+$0xFFFFFFFB ss:$0x1], $0xffff  }
0xd9: {  	v12 =	vld.idx.msk [tilespmem:v1+s23+$0xFFFFFFFA ss:$0x1], $0xffff  }
0xda: {  	v13 =	vld.idx.msk [tilespmem:v1+s23+$0xFFFFFFF9 ss:$0x1], $0xffff  }
0xdb: {  	v6 =	vld.idx.msk [tilespmem:v1+s23+$0xFFFFFFF2 ss:$0x1], $0xffff  }
0xdc: {  	v14 =	vld.idx.msk [tilespmem:v1+s23+$0xFFFFFFF8 ss:$0x1], $0xffff  }
0xdd: {  	v15 =	vld.idx.msk [tilespmem:v1+s23+$0xFFFFFFF7 ss:$0x1], $0xffff  }
0xde: {  	v16 =	vld.idx.msk [tilespmem:v1+s23+$0xFFFFFFF6 ss:$0x1], $0xffff  }
0xdf: {  	v17 =	vld.idx.msk [tilespmem:v1+s23+$0xFFFFFFF5 ss:$0x1], $0xffff  }
0xe0: {  	v18 =	vld.idx.msk [tilespmem:v1+s23+$0xFFFFFFF4 ss:$0x1], $0xffff  }
0xe1: {  	v19 =	vld.idx.msk [tilespmem:v1+s23+$0xFFFFFFF3 ss:$0x1], $0xffff;
	[tilespmem:s23+$0x9B90] =	vst v6  }
0xe2: {  	v6 =	vld.idx.msk [tilespmem:v0+s23+$0xFFFFFFF0 ss:$0x1], $0xffff;
	[tilespmem:s23+$0x2390] =	vst v4  }
0xe3: {  	v4 =	vld.idx.msk [tilespmem:v1+s23+$0xFFFFFFF0 ss:$0x1], $0xffff;
	[tilespmem:s23+$0x2B90] =	vst v5  }
0xe4: {  	v5 =	vld.idx.msk [tilespmem:v1+s23+$0xFFFFFFEF ss:$0x1], $0xffff;
	[tilespmem:s23+$0x3390] =	vst v7  }
0xe5: {  	v7 =	vld.idx.msk [tilespmem:v1+s23+$0xFFFFFFEE ss:$0x1], $0xffff;
	[tilespmem:s23+$0x3B90] =	vst v8  }
0xe6: {  	v8 =	vld.idx.msk [tilespmem:v1+s23+$0xFFFFFFED ss:$0x1], $0xffff;
	[tilespmem:s23+$0x4390] =	vst v9  }
0xe7: {  	v9 =	vld.idx.msk [tilespmem:v1+s23+$0xFFFFFFEC ss:$0x1], $0xffff;
	[tilespmem:s23+$0x4B90] =	vst v10  }
0xe8: {  	v10 =	vld.idx.msk [tilespmem:v1+s23+$0xFFFFFFEB ss:$0x1], $0xffff;
	[tilespmem:s23+$0x5390] =	vst v11  }
0xe9: {  	v11 =	vld.idx.msk [tilespmem:v1+s23+$0xFFFFFFEA ss:$0x1], $0xffff;
	[tilespmem:s23+$0x5B90] =	vst v12  }
0xea: {  	v12 =	vld.idx.msk [tilespmem:v1+s23+$0xFFFFFFE9 ss:$0x1], $0xffff;
	[tilespmem:s23+$0x6390] =	vst v13  }
0xeb: {  	v13 =	vld.idx.msk [tilespmem:v1+s23+$0xFFFFFFE8 ss:$0x1], $0xffff;
	[tilespmem:s23+$0x6B90] =	vst v14  }
0xec: {  	v14 =	vld.idx.msk [tilespmem:v1+s23+$0xFFFFFFE7 ss:$0x1], $0xffff;
	[tilespmem:s23+$0x7390] =	vst v15  }
0xed: {  	v15 =	vld.idx.msk [tilespmem:v1+s23+$0xFFFFFFE6 ss:$0x1], $0xffff;
	[tilespmem:s23+$0x7B90] =	vst v16  }
0xee: {  	v16 =	vld.idx.msk [tilespmem:v1+s23+$0xFFFFFFE5 ss:$0x1], $0xffff;
	[tilespmem:s23+$0x8390] =	vst v17  }
0xef: {  	v17 =	vld.idx.msk [tilespmem:v1+s23+$0xFFFFFFE4 ss:$0x1], $0xffff;
	[tilespmem:s23+$0x8B90] =	vst v18  }
0xf0: {  	s24 =	simm.s32 $0x0;
	s25 =	simm.s32 $0x0;
	s26 =	simm.s32 $0x80;
	v18 =	vld.idx.msk [tilespmem:v1+s23+$0xFFFFFFE3 ss:$0x1], $0xffff;
	[tilespmem:s23+$0x9390] =	vst v19  }
.LBB2_10:
0xf1: {  	v19 =	vld.idx.msk [tilespmem:v1+s23+$0xFFFFFFE2 ss:$0x1], $0xffff;
	[tilespmem:s23+$0x2380] =	vst v6;
	s23 =	sshra.s32 s26, $0x2;
	s28 =	sand.u32 $0x7E0, s24  }
0xf2: {  	v20 =	vld.idx.msk [tilespmem:v0+s23+$0x0 ss:$0x1], $0xffff;
	[tilespmem:s28+$0x2B80] =	vst v4  }
0xf3: {  	v21 =	vld.idx.msk [tilespmem:v1+s23+$0x0 ss:$0x1], $0xffff;
	[tilespmem:s28+$0x3380] =	vst v5  }
0xf4: {  	v22 =	vld.idx.msk [tilespmem:v1+s23+$0xFFFFFFFF ss:$0x1], $0xffff;
	[tilespmem:s28+$0x3B80] =	vst v7  }
0xf5: {  	v23 =	vld.idx.msk [tilespmem:v1+s23+$0xFFFFFFFE ss:$0x1], $0xffff;
	[tilespmem:s28+$0x4380] =	vst v8  }
0xf6: {  	v24 =	vld.idx.msk [tilespmem:v1+s23+$0xFFFFFFFD ss:$0x1], $0xffff;
	[tilespmem:s28+$0x4B80] =	vst v9  }
0xf7: {  	v25 =	vld.idx.msk [tilespmem:v1+s23+$0xFFFFFFFC ss:$0x1], $0xffff;
	[tilespmem:s28+$0x5380] =	vst v10  }
0xf8: {  	v26 =	vld.idx.msk [tilespmem:v1+s23+$0xFFFFFFFB ss:$0x1], $0xffff;
	[tilespmem:s28+$0x5B80] =	vst v11  }
0xf9: {  	v27 =	vld.idx.msk [tilespmem:v1+s23+$0xFFFFFFFA ss:$0x1], $0xffff;
	[tilespmem:s28+$0x6380] =	vst v12  }
0xfa: {  	s25 =	sadd.s32 $0x2, s25;
	v28 =	vld.idx.msk [tilespmem:v1+s23+$0xFFFFFFF9 ss:$0x1], $0xffff;
	[tilespmem:s28+$0x6B80] =	vst v13  }
0xfb: {  	p1 =	slt.u32 s25, $0x7E;
	v4 =	vld.idx.msk [tilespmem:v1+s23+$0xFFFFFFF2 ss:$0x1], $0xffff;
	[tilespmem:s28+$0x7380] =	vst v14  }
0xfc: {  	v14 =	vld.idx.msk [tilespmem:v1+s23+$0xFFFFFFF8 ss:$0x1], $0xffff;
	[tilespmem:s28+$0x7B80] =	vst v15  }
0xfd: {  	v15 =	vld.idx.msk [tilespmem:v1+s23+$0xFFFFFFF7 ss:$0x1], $0xffff;
	[tilespmem:s28+$0x8380] =	vst v16  }
0xfe: {  	v16 =	vld.idx.msk [tilespmem:v1+s23+$0xFFFFFFF6 ss:$0x1], $0xffff;
	[tilespmem:s28+$0x8B80] =	vst v17  }
0xff: {  	v17 =	vld.idx.msk [tilespmem:v1+s23+$0xFFFFFFF5 ss:$0x1], $0xffff;
	[tilespmem:s28+$0x9380] =	vst v18  }
0x100: {  	v18 =	vld.idx.msk [tilespmem:v1+s23+$0xFFFFFFF4 ss:$0x1], $0xffff;
	[tilespmem:s28+$0x9B80] =	vst v19  }
0x101: {  	v19 =	vld.idx.msk [tilespmem:v1+s23+$0xFFFFFFF3 ss:$0x1], $0xffff;
	[tilespmem:s23+$0x9B90] =	vst v4  }
0x102: {  	v6 =	vld.idx.msk [tilespmem:v0+s23+$0xFFFFFFF0 ss:$0x1], $0xffff;
	[tilespmem:s23+$0x2390] =	vst v20  }
0x103: {  	v4 =	vld.idx.msk [tilespmem:v1+s23+$0xFFFFFFF0 ss:$0x1], $0xffff;
	[tilespmem:s23+$0x2B90] =	vst v21  }
0x104: {  	v5 =	vld.idx.msk [tilespmem:v1+s23+$0xFFFFFFEF ss:$0x1], $0xffff;
	[tilespmem:s23+$0x3390] =	vst v22  }
0x105: {  	v7 =	vld.idx.msk [tilespmem:v1+s23+$0xFFFFFFEE ss:$0x1], $0xffff;
	[tilespmem:s23+$0x3B90] =	vst v23  }
0x106: {  	v8 =	vld.idx.msk [tilespmem:v1+s23+$0xFFFFFFED ss:$0x1], $0xffff;
	[tilespmem:s23+$0x4390] =	vst v24  }
0x107: {  	v9 =	vld.idx.msk [tilespmem:v1+s23+$0xFFFFFFEC ss:$0x1], $0xffff;
	[tilespmem:s23+$0x4B90] =	vst v25  }
0x108: {  	v10 =	vld.idx.msk [tilespmem:v1+s23+$0xFFFFFFEB ss:$0x1], $0xffff;
	[tilespmem:s23+$0x5390] =	vst v26  }
0x109: {  	v11 =	vld.idx.msk [tilespmem:v1+s23+$0xFFFFFFEA ss:$0x1], $0xffff;
	[tilespmem:s23+$0x5B90] =	vst v27  }
0x10a: {  	v12 =	vld.idx.msk [tilespmem:v1+s23+$0xFFFFFFE9 ss:$0x1], $0xffff;
	[tilespmem:s23+$0x6390] =	vst v28  }
0x10b: {  	v13 =	vld.idx.msk [tilespmem:v1+s23+$0xFFFFFFE8 ss:$0x1], $0xffff;
	[tilespmem:s23+$0x6B90] =	vst v14  }
.Ltmp5:
0x10c: {  	v14 =	vld.idx.msk [tilespmem:v1+s23+$0xFFFFFFE7 ss:$0x1], $0xffff;
	[tilespmem:s23+$0x7390] =	vst v15;
	(pc) =	sbr.rel @p1 .LBB2_10-.Ltmp5, $4  }
0x10d: {  	v15 =	vld.idx.msk [tilespmem:v1+s23+$0xFFFFFFE6 ss:$0x1], $0xffff;
	[tilespmem:s23+$0x7B90] =	vst v16  }
0x10e: {  	v16 =	vld.idx.msk [tilespmem:v1+s23+$0xFFFFFFE5 ss:$0x1], $0xffff;
	[tilespmem:s23+$0x8390] =	vst v17  }
0x10f: {  	v17 =	vld.idx.msk [tilespmem:v1+s23+$0xFFFFFFE4 ss:$0x1], $0xffff;
	[tilespmem:s23+$0x8B90] =	vst v18  }
0x110: {  	s26 =	sadd.s32 $0x80, s26;
	s24 =	sadd.s32 $0x20, s24;
	v18 =	vld.idx.msk [tilespmem:v1+s23+$0xFFFFFFE3 ss:$0x1], $0xffff;
	[tilespmem:s23+$0x9390] =	vst v19  }
0x111: {  	_ =	sdelay $0x3  }
0x112: {  	v19 =	vld.idx.msk [tilespmem:v1+s23+$0xFFFFFFE2 ss:$0x1], $0xffff;
	[tilespmem:s23+$0x2380] =	vst v6;
	s31 =	sand.u32 $0x7E0, s24  }
0x113: {  	[tilespmem:s31+$0x2B80] =	vst v4  }
0x114: {  	[tilespmem:s31+$0x3380] =	vst v5  }
0x115: {  	[tilespmem:s31+$0x3B80] =	vst v7  }
0x116: {  	[tilespmem:s31+$0x4380] =	vst v8  }
0x117: {  	[tilespmem:s31+$0x4B80] =	vst v9  }
0x118: {  	[tilespmem:s31+$0x5380] =	vst v10  }
0x119: {  	[tilespmem:s31+$0x5B80] =	vst v11  }
0x11a: {  	[tilespmem:s31+$0x6380] =	vst v12  }
0x11b: {  	[tilespmem:s31+$0x6B80] =	vst v13  }
0x11c: {  	[tilespmem:s31+$0x7380] =	vst v14  }
0x11d: {  	[tilespmem:s31+$0x7B80] =	vst v15  }
0x11e: {  	[tilespmem:s31+$0x8380] =	vst v16  }
0x11f: {  	[tilespmem:s31+$0x8B80] =	vst v17  }
0x120: {  	[tilespmem:s31+$0x9380] =	vst v18  }
0x121: {  	[tilespmem:s31+$0x9B80] =	vst v19  }
0x122: {  	_ =	sdelay $0x7ff  }
0x123: {  	s23 =	simm.s32 $0x0;
	s24 =	simm.s32 $0x0;
	_ =	sdelay $0xaf  }
0x124: {  	[hbm4b:s8+s23] =	stream.linear.scatter [tilespmem:s18], [sflag:$0x1], $0x8000, $0x38;
	[tilespmem:$0x12380] =	vst v63  }
0x125: {  	v4 =	vld.idx.msk [tilespmem:v2+s24+$0x0 ss:$0x1], $0xffff  }
0x126: {  	v5 =	vld.idx.msk [tilespmem:v3+s24+$0x0 ss:$0x1], $0xffff  }
0x127: {  	v7 =	vld.idx.msk [tilespmem:v3+s24+$0xFFFFFFFF ss:$0x1], $0xffff  }
0x128: {  	v8 =	vld.idx.msk [tilespmem:v3+s24+$0xFFFFFFFE ss:$0x1], $0xffff  }
0x129: {  	v9 =	vld.idx.msk [tilespmem:v3+s24+$0xFFFFFFFD ss:$0x1], $0xffff  }
0x12a: {  	v10 =	vld.idx.msk [tilespmem:v3+s24+$0xFFFFFFFC ss:$0x1], $0xffff  }
0x12b: {  	v11 =	vld.idx.msk [tilespmem:v3+s24+$0xFFFFFFFB ss:$0x1], $0xffff  }
0x12c: {  	v12 =	vld.idx.msk [tilespmem:v3+s24+$0xFFFFFFFA ss:$0x1], $0xffff  }
0x12d: {  	v13 =	vld.idx.msk [tilespmem:v3+s24+$0xFFFFFFF9 ss:$0x1], $0xffff  }
0x12e: {  	v6 =	vld.idx.msk [tilespmem:v3+s24+$0xFFFFFFF2 ss:$0x1], $0xffff  }
0x12f: {  	v14 =	vld.idx.msk [tilespmem:v3+s24+$0xFFFFFFF8 ss:$0x1], $0xffff  }
0x130: {  	v15 =	vld.idx.msk [tilespmem:v3+s24+$0xFFFFFFF7 ss:$0x1], $0xffff  }
0x131: {  	v16 =	vld.idx.msk [tilespmem:v3+s24+$0xFFFFFFF6 ss:$0x1], $0xffff  }
0x132: {  	v17 =	vld.idx.msk [tilespmem:v3+s24+$0xFFFFFFF5 ss:$0x1], $0xffff  }
0x133: {  	v18 =	vld.idx.msk [tilespmem:v3+s24+$0xFFFFFFF4 ss:$0x1], $0xffff  }
0x134: {  	v19 =	vld.idx.msk [tilespmem:v3+s24+$0xFFFFFFF3 ss:$0x1], $0xffff;
	[tilespmem:s24+$0x11B90] =	vst v6  }
0x135: {  	v6 =	vld.idx.msk [tilespmem:v2+s24+$0xFFFFFFF0 ss:$0x1], $0xffff;
	[tilespmem:s24+$0xA390] =	vst v4  }
0x136: {  	v4 =	vld.idx.msk [tilespmem:v3+s24+$0xFFFFFFF0 ss:$0x1], $0xffff;
	[tilespmem:s24+$0xAB90] =	vst v5  }
0x137: {  	v5 =	vld.idx.msk [tilespmem:v3+s24+$0xFFFFFFEF ss:$0x1], $0xffff;
	[tilespmem:s24+$0xB390] =	vst v7  }
0x138: {  	v7 =	vld.idx.msk [tilespmem:v3+s24+$0xFFFFFFEE ss:$0x1], $0xffff;
	[tilespmem:s24+$0xBB90] =	vst v8  }
0x139: {  	v8 =	vld.idx.msk [tilespmem:v3+s24+$0xFFFFFFED ss:$0x1], $0xffff;
	[tilespmem:s24+$0xC390] =	vst v9  }
0x13a: {  	v9 =	vld.idx.msk [tilespmem:v3+s24+$0xFFFFFFEC ss:$0x1], $0xffff;
	[tilespmem:s24+$0xCB90] =	vst v10  }
0x13b: {  	v10 =	vld.idx.msk [tilespmem:v3+s24+$0xFFFFFFEB ss:$0x1], $0xffff;
	[tilespmem:s24+$0xD390] =	vst v11  }
0x13c: {  	v11 =	vld.idx.msk [tilespmem:v3+s24+$0xFFFFFFEA ss:$0x1], $0xffff;
	[tilespmem:s24+$0xDB90] =	vst v12  }
0x13d: {  	v12 =	vld.idx.msk [tilespmem:v3+s24+$0xFFFFFFE9 ss:$0x1], $0xffff;
	[tilespmem:s24+$0xE390] =	vst v13  }
0x13e: {  	v13 =	vld.idx.msk [tilespmem:v3+s24+$0xFFFFFFE8 ss:$0x1], $0xffff;
	[tilespmem:s24+$0xEB90] =	vst v14  }
0x13f: {  	v14 =	vld.idx.msk [tilespmem:v3+s24+$0xFFFFFFE7 ss:$0x1], $0xffff;
	[tilespmem:s24+$0xF390] =	vst v15  }
0x140: {  	v15 =	vld.idx.msk [tilespmem:v3+s24+$0xFFFFFFE6 ss:$0x1], $0xffff;
	[tilespmem:s24+$0xFB90] =	vst v16  }
0x141: {  	v16 =	vld.idx.msk [tilespmem:v3+s24+$0xFFFFFFE5 ss:$0x1], $0xffff;
	[tilespmem:s24+$0x10390] =	vst v17  }
0x142: {  	v17 =	vld.idx.msk [tilespmem:v3+s24+$0xFFFFFFE4 ss:$0x1], $0xffff;
	[tilespmem:s24+$0x10B90] =	vst v18  }
0x143: {  	s25 =	simm.s32 $0x0;
	s26 =	simm.s32 $0x80;
	v18 =	vld.idx.msk [tilespmem:v3+s24+$0xFFFFFFE3 ss:$0x1], $0xffff;
	[tilespmem:s24+$0x11390] =	vst v19  }
.LBB2_12:
0x144: {  	v19 =	vld.idx.msk [tilespmem:v3+s24+$0xFFFFFFE2 ss:$0x1], $0xffff;
	[tilespmem:s24+$0xA380] =	vst v6;
	s24 =	sshra.s32 s26, $0x2;
	s28 =	sand.u32 $0x7E0, s23  }
0x145: {  	v20 =	vld.idx.msk [tilespmem:v2+s24+$0x0 ss:$0x1], $0xffff;
	[tilespmem:s28+$0xAB80] =	vst v4  }
0x146: {  	v21 =	vld.idx.msk [tilespmem:v3+s24+$0x0 ss:$0x1], $0xffff;
	[tilespmem:s28+$0xB380] =	vst v5  }
0x147: {  	v22 =	vld.idx.msk [tilespmem:v3+s24+$0xFFFFFFFF ss:$0x1], $0xffff;
	[tilespmem:s28+$0xBB80] =	vst v7  }
0x148: {  	v23 =	vld.idx.msk [tilespmem:v3+s24+$0xFFFFFFFE ss:$0x1], $0xffff;
	[tilespmem:s28+$0xC380] =	vst v8  }
0x149: {  	v24 =	vld.idx.msk [tilespmem:v3+s24+$0xFFFFFFFD ss:$0x1], $0xffff;
	[tilespmem:s28+$0xCB80] =	vst v9  }
0x14a: {  	v25 =	vld.idx.msk [tilespmem:v3+s24+$0xFFFFFFFC ss:$0x1], $0xffff;
	[tilespmem:s28+$0xD380] =	vst v10  }
0x14b: {  	v26 =	vld.idx.msk [tilespmem:v3+s24+$0xFFFFFFFB ss:$0x1], $0xffff;
	[tilespmem:s28+$0xDB80] =	vst v11  }
0x14c: {  	v27 =	vld.idx.msk [tilespmem:v3+s24+$0xFFFFFFFA ss:$0x1], $0xffff;
	[tilespmem:s28+$0xE380] =	vst v12  }
0x14d: {  	s25 =	sadd.s32 $0x2, s25;
	v28 =	vld.idx.msk [tilespmem:v3+s24+$0xFFFFFFF9 ss:$0x1], $0xffff;
	[tilespmem:s28+$0xEB80] =	vst v13  }
0x14e: {  	p1 =	slt.u32 s25, $0x7E;
	v4 =	vld.idx.msk [tilespmem:v3+s24+$0xFFFFFFF2 ss:$0x1], $0xffff;
	[tilespmem:s28+$0xF380] =	vst v14  }
0x14f: {  	v14 =	vld.idx.msk [tilespmem:v3+s24+$0xFFFFFFF8 ss:$0x1], $0xffff;
	[tilespmem:s28+$0xFB80] =	vst v15  }
0x150: {  	v15 =	vld.idx.msk [tilespmem:v3+s24+$0xFFFFFFF7 ss:$0x1], $0xffff;
	[tilespmem:s28+$0x10380] =	vst v16  }
0x151: {  	v16 =	vld.idx.msk [tilespmem:v3+s24+$0xFFFFFFF6 ss:$0x1], $0xffff;
	[tilespmem:s28+$0x10B80] =	vst v17  }
0x152: {  	v17 =	vld.idx.msk [tilespmem:v3+s24+$0xFFFFFFF5 ss:$0x1], $0xffff;
	[tilespmem:s28+$0x11380] =	vst v18  }
0x153: {  	v18 =	vld.idx.msk [tilespmem:v3+s24+$0xFFFFFFF4 ss:$0x1], $0xffff;
	[tilespmem:s28+$0x11B80] =	vst v19  }
0x154: {  	v19 =	vld.idx.msk [tilespmem:v3+s24+$0xFFFFFFF3 ss:$0x1], $0xffff;
	[tilespmem:s24+$0x11B90] =	vst v4  }
0x155: {  	v6 =	vld.idx.msk [tilespmem:v2+s24+$0xFFFFFFF0 ss:$0x1], $0xffff;
	[tilespmem:s24+$0xA390] =	vst v20  }
0x156: {  	v4 =	vld.idx.msk [tilespmem:v3+s24+$0xFFFFFFF0 ss:$0x1], $0xffff;
	[tilespmem:s24+$0xAB90] =	vst v21  }
0x157: {  	v5 =	vld.idx.msk [tilespmem:v3+s24+$0xFFFFFFEF ss:$0x1], $0xffff;
	[tilespmem:s24+$0xB390] =	vst v22  }
0x158: {  	v7 =	vld.idx.msk [tilespmem:v3+s24+$0xFFFFFFEE ss:$0x1], $0xffff;
	[tilespmem:s24+$0xBB90] =	vst v23  }
0x159: {  	v8 =	vld.idx.msk [tilespmem:v3+s24+$0xFFFFFFED ss:$0x1], $0xffff;
	[tilespmem:s24+$0xC390] =	vst v24  }
0x15a: {  	v9 =	vld.idx.msk [tilespmem:v3+s24+$0xFFFFFFEC ss:$0x1], $0xffff;
	[tilespmem:s24+$0xCB90] =	vst v25  }
0x15b: {  	v10 =	vld.idx.msk [tilespmem:v3+s24+$0xFFFFFFEB ss:$0x1], $0xffff;
	[tilespmem:s24+$0xD390] =	vst v26  }
0x15c: {  	v11 =	vld.idx.msk [tilespmem:v3+s24+$0xFFFFFFEA ss:$0x1], $0xffff;
	[tilespmem:s24+$0xDB90] =	vst v27  }
0x15d: {  	v12 =	vld.idx.msk [tilespmem:v3+s24+$0xFFFFFFE9 ss:$0x1], $0xffff;
	[tilespmem:s24+$0xE390] =	vst v28  }
0x15e: {  	v13 =	vld.idx.msk [tilespmem:v3+s24+$0xFFFFFFE8 ss:$0x1], $0xffff;
	[tilespmem:s24+$0xEB90] =	vst v14  }
.Ltmp6:
0x15f: {  	v14 =	vld.idx.msk [tilespmem:v3+s24+$0xFFFFFFE7 ss:$0x1], $0xffff;
	[tilespmem:s24+$0xF390] =	vst v15;
	(pc) =	sbr.rel @p1 .LBB2_12-.Ltmp6, $4  }
0x160: {  	v15 =	vld.idx.msk [tilespmem:v3+s24+$0xFFFFFFE6 ss:$0x1], $0xffff;
	[tilespmem:s24+$0xFB90] =	vst v16  }
0x161: {  	v16 =	vld.idx.msk [tilespmem:v3+s24+$0xFFFFFFE5 ss:$0x1], $0xffff;
	[tilespmem:s24+$0x10390] =	vst v17  }
0x162: {  	v17 =	vld.idx.msk [tilespmem:v3+s24+$0xFFFFFFE4 ss:$0x1], $0xffff;
	[tilespmem:s24+$0x10B90] =	vst v18  }
0x163: {  	s26 =	sadd.s32 $0x80, s26;
	s23 =	sadd.s32 $0x20, s23;
	v18 =	vld.idx.msk [tilespmem:v3+s24+$0xFFFFFFE3 ss:$0x1], $0xffff;
	[tilespmem:s24+$0x11390] =	vst v19  }
0x164: {  	_ =	sdelay $0x3  }
0x165: {  	v19 =	vld.idx.msk [tilespmem:v3+s24+$0xFFFFFFE2 ss:$0x1], $0xffff;
	[tilespmem:s24+$0xA380] =	vst v6;
	s23 =	sand.u32 $0x7E0, s23  }
0x166: {  	[tilespmem:s23+$0xAB80] =	vst v4  }
0x167: {  	[tilespmem:s23+$0xB380] =	vst v5  }
0x168: {  	[tilespmem:s23+$0xBB80] =	vst v7  }
0x169: {  	[tilespmem:s23+$0xC380] =	vst v8  }
0x16a: {  	[tilespmem:s23+$0xCB80] =	vst v9  }
0x16b: {  	[tilespmem:s23+$0xD380] =	vst v10  }
0x16c: {  	[tilespmem:s23+$0xDB80] =	vst v11  }
0x16d: {  	[tilespmem:s23+$0xE380] =	vst v12  }
0x16e: {  	[tilespmem:s23+$0xEB80] =	vst v13  }
0x16f: {  	[tilespmem:s23+$0xF380] =	vst v14  }
0x170: {  	[tilespmem:s23+$0xFB80] =	vst v15  }
0x171: {  	[tilespmem:s23+$0x10380] =	vst v16  }
0x172: {  	[tilespmem:s23+$0x10B80] =	vst v17  }
0x173: {  	[tilespmem:s23+$0x11380] =	vst v18  }
0x174: {  	[tilespmem:s23+$0x11B80] =	vst v19  }
0x175: {  	_ =	sdelay $0x7ff  }
0x176: {  	s22 =	sadd.s32 $0x1, s22;
	_ =	sdelay $0xaf  }
0x177: {  	[hbm4b:s9+s2] =	stream.linear.scatter [tilespmem:s19], [sflag:$0x2], $0x8000, $0x38;
	[tilespmem:$0x12380] =	vst v63  }
0x178: {  	p1 =	sne.s32 s22, s10;
	_ =	swait.ge [sflag:s20], $0x8000  }
.Ltmp7:
0x179: {  	[sflag:s20] =	ssyncset.done $0x0;
	(pc) =	sbr.rel @p1 .LBB2_1-.Ltmp7, $4  }
.Ltmp8:
0x17a: {  	[sflag:s20] =	ssyncadd.s32 $0xFFFF8000;
	(pc) =	sbr.rel @!p1 .LBB2_14-.Ltmp8, $4  }
0x17b: {  	_ =	swait.ge [sflag:s21], $0x8000  }
0x17c: {  	[sflag:s21] =	ssyncset.done $0x0  }
0x17d: {  	[sflag:s21] =	ssyncadd.s32 $0xFFFF8000  }
0x17e: {  	_ = 	snop  }
.LBB2_2:
.Ltmp9:
0x17f: {  	(pc) =	sbr.rel .LBB2_7-.Ltmp9, $2  }
0x180: {  	_ =	sdelay $0x2  }
0x181: {  	s23 =	smov.u32 s12  }
.LBB2_4:
.Ltmp10:
0x182: {  	(pc) =	sbr.rel .LBB2_7-.Ltmp10, $2  }
0x183: {  	_ =	sdelay $0x2  }
0x184: {  	v38 =	vmov v36;
	s24 =	smov.u32 s12  }
.LBB2_14:
0x185: {  	_ =	sfence.sel $0x180000  }
0x186: {  	[bflag:$0x0] =	sbarrier.arrive $0xFFFF  }
0x187: {  	p0 =	sne.s32 s1, $0x0;
	_ =	strace $0x90000047  }
0x188: {  	s0 =	sadd.s32 @!p0 $0x100000, s0;
	[bflag:$0x2] =	sbarrier.arrive $0xFFFF  }
0x189: {  	[sflag:s0] =	ssyncadd.tile.s32 @!p0 $0x1;
	_ =	shalt  }
.Lfunc_end2:
_tile_overlayer_lowered:
.L_overlay_start_2:
0x18a: {  	(tag) =	ssettag $0x2  }
0x18b: {  	s0 =	rddreg [dreg:$0x0];
	s2 =	stileid.u32  }
0x18c: {  	s1 =	rddreg [dreg:$0x1];
	p0 =	sne.s32 s2, $0x0  }
0x18d: {  	s3 =	rddreg [dreg:$0x2];
	[bflag:$0x3] =	sbarrier.arrive $0xFFFF;
	s2 =	simm.s32 @!p0 $0x1C03  }
0x18e: {  	[timem:s3], [sflag:s2] =	dma.local @!p0 [hbm:s0], s1  }
0x18f: {  	s0 =	simm.s32 @!p0 $0x3  }
0x190: {  	_ =	swait.ge @!p0 [sflag:s0], s1  }
0x191: {  	s1 =	ssub.s32 @!p0 $0x0, s1;
	[sflag:s0] =	ssyncset.done @!p0 $0x0  }
0x192: {  	[sflag:s0] =	ssyncadd.s32 @!p0 s1  }
0x193: {  	[bflag:$0x3] =	sbarrier.arrive $0xFFFF  }
0x194: {  	_ =	shalt  }

</sc_bundles>
